<compile_context>
chip_gen: v7x
topology: tpu7x:2x2x1
jax: 0.10.2.dev20260603
libtpu: 0.0.44.dev20260713+nightly
codegen_flags: <defaults>
</compile_context>

<pallas_src>
import functools

import jax
import jax.numpy as jnp
from jax import lax
from jax.experimental import pallas as pl
from jax.experimental.pallas import tpu as pltpu
from jax.experimental.pallas import tpu_sc as plsc

_NC = 2
_NS = 16
_NW = _NC * _NS
_LANES = 16
_CH = 100


def _srecip(x):
    r = lax.bitcast_convert_type(0x7EF311C3 - lax.bitcast_convert_type(
        x, jnp.int32), jnp.float32)
    r = r * (2.0 - x * r)
    r = r * (2.0 - x * r)
    r = r * (2.0 - x * r)
    return r


def _make_sc_pool(B, Lw, Ln, D):
    T = Lw + Ln
    EPW = B // _NW
    NPAIR = EPW // 2
    NG = T // _LANES
    KD = D // _LANES
    ncw = Lw // _CH
    ncn = Ln // _CH

    mesh = plsc.VectorSubcoreMesh(
        core_axis_name="c", subcore_axis_name="s",
        num_cores=_NC, num_subcores=_NS)

    @functools.partial(
        pl.kernel,
        mesh=mesh,
        compiler_params=pltpu.CompilerParams(
            needs_layout_passes=False, use_tc_tiling_on_sc=False),
        out_type=jax.ShapeDtypeStruct((B, 80), jnp.float32),
        scratch_types=[
            pltpu.VMEM((ncw + ncn, _CH), jnp.int32),
            pltpu.VMEM((ncw + ncn, _CH), jnp.int32),
            pltpu.VMEM((T, D), jnp.float32),
            pltpu.VMEM((T, D), jnp.float32),
            pltpu.VMEM((80,), jnp.float32),
            pltpu.VMEM((80,), jnp.float32),
            pltpu.SemaphoreType.DMA,
            pltpu.SemaphoreType.DMA,
            pltpu.SemaphoreType.DMA,
            pltpu.SemaphoreType.DMA,
            pltpu.SemaphoreType.DMA,
            pltpu.SemaphoreType.DMA,
        ],
    )
    def sc_pool(x0r, x1r, embw, embn, sg, idxv_a, idxv_b, rows_a, rows_b,
                st_a, st_b, gs_a, gs_b, ss_a, ss_b, is_a, is_b):
        wid = lax.axis_index("s") * _NC + lax.axis_index("c")
        base = wid * EPW

        def prefetch_idx(elem, idxv, isem):
            pltpu.async_copy(x0r.at[elem], idxv.at[pl.ds(0, ncw)], isem)
            pltpu.async_copy(x1r.at[elem], idxv.at[pl.ds(ncw, ncn)], isem)

        def wait_idx(elem, idxv, isem):
            pltpu.make_async_copy(x0r.at[elem], idxv.at[pl.ds(0, ncw)],
                                  isem).wait()
            pltpu.make_async_copy(x1r.at[elem], idxv.at[pl.ds(ncw, ncn)],
                                  isem).wait()

        def fire(idxv, rowsv, gsem):
            for j in range(ncw):
                pltpu.async_copy(embw.at[idxv.at[j]],
                                 rowsv.at[pl.ds(j * _CH, _CH)], gsem)
            for j in range(ncn):
                pltpu.async_copy(embn.at[idxv.at[ncw + j]],
                                 rowsv.at[pl.ds(Lw + j * _CH, _CH)], gsem)

        def wait_gather(idxv, rowsv, gsem):
            for j in range(ncw):
                pltpu.make_async_copy(embw.at[idxv.at[j]],
                                      rowsv.at[pl.ds(j * _CH, _CH)],
                                      gsem).wait()
            for j in range(ncn):
                pltpu.make_async_copy(embn.at[idxv.at[ncw + j]],
                                      rowsv.at[pl.ds(Lw + j * _CH, _CH)],
                                      gsem).wait()

        iota16 = lax.iota(jnp.int32, _LANES)

        def compute(elem, rowsv, stv, ssem):
            zero = jnp.zeros((_LANES,), jnp.float32)

            def group(g, carry):
                acc = list(carry[:KD])
                gtot = carry[KD]
                for tt in range(_LANES):
                    t = g * _LANES + tt
                    v = [rowsv[t, pl.ds(k * _LANES, _LANES)]
                         for k in range(KD)]
                    sq = v[0] * v[0]
                    for k in range(1, KD):
                        sq = sq + v[k] * v[k]
                    n = jnp.sum(sq)
                    den = 1.0 + n
                    dist = jnp.maximum(jnp.abs(1.0 - n), 1e-30)
                    r2 = _srecip(den * dist)
                    gamma = jnp.minimum(den * den * r2, 1000.0)
                    gtot = gtot + gamma
                    wv = jnp.full((_LANES,), (2.0 * gamma) * (dist * r2))
                    for k in range(KD):
                        acc[k] = acc[k] + wv * v[k]
                return (*acc, gtot)

            carry = lax.fori_loop(0, NG, group,
                                  (zero,) * KD + (jnp.float32(0.0),))
            for k in range(KD):
                stv[pl.ds(k * _LANES, _LANES)] = carry[k]
            stv[pl.ds(D, _LANES)] = jnp.full((_LANES,), carry[KD])
            pltpu.async_copy(stv, sg.at[elem], ssem)

        def wait_store(stv, ssem):
            pltpu.make_async_copy(stv, sg.at[base], ssem).wait()

        prefetch_idx(base, idxv_a, is_a)
        wait_idx(base, idxv_a, is_a)
        fire(idxv_a, rows_a, gs_a)
        prefetch_idx(base + 1, idxv_b, is_b)

        def pair(p, carry):
            i0 = base + 2 * p
            wait_idx(i0 + 1, idxv_b, is_b)
            fire(idxv_b, rows_b, gs_b)
            wait_gather(idxv_a, rows_a, gs_a)

            @pl.when(p > 0)
            def _():
                wait_store(st_a, ss_a)

            @pl.when(p < NPAIR - 1)
            def _():
                prefetch_idx(i0 + 2, idxv_a, is_a)

            compute(i0, rows_a, st_a, ss_a)

            @pl.when(p < NPAIR - 1)
            def _():
                wait_idx(i0 + 2, idxv_a, is_a)
                fire(idxv_a, rows_a, gs_a)

            wait_gather(idxv_b, rows_b, gs_b)

            @pl.when(p > 0)
            def _():
                wait_store(st_b, ss_b)

            @pl.when(p < NPAIR - 1)
            def _():
                prefetch_idx(i0 + 3, idxv_b, is_b)

            compute(i0 + 1, rows_b, st_b, ss_b)
            return carry

        lax.fori_loop(0, NPAIR, pair, 0)
        wait_store(st_a, ss_a)
        wait_store(st_b, ss_b)

    return sc_pool


def _artanh(x):
    x = jnp.clip(x, -1.0 + 1e-7, 1.0 - 1e-7)
    return 0.5 * jnp.log((1.0 + x) / (1.0 - x))


def _make_tc_head(B, D, C):
    BLK = 512

    def body(sg_ref, w_ref, b_ref, o_ref):
        sgb = sg_ref[...]
        s = sgb[:, :D]
        g = sgb[:, D:D + 1]
        mk = s / jnp.clip(g, 1e-15, None)
        m2 = jnp.clip(jnp.sum(mk * mk, -1, keepdims=True), 0.0, 1.0 - 1e-6)
        mid = mk / (1.0 + jnp.sqrt(1.0 - m2))
        xn = jnp.sqrt(jnp.clip(jnp.sum(mid * mid, -1, keepdims=True),
                               1e-15, None))
        mx = lax.dot_general(mid, w_ref[...], (((1,), (1,)), ((), ())),
                             preferred_element_type=jnp.float32)
        mxn = jnp.sqrt(jnp.clip(jnp.sum(mx * mx, -1, keepdims=True),
                                1e-15, None))
        res = jnp.tanh(mxn / xn * _artanh(xn)) * mx / mxn
        res = jnp.where(jnp.sum(jnp.abs(mx), -1, keepdims=True) < 1e-10,
                        jnp.zeros_like(res), res)
        bv = b_ref[...]
        bn = jnp.sqrt(jnp.clip(jnp.sum(bv * bv, -1, keepdims=True),
                               1e-15, None))
        bb = jnp.tanh(bn) * bv / bn
        x2 = jnp.sum(res * res, -1, keepdims=True)
        y2 = jnp.sum(bb * bb, -1, keepdims=True)
        xy = jnp.sum(res * bb, -1, keepdims=True)
        num = (1.0 + 2.0 * xy + y2) * res + (1.0 - x2) * bb
        h = num / jnp.clip(1.0 + 2.0 * xy + x2 * y2, 1e-15, None)
        hn = jnp.sqrt(jnp.clip(jnp.sum(h * h, -1, keepdims=True),
                               1e-15, None))
        h = jnp.where(hn > 1.0 - 1e-5, h / hn * (1.0 - 1e-5), h)
        hn2 = jnp.sqrt(jnp.clip(jnp.sum(h * h, -1, keepdims=True),
                                1e-15, None))
        o_ref[...] = _artanh(hn2) * h / hn2

    return pl.pallas_call(
        body,
        out_shape=jax.ShapeDtypeStruct((B, C), jnp.float32),
        grid=(B // BLK,),
        in_specs=[
            pl.BlockSpec((BLK, 80), lambda i: (i, 0)),
            pl.BlockSpec((C, D), lambda i: (0, 0)),
            pl.BlockSpec((1, C), lambda i: (0, 0)),
        ],
        out_specs=pl.BlockSpec((BLK, C), lambda i: (i, 0)),
    )


def kernel(x0, x1, emb_word, emb_ngram, W, b):
    B, Lw = x0.shape
    Ln = x1.shape[1]
    D = emb_word.shape[1]
    C = W.shape[0]
    x0r = x0.astype(jnp.int32).reshape(B, Lw // _CH, _CH)
    x1r = x1.astype(jnp.int32).reshape(B, Ln // _CH, _CH)
    sg = _make_sc_pool(B, Lw, Ln, D)(x0r, x1r, emb_word, emb_ngram)
    return _make_tc_head(B, D, C)(sg, W, b.reshape(1, C))

# --- scband reference (transcript-rebuilt; emitter-appended) ---
"""Pipeline reference for scband-model-88519275971214 (READ-ONLY COPY).

The authoritative reference and input builder live on the scoring server;
editing this copy changes nothing except your own understanding.
"""

import jax, jax.numpy as jnp
import numpy as np


def artanh(x):
    x = jnp.clip(x, -1.0 + 1e-7, 1.0 - 1e-7)
    return jnp.arctanh(x)


def _norm(x):
    return jnp.sqrt(jnp.clip(jnp.sum(x * x, axis=-1, keepdims=True), 1e-15, None))


def proj(x, c):
    norm = _norm(x)
    maxnorm = (1.0 - 1e-5) / jnp.sqrt(c)
    return jnp.where(norm > maxnorm, x / norm * maxnorm, x)


def expmap0(u, c):
    sqrt_c = jnp.sqrt(c)
    un = _norm(u)
    return jnp.tanh(sqrt_c * un) * u / (sqrt_c * un)


def logmap0(y, c):
    sqrt_c = jnp.sqrt(c)
    yn = _norm(y)
    return artanh(sqrt_c * yn) * y / (sqrt_c * yn)


def mobius_add(x, y, c):
    x2 = jnp.sum(x * x, -1, keepdims=True)
    y2 = jnp.sum(y * y, -1, keepdims=True)
    xy = jnp.sum(x * y, -1, keepdims=True)
    num = (1.0 + 2.0 * c * xy + c * y2) * x + (1.0 - c * x2) * y
    den = 1.0 + 2.0 * c * xy + c * c * x2 * y2
    return num / jnp.clip(den, 1e-15, None)


def mobius_matvec(M, x, c):
    sqrt_c = jnp.sqrt(c)
    xn = _norm(x)
    mx = x @ M.T
    mxn = _norm(mx)
    res = jnp.tanh(mxn / xn * artanh(sqrt_c * xn)) * mx / (mxn * sqrt_c)
    zero_mask = jnp.sum(jnp.abs(mx), -1, keepdims=True) < 1e-10
    return jnp.where(zero_mask, jnp.zeros_like(res), res)


def einstein_midpoint(x, c):
    # Poincare -> Klein
    x2 = jnp.sum(x * x, -1, keepdims=True)
    xk = 2.0 * x / (1.0 + c * x2)
    k2 = jnp.clip(jnp.sum(xk * xk, -1, keepdims=True), 0.0, (1.0 - 1e-6) / c)
    gamma = 1.0 / jnp.sqrt(1.0 - c * k2)
    mk = jnp.sum(gamma * xk, axis=1) / jnp.clip(jnp.sum(gamma, axis=1), 1e-15, None)
    # Klein -> Poincare
    m2 = jnp.clip(jnp.sum(mk * mk, -1, keepdims=True), 0.0, (1.0 - 1e-6) / c)
    return mk / (1.0 + jnp.sqrt(1.0 - c * m2))


def setup_inputs(seed: int = 0):
    key = jax.random.key(seed)
    k1, k2, k3, k4, k5, k6 = jax.random.split(key, 6)
    B, L1, L2 = 4096, 200, 200
    n_vocab, bucket, embed, num_classes = 100000, 1000000, 64, 10
    x0 = jax.random.randint(k1, (B, L1), 0, n_vocab)
    x1 = jax.random.randint(k2, (B, L2), 0, bucket)
    std_w = float(np.sqrt(2.0 / (n_vocab + embed)))
    std_n = float(np.sqrt(2.0 / (bucket + embed)))
    emb_word = jax.random.normal(k3, (n_vocab, embed), dtype=jnp.float32) * std_w
    emb_word = emb_word.at[0].set(0.0)
    emb_ngram = jax.random.normal(k4, (bucket, embed), dtype=jnp.float32) * std_n
    emb_ngram = emb_ngram.at[0].set(0.0)
    std_l = float(np.sqrt(2.0 / (embed + num_classes)))
    W = jax.random.normal(k5, (num_classes, embed), dtype=jnp.float32) * std_l
    b = jax.random.normal(k6, (num_classes,), dtype=jnp.float32) * 0.01
    return {"x0": x0, "x1": x1, "emb_word": emb_word, "emb_ngram": emb_ngram, "W": W, "b": b}


def reference(x0, x1, emb_word, emb_ngram, W, b):
    c = 1.0
    out_word = jnp.take(emb_word, x0, axis=0)      # [B, L1, d]
    out_ngram = jnp.take(emb_ngram, x1, axis=0)    # [B, L2, d]
    out = jnp.concatenate([out_word, out_ngram], axis=1)  # [B, L1+L2, d]
    # dropout is identity in eval mode
    mid = einstein_midpoint(out, c)                # [B, d]
    mx = mobius_matvec(W, mid, c)                  # [B, num_classes]
    bb = expmap0(jnp.broadcast_to(b, mx.shape), c)
    h = proj(mobius_add(mx, bb, c), c)
    return logmap0(h, c)

if __name__ == "__main__":
    import jax
    _d = setup_inputs()
    print(jax.jit(kernel)(*tuple(_d.values())))

</pallas_src>

<mosaic_0001>
#map = affine_map<(d0, d1) -> (0, 0, 0)>
#map1 = affine_map<(d0, d1) -> (0, 0)>
module attributes {stable_mosaic.version = 14 : i64} {
  func.func @sc_pool(%arg0: i32, %arg1: i32, %arg2: memref<4096x2x100xi32, #tpu.memory_space<hbm>>, %arg3: memref<4096x2x100xi32, #tpu.memory_space<hbm>>, %arg4: memref<100000x64xf32, #tpu.memory_space<hbm>>, %arg5: memref<1000000x64xf32, #tpu.memory_space<hbm>>, %arg6: memref<4096x80xf32, #tpu.memory_space<hbm>>, %arg7: memref<4x100xi32, #tpu.memory_space<vmem>>, %arg8: memref<4x100xi32, #tpu.memory_space<vmem>>, %arg9: memref<400x64xf32, #tpu.memory_space<vmem>>, %arg10: memref<400x64xf32, #tpu.memory_space<vmem>>, %arg11: memref<80xf32, #tpu.memory_space<vmem>>, %arg12: memref<80xf32, #tpu.memory_space<vmem>>, %arg13: memref<!tpu.dma_semaphore, #tpu.memory_space<semaphore_mem>>, %arg14: memref<!tpu.dma_semaphore, #tpu.memory_space<semaphore_mem>>, %arg15: memref<!tpu.dma_semaphore, #tpu.memory_space<semaphore_mem>>, %arg16: memref<!tpu.dma_semaphore, #tpu.memory_space<semaphore_mem>>, %arg17: memref<!tpu.dma_semaphore, #tpu.memory_space<semaphore_mem>>, %arg18: memref<!tpu.dma_semaphore, #tpu.memory_space<semaphore_mem>>) attributes {dimension_semantics = [#tpu.dimension_semantics<core_parallel>, #tpu.dimension_semantics<subcore_parallel>], iteration_bounds = array<i64: 2, 16>, scalar_prefetch = 0 : i64, scratch_operands = 12 : i64, tpu.core_type = #tpu.core_type<sc_vector_subcore>, window_params = [{transform_indices = #map}, {transform_indices = #map}, {transform_indices = #map1}, {transform_indices = #map1}, {transform_indices = #map1}]} {
    %mul3A = arith.constant 2 : i32
    %mul3A_0 = arith.muli %arg1, %mul3A : i32
    %add3A = arith.addi %mul3A_0, %arg0 : i32
    %mul3A_1 = arith.constant 128 : i32
    %mul3A_2 = arith.muli %add3A, %mul3A_1 : i32
    %iota3A = tpu.iota {dimensions = array<i32: 0>} : vector<16xi32>
    %dma_start3A = arith.constant 0 : i32
    %dma_start3A_3 = arith.constant 0 : i32
    %dma_start3A_4 = tpu.memref_slice %arg7[%dma_start3A, %dma_start3A_3] : memref<4x100xi32, #tpu.memory_space<vmem>> -> memref<2x100xi32, #tpu.memory_space<vmem>>
    %dma_start3A_5 = arith.constant 0 : i32
    %dma_start3A_6 = arith.constant 0 : i32
    %dma_start3A_7 = tpu.memref_slice %arg2[%mul3A_2, %dma_start3A_5, %dma_start3A_6] : memref<4096x2x100xi32, #tpu.memory_space<hbm>> -> memref<1x2x100xi32, #tpu.memory_space<hbm>>
    %dma_start3A_8 = tpu.memref_squeeze %dma_start3A_7 : memref<1x2x100xi32, #tpu.memory_space<hbm>> -> memref<2x100xi32, #tpu.memory_space<hbm>>
    %dma_start3A_9 = arith.constant 0 : i32
    %dma_start3A_10 = arith.constant 0 : i32
    %dma_start3A_11 = tpu.memref_slice %arg7[%dma_start3A_9, %dma_start3A_10] : memref<4x100xi32, #tpu.memory_space<vmem>> -> memref<2x100xi32, #tpu.memory_space<vmem>>
    %dma_start3A_12 = arith.constant 0 : i32
    %dma_start3A_13 = arith.constant 0 : i32
    %dma_start3A_14 = tpu.memref_slice %arg2[%mul3A_2, %dma_start3A_12, %dma_start3A_13] : memref<4096x2x100xi32, #tpu.memory_space<hbm>> -> memref<1x2x100xi32, #tpu.memory_space<hbm>>
    %dma_start3A_15 = tpu.memref_squeeze %dma_start3A_14 : memref<1x2x100xi32, #tpu.memory_space<hbm>> -> memref<2x100xi32, #tpu.memory_space<hbm>>
    tpu.enqueue_dma source(%dma_start3A_15 : memref<2x100xi32, #tpu.memory_space<hbm>>) target(%dma_start3A_11 : memref<2x100xi32, #tpu.memory_space<vmem>>) target_semaphore(%arg17 : memref<!tpu.dma_semaphore, #tpu.memory_space<semaphore_mem>>)
    %dma_start3A_16 = arith.constant 2 : i32
    %dma_start3A_17 = arith.constant 0 : i32
    %dma_start3A_18 = tpu.memref_slice %arg7[%dma_start3A_16, %dma_start3A_17] : memref<4x100xi32, #tpu.memory_space<vmem>> -> memref<2x100xi32, #tpu.memory_space<vmem>>
    %dma_start3A_19 = arith.constant 0 : i32
    %dma_start3A_20 = arith.constant 0 : i32
    %dma_start3A_21 = tpu.memref_slice %arg3[%mul3A_2, %dma_start3A_19, %dma_start3A_20] : memref<4096x2x100xi32, #tpu.memory_space<hbm>> -> memref<1x2x100xi32, #tpu.memory_space<hbm>>
    %dma_start3A_22 = tpu.memref_squeeze %dma_start3A_21 : memref<1x2x100xi32, #tpu.memory_space<hbm>> -> memref<2x100xi32, #tpu.memory_space<hbm>>
    %dma_start3A_23 = arith.constant 2 : i32
    %dma_start3A_24 = arith.constant 0 : i32
    %dma_start3A_25 = tpu.memref_slice %arg7[%dma_start3A_23, %dma_start3A_24] : memref<4x100xi32, #tpu.memory_space<vmem>> -> memref<2x100xi32, #tpu.memory_space<vmem>>
    %dma_start3A_26 = arith.constant 0 : i32
    %dma_start3A_27 = arith.constant 0 : i32
    %dma_start3A_28 = tpu.memref_slice %arg3[%mul3A_2, %dma_start3A_26, %dma_start3A_27] : memref<4096x2x100xi32, #tpu.memory_space<hbm>> -> memref<1x2x100xi32, #tpu.memory_space<hbm>>
    %dma_start3A_29 = tpu.memref_squeeze %dma_start3A_28 : memref<1x2x100xi32, #tpu.memory_space<hbm>> -> memref<2x100xi32, #tpu.memory_space<hbm>>
    tpu.enqueue_dma source(%dma_start3A_29 : memref<2x100xi32, #tpu.memory_space<hbm>>) target(%dma_start3A_25 : memref<2x100xi32, #tpu.memory_space<vmem>>) target_semaphore(%arg17 : memref<!tpu.dma_semaphore, #tpu.memory_space<semaphore_mem>>)
    %dma_wait3A = arith.constant 0 : i32
    %dma_wait3A_30 = arith.constant 0 : i32
    %dma_wait3A_31 = tpu.memref_slice %arg7[%dma_wait3A, %dma_wait3A_30] : memref<4x100xi32, #tpu.memory_space<vmem>> -> memref<2x100xi32, #tpu.memory_space<vmem>>
    %dma_wait3A_32 = arith.constant 0 : i32
    %dma_wait3A_33 = arith.constant 0 : i32
    %dma_wait3A_34 = tpu.memref_slice %arg2[%mul3A_2, %dma_wait3A_32, %dma_wait3A_33] : memref<4096x2x100xi32, #tpu.memory_space<hbm>> -> memref<1x2x100xi32, #tpu.memory_space<hbm>>
    %dma_wait3A_35 = tpu.memref_squeeze %dma_wait3A_34 : memref<1x2x100xi32, #tpu.memory_space<hbm>> -> memref<2x100xi32, #tpu.memory_space<hbm>>
    %dma_wait3A_36 = arith.constant 0 : i32
    %dma_wait3A_37 = arith.constant 0 : i32
    %dma_wait3A_38 = tpu.memref_slice %arg7[%dma_wait3A_36, %dma_wait3A_37] : memref<4x100xi32, #tpu.memory_space<vmem>> -> memref<2x100xi32, #tpu.memory_space<vmem>>
    %dma_wait3A_39 = arith.constant 0 : i32
    %dma_wait3A_40 = arith.constant 0 : i32
    %dma_wait3A_41 = tpu.memref_slice %arg2[%mul3A_2, %dma_wait3A_39, %dma_wait3A_40] : memref<4096x2x100xi32, #tpu.memory_space<hbm>> -> memref<1x2x100xi32, #tpu.memory_space<hbm>>
    %dma_wait3A_42 = tpu.memref_squeeze %dma_wait3A_41 : memref<1x2x100xi32, #tpu.memory_space<hbm>> -> memref<2x100xi32, #tpu.memory_space<hbm>>
    tpu.wait_dma2 semaphore(%arg17 : memref<!tpu.dma_semaphore, #tpu.memory_space<semaphore_mem>>) src(%dma_wait3A_42 : memref<2x100xi32, #tpu.memory_space<hbm>>) dst(%dma_wait3A_38 : memref<2x100xi32, #tpu.memory_space<vmem>>)
    %dma_wait3A_43 = arith.constant 2 : i32
    %dma_wait3A_44 = arith.constant 0 : i32
    %dma_wait3A_45 = tpu.memref_slice %arg7[%dma_wait3A_43, %dma_wait3A_44] : memref<4x100xi32, #tpu.memory_space<vmem>> -> memref<2x100xi32, #tpu.memory_space<vmem>>
    %dma_wait3A_46 = arith.constant 0 : i32
    %dma_wait3A_47 = arith.constant 0 : i32
    %dma_wait3A_48 = tpu.memref_slice %arg3[%mul3A_2, %dma_wait3A_46, %dma_wait3A_47] : memref<4096x2x100xi32, #tpu.memory_space<hbm>> -> memref<1x2x100xi32, #tpu.memory_space<hbm>>
    %dma_wait3A_49 = tpu.memref_squeeze %dma_wait3A_48 : memref<1x2x100xi32, #tpu.memory_space<hbm>> -> memref<2x100xi32, #tpu.memory_space<hbm>>
    %dma_wait3A_50 = arith.constant 2 : i32
    %dma_wait3A_51 = arith.constant 0 : i32
    %dma_wait3A_52 = tpu.memref_slice %arg7[%dma_wait3A_50, %dma_wait3A_51] : memref<4x100xi32, #tpu.memory_space<vmem>> -> memref<2x100xi32, #tpu.memory_space<vmem>>
    %dma_wait3A_53 = arith.constant 0 : i32
    %dma_wait3A_54 = arith.constant 0 : i32
    %dma_wait3A_55 = tpu.memref_slice %arg3[%mul3A_2, %dma_wait3A_53, %dma_wait3A_54] : memref<4096x2x100xi32, #tpu.memory_space<hbm>> -> memref<1x2x100xi32, #tpu.memory_space<hbm>>
    %dma_wait3A_56 = tpu.memref_squeeze %dma_wait3A_55 : memref<1x2x100xi32, #tpu.memory_space<hbm>> -> memref<2x100xi32, #tpu.memory_space<hbm>>
    tpu.wait_dma2 semaphore(%arg17 : memref<!tpu.dma_semaphore, #tpu.memory_space<semaphore_mem>>) src(%dma_wait3A_56 : memref<2x100xi32, #tpu.memory_space<hbm>>) dst(%dma_wait3A_52 : memref<2x100xi32, #tpu.memory_space<vmem>>)
    %dma_start3A_57 = arith.constant 0 : i32
    %dma_start3A_58 = arith.constant 0 : i32
    %dma_start3A_59 = arith.constant 0 : i32
    %dma_start3A_60 = tpu.memref_slice %arg9[%dma_start3A_58, %dma_start3A_59] : memref<400x64xf32, #tpu.memory_space<vmem>> -> memref<100x64xf32, #tpu.memory_space<vmem>>
    %dma_start3A_61 = arith.constant 0 : i32
    %dma_start3A_62 = tpu.memref_slice %arg7[%dma_start3A_57, %dma_start3A_61] : memref<4x100xi32, #tpu.memory_space<vmem>> -> memref<1x100xi32, #tpu.memory_space<vmem>>
    %dma_start3A_63 = tpu.memref_squeeze %dma_start3A_62 : memref<1x100xi32, #tpu.memory_space<vmem>> -> memref<100xi32, #tpu.memory_space<vmem>>
    %dma_start3A_64 = arith.constant 0 : i32
    %dma_start3A_65 = arith.constant 0 : i32
    %dma_start3A_66 = tpu.memref_slice %arg4[%dma_start3A_64, %dma_start3A_65] : memref<100000x64xf32, #tpu.memory_space<hbm>> -> memref<100000x64xf32, #tpu.memory_space<hbm>>
    tpu.enqueue_indirect_dma source(%dma_start3A_66 : memref<100000x64xf32, #tpu.memory_space<hbm>>) target(%dma_start3A_60 : memref<100x64xf32, #tpu.memory_space<vmem>>) offsets(%dma_start3A_63 : memref<100xi32, #tpu.memory_space<vmem>>) semaphore(%arg13 : memref<!tpu.dma_semaphore, #tpu.memory_space<semaphore_mem>>)
    %dma_start3A_67 = arith.constant 1 : i32
    %dma_start3A_68 = arith.constant 100 : i32
    %dma_start3A_69 = arith.constant 0 : i32
    %dma_start3A_70 = tpu.memref_slice %arg9[%dma_start3A_68, %dma_start3A_69] : memref<400x64xf32, #tpu.memory_space<vmem>> -> memref<100x64xf32, #tpu.memory_space<vmem>>
    %dma_start3A_71 = arith.constant 0 : i32
    %dma_start3A_72 = tpu.memref_slice %arg7[%dma_start3A_67, %dma_start3A_71] : memref<4x100xi32, #tpu.memory_space<vmem>> -> memref<1x100xi32, #tpu.memory_space<vmem>>
    %dma_start3A_73 = tpu.memref_squeeze %dma_start3A_72 : memref<1x100xi32, #tpu.memory_space<vmem>> -> memref<100xi32, #tpu.memory_space<vmem>>
    %dma_start3A_74 = arith.constant 0 : i32
    %dma_start3A_75 = arith.constant 0 : i32
    %dma_start3A_76 = tpu.memref_slice %arg4[%dma_start3A_74, %dma_start3A_75] : memref<100000x64xf32, #tpu.memory_space<hbm>> -> memref<100000x64xf32, #tpu.memory_space<hbm>>
    tpu.enqueue_indirect_dma source(%dma_start3A_76 : memref<100000x64xf32, #tpu.memory_space<hbm>>) target(%dma_start3A_70 : memref<100x64xf32, #tpu.memory_space<vmem>>) offsets(%dma_start3A_73 : memref<100xi32, #tpu.memory_space<vmem>>) semaphore(%arg13 : memref<!tpu.dma_semaphore, #tpu.memory_space<semaphore_mem>>)
    %dma_start3A_77 = arith.constant 2 : i32
    %dma_start3A_78 = arith.constant 200 : i32
    %dma_start3A_79 = arith.constant 0 : i32
    %dma_start3A_80 = tpu.memref_slice %arg9[%dma_start3A_78, %dma_start3A_79] : memref<400x64xf32, #tpu.memory_space<vmem>> -> memref<100x64xf32, #tpu.memory_space<vmem>>
    %dma_start3A_81 = arith.constant 0 : i32
    %dma_start3A_82 = tpu.memref_slice %arg7[%dma_start3A_77, %dma_start3A_81] : memref<4x100xi32, #tpu.memory_space<vmem>> -> memref<1x100xi32, #tpu.memory_space<vmem>>
    %dma_start3A_83 = tpu.memref_squeeze %dma_start3A_82 : memref<1x100xi32, #tpu.memory_space<vmem>> -> memref<100xi32, #tpu.memory_space<vmem>>
    %dma_start3A_84 = arith.constant 0 : i32
    %dma_start3A_85 = arith.constant 0 : i32
    %dma_start3A_86 = tpu.memref_slice %arg5[%dma_start3A_84, %dma_start3A_85] : memref<1000000x64xf32, #tpu.memory_space<hbm>> -> memref<1000000x64xf32, #tpu.memory_space<hbm>>
    tpu.enqueue_indirect_dma source(%dma_start3A_86 : memref<1000000x64xf32, #tpu.memory_space<hbm>>) target(%dma_start3A_80 : memref<100x64xf32, #tpu.memory_space<vmem>>) offsets(%dma_start3A_83 : memref<100xi32, #tpu.memory_space<vmem>>) semaphore(%arg13 : memref<!tpu.dma_semaphore, #tpu.memory_space<semaphore_mem>>)
    %dma_start3A_87 = arith.constant 3 : i32
    %dma_start3A_88 = arith.constant 300 : i32
    %dma_start3A_89 = arith.constant 0 : i32
    %dma_start3A_90 = tpu.memref_slice %arg9[%dma_start3A_88, %dma_start3A_89] : memref<400x64xf32, #tpu.memory_space<vmem>> -> memref<100x64xf32, #tpu.memory_space<vmem>>
    %dma_start3A_91 = arith.constant 0 : i32
    %dma_start3A_92 = tpu.memref_slice %arg7[%dma_start3A_87, %dma_start3A_91] : memref<4x100xi32, #tpu.memory_space<vmem>> -> memref<1x100xi32, #tpu.memory_space<vmem>>
    %dma_start3A_93 = tpu.memref_squeeze %dma_start3A_92 : memref<1x100xi32, #tpu.memory_space<vmem>> -> memref<100xi32, #tpu.memory_space<vmem>>
    %dma_start3A_94 = arith.constant 0 : i32
    %dma_start3A_95 = arith.constant 0 : i32
    %dma_start3A_96 = tpu.memref_slice %arg5[%dma_start3A_94, %dma_start3A_95] : memref<1000000x64xf32, #tpu.memory_space<hbm>> -> memref<1000000x64xf32, #tpu.memory_space<hbm>>
    tpu.enqueue_indirect_dma source(%dma_start3A_96 : memref<1000000x64xf32, #tpu.memory_space<hbm>>) target(%dma_start3A_90 : memref<100x64xf32, #tpu.memory_space<vmem>>) offsets(%dma_start3A_93 : memref<100xi32, #tpu.memory_space<vmem>>) semaphore(%arg13 : memref<!tpu.dma_semaphore, #tpu.memory_space<semaphore_mem>>)
    %add3A_97 = arith.constant 1 : i32
    %add3A_98 = arith.addi %mul3A_2, %add3A_97 : i32
    %dma_start3A_99 = arith.constant 0 : i32
    %dma_start3A_100 = arith.constant 0 : i32
    %dma_start3A_101 = tpu.memref_slice %arg8[%dma_start3A_99, %dma_start3A_100] : memref<4x100xi32, #tpu.memory_space<vmem>> -> memref<2x100xi32, #tpu.memory_space<vmem>>
    %dma_start3A_102 = arith.constant 0 : i32
    %dma_start3A_103 = arith.constant 0 : i32
    %dma_start3A_104 = tpu.memref_slice %arg2[%add3A_98, %dma_start3A_102, %dma_start3A_103] : memref<4096x2x100xi32, #tpu.memory_space<hbm>> -> memref<1x2x100xi32, #tpu.memory_space<hbm>>
    %dma_start3A_105 = tpu.memref_squeeze %dma_start3A_104 : memref<1x2x100xi32, #tpu.memory_space<hbm>> -> memref<2x100xi32, #tpu.memory_space<hbm>>
    %dma_start3A_106 = arith.constant 0 : i32
    %dma_start3A_107 = arith.constant 0 : i32
    %dma_start3A_108 = tpu.memref_slice %arg8[%dma_start3A_106, %dma_start3A_107] : memref<4x100xi32, #tpu.memory_space<vmem>> -> memref<2x100xi32, #tpu.memory_space<vmem>>
    %dma_start3A_109 = arith.constant 0 : i32
    %dma_start3A_110 = arith.constant 0 : i32
    %dma_start3A_111 = tpu.memref_slice %arg2[%add3A_98, %dma_start3A_109, %dma_start3A_110] : memref<4096x2x100xi32, #tpu.memory_space<hbm>> -> memref<1x2x100xi32, #tpu.memory_space<hbm>>
    %dma_start3A_112 = tpu.memref_squeeze %dma_start3A_111 : memref<1x2x100xi32, #tpu.memory_space<hbm>> -> memref<2x100xi32, #tpu.memory_space<hbm>>
    tpu.enqueue_dma source(%dma_start3A_112 : memref<2x100xi32, #tpu.memory_space<hbm>>) target(%dma_start3A_108 : memref<2x100xi32, #tpu.memory_space<vmem>>) target_semaphore(%arg18 : memref<!tpu.dma_semaphore, #tpu.memory_space<semaphore_mem>>)
    %dma_start3A_113 = arith.constant 2 : i32
    %dma_start3A_114 = arith.constant 0 : i32
    %dma_start3A_115 = tpu.memref_slice %arg8[%dma_start3A_113, %dma_start3A_114] : memref<4x100xi32, #tpu.memory_space<vmem>> -> memref<2x100xi32, #tpu.memory_space<vmem>>
    %dma_start3A_116 = arith.constant 0 : i32
    %dma_start3A_117 = arith.constant 0 : i32
    %dma_start3A_118 = tpu.memref_slice %arg3[%add3A_98, %dma_start3A_116, %dma_start3A_117] : memref<4096x2x100xi32, #tpu.memory_space<hbm>> -> memref<1x2x100xi32, #tpu.memory_space<hbm>>
    %dma_start3A_119 = tpu.memref_squeeze %dma_start3A_118 : memref<1x2x100xi32, #tpu.memory_space<hbm>> -> memref<2x100xi32, #tpu.memory_space<hbm>>
    %dma_start3A_120 = arith.constant 2 : i32
    %dma_start3A_121 = arith.constant 0 : i32
    %dma_start3A_122 = tpu.memref_slice %arg8[%dma_start3A_120, %dma_start3A_121] : memref<4x100xi32, #tpu.memory_space<vmem>> -> memref<2x100xi32, #tpu.memory_space<vmem>>
    %dma_start3A_123 = arith.constant 0 : i32
    %dma_start3A_124 = arith.constant 0 : i32
    %dma_start3A_125 = tpu.memref_slice %arg3[%add3A_98, %dma_start3A_123, %dma_start3A_124] : memref<4096x2x100xi32, #tpu.memory_space<hbm>> -> memref<1x2x100xi32, #tpu.memory_space<hbm>>
    %dma_start3A_126 = tpu.memref_squeeze %dma_start3A_125 : memref<1x2x100xi32, #tpu.memory_space<hbm>> -> memref<2x100xi32, #tpu.memory_space<hbm>>
    tpu.enqueue_dma source(%dma_start3A_126 : memref<2x100xi32, #tpu.memory_space<hbm>>) target(%dma_start3A_122 : memref<2x100xi32, #tpu.memory_space<vmem>>) target_semaphore(%arg18 : memref<!tpu.dma_semaphore, #tpu.memory_space<semaphore_mem>>)
    %scan3A = arith.constant 0 : i32
    %scan3A_127 = arith.constant 0 : i32
    %scan3A_128 = arith.constant 64 : i32
    %scan3A_129 = arith.addi %scan3A_127, %scan3A_128 : i32
    %scan3A_130 = arith.constant 1 : i32
    scf.for %scan3A_144 = %scan3A_127 to %scan3A_129 step %scan3A_130  : i32 {
      %mul3A_145 = arith.constant 2 : i32
      %mul3A_146 = arith.muli %mul3A_145, %scan3A_144 : i32
      %add3A_147 = arith.addi %mul3A_2, %mul3A_146 : i32
      %add3A_148 = arith.constant 1 : i32
      %add3A_149 = arith.addi %add3A_147, %add3A_148 : i32
      %dma_wait3A_150 = arith.constant 0 : i32
      %dma_wait3A_151 = arith.constant 0 : i32
      %dma_wait3A_152 = tpu.memref_slice %arg8[%dma_wait3A_150, %dma_wait3A_151] : memref<4x100xi32, #tpu.memory_space<vmem>> -> memref<2x100xi32, #tpu.memory_space<vmem>>
      %dma_wait3A_153 = arith.constant 0 : i32
      %dma_wait3A_154 = arith.constant 0 : i32
      %dma_wait3A_155 = tpu.memref_slice %arg2[%add3A_149, %dma_wait3A_153, %dma_wait3A_154] : memref<4096x2x100xi32, #tpu.memory_space<hbm>> -> memref<1x2x100xi32, #tpu.memory_space<hbm>>
      %dma_wait3A_156 = tpu.memref_squeeze %dma_wait3A_155 : memref<1x2x100xi32, #tpu.memory_space<hbm>> -> memref<2x100xi32, #tpu.memory_space<hbm>>
      %dma_wait3A_157 = arith.constant 0 : i32
      %dma_wait3A_158 = arith.constant 0 : i32
      %dma_wait3A_159 = tpu.memref_slice %arg8[%dma_wait3A_157, %dma_wait3A_158] : memref<4x100xi32, #tpu.memory_space<vmem>> -> memref<2x100xi32, #tpu.memory_space<vmem>>
      %dma_wait3A_160 = arith.constant 0 : i32
      %dma_wait3A_161 = arith.constant 0 : i32
      %dma_wait3A_162 = tpu.memref_slice %arg2[%add3A_149, %dma_wait3A_160, %dma_wait3A_161] : memref<4096x2x100xi32, #tpu.memory_space<hbm>> -> memref<1x2x100xi32, #tpu.memory_space<hbm>>
      %dma_wait3A_163 = tpu.memref_squeeze %dma_wait3A_162 : memref<1x2x100xi32, #tpu.memory_space<hbm>> -> memref<2x100xi32, #tpu.memory_space<hbm>>
      tpu.wait_dma2 semaphore(%arg18 : memref<!tpu.dma_semaphore, #tpu.memory_space<semaphore_mem>>) src(%dma_wait3A_163 : memref<2x100xi32, #tpu.memory_space<hbm>>) dst(%dma_wait3A_159 : memref<2x100xi32, #tpu.memory_space<vmem>>)
      %dma_wait3A_164 = arith.constant 2 : i32
      %dma_wait3A_165 = arith.constant 0 : i32
      %dma_wait3A_166 = tpu.memref_slice %arg8[%dma_wait3A_164, %dma_wait3A_165] : memref<4x100xi32, #tpu.memory_space<vmem>> -> memref<2x100xi32, #tpu.memory_space<vmem>>
      %dma_wait3A_167 = arith.constant 0 : i32
      %dma_wait3A_168 = arith.constant 0 : i32
      %dma_wait3A_169 = tpu.memref_slice %arg3[%add3A_149, %dma_wait3A_167, %dma_wait3A_168] : memref<4096x2x100xi32, #tpu.memory_space<hbm>> -> memref<1x2x100xi32, #tpu.memory_space<hbm>>
      %dma_wait3A_170 = tpu.memref_squeeze %dma_wait3A_169 : memref<1x2x100xi32, #tpu.memory_space<hbm>> -> memref<2x100xi32, #tpu.memory_space<hbm>>
      %dma_wait3A_171 = arith.constant 2 : i32
      %dma_wait3A_172 = arith.constant 0 : i32
      %dma_wait3A_173 = tpu.memref_slice %arg8[%dma_wait3A_171, %dma_wait3A_172] : memref<4x100xi32, #tpu.memory_space<vmem>> -> memref<2x100xi32, #tpu.memory_space<vmem>>
      %dma_wait3A_174 = arith.constant 0 : i32
      %dma_wait3A_175 = arith.constant 0 : i32
      %dma_wait3A_176 = tpu.memref_slice %arg3[%add3A_149, %dma_wait3A_174, %dma_wait3A_175] : memref<4096x2x100xi32, #tpu.memory_space<hbm>> -> memref<1x2x100xi32, #tpu.memory_space<hbm>>
      %dma_wait3A_177 = tpu.memref_squeeze %dma_wait3A_176 : memref<1x2x100xi32, #tpu.memory_space<hbm>> -> memref<2x100xi32, #tpu.memory_space<hbm>>
      tpu.wait_dma2 semaphore(%arg18 : memref<!tpu.dma_semaphore, #tpu.memory_space<semaphore_mem>>) src(%dma_wait3A_177 : memref<2x100xi32, #tpu.memory_space<hbm>>) dst(%dma_wait3A_173 : memref<2x100xi32, #tpu.memory_space<vmem>>)
      %dma_start3A_178 = arith.constant 0 : i32
      %dma_start3A_179 = arith.constant 0 : i32
      %dma_start3A_180 = arith.constant 0 : i32
      %dma_start3A_181 = tpu.memref_slice %arg10[%dma_start3A_179, %dma_start3A_180] : memref<400x64xf32, #tpu.memory_space<vmem>> -> memref<100x64xf32, #tpu.memory_space<vmem>>
      %dma_start3A_182 = arith.constant 0 : i32
      %dma_start3A_183 = tpu.memref_slice %arg8[%dma_start3A_178, %dma_start3A_182] : memref<4x100xi32, #tpu.memory_space<vmem>> -> memref<1x100xi32, #tpu.memory_space<vmem>>
      %dma_start3A_184 = tpu.memref_squeeze %dma_start3A_183 : memref<1x100xi32, #tpu.memory_space<vmem>> -> memref<100xi32, #tpu.memory_space<vmem>>
      %dma_start3A_185 = arith.constant 0 : i32
      %dma_start3A_186 = arith.constant 0 : i32
      %dma_start3A_187 = tpu.memref_slice %arg4[%dma_start3A_185, %dma_start3A_186] : memref<100000x64xf32, #tpu.memory_space<hbm>> -> memref<100000x64xf32, #tpu.memory_space<hbm>>
      tpu.enqueue_indirect_dma source(%dma_start3A_187 : memref<100000x64xf32, #tpu.memory_space<hbm>>) target(%dma_start3A_181 : memref<100x64xf32, #tpu.memory_space<vmem>>) offsets(%dma_start3A_184 : memref<100xi32, #tpu.memory_space<vmem>>) semaphore(%arg14 : memref<!tpu.dma_semaphore, #tpu.memory_space<semaphore_mem>>)
      %dma_start3A_188 = arith.constant 1 : i32
      %dma_start3A_189 = arith.constant 100 : i32
      %dma_start3A_190 = arith.constant 0 : i32
      %dma_start3A_191 = tpu.memref_slice %arg10[%dma_start3A_189, %dma_start3A_190] : memref<400x64xf32, #tpu.memory_space<vmem>> -> memref<100x64xf32, #tpu.memory_space<vmem>>
      %dma_start3A_192 = arith.constant 0 : i32
      %dma_start3A_193 = tpu.memref_slice %arg8[%dma_start3A_188, %dma_start3A_192] : memref<4x100xi32, #tpu.memory_space<vmem>> -> memref<1x100xi32, #tpu.memory_space<vmem>>
      %dma_start3A_194 = tpu.memref_squeeze %dma_start3A_193 : memref<1x100xi32, #tpu.memory_space<vmem>> -> memref<100xi32, #tpu.memory_space<vmem>>
      %dma_start3A_195 = arith.constant 0 : i32
      %dma_start3A_196 = arith.constant 0 : i32
      %dma_start3A_197 = tpu.memref_slice %arg4[%dma_start3A_195, %dma_start3A_196] : memref<100000x64xf32, #tpu.memory_space<hbm>> -> memref<100000x64xf32, #tpu.memory_space<hbm>>
      tpu.enqueue_indirect_dma source(%dma_start3A_197 : memref<100000x64xf32, #tpu.memory_space<hbm>>) target(%dma_start3A_191 : memref<100x64xf32, #tpu.memory_space<vmem>>) offsets(%dma_start3A_194 : memref<100xi32, #tpu.memory_space<vmem>>) semaphore(%arg14 : memref<!tpu.dma_semaphore, #tpu.memory_space<semaphore_mem>>)
      %dma_start3A_198 = arith.constant 2 : i32
      %dma_start3A_199 = arith.constant 200 : i32
      %dma_start3A_200 = arith.constant 0 : i32
      %dma_start3A_201 = tpu.memref_slice %arg10[%dma_start3A_199, %dma_start3A_200] : memref<400x64xf32, #tpu.memory_space<vmem>> -> memref<100x64xf32, #tpu.memory_space<vmem>>
      %dma_start3A_202 = arith.constant 0 : i32
      %dma_start3A_203 = tpu.memref_slice %arg8[%dma_start3A_198, %dma_start3A_202] : memref<4x100xi32, #tpu.memory_space<vmem>> -> memref<1x100xi32, #tpu.memory_space<vmem>>
      %dma_start3A_204 = tpu.memref_squeeze %dma_start3A_203 : memref<1x100xi32, #tpu.memory_space<vmem>> -> memref<100xi32, #tpu.memory_space<vmem>>
      %dma_start3A_205 = arith.constant 0 : i32
      %dma_start3A_206 = arith.constant 0 : i32
      %dma_start3A_207 = tpu.memref_slice %arg5[%dma_start3A_205, %dma_start3A_206] : memref<1000000x64xf32, #tpu.memory_space<hbm>> -> memref<1000000x64xf32, #tpu.memory_space<hbm>>
      tpu.enqueue_indirect_dma source(%dma_start3A_207 : memref<1000000x64xf32, #tpu.memory_space<hbm>>) target(%dma_start3A_201 : memref<100x64xf32, #tpu.memory_space<vmem>>) offsets(%dma_start3A_204 : memref<100xi32, #tpu.memory_space<vmem>>) semaphore(%arg14 : memref<!tpu.dma_semaphore, #tpu.memory_space<semaphore_mem>>)
      %dma_start3A_208 = arith.constant 3 : i32
      %dma_start3A_209 = arith.constant 300 : i32
      %dma_start3A_210 = arith.constant 0 : i32
      %dma_start3A_211 = tpu.memref_slice %arg10[%dma_start3A_209, %dma_start3A_210] : memref<400x64xf32, #tpu.memory_space<vmem>> -> memref<100x64xf32, #tpu.memory_space<vmem>>
      %dma_start3A_212 = arith.constant 0 : i32
      %dma_start3A_213 = tpu.memref_slice %arg8[%dma_start3A_208, %dma_start3A_212] : memref<4x100xi32, #tpu.memory_space<vmem>> -> memref<1x100xi32, #tpu.memory_space<vmem>>
      %dma_start3A_214 = tpu.memref_squeeze %dma_start3A_213 : memref<1x100xi32, #tpu.memory_space<vmem>> -> memref<100xi32, #tpu.memory_space<vmem>>
      %dma_start3A_215 = arith.constant 0 : i32
      %dma_start3A_216 = arith.constant 0 : i32
      %dma_start3A_217 = tpu.memref_slice %arg5[%dma_start3A_215, %dma_start3A_216] : memref<1000000x64xf32, #tpu.memory_space<hbm>> -> memref<1000000x64xf32, #tpu.memory_space<hbm>>
      tpu.enqueue_indirect_dma source(%dma_start3A_217 : memref<1000000x64xf32, #tpu.memory_space<hbm>>) target(%dma_start3A_211 : memref<100x64xf32, #tpu.memory_space<vmem>>) offsets(%dma_start3A_214 : memref<100xi32, #tpu.memory_space<vmem>>) semaphore(%arg14 : memref<!tpu.dma_semaphore, #tpu.memory_space<semaphore_mem>>)
      %dma_wait3A_218 = arith.constant 0 : i32
      %dma_wait3A_219 = arith.constant 0 : i32
      %dma_wait3A_220 = arith.constant 0 : i32
      %dma_wait3A_221 = tpu.memref_slice %arg9[%dma_wait3A_219, %dma_wait3A_220] : memref<400x64xf32, #tpu.memory_space<vmem>> -> memref<100x64xf32, #tpu.memory_space<vmem>>
      %dma_wait3A_222 = arith.constant 0 : i32
      %dma_wait3A_223 = tpu.memref_slice %arg7[%dma_wait3A_218, %dma_wait3A_222] : memref<4x100xi32, #tpu.memory_space<vmem>> -> memref<1x100xi32, #tpu.memory_space<vmem>>
      %dma_wait3A_224 = tpu.memref_squeeze %dma_wait3A_223 : memref<1x100xi32, #tpu.memory_space<vmem>> -> memref<100xi32, #tpu.memory_space<vmem>>
      %dma_wait3A_225 = arith.constant 0 : i32
      %dma_wait3A_226 = arith.constant 0 : i32
      %dma_wait3A_227 = tpu.memref_slice %arg4[%dma_wait3A_225, %dma_wait3A_226] : memref<100000x64xf32, #tpu.memory_space<hbm>> -> memref<100000x64xf32, #tpu.memory_space<hbm>>
      tpu.wait_indirect_dma semaphore(%arg13 : memref<!tpu.dma_semaphore, #tpu.memory_space<semaphore_mem>>) src(%dma_wait3A_227 : memref<100000x64xf32, #tpu.memory_space<hbm>>) dst(%dma_wait3A_221 : memref<100x64xf32, #tpu.memory_space<vmem>>)
      %dma_wait3A_228 = arith.constant 1 : i32
      %dma_wait3A_229 = arith.constant 100 : i32
      %dma_wait3A_230 = arith.constant 0 : i32
      %dma_wait3A_231 = tpu.memref_slice %arg9[%dma_wait3A_229, %dma_wait3A_230] : memref<400x64xf32, #tpu.memory_space<vmem>> -> memref<100x64xf32, #tpu.memory_space<vmem>>
      %dma_wait3A_232 = arith.constant 0 : i32
      %dma_wait3A_233 = tpu.memref_slice %arg7[%dma_wait3A_228, %dma_wait3A_232] : memref<4x100xi32, #tpu.memory_space<vmem>> -> memref<1x100xi32, #tpu.memory_space<vmem>>
      %dma_wait3A_234 = tpu.memref_squeeze %dma_wait3A_233 : memref<1x100xi32, #tpu.memory_space<vmem>> -> memref<100xi32, #tpu.memory_space<vmem>>
      %dma_wait3A_235 = arith.constant 0 : i32
      %dma_wait3A_236 = arith.constant 0 : i32
      %dma_wait3A_237 = tpu.memref_slice %arg4[%dma_wait3A_235, %dma_wait3A_236] : memref<100000x64xf32, #tpu.memory_space<hbm>> -> memref<100000x64xf32, #tpu.memory_space<hbm>>
      tpu.wait_indirect_dma semaphore(%arg13 : memref<!tpu.dma_semaphore, #tpu.memory_space<semaphore_mem>>) src(%dma_wait3A_237 : memref<100000x64xf32, #tpu.memory_space<hbm>>) dst(%dma_wait3A_231 : memref<100x64xf32, #tpu.memory_space<vmem>>)
      %dma_wait3A_238 = arith.constant 2 : i32
      %dma_wait3A_239 = arith.constant 200 : i32
      %dma_wait3A_240 = arith.constant 0 : i32
      %dma_wait3A_241 = tpu.memref_slice %arg9[%dma_wait3A_239, %dma_wait3A_240] : memref<400x64xf32, #tpu.memory_space<vmem>> -> memref<100x64xf32, #tpu.memory_space<vmem>>
      %dma_wait3A_242 = arith.constant 0 : i32
      %dma_wait3A_243 = tpu.memref_slice %arg7[%dma_wait3A_238, %dma_wait3A_242] : memref<4x100xi32, #tpu.memory_space<vmem>> -> memref<1x100xi32, #tpu.memory_space<vmem>>
      %dma_wait3A_244 = tpu.memref_squeeze %dma_wait3A_243 : memref<1x100xi32, #tpu.memory_space<vmem>> -> memref<100xi32, #tpu.memory_space<vmem>>
      %dma_wait3A_245 = arith.constant 0 : i32
      %dma_wait3A_246 = arith.constant 0 : i32
      %dma_wait3A_247 = tpu.memref_slice %arg5[%dma_wait3A_245, %dma_wait3A_246] : memref<1000000x64xf32, #tpu.memory_space<hbm>> -> memref<1000000x64xf32, #tpu.memory_space<hbm>>
      tpu.wait_indirect_dma semaphore(%arg13 : memref<!tpu.dma_semaphore, #tpu.memory_space<semaphore_mem>>) src(%dma_wait3A_247 : memref<1000000x64xf32, #tpu.memory_space<hbm>>) dst(%dma_wait3A_241 : memref<100x64xf32, #tpu.memory_space<vmem>>)
      %dma_wait3A_248 = arith.constant 3 : i32
      %dma_wait3A_249 = arith.constant 300 : i32
      %dma_wait3A_250 = arith.constant 0 : i32
      %dma_wait3A_251 = tpu.memref_slice %arg9[%dma_wait3A_249, %dma_wait3A_250] : memref<400x64xf32, #tpu.memory_space<vmem>> -> memref<100x64xf32, #tpu.memory_space<vmem>>
      %dma_wait3A_252 = arith.constant 0 : i32
      %dma_wait3A_253 = tpu.memref_slice %arg7[%dma_wait3A_248, %dma_wait3A_252] : memref<4x100xi32, #tpu.memory_space<vmem>> -> memref<1x100xi32, #tpu.memory_space<vmem>>
      %dma_wait3A_254 = tpu.memref_squeeze %dma_wait3A_253 : memref<1x100xi32, #tpu.memory_space<vmem>> -> memref<100xi32, #tpu.memory_space<vmem>>
      %dma_wait3A_255 = arith.constant 0 : i32
      %dma_wait3A_256 = arith.constant 0 : i32
      %dma_wait3A_257 = tpu.memref_slice %arg5[%dma_wait3A_255, %dma_wait3A_256] : memref<1000000x64xf32, #tpu.memory_space<hbm>> -> memref<1000000x64xf32, #tpu.memory_space<hbm>>
      tpu.wait_indirect_dma semaphore(%arg13 : memref<!tpu.dma_semaphore, #tpu.memory_space<semaphore_mem>>) src(%dma_wait3A_257 : memref<1000000x64xf32, #tpu.memory_space<hbm>>) dst(%dma_wait3A_251 : memref<100x64xf32, #tpu.memory_space<vmem>>)
      %gt3A = arith.constant 0 : i32
      %gt3A_258 = arith.cmpi sgt, %scan3A_144, %gt3A : i32
      %convert_element_type3A = arith.extui %gt3A_258 : i1 to i32
      %cond3A = arith.constant 0 : i32
      %cond3A_259 = arith.cmpi ne, %convert_element_type3A, %cond3A : i32
      scf.if %cond3A_259 {
        %dma_wait3A_371 = arith.constant 0 : i32
        %dma_wait3A_372 = tpu.memref_slice %arg6[%mul3A_2, %dma_wait3A_371] : memref<4096x80xf32, #tpu.memory_space<hbm>> -> memref<1x80xf32, #tpu.memory_space<hbm>>
        %dma_wait3A_373 = tpu.memref_squeeze %dma_wait3A_372 : memref<1x80xf32, #tpu.memory_space<hbm>> -> memref<80xf32, #tpu.memory_space<hbm>>
        %dma_wait3A_374 = arith.constant 0 : i32
        %dma_wait3A_375 = tpu.memref_slice %arg6[%mul3A_2, %dma_wait3A_374] : memref<4096x80xf32, #tpu.memory_space<hbm>> -> memref<1x80xf32, #tpu.memory_space<hbm>>
        %dma_wait3A_376 = tpu.memref_squeeze %dma_wait3A_375 : memref<1x80xf32, #tpu.memory_space<hbm>> -> memref<80xf32, #tpu.memory_space<hbm>>
        tpu.wait_dma2 semaphore(%arg15 : memref<!tpu.dma_semaphore, #tpu.memory_space<semaphore_mem>>) src(%arg11 : memref<80xf32, #tpu.memory_space<vmem>>) dst(%dma_wait3A_376 : memref<80xf32, #tpu.memory_space<hbm>>)
      } else {
      }
      %lt3A = arith.constant 63 : i32
      %lt3A_260 = arith.cmpi slt, %scan3A_144, %lt3A : i32
      %convert_element_type3A_261 = arith.extui %lt3A_260 : i1 to i32
      %cond3A_262 = arith.constant 0 : i32
      %cond3A_263 = arith.cmpi ne, %convert_element_type3A_261, %cond3A_262 : i32
      scf.if %cond3A_263 {
        %add3A_371 = arith.constant 2 : i32
        %add3A_372 = arith.addi %add3A_147, %add3A_371 : i32
        %dma_start3A_373 = arith.constant 0 : i32
        %dma_start3A_374 = arith.constant 0 : i32
        %dma_start3A_375 = tpu.memref_slice %arg7[%dma_start3A_373, %dma_start3A_374] : memref<4x100xi32, #tpu.memory_space<vmem>> -> memref<2x100xi32, #tpu.memory_space<vmem>>
        %dma_start3A_376 = arith.constant 0 : i32
        %dma_start3A_377 = arith.constant 0 : i32
        %dma_start3A_378 = tpu.memref_slice %arg2[%add3A_372, %dma_start3A_376, %dma_start3A_377] : memref<4096x2x100xi32, #tpu.memory_space<hbm>> -> memref<1x2x100xi32, #tpu.memory_space<hbm>>
        %dma_start3A_379 = tpu.memref_squeeze %dma_start3A_378 : memref<1x2x100xi32, #tpu.memory_space<hbm>> -> memref<2x100xi32, #tpu.memory_space<hbm>>
        %dma_start3A_380 = arith.constant 0 : i32
        %dma_start3A_381 = arith.constant 0 : i32
        %dma_start3A_382 = tpu.memref_slice %arg7[%dma_start3A_380, %dma_start3A_381] : memref<4x100xi32, #tpu.memory_space<vmem>> -> memref<2x100xi32, #tpu.memory_space<vmem>>
        %dma_start3A_383 = arith.constant 0 : i32
        %dma_start3A_384 = arith.constant 0 : i32
        %dma_start3A_385 = tpu.memref_slice %arg2[%add3A_372, %dma_start3A_383, %dma_start3A_384] : memref<4096x2x100xi32, #tpu.memory_space<hbm>> -> memref<1x2x100xi32, #tpu.memory_space<hbm>>
        %dma_start3A_386 = tpu.memref_squeeze %dma_start3A_385 : memref<1x2x100xi32, #tpu.memory_space<hbm>> -> memref<2x100xi32, #tpu.memory_space<hbm>>
        tpu.enqueue_dma source(%dma_start3A_386 : memref<2x100xi32, #tpu.memory_space<hbm>>) target(%dma_start3A_382 : memref<2x100xi32, #tpu.memory_space<vmem>>) target_semaphore(%arg17 : memref<!tpu.dma_semaphore, #tpu.memory_space<semaphore_mem>>)
        %dma_start3A_387 = arith.constant 2 : i32
        %dma_start3A_388 = arith.constant 0 : i32
        %dma_start3A_389 = tpu.memref_slice %arg7[%dma_start3A_387, %dma_start3A_388] : memref<4x100xi32, #tpu.memory_space<vmem>> -> memref<2x100xi32, #tpu.memory_space<vmem>>
        %dma_start3A_390 = arith.constant 0 : i32
        %dma_start3A_391 = arith.constant 0 : i32
        %dma_start3A_392 = tpu.memref_slice %arg3[%add3A_372, %dma_start3A_390, %dma_start3A_391] : memref<4096x2x100xi32, #tpu.memory_space<hbm>> -> memref<1x2x100xi32, #tpu.memory_space<hbm>>
        %dma_start3A_393 = tpu.memref_squeeze %dma_start3A_392 : memref<1x2x100xi32, #tpu.memory_space<hbm>> -> memref<2x100xi32, #tpu.memory_space<hbm>>
        %dma_start3A_394 = arith.constant 2 : i32
        %dma_start3A_395 = arith.constant 0 : i32
        %dma_start3A_396 = tpu.memref_slice %arg7[%dma_start3A_394, %dma_start3A_395] : memref<4x100xi32, #tpu.memory_space<vmem>> -> memref<2x100xi32, #tpu.memory_space<vmem>>
        %dma_start3A_397 = arith.constant 0 : i32
        %dma_start3A_398 = arith.constant 0 : i32
        %dma_start3A_399 = tpu.memref_slice %arg3[%add3A_372, %dma_start3A_397, %dma_start3A_398] : memref<4096x2x100xi32, #tpu.memory_space<hbm>> -> memref<1x2x100xi32, #tpu.memory_space<hbm>>
        %dma_start3A_400 = tpu.memref_squeeze %dma_start3A_399 : memref<1x2x100xi32, #tpu.memory_space<hbm>> -> memref<2x100xi32, #tpu.memory_space<hbm>>
        tpu.enqueue_dma source(%dma_start3A_400 : memref<2x100xi32, #tpu.memory_space<hbm>>) target(%dma_start3A_396 : memref<2x100xi32, #tpu.memory_space<vmem>>) target_semaphore(%arg17 : memref<!tpu.dma_semaphore, #tpu.memory_space<semaphore_mem>>)
      } else {
      }
      %broadcast_in_dim3A = arith.constant 0.000000e+00 : f32
      %broadcast_in_dim3A_264 = vector.broadcast %broadcast_in_dim3A : f32 to vector<16xf32>
      %scan3A_265 = arith.constant 0.000000e+00 : f32
      %scan3A_266 = arith.constant 0 : i32
      %scan3A_267 = arith.constant 25 : i32
      %scan3A_268 = arith.addi %scan3A_266, %scan3A_267 : i32
      %scan3A_269 = arith.constant 1 : i32
      %scan3A_270:5 = scf.for %scan3A_371 = %scan3A_266 to %scan3A_268 step %scan3A_269 iter_args(%scan3A_372 = %broadcast_in_dim3A_264, %scan3A_373 = %broadcast_in_dim3A_264, %scan3A_374 = %broadcast_in_dim3A_264, %scan3A_375 = %broadcast_in_dim3A_264, %scan3A_376 = %scan3A_265) -> (vector<16xf32>, vector<16xf32>, vector<16xf32>, vector<16xf32>, f32)  : i32 {
        %mul3A_377 = arith.constant 16 : i32
        %mul3A_378 = arith.muli %scan3A_371, %mul3A_377 : i32
        %add3A_379 = arith.constant 0 : i32
        %add3A_380 = arith.addi %mul3A_378, %add3A_379 : i32
        %get3A = arith.index_cast %add3A_380 : i32 to index
        %get3A_381 = arith.constant 0 : index
        %get3A_382 = tpu.vector_load %arg9[%get3A, %get3A_381] {strides = array<i32>} : memref<400x64xf32, #tpu.memory_space<vmem>>, vector<16xf32>,
        %get3A_383 = arith.index_cast %add3A_380 : i32 to index
        %get3A_384 = arith.constant 16 : index
        %get3A_385 = tpu.vector_load %arg9[%get3A_383, %get3A_384] {strides = array<i32>} : memref<400x64xf32, #tpu.memory_space<vmem>>, vector<16xf32>,
        %get3A_386 = arith.index_cast %add3A_380 : i32 to index
        %get3A_387 = arith.constant 32 : index
        %get3A_388 = tpu.vector_load %arg9[%get3A_386, %get3A_387] {strides = array<i32>} : memref<400x64xf32, #tpu.memory_space<vmem>>, vector<16xf32>,
        %get3A_389 = arith.index_cast %add3A_380 : i32 to index
        %get3A_390 = arith.constant 48 : index
        %get3A_391 = tpu.vector_load %arg9[%get3A_389, %get3A_390] {strides = array<i32>} : memref<400x64xf32, #tpu.memory_space<vmem>>, vector<16xf32>,
        %mul3A_392 = arith.mulf %get3A_382, %get3A_382 : vector<16xf32>
        %mul3A_393 = arith.mulf %get3A_385, %get3A_385 : vector<16xf32>
        %add3A_394 = arith.addf %mul3A_392, %mul3A_393 : vector<16xf32>
        %mul3A_395 = arith.mulf %get3A_388, %get3A_388 : vector<16xf32>
        %add3A_396 = arith.addf %add3A_394, %mul3A_395 : vector<16xf32>
        %mul3A_397 = arith.mulf %get3A_391, %get3A_391 : vector<16xf32>
        %add3A_398 = arith.addf %add3A_396, %mul3A_397 : vector<16xf32>
        %reduce_sum3A = arith.constant true
        %reduce_sum3A_399 = vector.broadcast %reduce_sum3A : i1 to vector<16xi1>
        %reduce_sum3A_400 = tpu.scan <sum>, %add3A_398 masked %reduce_sum3A_399 : vector<16xf32>, vector<16xi1> -> vector<16xf32>
        %reduce_sum3A_401 = vector.extract %reduce_sum3A_400[15] : f32 from vector<16xf32>
        %add3A_402 = arith.constant 1.000000e+00 : f32
        %add3A_403 = arith.addf %add3A_402, %reduce_sum3A_401 : f32
        %sub3A = arith.constant 1.000000e+00 : f32
        %sub3A_404 = arith.subf %sub3A, %reduce_sum3A_401 : f32
        %abs3A = math.absf %sub3A_404 : f32
        %max3A = arith.constant 1.000000e-30 : f32
        %max3A_405 = arith.maximumf %abs3A, %max3A : f32
        %mul3A_406 = arith.mulf %add3A_403, %max3A_405 : f32
        %bitcast_convert_type3A = arith.bitcast %mul3A_406 : f32 to i32
        %sub3A_407 = arith.constant 2129859011 : i32
        %sub3A_408 = arith.subi %sub3A_407, %bitcast_convert_type3A : i32
        %bitcast_convert_type3A_409 = arith.bitcast %sub3A_408 : i32 to f32
        %mul3A_410 = arith.mulf %mul3A_406, %bitcast_convert_type3A_409 : f32
        %sub3A_411 = arith.constant 2.000000e+00 : f32
        %sub3A_412 = arith.subf %sub3A_411, %mul3A_410 : f32
        %mul3A_413 = arith.mulf %bitcast_convert_type3A_409, %sub3A_412 : f32
        %mul3A_414 = arith.mulf %mul3A_406, %mul3A_413 : f32
        %sub3A_415 = arith.constant 2.000000e+00 : f32
        %sub3A_416 = arith.subf %sub3A_415, %mul3A_414 : f32
        %mul3A_417 = arith.mulf %mul3A_413, %sub3A_416 : f32
        %mul3A_418 = arith.mulf %mul3A_406, %mul3A_417 : f32
        %sub3A_419 = arith.constant 2.000000e+00 : f32
        %sub3A_420 = arith.subf %sub3A_419, %mul3A_418 : f32
        %mul3A_421 = arith.mulf %mul3A_417, %sub3A_420 : f32
        %mul3A_422 = arith.mulf %add3A_403, %add3A_403 : f32
        %mul3A_423 = arith.mulf %mul3A_422, %mul3A_421 : f32
        %min3A = arith.constant 1.000000e+03 : f32
        %min3A_424 = arith.minimumf %mul3A_423, %min3A : f32
        %add3A_425 = arith.addf %scan3A_376, %min3A_424 : f32
        %mul3A_426 = arith.constant 2.000000e+00 : f32
        %mul3A_427 = arith.mulf %mul3A_426, %min3A_424 : f32
        %mul3A_428 = arith.mulf %max3A_405, %mul3A_421 : f32
        %mul3A_429 = arith.mulf %mul3A_427, %mul3A_428 : f32
        %broadcast_in_dim3A_430 = vector.broadcast %mul3A_429 : f32 to vector<16xf32>
        %mul3A_431 = arith.mulf %broadcast_in_dim3A_430, %get3A_382 : vector<16xf32>
        %add3A_432 = arith.addf %scan3A_372, %mul3A_431 : vector<16xf32>
        %mul3A_433 = arith.mulf %broadcast_in_dim3A_430, %get3A_385 : vector<16xf32>
        %add3A_434 = arith.addf %scan3A_373, %mul3A_433 : vector<16xf32>
        %mul3A_435 = arith.mulf %broadcast_in_dim3A_430, %get3A_388 : vector<16xf32>
        %add3A_436 = arith.addf %scan3A_374, %mul3A_435 : vector<16xf32>
        %mul3A_437 = arith.mulf %broadcast_in_dim3A_430, %get3A_391 : vector<16xf32>
        %add3A_438 = arith.addf %scan3A_375, %mul3A_437 : vector<16xf32>
        %mul3A_439 = arith.constant 16 : i32
        %mul3A_440 = arith.muli %scan3A_371, %mul3A_439 : i32
        %add3A_441 = arith.constant 1 : i32
        %add3A_442 = arith.addi %mul3A_440, %add3A_441 : i32
        %get3A_443 = arith.index_cast %add3A_442 : i32 to index
        %get3A_444 = arith.constant 0 : index
        %get3A_445 = tpu.vector_load %arg9[%get3A_443, %get3A_444] {strides = array<i32>} : memref<400x64xf32, #tpu.memory_space<vmem>>, vector<16xf32>,
        %get3A_446 = arith.index_cast %add3A_442 : i32 to index
        %get3A_447 = arith.constant 16 : index
        %get3A_448 = tpu.vector_load %arg9[%get3A_446, %get3A_447] {strides = array<i32>} : memref<400x64xf32, #tpu.memory_space<vmem>>, vector<16xf32>,
        %get3A_449 = arith.index_cast %add3A_442 : i32 to index
        %get3A_450 = arith.constant 32 : index
        %get3A_451 = tpu.vector_load %arg9[%get3A_449, %get3A_450] {strides = array<i32>} : memref<400x64xf32, #tpu.memory_space<vmem>>, vector<16xf32>,
        %get3A_452 = arith.index_cast %add3A_442 : i32 to index
        %get3A_453 = arith.constant 48 : index
        %get3A_454 = tpu.vector_load %arg9[%get3A_452, %get3A_453] {strides = array<i32>} : memref<400x64xf32, #tpu.memory_space<vmem>>, vector<16xf32>,
        %mul3A_455 = arith.mulf %get3A_445, %get3A_445 : vector<16xf32>
        %mul3A_456 = arith.mulf %get3A_448, %get3A_448 : vector<16xf32>
        %add3A_457 = arith.addf %mul3A_455, %mul3A_456 : vector<16xf32>
        %mul3A_458 = arith.mulf %get3A_451, %get3A_451 : vector<16xf32>
        %add3A_459 = arith.addf %add3A_457, %mul3A_458 : vector<16xf32>
        %mul3A_460 = arith.mulf %get3A_454, %get3A_454 : vector<16xf32>
        %add3A_461 = arith.addf %add3A_459, %mul3A_460 : vector<16xf32>
        %reduce_sum3A_462 = arith.constant true
        %reduce_sum3A_463 = vector.broadcast %reduce_sum3A_462 : i1 to vector<16xi1>
        %reduce_sum3A_464 = tpu.scan <sum>, %add3A_461 masked %reduce_sum3A_463 : vector<16xf32>, vector<16xi1> -> vector<16xf32>
        %reduce_sum3A_465 = vector.extract %reduce_sum3A_464[15] : f32 from vector<16xf32>
        %add3A_466 = arith.constant 1.000000e+00 : f32
        %add3A_467 = arith.addf %add3A_466, %reduce_sum3A_465 : f32
        %sub3A_468 = arith.constant 1.000000e+00 : f32
        %sub3A_469 = arith.subf %sub3A_468, %reduce_sum3A_465 : f32
        %abs3A_470 = math.absf %sub3A_469 : f32
        %max3A_471 = arith.constant 1.000000e-30 : f32
        %max3A_472 = arith.maximumf %abs3A_470, %max3A_471 : f32
        %mul3A_473 = arith.mulf %add3A_467, %max3A_472 : f32
        %bitcast_convert_type3A_474 = arith.bitcast %mul3A_473 : f32 to i32
        %sub3A_475 = arith.constant 2129859011 : i32
        %sub3A_476 = arith.subi %sub3A_475, %bitcast_convert_type3A_474 : i32
        %bitcast_convert_type3A_477 = arith.bitcast %sub3A_476 : i32 to f32
        %mul3A_478 = arith.mulf %mul3A_473, %bitcast_convert_type3A_477 : f32
        %sub3A_479 = arith.constant 2.000000e+00 : f32
        %sub3A_480 = arith.subf %sub3A_479, %mul3A_478 : f32
        %mul3A_481 = arith.mulf %bitcast_convert_type3A_477, %sub3A_480 : f32
        %mul3A_482 = arith.mulf %mul3A_473, %mul3A_481 : f32
        %sub3A_483 = arith.constant 2.000000e+00 : f32
        %sub3A_484 = arith.subf %sub3A_483, %mul3A_482 : f32
        %mul3A_485 = arith.mulf %mul3A_481, %sub3A_484 : f32
        %mul3A_486 = arith.mulf %mul3A_473, %mul3A_485 : f32
        %sub3A_487 = arith.constant 2.000000e+00 : f32
        %sub3A_488 = arith.subf %sub3A_487, %mul3A_486 : f32
        %mul3A_489 = arith.mulf %mul3A_485, %sub3A_488 : f32
        %mul3A_490 = arith.mulf %add3A_467, %add3A_467 : f32
        %mul3A_491 = arith.mulf %mul3A_490, %mul3A_489 : f32
        %min3A_492 = arith.constant 1.000000e+03 : f32
        %min3A_493 = arith.minimumf %mul3A_491, %min3A_492 : f32
        %add3A_494 = arith.addf %add3A_425, %min3A_493 : f32
        %mul3A_495 = arith.constant 2.000000e+00 : f32
        %mul3A_496 = arith.mulf %mul3A_495, %min3A_493 : f32
        %mul3A_497 = arith.mulf %max3A_472, %mul3A_489 : f32
        %mul3A_498 = arith.mulf %mul3A_496, %mul3A_497 : f32
        %broadcast_in_dim3A_499 = vector.broadcast %mul3A_498 : f32 to vector<16xf32>
        %mul3A_500 = arith.mulf %broadcast_in_dim3A_499, %get3A_445 : vector<16xf32>
        %add3A_501 = arith.addf %add3A_432, %mul3A_500 : vector<16xf32>
        %mul3A_502 = arith.mulf %broadcast_in_dim3A_499, %get3A_448 : vector<16xf32>
        %add3A_503 = arith.addf %add3A_434, %mul3A_502 : vector<16xf32>
        %mul3A_504 = arith.mulf %broadcast_in_dim3A_499, %get3A_451 : vector<16xf32>
        %add3A_505 = arith.addf %add3A_436, %mul3A_504 : vector<16xf32>
        %mul3A_506 = arith.mulf %broadcast_in_dim3A_499, %get3A_454 : vector<16xf32>
        %add3A_507 = arith.addf %add3A_438, %mul3A_506 : vector<16xf32>
        %mul3A_508 = arith.constant 16 : i32
        %mul3A_509 = arith.muli %scan3A_371, %mul3A_508 : i32
        %add3A_510 = arith.constant 2 : i32
        %add3A_511 = arith.addi %mul3A_509, %add3A_510 : i32
        %get3A_512 = arith.index_cast %add3A_511 : i32 to index
        %get3A_513 = arith.constant 0 : index
        %get3A_514 = tpu.vector_load %arg9[%get3A_512, %get3A_513] {strides = array<i32>} : memref<400x64xf32, #tpu.memory_space<vmem>>, vector<16xf32>,
        %get3A_515 = arith.index_cast %add3A_511 : i32 to index
        %get3A_516 = arith.constant 16 : index
        %get3A_517 = tpu.vector_load %arg9[%get3A_515, %get3A_516] {strides = array<i32>} : memref<400x64xf32, #tpu.memory_space<vmem>>, vector<16xf32>,
        %get3A_518 = arith.index_cast %add3A_511 : i32 to index
        %get3A_519 = arith.constant 32 : index
        %get3A_520 = tpu.vector_load %arg9[%get3A_518, %get3A_519] {strides = array<i32>} : memref<400x64xf32, #tpu.memory_space<vmem>>, vector<16xf32>,
        %get3A_521 = arith.index_cast %add3A_511 : i32 to index
        %get3A_522 = arith.constant 48 : index
        %get3A_523 = tpu.vector_load %arg9[%get3A_521, %get3A_522] {strides = array<i32>} : memref<400x64xf32, #tpu.memory_space<vmem>>, vector<16xf32>,
        %mul3A_524 = arith.mulf %get3A_514, %get3A_514 : vector<16xf32>
        %mul3A_525 = arith.mulf %get3A_517, %get3A_517 : vector<16xf32>
        %add3A_526 = arith.addf %mul3A_524, %mul3A_525 : vector<16xf32>
        %mul3A_527 = arith.mulf %get3A_520, %get3A_520 : vector<16xf32>
        %add3A_528 = arith.addf %add3A_526, %mul3A_527 : vector<16xf32>
        %mul3A_529 = arith.mulf %get3A_523, %get3A_523 : vector<16xf32>
        %add3A_530 = arith.addf %add3A_528, %mul3A_529 : vector<16xf32>
        %reduce_sum3A_531 = arith.constant true
        %reduce_sum3A_532 = vector.broadcast %reduce_sum3A_531 : i1 to vector<16xi1>
        %reduce_sum3A_533 = tpu.scan <sum>, %add3A_530 masked %reduce_sum3A_532 : vector<16xf32>, vector<16xi1> -> vector<16xf32>
        %reduce_sum3A_534 = vector.extract %reduce_sum3A_533[15] : f32 from vector<16xf32>
        %add3A_535 = arith.constant 1.000000e+00 : f32
        %add3A_536 = arith.addf %add3A_535, %reduce_sum3A_534 : f32
        %sub3A_537 = arith.constant 1.000000e+00 : f32
        %sub3A_538 = arith.subf %sub3A_537, %reduce_sum3A_534 : f32
        %abs3A_539 = math.absf %sub3A_538 : f32
        %max3A_540 = arith.constant 1.000000e-30 : f32
        %max3A_541 = arith.maximumf %abs3A_539, %max3A_540 : f32
        %mul3A_542 = arith.mulf %add3A_536, %max3A_541 : f32
        %bitcast_convert_type3A_543 = arith.bitcast %mul3A_542 : f32 to i32
        %sub3A_544 = arith.constant 2129859011 : i32
        %sub3A_545 = arith.subi %sub3A_544, %bitcast_convert_type3A_543 : i32
        %bitcast_convert_type3A_546 = arith.bitcast %sub3A_545 : i32 to f32
        %mul3A_547 = arith.mulf %mul3A_542, %bitcast_convert_type3A_546 : f32
        %sub3A_548 = arith.constant 2.000000e+00 : f32
        %sub3A_549 = arith.subf %sub3A_548, %mul3A_547 : f32
        %mul3A_550 = arith.mulf %bitcast_convert_type3A_546, %sub3A_549 : f32
        %mul3A_551 = arith.mulf %mul3A_542, %mul3A_550 : f32
        %sub3A_552 = arith.constant 2.000000e+00 : f32
        %sub3A_553 = arith.subf %sub3A_552, %mul3A_551 : f32
        %mul3A_554 = arith.mulf %mul3A_550, %sub3A_553 : f32
        %mul3A_555 = arith.mulf %mul3A_542, %mul3A_554 : f32
        %sub3A_556 = arith.constant 2.000000e+00 : f32
        %sub3A_557 = arith.subf %sub3A_556, %mul3A_555 : f32
        %mul3A_558 = arith.mulf %mul3A_554, %sub3A_557 : f32
        %mul3A_559 = arith.mulf %add3A_536, %add3A_536 : f32
        %mul3A_560 = arith.mulf %mul3A_559, %mul3A_558 : f32
        %min3A_561 = arith.constant 1.000000e+03 : f32
        %min3A_562 = arith.minimumf %mul3A_560, %min3A_561 : f32
        %add3A_563 = arith.addf %add3A_494, %min3A_562 : f32
        %mul3A_564 = arith.constant 2.000000e+00 : f32
        %mul3A_565 = arith.mulf %mul3A_564, %min3A_562 : f32
        %mul3A_566 = arith.mulf %max3A_541, %mul3A_558 : f32
        %mul3A_567 = arith.mulf %mul3A_565, %mul3A_566 : f32
        %broadcast_in_dim3A_568 = vector.broadcast %mul3A_567 : f32 to vector<16xf32>
        %mul3A_569 = arith.mulf %broadcast_in_dim3A_568, %get3A_514 : vector<16xf32>
        %add3A_570 = arith.addf %add3A_501, %mul3A_569 : vector<16xf32>
        %mul3A_571 = arith.mulf %broadcast_in_dim3A_568, %get3A_517 : vector<16xf32>
        %add3A_572 = arith.addf %add3A_503, %mul3A_571 : vector<16xf32>
        %mul3A_573 = arith.mulf %broadcast_in_dim3A_568, %get3A_520 : vector<16xf32>
        %add3A_574 = arith.addf %add3A_505, %mul3A_573 : vector<16xf32>
        %mul3A_575 = arith.mulf %broadcast_in_dim3A_568, %get3A_523 : vector<16xf32>
        %add3A_576 = arith.addf %add3A_507, %mul3A_575 : vector<16xf32>
        %mul3A_577 = arith.constant 16 : i32
        %mul3A_578 = arith.muli %scan3A_371, %mul3A_577 : i32
        %add3A_579 = arith.constant 3 : i32
        %add3A_580 = arith.addi %mul3A_578, %add3A_579 : i32
        %get3A_581 = arith.index_cast %add3A_580 : i32 to index
        %get3A_582 = arith.constant 0 : index
        %get3A_583 = tpu.vector_load %arg9[%get3A_581, %get3A_582] {strides = array<i32>} : memref<400x64xf32, #tpu.memory_space<vmem>>, vector<16xf32>,
        %get3A_584 = arith.index_cast %add3A_580 : i32 to index
        %get3A_585 = arith.constant 16 : index
        %get3A_586 = tpu.vector_load %arg9[%get3A_584, %get3A_585] {strides = array<i32>} : memref<400x64xf32, #tpu.memory_space<vmem>>, vector<16xf32>,
        %get3A_587 = arith.index_cast %add3A_580 : i32 to index
        %get3A_588 = arith.constant 32 : index
        %get3A_589 = tpu.vector_load %arg9[%get3A_587, %get3A_588] {strides = array<i32>} : memref<400x64xf32, #tpu.memory_space<vmem>>, vector<16xf32>,
        %get3A_590 = arith.index_cast %add3A_580 : i32 to index
        %get3A_591 = arith.constant 48 : index
        %get3A_592 = tpu.vector_load %arg9[%get3A_590, %get3A_591] {strides = array<i32>} : memref<400x64xf32, #tpu.memory_space<vmem>>, vector<16xf32>,
        %mul3A_593 = arith.mulf %get3A_583, %get3A_583 : vector<16xf32>
        %mul3A_594 = arith.mulf %get3A_586, %get3A_586 : vector<16xf32>
        %add3A_595 = arith.addf %mul3A_593, %mul3A_594 : vector<16xf32>
        %mul3A_596 = arith.mulf %get3A_589, %get3A_589 : vector<16xf32>
        %add3A_597 = arith.addf %add3A_595, %mul3A_596 : vector<16xf32>
        %mul3A_598 = arith.mulf %get3A_592, %get3A_592 : vector<16xf32>
        %add3A_599 = arith.addf %add3A_597, %mul3A_598 : vector<16xf32>
        %reduce_sum3A_600 = arith.constant true
        %reduce_sum3A_601 = vector.broadcast %reduce_sum3A_600 : i1 to vector<16xi1>
        %reduce_sum3A_602 = tpu.scan <sum>, %add3A_599 masked %reduce_sum3A_601 : vector<16xf32>, vector<16xi1> -> vector<16xf32>
        %reduce_sum3A_603 = vector.extract %reduce_sum3A_602[15] : f32 from vector<16xf32>
        %add3A_604 = arith.constant 1.000000e+00 : f32
        %add3A_605 = arith.addf %add3A_604, %reduce_sum3A_603 : f32
        %sub3A_606 = arith.constant 1.000000e+00 : f32
        %sub3A_607 = arith.subf %sub3A_606, %reduce_sum3A_603 : f32
        %abs3A_608 = math.absf %sub3A_607 : f32
        %max3A_609 = arith.constant 1.000000e-30 : f32
        %max3A_610 = arith.maximumf %abs3A_608, %max3A_609 : f32
        %mul3A_611 = arith.mulf %add3A_605, %max3A_610 : f32
        %bitcast_convert_type3A_612 = arith.bitcast %mul3A_611 : f32 to i32
        %sub3A_613 = arith.constant 2129859011 : i32
        %sub3A_614 = arith.subi %sub3A_613, %bitcast_convert_type3A_612 : i32
        %bitcast_convert_type3A_615 = arith.bitcast %sub3A_614 : i32 to f32
        %mul3A_616 = arith.mulf %mul3A_611, %bitcast_convert_type3A_615 : f32
        %sub3A_617 = arith.constant 2.000000e+00 : f32
        %sub3A_618 = arith.subf %sub3A_617, %mul3A_616 : f32
        %mul3A_619 = arith.mulf %bitcast_convert_type3A_615, %sub3A_618 : f32
        %mul3A_620 = arith.mulf %mul3A_611, %mul3A_619 : f32
        %sub3A_621 = arith.constant 2.000000e+00 : f32
        %sub3A_622 = arith.subf %sub3A_621, %mul3A_620 : f32
        %mul3A_623 = arith.mulf %mul3A_619, %sub3A_622 : f32
        %mul3A_624 = arith.mulf %mul3A_611, %mul3A_623 : f32
        %sub3A_625 = arith.constant 2.000000e+00 : f32
        %sub3A_626 = arith.subf %sub3A_625, %mul3A_624 : f32
        %mul3A_627 = arith.mulf %mul3A_623, %sub3A_626 : f32
        %mul3A_628 = arith.mulf %add3A_605, %add3A_605 : f32
        %mul3A_629 = arith.mulf %mul3A_628, %mul3A_627 : f32
        %min3A_630 = arith.constant 1.000000e+03 : f32
        %min3A_631 = arith.minimumf %mul3A_629, %min3A_630 : f32
        %add3A_632 = arith.addf %add3A_563, %min3A_631 : f32
        %mul3A_633 = arith.constant 2.000000e+00 : f32
        %mul3A_634 = arith.mulf %mul3A_633, %min3A_631 : f32
        %mul3A_635 = arith.mulf %max3A_610, %mul3A_627 : f32
        %mul3A_636 = arith.mulf %mul3A_634, %mul3A_635 : f32
        %broadcast_in_dim3A_637 = vector.broadcast %mul3A_636 : f32 to vector<16xf32>
        %mul3A_638 = arith.mulf %broadcast_in_dim3A_637, %get3A_583 : vector<16xf32>
        %add3A_639 = arith.addf %add3A_570, %mul3A_638 : vector<16xf32>
        %mul3A_640 = arith.mulf %broadcast_in_dim3A_637, %get3A_586 : vector<16xf32>
        %add3A_641 = arith.addf %add3A_572, %mul3A_640 : vector<16xf32>
        %mul3A_642 = arith.mulf %broadcast_in_dim3A_637, %get3A_589 : vector<16xf32>
        %add3A_643 = arith.addf %add3A_574, %mul3A_642 : vector<16xf32>
        %mul3A_644 = arith.mulf %broadcast_in_dim3A_637, %get3A_592 : vector<16xf32>
        %add3A_645 = arith.addf %add3A_576, %mul3A_644 : vector<16xf32>
        %mul3A_646 = arith.constant 16 : i32
        %mul3A_647 = arith.muli %scan3A_371, %mul3A_646 : i32
        %add3A_648 = arith.constant 4 : i32
        %add3A_649 = arith.addi %mul3A_647, %add3A_648 : i32
        %get3A_650 = arith.index_cast %add3A_649 : i32 to index
        %get3A_651 = arith.constant 0 : index
        %get3A_652 = tpu.vector_load %arg9[%get3A_650, %get3A_651] {strides = array<i32>} : memref<400x64xf32, #tpu.memory_space<vmem>>, vector<16xf32>,
        %get3A_653 = arith.index_cast %add3A_649 : i32 to index
        %get3A_654 = arith.constant 16 : index
        %get3A_655 = tpu.vector_load %arg9[%get3A_653, %get3A_654] {strides = array<i32>} : memref<400x64xf32, #tpu.memory_space<vmem>>, vector<16xf32>,
        %get3A_656 = arith.index_cast %add3A_649 : i32 to index
        %get3A_657 = arith.constant 32 : index
        %get3A_658 = tpu.vector_load %arg9[%get3A_656, %get3A_657] {strides = array<i32>} : memref<400x64xf32, #tpu.memory_space<vmem>>, vector<16xf32>,
        %get3A_659 = arith.index_cast %add3A_649 : i32 to index
        %get3A_660 = arith.constant 48 : index
        %get3A_661 = tpu.vector_load %arg9[%get3A_659, %get3A_660] {strides = array<i32>} : memref<400x64xf32, #tpu.memory_space<vmem>>, vector<16xf32>,
        %mul3A_662 = arith.mulf %get3A_652, %get3A_652 : vector<16xf32>
        %mul3A_663 = arith.mulf %get3A_655, %get3A_655 : vector<16xf32>
        %add3A_664 = arith.addf %mul3A_662, %mul3A_663 : vector<16xf32>
        %mul3A_665 = arith.mulf %get3A_658, %get3A_658 : vector<16xf32>
        %add3A_666 = arith.addf %add3A_664, %mul3A_665 : vector<16xf32>
        %mul3A_667 = arith.mulf %get3A_661, %get3A_661 : vector<16xf32>
        %add3A_668 = arith.addf %add3A_666, %mul3A_667 : vector<16xf32>
        %reduce_sum3A_669 = arith.constant true
        %reduce_sum3A_670 = vector.broadcast %reduce_sum3A_669 : i1 to vector<16xi1>
        %reduce_sum3A_671 = tpu.scan <sum>, %add3A_668 masked %reduce_sum3A_670 : vector<16xf32>, vector<16xi1> -> vector<16xf32>
        %reduce_sum3A_672 = vector.extract %reduce_sum3A_671[15] : f32 from vector<16xf32>
        %add3A_673 = arith.constant 1.000000e+00 : f32
        %add3A_674 = arith.addf %add3A_673, %reduce_sum3A_672 : f32
        %sub3A_675 = arith.constant 1.000000e+00 : f32
        %sub3A_676 = arith.subf %sub3A_675, %reduce_sum3A_672 : f32
        %abs3A_677 = math.absf %sub3A_676 : f32
        %max3A_678 = arith.constant 1.000000e-30 : f32
        %max3A_679 = arith.maximumf %abs3A_677, %max3A_678 : f32
        %mul3A_680 = arith.mulf %add3A_674, %max3A_679 : f32
        %bitcast_convert_type3A_681 = arith.bitcast %mul3A_680 : f32 to i32
        %sub3A_682 = arith.constant 2129859011 : i32
        %sub3A_683 = arith.subi %sub3A_682, %bitcast_convert_type3A_681 : i32
        %bitcast_convert_type3A_684 = arith.bitcast %sub3A_683 : i32 to f32
        %mul3A_685 = arith.mulf %mul3A_680, %bitcast_convert_type3A_684 : f32
        %sub3A_686 = arith.constant 2.000000e+00 : f32
        %sub3A_687 = arith.subf %sub3A_686, %mul3A_685 : f32
        %mul3A_688 = arith.mulf %bitcast_convert_type3A_684, %sub3A_687 : f32
        %mul3A_689 = arith.mulf %mul3A_680, %mul3A_688 : f32
        %sub3A_690 = arith.constant 2.000000e+00 : f32
        %sub3A_691 = arith.subf %sub3A_690, %mul3A_689 : f32
        %mul3A_692 = arith.mulf %mul3A_688, %sub3A_691 : f32
        %mul3A_693 = arith.mulf %mul3A_680, %mul3A_692 : f32
        %sub3A_694 = arith.constant 2.000000e+00 : f32
        %sub3A_695 = arith.subf %sub3A_694, %mul3A_693 : f32
        %mul3A_696 = arith.mulf %mul3A_692, %sub3A_695 : f32
        %mul3A_697 = arith.mulf %add3A_674, %add3A_674 : f32
        %mul3A_698 = arith.mulf %mul3A_697, %mul3A_696 : f32
        %min3A_699 = arith.constant 1.000000e+03 : f32
        %min3A_700 = arith.minimumf %mul3A_698, %min3A_699 : f32
        %add3A_701 = arith.addf %add3A_632, %min3A_700 : f32
        %mul3A_702 = arith.constant 2.000000e+00 : f32
        %mul3A_703 = arith.mulf %mul3A_702, %min3A_700 : f32
        %mul3A_704 = arith.mulf %max3A_679, %mul3A_696 : f32
        %mul3A_705 = arith.mulf %mul3A_703, %mul3A_704 : f32
        %broadcast_in_dim3A_706 = vector.broadcast %mul3A_705 : f32 to vector<16xf32>
        %mul3A_707 = arith.mulf %broadcast_in_dim3A_706, %get3A_652 : vector<16xf32>
        %add3A_708 = arith.addf %add3A_639, %mul3A_707 : vector<16xf32>
        %mul3A_709 = arith.mulf %broadcast_in_dim3A_706, %get3A_655 : vector<16xf32>
        %add3A_710 = arith.addf %add3A_641, %mul3A_709 : vector<16xf32>
        %mul3A_711 = arith.mulf %broadcast_in_dim3A_706, %get3A_658 : vector<16xf32>
        %add3A_712 = arith.addf %add3A_643, %mul3A_711 : vector<16xf32>
        %mul3A_713 = arith.mulf %broadcast_in_dim3A_706, %get3A_661 : vector<16xf32>
        %add3A_714 = arith.addf %add3A_645, %mul3A_713 : vector<16xf32>
        %mul3A_715 = arith.constant 16 : i32
        %mul3A_716 = arith.muli %scan3A_371, %mul3A_715 : i32
        %add3A_717 = arith.constant 5 : i32
        %add3A_718 = arith.addi %mul3A_716, %add3A_717 : i32
        %get3A_719 = arith.index_cast %add3A_718 : i32 to index
        %get3A_720 = arith.constant 0 : index
        %get3A_721 = tpu.vector_load %arg9[%get3A_719, %get3A_720] {strides = array<i32>} : memref<400x64xf32, #tpu.memory_space<vmem>>, vector<16xf32>,
        %get3A_722 = arith.index_cast %add3A_718 : i32 to index
        %get3A_723 = arith.constant 16 : index
        %get3A_724 = tpu.vector_load %arg9[%get3A_722, %get3A_723] {strides = array<i32>} : memref<400x64xf32, #tpu.memory_space<vmem>>, vector<16xf32>,
        %get3A_725 = arith.index_cast %add3A_718 : i32 to index
        %get3A_726 = arith.constant 32 : index
        %get3A_727 = tpu.vector_load %arg9[%get3A_725, %get3A_726] {strides = array<i32>} : memref<400x64xf32, #tpu.memory_space<vmem>>, vector<16xf32>,
        %get3A_728 = arith.index_cast %add3A_718 : i32 to index
        %get3A_729 = arith.constant 48 : index
        %get3A_730 = tpu.vector_load %arg9[%get3A_728, %get3A_729] {strides = array<i32>} : memref<400x64xf32, #tpu.memory_space<vmem>>, vector<16xf32>,
        %mul3A_731 = arith.mulf %get3A_721, %get3A_721 : vector<16xf32>
        %mul3A_732 = arith.mulf %get3A_724, %get3A_724 : vector<16xf32>
        %add3A_733 = arith.addf %mul3A_731, %mul3A_732 : vector<16xf32>
        %mul3A_734 = arith.mulf %get3A_727, %get3A_727 : vector<16xf32>
        %add3A_735 = arith.addf %add3A_733, %mul3A_734 : vector<16xf32>
        %mul3A_736 = arith.mulf %get3A_730, %get3A_730 : vector<16xf32>
        %add3A_737 = arith.addf %add3A_735, %mul3A_736 : vector<16xf32>
        %reduce_sum3A_738 = arith.constant true
        %reduce_sum3A_739 = vector.broadcast %reduce_sum3A_738 : i1 to vector<16xi1>
        %reduce_sum3A_740 = tpu.scan <sum>, %add3A_737 masked %reduce_sum3A_739 : vector<16xf32>, vector<16xi1> -> vector<16xf32>
        %reduce_sum3A_741 = vector.extract %reduce_sum3A_740[15] : f32 from vector<16xf32>
        %add3A_742 = arith.constant 1.000000e+00 : f32
        %add3A_743 = arith.addf %add3A_742, %reduce_sum3A_741 : f32
        %sub3A_744 = arith.constant 1.000000e+00 : f32
        %sub3A_745 = arith.subf %sub3A_744, %reduce_sum3A_741 : f32
        %abs3A_746 = math.absf %sub3A_745 : f32
        %max3A_747 = arith.constant 1.000000e-30 : f32
        %max3A_748 = arith.maximumf %abs3A_746, %max3A_747 : f32
        %mul3A_749 = arith.mulf %add3A_743, %max3A_748 : f32
        %bitcast_convert_type3A_750 = arith.bitcast %mul3A_749 : f32 to i32
        %sub3A_751 = arith.constant 2129859011 : i32
        %sub3A_752 = arith.subi %sub3A_751, %bitcast_convert_type3A_750 : i32
        %bitcast_convert_type3A_753 = arith.bitcast %sub3A_752 : i32 to f32
        %mul3A_754 = arith.mulf %mul3A_749, %bitcast_convert_type3A_753 : f32
        %sub3A_755 = arith.constant 2.000000e+00 : f32
        %sub3A_756 = arith.subf %sub3A_755, %mul3A_754 : f32
        %mul3A_757 = arith.mulf %bitcast_convert_type3A_753, %sub3A_756 : f32
        %mul3A_758 = arith.mulf %mul3A_749, %mul3A_757 : f32
        %sub3A_759 = arith.constant 2.000000e+00 : f32
        %sub3A_760 = arith.subf %sub3A_759, %mul3A_758 : f32
        %mul3A_761 = arith.mulf %mul3A_757, %sub3A_760 : f32
        %mul3A_762 = arith.mulf %mul3A_749, %mul3A_761 : f32
        %sub3A_763 = arith.constant 2.000000e+00 : f32
        %sub3A_764 = arith.subf %sub3A_763, %mul3A_762 : f32
        %mul3A_765 = arith.mulf %mul3A_761, %sub3A_764 : f32
        %mul3A_766 = arith.mulf %add3A_743, %add3A_743 : f32
        %mul3A_767 = arith.mulf %mul3A_766, %mul3A_765 : f32
        %min3A_768 = arith.constant 1.000000e+03 : f32
        %min3A_769 = arith.minimumf %mul3A_767, %min3A_768 : f32
        %add3A_770 = arith.addf %add3A_701, %min3A_769 : f32
        %mul3A_771 = arith.constant 2.000000e+00 : f32
        %mul3A_772 = arith.mulf %mul3A_771, %min3A_769 : f32
        %mul3A_773 = arith.mulf %max3A_748, %mul3A_765 : f32
        %mul3A_774 = arith.mulf %mul3A_772, %mul3A_773 : f32
        %broadcast_in_dim3A_775 = vector.broadcast %mul3A_774 : f32 to vector<16xf32>
        %mul3A_776 = arith.mulf %broadcast_in_dim3A_775, %get3A_721 : vector<16xf32>
        %add3A_777 = arith.addf %add3A_708, %mul3A_776 : vector<16xf32>
        %mul3A_778 = arith.mulf %broadcast_in_dim3A_775, %get3A_724 : vector<16xf32>
        %add3A_779 = arith.addf %add3A_710, %mul3A_778 : vector<16xf32>
        %mul3A_780 = arith.mulf %broadcast_in_dim3A_775, %get3A_727 : vector<16xf32>
        %add3A_781 = arith.addf %add3A_712, %mul3A_780 : vector<16xf32>
        %mul3A_782 = arith.mulf %broadcast_in_dim3A_775, %get3A_730 : vector<16xf32>
        %add3A_783 = arith.addf %add3A_714, %mul3A_782 : vector<16xf32>
        %mul3A_784 = arith.constant 16 : i32
        %mul3A_785 = arith.muli %scan3A_371, %mul3A_784 : i32
        %add3A_786 = arith.constant 6 : i32
        %add3A_787 = arith.addi %mul3A_785, %add3A_786 : i32
        %get3A_788 = arith.index_cast %add3A_787 : i32 to index
        %get3A_789 = arith.constant 0 : index
        %get3A_790 = tpu.vector_load %arg9[%get3A_788, %get3A_789] {strides = array<i32>} : memref<400x64xf32, #tpu.memory_space<vmem>>, vector<16xf32>,
        %get3A_791 = arith.index_cast %add3A_787 : i32 to index
        %get3A_792 = arith.constant 16 : index
        %get3A_793 = tpu.vector_load %arg9[%get3A_791, %get3A_792] {strides = array<i32>} : memref<400x64xf32, #tpu.memory_space<vmem>>, vector<16xf32>,
        %get3A_794 = arith.index_cast %add3A_787 : i32 to index
        %get3A_795 = arith.constant 32 : index
        %get3A_796 = tpu.vector_load %arg9[%get3A_794, %get3A_795] {strides = array<i32>} : memref<400x64xf32, #tpu.memory_space<vmem>>, vector<16xf32>,
        %get3A_797 = arith.index_cast %add3A_787 : i32 to index
        %get3A_798 = arith.constant 48 : index
        %get3A_799 = tpu.vector_load %arg9[%get3A_797, %get3A_798] {strides = array<i32>} : memref<400x64xf32, #tpu.memory_space<vmem>>, vector<16xf32>,
        %mul3A_800 = arith.mulf %get3A_790, %get3A_790 : vector<16xf32>
        %mul3A_801 = arith.mulf %get3A_793, %get3A_793 : vector<16xf32>
        %add3A_802 = arith.addf %mul3A_800, %mul3A_801 : vector<16xf32>
        %mul3A_803 = arith.mulf %get3A_796, %get3A_796 : vector<16xf32>
        %add3A_804 = arith.addf %add3A_802, %mul3A_803 : vector<16xf32>
        %mul3A_805 = arith.mulf %get3A_799, %get3A_799 : vector<16xf32>
        %add3A_806 = arith.addf %add3A_804, %mul3A_805 : vector<16xf32>
        %reduce_sum3A_807 = arith.constant true
        %reduce_sum3A_808 = vector.broadcast %reduce_sum3A_807 : i1 to vector<16xi1>
        %reduce_sum3A_809 = tpu.scan <sum>, %add3A_806 masked %reduce_sum3A_808 : vector<16xf32>, vector<16xi1> -> vector<16xf32>
        %reduce_sum3A_810 = vector.extract %reduce_sum3A_809[15] : f32 from vector<16xf32>
        %add3A_811 = arith.constant 1.000000e+00 : f32
        %add3A_812 = arith.addf %add3A_811, %reduce_sum3A_810 : f32
        %sub3A_813 = arith.constant 1.000000e+00 : f32
        %sub3A_814 = arith.subf %sub3A_813, %reduce_sum3A_810 : f32
        %abs3A_815 = math.absf %sub3A_814 : f32
        %max3A_816 = arith.constant 1.000000e-30 : f32
        %max3A_817 = arith.maximumf %abs3A_815, %max3A_816 : f32
        %mul3A_818 = arith.mulf %add3A_812, %max3A_817 : f32
        %bitcast_convert_type3A_819 = arith.bitcast %mul3A_818 : f32 to i32
        %sub3A_820 = arith.constant 2129859011 : i32
        %sub3A_821 = arith.subi %sub3A_820, %bitcast_convert_type3A_819 : i32
        %bitcast_convert_type3A_822 = arith.bitcast %sub3A_821 : i32 to f32
        %mul3A_823 = arith.mulf %mul3A_818, %bitcast_convert_type3A_822 : f32
        %sub3A_824 = arith.constant 2.000000e+00 : f32
        %sub3A_825 = arith.subf %sub3A_824, %mul3A_823 : f32
        %mul3A_826 = arith.mulf %bitcast_convert_type3A_822, %sub3A_825 : f32
        %mul3A_827 = arith.mulf %mul3A_818, %mul3A_826 : f32
        %sub3A_828 = arith.constant 2.000000e+00 : f32
        %sub3A_829 = arith.subf %sub3A_828, %mul3A_827 : f32
        %mul3A_830 = arith.mulf %mul3A_826, %sub3A_829 : f32
        %mul3A_831 = arith.mulf %mul3A_818, %mul3A_830 : f32
        %sub3A_832 = arith.constant 2.000000e+00 : f32
        %sub3A_833 = arith.subf %sub3A_832, %mul3A_831 : f32
        %mul3A_834 = arith.mulf %mul3A_830, %sub3A_833 : f32
        %mul3A_835 = arith.mulf %add3A_812, %add3A_812 : f32
        %mul3A_836 = arith.mulf %mul3A_835, %mul3A_834 : f32
        %min3A_837 = arith.constant 1.000000e+03 : f32
        %min3A_838 = arith.minimumf %mul3A_836, %min3A_837 : f32
        %add3A_839 = arith.addf %add3A_770, %min3A_838 : f32
        %mul3A_840 = arith.constant 2.000000e+00 : f32
        %mul3A_841 = arith.mulf %mul3A_840, %min3A_838 : f32
        %mul3A_842 = arith.mulf %max3A_817, %mul3A_834 : f32
        %mul3A_843 = arith.mulf %mul3A_841, %mul3A_842 : f32
        %broadcast_in_dim3A_844 = vector.broadcast %mul3A_843 : f32 to vector<16xf32>
        %mul3A_845 = arith.mulf %broadcast_in_dim3A_844, %get3A_790 : vector<16xf32>
        %add3A_846 = arith.addf %add3A_777, %mul3A_845 : vector<16xf32>
        %mul3A_847 = arith.mulf %broadcast_in_dim3A_844, %get3A_793 : vector<16xf32>
        %add3A_848 = arith.addf %add3A_779, %mul3A_847 : vector<16xf32>
        %mul3A_849 = arith.mulf %broadcast_in_dim3A_844, %get3A_796 : vector<16xf32>
        %add3A_850 = arith.addf %add3A_781, %mul3A_849 : vector<16xf32>
        %mul3A_851 = arith.mulf %broadcast_in_dim3A_844, %get3A_799 : vector<16xf32>
        %add3A_852 = arith.addf %add3A_783, %mul3A_851 : vector<16xf32>
        %mul3A_853 = arith.constant 16 : i32
        %mul3A_854 = arith.muli %scan3A_371, %mul3A_853 : i32
        %add3A_855 = arith.constant 7 : i32
        %add3A_856 = arith.addi %mul3A_854, %add3A_855 : i32
        %get3A_857 = arith.index_cast %add3A_856 : i32 to index
        %get3A_858 = arith.constant 0 : index
        %get3A_859 = tpu.vector_load %arg9[%get3A_857, %get3A_858] {strides = array<i32>} : memref<400x64xf32, #tpu.memory_space<vmem>>, vector<16xf32>,
        %get3A_860 = arith.index_cast %add3A_856 : i32 to index
        %get3A_861 = arith.constant 16 : index
        %get3A_862 = tpu.vector_load %arg9[%get3A_860, %get3A_861] {strides = array<i32>} : memref<400x64xf32, #tpu.memory_space<vmem>>, vector<16xf32>,
        %get3A_863 = arith.index_cast %add3A_856 : i32 to index
        %get3A_864 = arith.constant 32 : index
        %get3A_865 = tpu.vector_load %arg9[%get3A_863, %get3A_864] {strides = array<i32>} : memref<400x64xf32, #tpu.memory_space<vmem>>, vector<16xf32>,
        %get3A_866 = arith.index_cast %add3A_856 : i32 to index
        %get3A_867 = arith.constant 48 : index
        %get3A_868 = tpu.vector_load %arg9[%get3A_866, %get3A_867] {strides = array<i32>} : memref<400x64xf32, #tpu.memory_space<vmem>>, vector<16xf32>,
        %mul3A_869 = arith.mulf %get3A_859, %get3A_859 : vector<16xf32>
        %mul3A_870 = arith.mulf %get3A_862, %get3A_862 : vector<16xf32>
        %add3A_871 = arith.addf %mul3A_869, %mul3A_870 : vector<16xf32>
        %mul3A_872 = arith.mulf %get3A_865, %get3A_865 : vector<16xf32>
        %add3A_873 = arith.addf %add3A_871, %mul3A_872 : vector<16xf32>
        %mul3A_874 = arith.mulf %get3A_868, %get3A_868 : vector<16xf32>
        %add3A_875 = arith.addf %add3A_873, %mul3A_874 : vector<16xf32>
        %reduce_sum3A_876 = arith.constant true
        %reduce_sum3A_877 = vector.broadcast %reduce_sum3A_876 : i1 to vector<16xi1>
        %reduce_sum3A_878 = tpu.scan <sum>, %add3A_875 masked %reduce_sum3A_877 : vector<16xf32>, vector<16xi1> -> vector<16xf32>
        %reduce_sum3A_879 = vector.extract %reduce_sum3A_878[15] : f32 from vector<16xf32>
        %add3A_880 = arith.constant 1.000000e+00 : f32
        %add3A_881 = arith.addf %add3A_880, %reduce_sum3A_879 : f32
        %sub3A_882 = arith.constant 1.000000e+00 : f32
        %sub3A_883 = arith.subf %sub3A_882, %reduce_sum3A_879 : f32
        %abs3A_884 = math.absf %sub3A_883 : f32
        %max3A_885 = arith.constant 1.000000e-30 : f32
        %max3A_886 = arith.maximumf %abs3A_884, %max3A_885 : f32
        %mul3A_887 = arith.mulf %add3A_881, %max3A_886 : f32
        %bitcast_convert_type3A_888 = arith.bitcast %mul3A_887 : f32 to i32
        %sub3A_889 = arith.constant 2129859011 : i32
        %sub3A_890 = arith.subi %sub3A_889, %bitcast_convert_type3A_888 : i32
        %bitcast_convert_type3A_891 = arith.bitcast %sub3A_890 : i32 to f32
        %mul3A_892 = arith.mulf %mul3A_887, %bitcast_convert_type3A_891 : f32
        %sub3A_893 = arith.constant 2.000000e+00 : f32
        %sub3A_894 = arith.subf %sub3A_893, %mul3A_892 : f32
        %mul3A_895 = arith.mulf %bitcast_convert_type3A_891, %sub3A_894 : f32
        %mul3A_896 = arith.mulf %mul3A_887, %mul3A_895 : f32
        %sub3A_897 = arith.constant 2.000000e+00 : f32
        %sub3A_898 = arith.subf %sub3A_897, %mul3A_896 : f32
        %mul3A_899 = arith.mulf %mul3A_895, %sub3A_898 : f32
        %mul3A_900 = arith.mulf %mul3A_887, %mul3A_899 : f32
        %sub3A_901 = arith.constant 2.000000e+00 : f32
        %sub3A_902 = arith.subf %sub3A_901, %mul3A_900 : f32
        %mul3A_903 = arith.mulf %mul3A_899, %sub3A_902 : f32
        %mul3A_904 = arith.mulf %add3A_881, %add3A_881 : f32
        %mul3A_905 = arith.mulf %mul3A_904, %mul3A_903 : f32
        %min3A_906 = arith.constant 1.000000e+03 : f32
        %min3A_907 = arith.minimumf %mul3A_905, %min3A_906 : f32
        %add3A_908 = arith.addf %add3A_839, %min3A_907 : f32
        %mul3A_909 = arith.constant 2.000000e+00 : f32
        %mul3A_910 = arith.mulf %mul3A_909, %min3A_907 : f32
        %mul3A_911 = arith.mulf %max3A_886, %mul3A_903 : f32
        %mul3A_912 = arith.mulf %mul3A_910, %mul3A_911 : f32
        %broadcast_in_dim3A_913 = vector.broadcast %mul3A_912 : f32 to vector<16xf32>
        %mul3A_914 = arith.mulf %broadcast_in_dim3A_913, %get3A_859 : vector<16xf32>
        %add3A_915 = arith.addf %add3A_846, %mul3A_914 : vector<16xf32>
        %mul3A_916 = arith.mulf %broadcast_in_dim3A_913, %get3A_862 : vector<16xf32>
        %add3A_917 = arith.addf %add3A_848, %mul3A_916 : vector<16xf32>
        %mul3A_918 = arith.mulf %broadcast_in_dim3A_913, %get3A_865 : vector<16xf32>
        %add3A_919 = arith.addf %add3A_850, %mul3A_918 : vector<16xf32>
        %mul3A_920 = arith.mulf %broadcast_in_dim3A_913, %get3A_868 : vector<16xf32>
        %add3A_921 = arith.addf %add3A_852, %mul3A_920 : vector<16xf32>
        %mul3A_922 = arith.constant 16 : i32
        %mul3A_923 = arith.muli %scan3A_371, %mul3A_922 : i32
        %add3A_924 = arith.constant 8 : i32
        %add3A_925 = arith.addi %mul3A_923, %add3A_924 : i32
        %get3A_926 = arith.index_cast %add3A_925 : i32 to index
        %get3A_927 = arith.constant 0 : index
        %get3A_928 = tpu.vector_load %arg9[%get3A_926, %get3A_927] {strides = array<i32>} : memref<400x64xf32, #tpu.memory_space<vmem>>, vector<16xf32>,
        %get3A_929 = arith.index_cast %add3A_925 : i32 to index
        %get3A_930 = arith.constant 16 : index
        %get3A_931 = tpu.vector_load %arg9[%get3A_929, %get3A_930] {strides = array<i32>} : memref<400x64xf32, #tpu.memory_space<vmem>>, vector<16xf32>,
        %get3A_932 = arith.index_cast %add3A_925 : i32 to index
        %get3A_933 = arith.constant 32 : index
        %get3A_934 = tpu.vector_load %arg9[%get3A_932, %get3A_933] {strides = array<i32>} : memref<400x64xf32, #tpu.memory_space<vmem>>, vector<16xf32>,
        %get3A_935 = arith.index_cast %add3A_925 : i32 to index
        %get3A_936 = arith.constant 48 : index
        %get3A_937 = tpu.vector_load %arg9[%get3A_935, %get3A_936] {strides = array<i32>} : memref<400x64xf32, #tpu.memory_space<vmem>>, vector<16xf32>,
        %mul3A_938 = arith.mulf %get3A_928, %get3A_928 : vector<16xf32>
        %mul3A_939 = arith.mulf %get3A_931, %get3A_931 : vector<16xf32>
        %add3A_940 = arith.addf %mul3A_938, %mul3A_939 : vector<16xf32>
        %mul3A_941 = arith.mulf %get3A_934, %get3A_934 : vector<16xf32>
        %add3A_942 = arith.addf %add3A_940, %mul3A_941 : vector<16xf32>
        %mul3A_943 = arith.mulf %get3A_937, %get3A_937 : vector<16xf32>
        %add3A_944 = arith.addf %add3A_942, %mul3A_943 : vector<16xf32>
        %reduce_sum3A_945 = arith.constant true
        %reduce_sum3A_946 = vector.broadcast %reduce_sum3A_945 : i1 to vector<16xi1>
        %reduce_sum3A_947 = tpu.scan <sum>, %add3A_944 masked %reduce_sum3A_946 : vector<16xf32>, vector<16xi1> -> vector<16xf32>
        %reduce_sum3A_948 = vector.extract %reduce_sum3A_947[15] : f32 from vector<16xf32>
        %add3A_949 = arith.constant 1.000000e+00 : f32
        %add3A_950 = arith.addf %add3A_949, %reduce_sum3A_948 : f32
        %sub3A_951 = arith.constant 1.000000e+00 : f32
        %sub3A_952 = arith.subf %sub3A_951, %reduce_sum3A_948 : f32
        %abs3A_953 = math.absf %sub3A_952 : f32
        %max3A_954 = arith.constant 1.000000e-30 : f32
        %max3A_955 = arith.maximumf %abs3A_953, %max3A_954 : f32
        %mul3A_956 = arith.mulf %add3A_950, %max3A_955 : f32
        %bitcast_convert_type3A_957 = arith.bitcast %mul3A_956 : f32 to i32
        %sub3A_958 = arith.constant 2129859011 : i32
        %sub3A_959 = arith.subi %sub3A_958, %bitcast_convert_type3A_957 : i32
        %bitcast_convert_type3A_960 = arith.bitcast %sub3A_959 : i32 to f32
        %mul3A_961 = arith.mulf %mul3A_956, %bitcast_convert_type3A_960 : f32
        %sub3A_962 = arith.constant 2.000000e+00 : f32
        %sub3A_963 = arith.subf %sub3A_962, %mul3A_961 : f32
        %mul3A_964 = arith.mulf %bitcast_convert_type3A_960, %sub3A_963 : f32
        %mul3A_965 = arith.mulf %mul3A_956, %mul3A_964 : f32
        %sub3A_966 = arith.constant 2.000000e+00 : f32
        %sub3A_967 = arith.subf %sub3A_966, %mul3A_965 : f32
        %mul3A_968 = arith.mulf %mul3A_964, %sub3A_967 : f32
        %mul3A_969 = arith.mulf %mul3A_956, %mul3A_968 : f32
        %sub3A_970 = arith.constant 2.000000e+00 : f32
        %sub3A_971 = arith.subf %sub3A_970, %mul3A_969 : f32
        %mul3A_972 = arith.mulf %mul3A_968, %sub3A_971 : f32
        %mul3A_973 = arith.mulf %add3A_950, %add3A_950 : f32
        %mul3A_974 = arith.mulf %mul3A_973, %mul3A_972 : f32
        %min3A_975 = arith.constant 1.000000e+03 : f32
        %min3A_976 = arith.minimumf %mul3A_974, %min3A_975 : f32
        %add3A_977 = arith.addf %add3A_908, %min3A_976 : f32
        %mul3A_978 = arith.constant 2.000000e+00 : f32
        %mul3A_979 = arith.mulf %mul3A_978, %min3A_976 : f32
        %mul3A_980 = arith.mulf %max3A_955, %mul3A_972 : f32
        %mul3A_981 = arith.mulf %mul3A_979, %mul3A_980 : f32
        %broadcast_in_dim3A_982 = vector.broadcast %mul3A_981 : f32 to vector<16xf32>
        %mul3A_983 = arith.mulf %broadcast_in_dim3A_982, %get3A_928 : vector<16xf32>
        %add3A_984 = arith.addf %add3A_915, %mul3A_983 : vector<16xf32>
        %mul3A_985 = arith.mulf %broadcast_in_dim3A_982, %get3A_931 : vector<16xf32>
        %add3A_986 = arith.addf %add3A_917, %mul3A_985 : vector<16xf32>
        %mul3A_987 = arith.mulf %broadcast_in_dim3A_982, %get3A_934 : vector<16xf32>
        %add3A_988 = arith.addf %add3A_919, %mul3A_987 : vector<16xf32>
        %mul3A_989 = arith.mulf %broadcast_in_dim3A_982, %get3A_937 : vector<16xf32>
        %add3A_990 = arith.addf %add3A_921, %mul3A_989 : vector<16xf32>
        %mul3A_991 = arith.constant 16 : i32
        %mul3A_992 = arith.muli %scan3A_371, %mul3A_991 : i32
        %add3A_993 = arith.constant 9 : i32
        %add3A_994 = arith.addi %mul3A_992, %add3A_993 : i32
        %get3A_995 = arith.index_cast %add3A_994 : i32 to index
        %get3A_996 = arith.constant 0 : index
        %get3A_997 = tpu.vector_load %arg9[%get3A_995, %get3A_996] {strides = array<i32>} : memref<400x64xf32, #tpu.memory_space<vmem>>, vector<16xf32>,
        %get3A_998 = arith.index_cast %add3A_994 : i32 to index
        %get3A_999 = arith.constant 16 : index
        %get3A_1000 = tpu.vector_load %arg9[%get3A_998, %get3A_999] {strides = array<i32>} : memref<400x64xf32, #tpu.memory_space<vmem>>, vector<16xf32>,
        %get3A_1001 = arith.index_cast %add3A_994 : i32 to index
        %get3A_1002 = arith.constant 32 : index
        %get3A_1003 = tpu.vector_load %arg9[%get3A_1001, %get3A_1002] {strides = array<i32>} : memref<400x64xf32, #tpu.memory_space<vmem>>, vector<16xf32>,
        %get3A_1004 = arith.index_cast %add3A_994 : i32 to index
        %get3A_1005 = arith.constant 48 : index
        %get3A_1006 = tpu.vector_load %arg9[%get3A_1004, %get3A_1005] {strides = array<i32>} : memref<400x64xf32, #tpu.memory_space<vmem>>, vector<16xf32>,
        %mul3A_1007 = arith.mulf %get3A_997, %get3A_997 : vector<16xf32>
        %mul3A_1008 = arith.mulf %get3A_1000, %get3A_1000 : vector<16xf32>
        %add3A_1009 = arith.addf %mul3A_1007, %mul3A_1008 : vector<16xf32>
        %mul3A_1010 = arith.mulf %get3A_1003, %get3A_1003 : vector<16xf32>
        %add3A_1011 = arith.addf %add3A_1009, %mul3A_1010 : vector<16xf32>
        %mul3A_1012 = arith.mulf %get3A_1006, %get3A_1006 : vector<16xf32>
        %add3A_1013 = arith.addf %add3A_1011, %mul3A_1012 : vector<16xf32>
        %reduce_sum3A_1014 = arith.constant true
        %reduce_sum3A_1015 = vector.broadcast %reduce_sum3A_1014 : i1 to vector<16xi1>
        %reduce_sum3A_1016 = tpu.scan <sum>, %add3A_1013 masked %reduce_sum3A_1015 : vector<16xf32>, vector<16xi1> -> vector<16xf32>
        %reduce_sum3A_1017 = vector.extract %reduce_sum3A_1016[15] : f32 from vector<16xf32>
        %add3A_1018 = arith.constant 1.000000e+00 : f32
        %add3A_1019 = arith.addf %add3A_1018, %reduce_sum3A_1017 : f32
        %sub3A_1020 = arith.constant 1.000000e+00 : f32
        %sub3A_1021 = arith.subf %sub3A_1020, %reduce_sum3A_1017 : f32
        %abs3A_1022 = math.absf %sub3A_1021 : f32
        %max3A_1023 = arith.constant 1.000000e-30 : f32
        %max3A_1024 = arith.maximumf %abs3A_1022, %max3A_1023 : f32
        %mul3A_1025 = arith.mulf %add3A_1019, %max3A_1024 : f32
        %bitcast_convert_type3A_1026 = arith.bitcast %mul3A_1025 : f32 to i32
        %sub3A_1027 = arith.constant 2129859011 : i32
        %sub3A_1028 = arith.subi %sub3A_1027, %bitcast_convert_type3A_1026 : i32
        %bitcast_convert_type3A_1029 = arith.bitcast %sub3A_1028 : i32 to f32
        %mul3A_1030 = arith.mulf %mul3A_1025, %bitcast_convert_type3A_1029 : f32
        %sub3A_1031 = arith.constant 2.000000e+00 : f32
        %sub3A_1032 = arith.subf %sub3A_1031, %mul3A_1030 : f32
        %mul3A_1033 = arith.mulf %bitcast_convert_type3A_1029, %sub3A_1032 : f32
        %mul3A_1034 = arith.mulf %mul3A_1025, %mul3A_1033 : f32
        %sub3A_1035 = arith.constant 2.000000e+00 : f32
        %sub3A_1036 = arith.subf %sub3A_1035, %mul3A_1034 : f32
        %mul3A_1037 = arith.mulf %mul3A_1033, %sub3A_1036 : f32
        %mul3A_1038 = arith.mulf %mul3A_1025, %mul3A_1037 : f32
        %sub3A_1039 = arith.constant 2.000000e+00 : f32
        %sub3A_1040 = arith.subf %sub3A_1039, %mul3A_1038 : f32
        %mul3A_1041 = arith.mulf %mul3A_1037, %sub3A_1040 : f32
        %mul3A_1042 = arith.mulf %add3A_1019, %add3A_1019 : f32
        %mul3A_1043 = arith.mulf %mul3A_1042, %mul3A_1041 : f32
        %min3A_1044 = arith.constant 1.000000e+03 : f32
        %min3A_1045 = arith.minimumf %mul3A_1043, %min3A_1044 : f32
        %add3A_1046 = arith.addf %add3A_977, %min3A_1045 : f32
        %mul3A_1047 = arith.constant 2.000000e+00 : f32
        %mul3A_1048 = arith.mulf %mul3A_1047, %min3A_1045 : f32
        %mul3A_1049 = arith.mulf %max3A_1024, %mul3A_1041 : f32
        %mul3A_1050 = arith.mulf %mul3A_1048, %mul3A_1049 : f32
        %broadcast_in_dim3A_1051 = vector.broadcast %mul3A_1050 : f32 to vector<16xf32>
        %mul3A_1052 = arith.mulf %broadcast_in_dim3A_1051, %get3A_997 : vector<16xf32>
        %add3A_1053 = arith.addf %add3A_984, %mul3A_1052 : vector<16xf32>
        %mul3A_1054 = arith.mulf %broadcast_in_dim3A_1051, %get3A_1000 : vector<16xf32>
        %add3A_1055 = arith.addf %add3A_986, %mul3A_1054 : vector<16xf32>
        %mul3A_1056 = arith.mulf %broadcast_in_dim3A_1051, %get3A_1003 : vector<16xf32>
        %add3A_1057 = arith.addf %add3A_988, %mul3A_1056 : vector<16xf32>
        %mul3A_1058 = arith.mulf %broadcast_in_dim3A_1051, %get3A_1006 : vector<16xf32>
        %add3A_1059 = arith.addf %add3A_990, %mul3A_1058 : vector<16xf32>
        %mul3A_1060 = arith.constant 16 : i32
        %mul3A_1061 = arith.muli %scan3A_371, %mul3A_1060 : i32
        %add3A_1062 = arith.constant 10 : i32
        %add3A_1063 = arith.addi %mul3A_1061, %add3A_1062 : i32
        %get3A_1064 = arith.index_cast %add3A_1063 : i32 to index
        %get3A_1065 = arith.constant 0 : index
        %get3A_1066 = tpu.vector_load %arg9[%get3A_1064, %get3A_1065] {strides = array<i32>} : memref<400x64xf32, #tpu.memory_space<vmem>>, vector<16xf32>,
        %get3A_1067 = arith.index_cast %add3A_1063 : i32 to index
        %get3A_1068 = arith.constant 16 : index
        %get3A_1069 = tpu.vector_load %arg9[%get3A_1067, %get3A_1068] {strides = array<i32>} : memref<400x64xf32, #tpu.memory_space<vmem>>, vector<16xf32>,
        %get3A_1070 = arith.index_cast %add3A_1063 : i32 to index
        %get3A_1071 = arith.constant 32 : index
        %get3A_1072 = tpu.vector_load %arg9[%get3A_1070, %get3A_1071] {strides = array<i32>} : memref<400x64xf32, #tpu.memory_space<vmem>>, vector<16xf32>,
        %get3A_1073 = arith.index_cast %add3A_1063 : i32 to index
        %get3A_1074 = arith.constant 48 : index
        %get3A_1075 = tpu.vector_load %arg9[%get3A_1073, %get3A_1074] {strides = array<i32>} : memref<400x64xf32, #tpu.memory_space<vmem>>, vector<16xf32>,
        %mul3A_1076 = arith.mulf %get3A_1066, %get3A_1066 : vector<16xf32>
        %mul3A_1077 = arith.mulf %get3A_1069, %get3A_1069 : vector<16xf32>
        %add3A_1078 = arith.addf %mul3A_1076, %mul3A_1077 : vector<16xf32>
        %mul3A_1079 = arith.mulf %get3A_1072, %get3A_1072 : vector<16xf32>
        %add3A_1080 = arith.addf %add3A_1078, %mul3A_1079 : vector<16xf32>
        %mul3A_1081 = arith.mulf %get3A_1075, %get3A_1075 : vector<16xf32>
        %add3A_1082 = arith.addf %add3A_1080, %mul3A_1081 : vector<16xf32>
        %reduce_sum3A_1083 = arith.constant true
        %reduce_sum3A_1084 = vector.broadcast %reduce_sum3A_1083 : i1 to vector<16xi1>
        %reduce_sum3A_1085 = tpu.scan <sum>, %add3A_1082 masked %reduce_sum3A_1084 : vector<16xf32>, vector<16xi1> -> vector<16xf32>
        %reduce_sum3A_1086 = vector.extract %reduce_sum3A_1085[15] : f32 from vector<16xf32>
        %add3A_1087 = arith.constant 1.000000e+00 : f32
        %add3A_1088 = arith.addf %add3A_1087, %reduce_sum3A_1086 : f32
        %sub3A_1089 = arith.constant 1.000000e+00 : f32
        %sub3A_1090 = arith.subf %sub3A_1089, %reduce_sum3A_1086 : f32
        %abs3A_1091 = math.absf %sub3A_1090 : f32
        %max3A_1092 = arith.constant 1.000000e-30 : f32
        %max3A_1093 = arith.maximumf %abs3A_1091, %max3A_1092 : f32
        %mul3A_1094 = arith.mulf %add3A_1088, %max3A_1093 : f32
        %bitcast_convert_type3A_1095 = arith.bitcast %mul3A_1094 : f32 to i32
        %sub3A_1096 = arith.constant 2129859011 : i32
        %sub3A_1097 = arith.subi %sub3A_1096, %bitcast_convert_type3A_1095 : i32
        %bitcast_convert_type3A_1098 = arith.bitcast %sub3A_1097 : i32 to f32
        %mul3A_1099 = arith.mulf %mul3A_1094, %bitcast_convert_type3A_1098 : f32
        %sub3A_1100 = arith.constant 2.000000e+00 : f32
        %sub3A_1101 = arith.subf %sub3A_1100, %mul3A_1099 : f32
        %mul3A_1102 = arith.mulf %bitcast_convert_type3A_1098, %sub3A_1101 : f32
        %mul3A_1103 = arith.mulf %mul3A_1094, %mul3A_1102 : f32
        %sub3A_1104 = arith.constant 2.000000e+00 : f32
        %sub3A_1105 = arith.subf %sub3A_1104, %mul3A_1103 : f32
        %mul3A_1106 = arith.mulf %mul3A_1102, %sub3A_1105 : f32
        %mul3A_1107 = arith.mulf %mul3A_1094, %mul3A_1106 : f32
        %sub3A_1108 = arith.constant 2.000000e+00 : f32
        %sub3A_1109 = arith.subf %sub3A_1108, %mul3A_1107 : f32
        %mul3A_1110 = arith.mulf %mul3A_1106, %sub3A_1109 : f32
        %mul3A_1111 = arith.mulf %add3A_1088, %add3A_1088 : f32
        %mul3A_1112 = arith.mulf %mul3A_1111, %mul3A_1110 : f32
        %min3A_1113 = arith.constant 1.000000e+03 : f32
        %min3A_1114 = arith.minimumf %mul3A_1112, %min3A_1113 : f32
        %add3A_1115 = arith.addf %add3A_1046, %min3A_1114 : f32
        %mul3A_1116 = arith.constant 2.000000e+00 : f32
        %mul3A_1117 = arith.mulf %mul3A_1116, %min3A_1114 : f32
        %mul3A_1118 = arith.mulf %max3A_1093, %mul3A_1110 : f32
        %mul3A_1119 = arith.mulf %mul3A_1117, %mul3A_1118 : f32
        %broadcast_in_dim3A_1120 = vector.broadcast %mul3A_1119 : f32 to vector<16xf32>
        %mul3A_1121 = arith.mulf %broadcast_in_dim3A_1120, %get3A_1066 : vector<16xf32>
        %add3A_1122 = arith.addf %add3A_1053, %mul3A_1121 : vector<16xf32>
        %mul3A_1123 = arith.mulf %broadcast_in_dim3A_1120, %get3A_1069 : vector<16xf32>
        %add3A_1124 = arith.addf %add3A_1055, %mul3A_1123 : vector<16xf32>
        %mul3A_1125 = arith.mulf %broadcast_in_dim3A_1120, %get3A_1072 : vector<16xf32>
        %add3A_1126 = arith.addf %add3A_1057, %mul3A_1125 : vector<16xf32>
        %mul3A_1127 = arith.mulf %broadcast_in_dim3A_1120, %get3A_1075 : vector<16xf32>
        %add3A_1128 = arith.addf %add3A_1059, %mul3A_1127 : vector<16xf32>
        %mul3A_1129 = arith.constant 16 : i32
        %mul3A_1130 = arith.muli %scan3A_371, %mul3A_1129 : i32
        %add3A_1131 = arith.constant 11 : i32
        %add3A_1132 = arith.addi %mul3A_1130, %add3A_1131 : i32
        %get3A_1133 = arith.index_cast %add3A_1132 : i32 to index
        %get3A_1134 = arith.constant 0 : index
        %get3A_1135 = tpu.vector_load %arg9[%get3A_1133, %get3A_1134] {strides = array<i32>} : memref<400x64xf32, #tpu.memory_space<vmem>>, vector<16xf32>,
        %get3A_1136 = arith.index_cast %add3A_1132 : i32 to index
        %get3A_1137 = arith.constant 16 : index
        %get3A_1138 = tpu.vector_load %arg9[%get3A_1136, %get3A_1137] {strides = array<i32>} : memref<400x64xf32, #tpu.memory_space<vmem>>, vector<16xf32>,
        %get3A_1139 = arith.index_cast %add3A_1132 : i32 to index
        %get3A_1140 = arith.constant 32 : index
        %get3A_1141 = tpu.vector_load %arg9[%get3A_1139, %get3A_1140] {strides = array<i32>} : memref<400x64xf32, #tpu.memory_space<vmem>>, vector<16xf32>,
        %get3A_1142 = arith.index_cast %add3A_1132 : i32 to index
        %get3A_1143 = arith.constant 48 : index
        %get3A_1144 = tpu.vector_load %arg9[%get3A_1142, %get3A_1143] {strides = array<i32>} : memref<400x64xf32, #tpu.memory_space<vmem>>, vector<16xf32>,
        %mul3A_1145 = arith.mulf %get3A_1135, %get3A_1135 : vector<16xf32>
        %mul3A_1146 = arith.mulf %get3A_1138, %get3A_1138 : vector<16xf32>
        %add3A_1147 = arith.addf %mul3A_1145, %mul3A_1146 : vector<16xf32>
        %mul3A_1148 = arith.mulf %get3A_1141, %get3A_1141 : vector<16xf32>
        %add3A_1149 = arith.addf %add3A_1147, %mul3A_1148 : vector<16xf32>
        %mul3A_1150 = arith.mulf %get3A_1144, %get3A_1144 : vector<16xf32>
        %add3A_1151 = arith.addf %add3A_1149, %mul3A_1150 : vector<16xf32>
        %reduce_sum3A_1152 = arith.constant true
        %reduce_sum3A_1153 = vector.broadcast %reduce_sum3A_1152 : i1 to vector<16xi1>
        %reduce_sum3A_1154 = tpu.scan <sum>, %add3A_1151 masked %reduce_sum3A_1153 : vector<16xf32>, vector<16xi1> -> vector<16xf32>
        %reduce_sum3A_1155 = vector.extract %reduce_sum3A_1154[15] : f32 from vector<16xf32>
        %add3A_1156 = arith.constant 1.000000e+00 : f32
        %add3A_1157 = arith.addf %add3A_1156, %reduce_sum3A_1155 : f32
        %sub3A_1158 = arith.constant 1.000000e+00 : f32
        %sub3A_1159 = arith.subf %sub3A_1158, %reduce_sum3A_1155 : f32
        %abs3A_1160 = math.absf %sub3A_1159 : f32
        %max3A_1161 = arith.constant 1.000000e-30 : f32
        %max3A_1162 = arith.maximumf %abs3A_1160, %max3A_1161 : f32
        %mul3A_1163 = arith.mulf %add3A_1157, %max3A_1162 : f32
        %bitcast_convert_type3A_1164 = arith.bitcast %mul3A_1163 : f32 to i32
        %sub3A_1165 = arith.constant 2129859011 : i32
        %sub3A_1166 = arith.subi %sub3A_1165, %bitcast_convert_type3A_1164 : i32
        %bitcast_convert_type3A_1167 = arith.bitcast %sub3A_1166 : i32 to f32
        %mul3A_1168 = arith.mulf %mul3A_1163, %bitcast_convert_type3A_1167 : f32
        %sub3A_1169 = arith.constant 2.000000e+00 : f32
        %sub3A_1170 = arith.subf %sub3A_1169, %mul3A_1168 : f32
        %mul3A_1171 = arith.mulf %bitcast_convert_type3A_1167, %sub3A_1170 : f32
        %mul3A_1172 = arith.mulf %mul3A_1163, %mul3A_1171 : f32
        %sub3A_1173 = arith.constant 2.000000e+00 : f32
        %sub3A_1174 = arith.subf %sub3A_1173, %mul3A_1172 : f32
        %mul3A_1175 = arith.mulf %mul3A_1171, %sub3A_1174 : f32
        %mul3A_1176 = arith.mulf %mul3A_1163, %mul3A_1175 : f32
        %sub3A_1177 = arith.constant 2.000000e+00 : f32
        %sub3A_1178 = arith.subf %sub3A_1177, %mul3A_1176 : f32
        %mul3A_1179 = arith.mulf %mul3A_1175, %sub3A_1178 : f32
        %mul3A_1180 = arith.mulf %add3A_1157, %add3A_1157 : f32
        %mul3A_1181 = arith.mulf %mul3A_1180, %mul3A_1179 : f32
        %min3A_1182 = arith.constant 1.000000e+03 : f32
        %min3A_1183 = arith.minimumf %mul3A_1181, %min3A_1182 : f32
        %add3A_1184 = arith.addf %add3A_1115, %min3A_1183 : f32
        %mul3A_1185 = arith.constant 2.000000e+00 : f32
        %mul3A_1186 = arith.mulf %mul3A_1185, %min3A_1183 : f32
        %mul3A_1187 = arith.mulf %max3A_1162, %mul3A_1179 : f32
        %mul3A_1188 = arith.mulf %mul3A_1186, %mul3A_1187 : f32
        %broadcast_in_dim3A_1189 = vector.broadcast %mul3A_1188 : f32 to vector<16xf32>
        %mul3A_1190 = arith.mulf %broadcast_in_dim3A_1189, %get3A_1135 : vector<16xf32>
        %add3A_1191 = arith.addf %add3A_1122, %mul3A_1190 : vector<16xf32>
        %mul3A_1192 = arith.mulf %broadcast_in_dim3A_1189, %get3A_1138 : vector<16xf32>
        %add3A_1193 = arith.addf %add3A_1124, %mul3A_1192 : vector<16xf32>
        %mul3A_1194 = arith.mulf %broadcast_in_dim3A_1189, %get3A_1141 : vector<16xf32>
        %add3A_1195 = arith.addf %add3A_1126, %mul3A_1194 : vector<16xf32>
        %mul3A_1196 = arith.mulf %broadcast_in_dim3A_1189, %get3A_1144 : vector<16xf32>
        %add3A_1197 = arith.addf %add3A_1128, %mul3A_1196 : vector<16xf32>
        %mul3A_1198 = arith.constant 16 : i32
        %mul3A_1199 = arith.muli %scan3A_371, %mul3A_1198 : i32
        %add3A_1200 = arith.constant 12 : i32
        %add3A_1201 = arith.addi %mul3A_1199, %add3A_1200 : i32
        %get3A_1202 = arith.index_cast %add3A_1201 : i32 to index
        %get3A_1203 = arith.constant 0 : index
        %get3A_1204 = tpu.vector_load %arg9[%get3A_1202, %get3A_1203] {strides = array<i32>} : memref<400x64xf32, #tpu.memory_space<vmem>>, vector<16xf32>,
        %get3A_1205 = arith.index_cast %add3A_1201 : i32 to index
        %get3A_1206 = arith.constant 16 : index
        %get3A_1207 = tpu.vector_load %arg9[%get3A_1205, %get3A_1206] {strides = array<i32>} : memref<400x64xf32, #tpu.memory_space<vmem>>, vector<16xf32>,
        %get3A_1208 = arith.index_cast %add3A_1201 : i32 to index
        %get3A_1209 = arith.constant 32 : index
        %get3A_1210 = tpu.vector_load %arg9[%get3A_1208, %get3A_1209] {strides = array<i32>} : memref<400x64xf32, #tpu.memory_space<vmem>>, vector<16xf32>,
        %get3A_1211 = arith.index_cast %add3A_1201 : i32 to index
        %get3A_1212 = arith.constant 48 : index
        %get3A_1213 = tpu.vector_load %arg9[%get3A_1211, %get3A_1212] {strides = array<i32>} : memref<400x64xf32, #tpu.memory_space<vmem>>, vector<16xf32>,
        %mul3A_1214 = arith.mulf %get3A_1204, %get3A_1204 : vector<16xf32>
        %mul3A_1215 = arith.mulf %get3A_1207, %get3A_1207 : vector<16xf32>
        %add3A_1216 = arith.addf %mul3A_1214, %mul3A_1215 : vector<16xf32>
        %mul3A_1217 = arith.mulf %get3A_1210, %get3A_1210 : vector<16xf32>
        %add3A_1218 = arith.addf %add3A_1216, %mul3A_1217 : vector<16xf32>
        %mul3A_1219 = arith.mulf %get3A_1213, %get3A_1213 : vector<16xf32>
        %add3A_1220 = arith.addf %add3A_1218, %mul3A_1219 : vector<16xf32>
        %reduce_sum3A_1221 = arith.constant true
        %reduce_sum3A_1222 = vector.broadcast %reduce_sum3A_1221 : i1 to vector<16xi1>
        %reduce_sum3A_1223 = tpu.scan <sum>, %add3A_1220 masked %reduce_sum3A_1222 : vector<16xf32>, vector<16xi1> -> vector<16xf32>
        %reduce_sum3A_1224 = vector.extract %reduce_sum3A_1223[15] : f32 from vector<16xf32>
        %add3A_1225 = arith.constant 1.000000e+00 : f32
        %add3A_1226 = arith.addf %add3A_1225, %reduce_sum3A_1224 : f32
        %sub3A_1227 = arith.constant 1.000000e+00 : f32
        %sub3A_1228 = arith.subf %sub3A_1227, %reduce_sum3A_1224 : f32
        %abs3A_1229 = math.absf %sub3A_1228 : f32
        %max3A_1230 = arith.constant 1.000000e-30 : f32
        %max3A_1231 = arith.maximumf %abs3A_1229, %max3A_1230 : f32
        %mul3A_1232 = arith.mulf %add3A_1226, %max3A_1231 : f32
        %bitcast_convert_type3A_1233 = arith.bitcast %mul3A_1232 : f32 to i32
        %sub3A_1234 = arith.constant 2129859011 : i32
        %sub3A_1235 = arith.subi %sub3A_1234, %bitcast_convert_type3A_1233 : i32
        %bitcast_convert_type3A_1236 = arith.bitcast %sub3A_1235 : i32 to f32
        %mul3A_1237 = arith.mulf %mul3A_1232, %bitcast_convert_type3A_1236 : f32
        %sub3A_1238 = arith.constant 2.000000e+00 : f32
        %sub3A_1239 = arith.subf %sub3A_1238, %mul3A_1237 : f32
        %mul3A_1240 = arith.mulf %bitcast_convert_type3A_1236, %sub3A_1239 : f32
        %mul3A_1241 = arith.mulf %mul3A_1232, %mul3A_1240 : f32
        %sub3A_1242 = arith.constant 2.000000e+00 : f32
        %sub3A_1243 = arith.subf %sub3A_1242, %mul3A_1241 : f32
        %mul3A_1244 = arith.mulf %mul3A_1240, %sub3A_1243 : f32
        %mul3A_1245 = arith.mulf %mul3A_1232, %mul3A_1244 : f32
        %sub3A_1246 = arith.constant 2.000000e+00 : f32
        %sub3A_1247 = arith.subf %sub3A_1246, %mul3A_1245 : f32
        %mul3A_1248 = arith.mulf %mul3A_1244, %sub3A_1247 : f32
        %mul3A_1249 = arith.mulf %add3A_1226, %add3A_1226 : f32
        %mul3A_1250 = arith.mulf %mul3A_1249, %mul3A_1248 : f32
        %min3A_1251 = arith.constant 1.000000e+03 : f32
        %min3A_1252 = arith.minimumf %mul3A_1250, %min3A_1251 : f32
        %add3A_1253 = arith.addf %add3A_1184, %min3A_1252 : f32
        %mul3A_1254 = arith.constant 2.000000e+00 : f32
        %mul3A_1255 = arith.mulf %mul3A_1254, %min3A_1252 : f32
        %mul3A_1256 = arith.mulf %max3A_1231, %mul3A_1248 : f32
        %mul3A_1257 = arith.mulf %mul3A_1255, %mul3A_1256 : f32
        %broadcast_in_dim3A_1258 = vector.broadcast %mul3A_1257 : f32 to vector<16xf32>
        %mul3A_1259 = arith.mulf %broadcast_in_dim3A_1258, %get3A_1204 : vector<16xf32>
        %add3A_1260 = arith.addf %add3A_1191, %mul3A_1259 : vector<16xf32>
        %mul3A_1261 = arith.mulf %broadcast_in_dim3A_1258, %get3A_1207 : vector<16xf32>
        %add3A_1262 = arith.addf %add3A_1193, %mul3A_1261 : vector<16xf32>
        %mul3A_1263 = arith.mulf %broadcast_in_dim3A_1258, %get3A_1210 : vector<16xf32>
        %add3A_1264 = arith.addf %add3A_1195, %mul3A_1263 : vector<16xf32>
        %mul3A_1265 = arith.mulf %broadcast_in_dim3A_1258, %get3A_1213 : vector<16xf32>
        %add3A_1266 = arith.addf %add3A_1197, %mul3A_1265 : vector<16xf32>
        %mul3A_1267 = arith.constant 16 : i32
        %mul3A_1268 = arith.muli %scan3A_371, %mul3A_1267 : i32
        %add3A_1269 = arith.constant 13 : i32
        %add3A_1270 = arith.addi %mul3A_1268, %add3A_1269 : i32
        %get3A_1271 = arith.index_cast %add3A_1270 : i32 to index
        %get3A_1272 = arith.constant 0 : index
        %get3A_1273 = tpu.vector_load %arg9[%get3A_1271, %get3A_1272] {strides = array<i32>} : memref<400x64xf32, #tpu.memory_space<vmem>>, vector<16xf32>,
        %get3A_1274 = arith.index_cast %add3A_1270 : i32 to index
        %get3A_1275 = arith.constant 16 : index
        %get3A_1276 = tpu.vector_load %arg9[%get3A_1274, %get3A_1275] {strides = array<i32>} : memref<400x64xf32, #tpu.memory_space<vmem>>, vector<16xf32>,
        %get3A_1277 = arith.index_cast %add3A_1270 : i32 to index
        %get3A_1278 = arith.constant 32 : index
        %get3A_1279 = tpu.vector_load %arg9[%get3A_1277, %get3A_1278] {strides = array<i32>} : memref<400x64xf32, #tpu.memory_space<vmem>>, vector<16xf32>,
        %get3A_1280 = arith.index_cast %add3A_1270 : i32 to index
        %get3A_1281 = arith.constant 48 : index
        %get3A_1282 = tpu.vector_load %arg9[%get3A_1280, %get3A_1281] {strides = array<i32>} : memref<400x64xf32, #tpu.memory_space<vmem>>, vector<16xf32>,
        %mul3A_1283 = arith.mulf %get3A_1273, %get3A_1273 : vector<16xf32>
        %mul3A_1284 = arith.mulf %get3A_1276, %get3A_1276 : vector<16xf32>
        %add3A_1285 = arith.addf %mul3A_1283, %mul3A_1284 : vector<16xf32>
        %mul3A_1286 = arith.mulf %get3A_1279, %get3A_1279 : vector<16xf32>
        %add3A_1287 = arith.addf %add3A_1285, %mul3A_1286 : vector<16xf32>
        %mul3A_1288 = arith.mulf %get3A_1282, %get3A_1282 : vector<16xf32>
        %add3A_1289 = arith.addf %add3A_1287, %mul3A_1288 : vector<16xf32>
        %reduce_sum3A_1290 = arith.constant true
        %reduce_sum3A_1291 = vector.broadcast %reduce_sum3A_1290 : i1 to vector<16xi1>
        %reduce_sum3A_1292 = tpu.scan <sum>, %add3A_1289 masked %reduce_sum3A_1291 : vector<16xf32>, vector<16xi1> -> vector<16xf32>
        %reduce_sum3A_1293 = vector.extract %reduce_sum3A_1292[15] : f32 from vector<16xf32>
        %add3A_1294 = arith.constant 1.000000e+00 : f32
        %add3A_1295 = arith.addf %add3A_1294, %reduce_sum3A_1293 : f32
        %sub3A_1296 = arith.constant 1.000000e+00 : f32
        %sub3A_1297 = arith.subf %sub3A_1296, %reduce_sum3A_1293 : f32
        %abs3A_1298 = math.absf %sub3A_1297 : f32
        %max3A_1299 = arith.constant 1.000000e-30 : f32
        %max3A_1300 = arith.maximumf %abs3A_1298, %max3A_1299 : f32
        %mul3A_1301 = arith.mulf %add3A_1295, %max3A_1300 : f32
        %bitcast_convert_type3A_1302 = arith.bitcast %mul3A_1301 : f32 to i32
        %sub3A_1303 = arith.constant 2129859011 : i32
        %sub3A_1304 = arith.subi %sub3A_1303, %bitcast_convert_type3A_1302 : i32
        %bitcast_convert_type3A_1305 = arith.bitcast %sub3A_1304 : i32 to f32
        %mul3A_1306 = arith.mulf %mul3A_1301, %bitcast_convert_type3A_1305 : f32
        %sub3A_1307 = arith.constant 2.000000e+00 : f32
        %sub3A_1308 = arith.subf %sub3A_1307, %mul3A_1306 : f32
        %mul3A_1309 = arith.mulf %bitcast_convert_type3A_1305, %sub3A_1308 : f32
        %mul3A_1310 = arith.mulf %mul3A_1301, %mul3A_1309 : f32
        %sub3A_1311 = arith.constant 2.000000e+00 : f32
        %sub3A_1312 = arith.subf %sub3A_1311, %mul3A_1310 : f32
        %mul3A_1313 = arith.mulf %mul3A_1309, %sub3A_1312 : f32
        %mul3A_1314 = arith.mulf %mul3A_1301, %mul3A_1313 : f32
        %sub3A_1315 = arith.constant 2.000000e+00 : f32
        %sub3A_1316 = arith.subf %sub3A_1315, %mul3A_1314 : f32
        %mul3A_1317 = arith.mulf %mul3A_1313, %sub3A_1316 : f32
        %mul3A_1318 = arith.mulf %add3A_1295, %add3A_1295 : f32
        %mul3A_1319 = arith.mulf %mul3A_1318, %mul3A_1317 : f32
        %min3A_1320 = arith.constant 1.000000e+03 : f32
        %min3A_1321 = arith.minimumf %mul3A_1319, %min3A_1320 : f32
        %add3A_1322 = arith.addf %add3A_1253, %min3A_1321 : f32
        %mul3A_1323 = arith.constant 2.000000e+00 : f32
        %mul3A_1324 = arith.mulf %mul3A_1323, %min3A_1321 : f32
        %mul3A_1325 = arith.mulf %max3A_1300, %mul3A_1317 : f32
        %mul3A_1326 = arith.mulf %mul3A_1324, %mul3A_1325 : f32
        %broadcast_in_dim3A_1327 = vector.broadcast %mul3A_1326 : f32 to vector<16xf32>
        %mul3A_1328 = arith.mulf %broadcast_in_dim3A_1327, %get3A_1273 : vector<16xf32>
        %add3A_1329 = arith.addf %add3A_1260, %mul3A_1328 : vector<16xf32>
        %mul3A_1330 = arith.mulf %broadcast_in_dim3A_1327, %get3A_1276 : vector<16xf32>
        %add3A_1331 = arith.addf %add3A_1262, %mul3A_1330 : vector<16xf32>
        %mul3A_1332 = arith.mulf %broadcast_in_dim3A_1327, %get3A_1279 : vector<16xf32>
        %add3A_1333 = arith.addf %add3A_1264, %mul3A_1332 : vector<16xf32>
        %mul3A_1334 = arith.mulf %broadcast_in_dim3A_1327, %get3A_1282 : vector<16xf32>
        %add3A_1335 = arith.addf %add3A_1266, %mul3A_1334 : vector<16xf32>
        %mul3A_1336 = arith.constant 16 : i32
        %mul3A_1337 = arith.muli %scan3A_371, %mul3A_1336 : i32
        %add3A_1338 = arith.constant 14 : i32
        %add3A_1339 = arith.addi %mul3A_1337, %add3A_1338 : i32
        %get3A_1340 = arith.index_cast %add3A_1339 : i32 to index
        %get3A_1341 = arith.constant 0 : index
        %get3A_1342 = tpu.vector_load %arg9[%get3A_1340, %get3A_1341] {strides = array<i32>} : memref<400x64xf32, #tpu.memory_space<vmem>>, vector<16xf32>,
        %get3A_1343 = arith.index_cast %add3A_1339 : i32 to index
        %get3A_1344 = arith.constant 16 : index
        %get3A_1345 = tpu.vector_load %arg9[%get3A_1343, %get3A_1344] {strides = array<i32>} : memref<400x64xf32, #tpu.memory_space<vmem>>, vector<16xf32>,
        %get3A_1346 = arith.index_cast %add3A_1339 : i32 to index
        %get3A_1347 = arith.constant 32 : index
        %get3A_1348 = tpu.vector_load %arg9[%get3A_1346, %get3A_1347] {strides = array<i32>} : memref<400x64xf32, #tpu.memory_space<vmem>>, vector<16xf32>,
        %get3A_1349 = arith.index_cast %add3A_1339 : i32 to index
        %get3A_1350 = arith.constant 48 : index
        %get3A_1351 = tpu.vector_load %arg9[%get3A_1349, %get3A_1350] {strides = array<i32>} : memref<400x64xf32, #tpu.memory_space<vmem>>, vector<16xf32>,
        %mul3A_1352 = arith.mulf %get3A_1342, %get3A_1342 : vector<16xf32>
        %mul3A_1353 = arith.mulf %get3A_1345, %get3A_1345 : vector<16xf32>
        %add3A_1354 = arith.addf %mul3A_1352, %mul3A_1353 : vector<16xf32>
        %mul3A_1355 = arith.mulf %get3A_1348, %get3A_1348 : vector<16xf32>
        %add3A_1356 = arith.addf %add3A_1354, %mul3A_1355 : vector<16xf32>
        %mul3A_1357 = arith.mulf %get3A_1351, %get3A_1351 : vector<16xf32>
        %add3A_1358 = arith.addf %add3A_1356, %mul3A_1357 : vector<16xf32>
        %reduce_sum3A_1359 = arith.constant true
        %reduce_sum3A_1360 = vector.broadcast %reduce_sum3A_1359 : i1 to vector<16xi1>
        %reduce_sum3A_1361 = tpu.scan <sum>, %add3A_1358 masked %reduce_sum3A_1360 : vector<16xf32>, vector<16xi1> -> vector<16xf32>
        %reduce_sum3A_1362 = vector.extract %reduce_sum3A_1361[15] : f32 from vector<16xf32>
        %add3A_1363 = arith.constant 1.000000e+00 : f32
        %add3A_1364 = arith.addf %add3A_1363, %reduce_sum3A_1362 : f32
        %sub3A_1365 = arith.constant 1.000000e+00 : f32
        %sub3A_1366 = arith.subf %sub3A_1365, %reduce_sum3A_1362 : f32
        %abs3A_1367 = math.absf %sub3A_1366 : f32
        %max3A_1368 = arith.constant 1.000000e-30 : f32
        %max3A_1369 = arith.maximumf %abs3A_1367, %max3A_1368 : f32
        %mul3A_1370 = arith.mulf %add3A_1364, %max3A_1369 : f32
        %bitcast_convert_type3A_1371 = arith.bitcast %mul3A_1370 : f32 to i32
        %sub3A_1372 = arith.constant 2129859011 : i32
        %sub3A_1373 = arith.subi %sub3A_1372, %bitcast_convert_type3A_1371 : i32
        %bitcast_convert_type3A_1374 = arith.bitcast %sub3A_1373 : i32 to f32
        %mul3A_1375 = arith.mulf %mul3A_1370, %bitcast_convert_type3A_1374 : f32
        %sub3A_1376 = arith.constant 2.000000e+00 : f32
        %sub3A_1377 = arith.subf %sub3A_1376, %mul3A_1375 : f32
        %mul3A_1378 = arith.mulf %bitcast_convert_type3A_1374, %sub3A_1377 : f32
        %mul3A_1379 = arith.mulf %mul3A_1370, %mul3A_1378 : f32
        %sub3A_1380 = arith.constant 2.000000e+00 : f32
        %sub3A_1381 = arith.subf %sub3A_1380, %mul3A_1379 : f32
        %mul3A_1382 = arith.mulf %mul3A_1378, %sub3A_1381 : f32
        %mul3A_1383 = arith.mulf %mul3A_1370, %mul3A_1382 : f32
        %sub3A_1384 = arith.constant 2.000000e+00 : f32
        %sub3A_1385 = arith.subf %sub3A_1384, %mul3A_1383 : f32
        %mul3A_1386 = arith.mulf %mul3A_1382, %sub3A_1385 : f32
        %mul3A_1387 = arith.mulf %add3A_1364, %add3A_1364 : f32
        %mul3A_1388 = arith.mulf %mul3A_1387, %mul3A_1386 : f32
        %min3A_1389 = arith.constant 1.000000e+03 : f32
        %min3A_1390 = arith.minimumf %mul3A_1388, %min3A_1389 : f32
        %add3A_1391 = arith.addf %add3A_1322, %min3A_1390 : f32
        %mul3A_1392 = arith.constant 2.000000e+00 : f32
        %mul3A_1393 = arith.mulf %mul3A_1392, %min3A_1390 : f32
        %mul3A_1394 = arith.mulf %max3A_1369, %mul3A_1386 : f32
        %mul3A_1395 = arith.mulf %mul3A_1393, %mul3A_1394 : f32
        %broadcast_in_dim3A_1396 = vector.broadcast %mul3A_1395 : f32 to vector<16xf32>
        %mul3A_1397 = arith.mulf %broadcast_in_dim3A_1396, %get3A_1342 : vector<16xf32>
        %add3A_1398 = arith.addf %add3A_1329, %mul3A_1397 : vector<16xf32>
        %mul3A_1399 = arith.mulf %broadcast_in_dim3A_1396, %get3A_1345 : vector<16xf32>
        %add3A_1400 = arith.addf %add3A_1331, %mul3A_1399 : vector<16xf32>
        %mul3A_1401 = arith.mulf %broadcast_in_dim3A_1396, %get3A_1348 : vector<16xf32>
        %add3A_1402 = arith.addf %add3A_1333, %mul3A_1401 : vector<16xf32>
        %mul3A_1403 = arith.mulf %broadcast_in_dim3A_1396, %get3A_1351 : vector<16xf32>
        %add3A_1404 = arith.addf %add3A_1335, %mul3A_1403 : vector<16xf32>
        %mul3A_1405 = arith.constant 16 : i32
        %mul3A_1406 = arith.muli %scan3A_371, %mul3A_1405 : i32
        %add3A_1407 = arith.constant 15 : i32
        %add3A_1408 = arith.addi %mul3A_1406, %add3A_1407 : i32
        %get3A_1409 = arith.index_cast %add3A_1408 : i32 to index
        %get3A_1410 = arith.constant 0 : index
        %get3A_1411 = tpu.vector_load %arg9[%get3A_1409, %get3A_1410] {strides = array<i32>} : memref<400x64xf32, #tpu.memory_space<vmem>>, vector<16xf32>,
        %get3A_1412 = arith.index_cast %add3A_1408 : i32 to index
        %get3A_1413 = arith.constant 16 : index
        %get3A_1414 = tpu.vector_load %arg9[%get3A_1412, %get3A_1413] {strides = array<i32>} : memref<400x64xf32, #tpu.memory_space<vmem>>, vector<16xf32>,
        %get3A_1415 = arith.index_cast %add3A_1408 : i32 to index
        %get3A_1416 = arith.constant 32 : index
        %get3A_1417 = tpu.vector_load %arg9[%get3A_1415, %get3A_1416] {strides = array<i32>} : memref<400x64xf32, #tpu.memory_space<vmem>>, vector<16xf32>,
        %get3A_1418 = arith.index_cast %add3A_1408 : i32 to index
        %get3A_1419 = arith.constant 48 : index
        %get3A_1420 = tpu.vector_load %arg9[%get3A_1418, %get3A_1419] {strides = array<i32>} : memref<400x64xf32, #tpu.memory_space<vmem>>, vector<16xf32>,
        %mul3A_1421 = arith.mulf %get3A_1411, %get3A_1411 : vector<16xf32>
        %mul3A_1422 = arith.mulf %get3A_1414, %get3A_1414 : vector<16xf32>
        %add3A_1423 = arith.addf %mul3A_1421, %mul3A_1422 : vector<16xf32>
        %mul3A_1424 = arith.mulf %get3A_1417, %get3A_1417 : vector<16xf32>
        %add3A_1425 = arith.addf %add3A_1423, %mul3A_1424 : vector<16xf32>
        %mul3A_1426 = arith.mulf %get3A_1420, %get3A_1420 : vector<16xf32>
        %add3A_1427 = arith.addf %add3A_1425, %mul3A_1426 : vector<16xf32>
        %reduce_sum3A_1428 = arith.constant true
        %reduce_sum3A_1429 = vector.broadcast %reduce_sum3A_1428 : i1 to vector<16xi1>
        %reduce_sum3A_1430 = tpu.scan <sum>, %add3A_1427 masked %reduce_sum3A_1429 : vector<16xf32>, vector<16xi1> -> vector<16xf32>
        %reduce_sum3A_1431 = vector.extract %reduce_sum3A_1430[15] : f32 from vector<16xf32>
        %add3A_1432 = arith.constant 1.000000e+00 : f32
        %add3A_1433 = arith.addf %add3A_1432, %reduce_sum3A_1431 : f32
        %sub3A_1434 = arith.constant 1.000000e+00 : f32
        %sub3A_1435 = arith.subf %sub3A_1434, %reduce_sum3A_1431 : f32
        %abs3A_1436 = math.absf %sub3A_1435 : f32
        %max3A_1437 = arith.constant 1.000000e-30 : f32
        %max3A_1438 = arith.maximumf %abs3A_1436, %max3A_1437 : f32
        %mul3A_1439 = arith.mulf %add3A_1433, %max3A_1438 : f32
        %bitcast_convert_type3A_1440 = arith.bitcast %mul3A_1439 : f32 to i32
        %sub3A_1441 = arith.constant 2129859011 : i32
        %sub3A_1442 = arith.subi %sub3A_1441, %bitcast_convert_type3A_1440 : i32
        %bitcast_convert_type3A_1443 = arith.bitcast %sub3A_1442 : i32 to f32
        %mul3A_1444 = arith.mulf %mul3A_1439, %bitcast_convert_type3A_1443 : f32
        %sub3A_1445 = arith.constant 2.000000e+00 : f32
        %sub3A_1446 = arith.subf %sub3A_1445, %mul3A_1444 : f32
        %mul3A_1447 = arith.mulf %bitcast_convert_type3A_1443, %sub3A_1446 : f32
        %mul3A_1448 = arith.mulf %mul3A_1439, %mul3A_1447 : f32
        %sub3A_1449 = arith.constant 2.000000e+00 : f32
        %sub3A_1450 = arith.subf %sub3A_1449, %mul3A_1448 : f32
        %mul3A_1451 = arith.mulf %mul3A_1447, %sub3A_1450 : f32
        %mul3A_1452 = arith.mulf %mul3A_1439, %mul3A_1451 : f32
        %sub3A_1453 = arith.constant 2.000000e+00 : f32
        %sub3A_1454 = arith.subf %sub3A_1453, %mul3A_1452 : f32
        %mul3A_1455 = arith.mulf %mul3A_1451, %sub3A_1454 : f32
        %mul3A_1456 = arith.mulf %add3A_1433, %add3A_1433 : f32
        %mul3A_1457 = arith.mulf %mul3A_1456, %mul3A_1455 : f32
        %min3A_1458 = arith.constant 1.000000e+03 : f32
        %min3A_1459 = arith.minimumf %mul3A_1457, %min3A_1458 : f32
        %add3A_1460 = arith.addf %add3A_1391, %min3A_1459 : f32
        %mul3A_1461 = arith.constant 2.000000e+00 : f32
        %mul3A_1462 = arith.mulf %mul3A_1461, %min3A_1459 : f32
        %mul3A_1463 = arith.mulf %max3A_1438, %mul3A_1455 : f32
        %mul3A_1464 = arith.mulf %mul3A_1462, %mul3A_1463 : f32
        %broadcast_in_dim3A_1465 = vector.broadcast %mul3A_1464 : f32 to vector<16xf32>
        %mul3A_1466 = arith.mulf %broadcast_in_dim3A_1465, %get3A_1411 : vector<16xf32>
        %add3A_1467 = arith.addf %add3A_1398, %mul3A_1466 : vector<16xf32>
        %mul3A_1468 = arith.mulf %broadcast_in_dim3A_1465, %get3A_1414 : vector<16xf32>
        %add3A_1469 = arith.addf %add3A_1400, %mul3A_1468 : vector<16xf32>
        %mul3A_1470 = arith.mulf %broadcast_in_dim3A_1465, %get3A_1417 : vector<16xf32>
        %add3A_1471 = arith.addf %add3A_1402, %mul3A_1470 : vector<16xf32>
        %mul3A_1472 = arith.mulf %broadcast_in_dim3A_1465, %get3A_1420 : vector<16xf32>
        %add3A_1473 = arith.addf %add3A_1404, %mul3A_1472 : vector<16xf32>
        scf.yield %add3A_1467, %add3A_1469, %add3A_1471, %add3A_1473, %add3A_1460 : vector<16xf32>, vector<16xf32>, vector<16xf32>, vector<16xf32>, f32
      }
      %scan3A_271 = arith.constant 25 : i32
      %swap3A = arith.constant 0 : index
      %swap3A_272 = tpu.vector_load %arg11[%swap3A] {strides = array<i32>} : memref<80xf32, #tpu.memory_space<vmem>>, vector<16xf32>,
      tpu.vector_store %arg11[%swap3A], %scan3A_270#0 {strides = array<i32>} : memref<80xf32, #tpu.memory_space<vmem>>, vector<16xf32>,
      %swap3A_273 = arith.constant 16 : index
      %swap3A_274 = tpu.vector_load %arg11[%swap3A_273] {strides = array<i32>} : memref<80xf32, #tpu.memory_space<vmem>>, vector<16xf32>,
      tpu.vector_store %arg11[%swap3A_273], %scan3A_270#1 {strides = array<i32>} : memref<80xf32, #tpu.memory_space<vmem>>, vector<16xf32>,
      %swap3A_275 = arith.constant 32 : index
      %swap3A_276 = tpu.vector_load %arg11[%swap3A_275] {strides = array<i32>} : memref<80xf32, #tpu.memory_space<vmem>>, vector<16xf32>,
      tpu.vector_store %arg11[%swap3A_275], %scan3A_270#2 {strides = array<i32>} : memref<80xf32, #tpu.memory_space<vmem>>, vector<16xf32>,
      %swap3A_277 = arith.constant 48 : index
      %swap3A_278 = tpu.vector_load %arg11[%swap3A_277] {strides = array<i32>} : memref<80xf32, #tpu.memory_space<vmem>>, vector<16xf32>,
      tpu.vector_store %arg11[%swap3A_277], %scan3A_270#3 {strides = array<i32>} : memref<80xf32, #tpu.memory_space<vmem>>, vector<16xf32>,
      %broadcast_in_dim3A_279 = vector.broadcast %scan3A_270#4 : f32 to vector<16xf32>
      %swap3A_280 = arith.constant 64 : index
      %swap3A_281 = tpu.vector_load %arg11[%swap3A_280] {strides = array<i32>} : memref<80xf32, #tpu.memory_space<vmem>>, vector<16xf32>,
      tpu.vector_store %arg11[%swap3A_280], %broadcast_in_dim3A_279 {strides = array<i32>} : memref<80xf32, #tpu.memory_space<vmem>>, vector<16xf32>,
      %dma_start3A_282 = arith.constant 0 : i32
      %dma_start3A_283 = tpu.memref_slice %arg6[%add3A_147, %dma_start3A_282] : memref<4096x80xf32, #tpu.memory_space<hbm>> -> memref<1x80xf32, #tpu.memory_space<hbm>>
      %dma_start3A_284 = tpu.memref_squeeze %dma_start3A_283 : memref<1x80xf32, #tpu.memory_space<hbm>> -> memref<80xf32, #tpu.memory_space<hbm>>
      %dma_start3A_285 = arith.constant 0 : i32
      %dma_start3A_286 = tpu.memref_slice %arg6[%add3A_147, %dma_start3A_285] : memref<4096x80xf32, #tpu.memory_space<hbm>> -> memref<1x80xf32, #tpu.memory_space<hbm>>
      %dma_start3A_287 = tpu.memref_squeeze %dma_start3A_286 : memref<1x80xf32, #tpu.memory_space<hbm>> -> memref<80xf32, #tpu.memory_space<hbm>>
      tpu.enqueue_dma source(%arg11 : memref<80xf32, #tpu.memory_space<vmem>>) target(%dma_start3A_287 : memref<80xf32, #tpu.memory_space<hbm>>) target_semaphore(%arg15 : memref<!tpu.dma_semaphore, #tpu.memory_space<semaphore_mem>>)
      %lt3A_288 = arith.constant 63 : i32
      %lt3A_289 = arith.cmpi slt, %scan3A_144, %lt3A_288 : i32
      %convert_element_type3A_290 = arith.extui %lt3A_289 : i1 to i32
      %cond3A_291 = arith.constant 0 : i32
      %cond3A_292 = arith.cmpi ne, %convert_element_type3A_290, %cond3A_291 : i32
      scf.if %cond3A_292 {
        %add3A_371 = arith.constant 2 : i32
        %add3A_372 = arith.addi %add3A_147, %add3A_371 : i32
        %dma_wait3A_373 = arith.constant 0 : i32
        %dma_wait3A_374 = arith.constant 0 : i32
        %dma_wait3A_375 = tpu.memref_slice %arg7[%dma_wait3A_373, %dma_wait3A_374] : memref<4x100xi32, #tpu.memory_space<vmem>> -> memref<2x100xi32, #tpu.memory_space<vmem>>
        %dma_wait3A_376 = arith.constant 0 : i32
        %dma_wait3A_377 = arith.constant 0 : i32
        %dma_wait3A_378 = tpu.memref_slice %arg2[%add3A_372, %dma_wait3A_376, %dma_wait3A_377] : memref<4096x2x100xi32, #tpu.memory_space<hbm>> -> memref<1x2x100xi32, #tpu.memory_space<hbm>>
        %dma_wait3A_379 = tpu.memref_squeeze %dma_wait3A_378 : memref<1x2x100xi32, #tpu.memory_space<hbm>> -> memref<2x100xi32, #tpu.memory_space<hbm>>
        %dma_wait3A_380 = arith.constant 0 : i32
        %dma_wait3A_381 = arith.constant 0 : i32
        %dma_wait3A_382 = tpu.memref_slice %arg7[%dma_wait3A_380, %dma_wait3A_381] : memref<4x100xi32, #tpu.memory_space<vmem>> -> memref<2x100xi32, #tpu.memory_space<vmem>>
        %dma_wait3A_383 = arith.constant 0 : i32
        %dma_wait3A_384 = arith.constant 0 : i32
        %dma_wait3A_385 = tpu.memref_slice %arg2[%add3A_372, %dma_wait3A_383, %dma_wait3A_384] : memref<4096x2x100xi32, #tpu.memory_space<hbm>> -> memref<1x2x100xi32, #tpu.memory_space<hbm>>
        %dma_wait3A_386 = tpu.memref_squeeze %dma_wait3A_385 : memref<1x2x100xi32, #tpu.memory_space<hbm>> -> memref<2x100xi32, #tpu.memory_space<hbm>>
        tpu.wait_dma2 semaphore(%arg17 : memref<!tpu.dma_semaphore, #tpu.memory_space<semaphore_mem>>) src(%dma_wait3A_386 : memref<2x100xi32, #tpu.memory_space<hbm>>) dst(%dma_wait3A_382 : memref<2x100xi32, #tpu.memory_space<vmem>>)
        %dma_wait3A_387 = arith.constant 2 : i32
        %dma_wait3A_388 = arith.constant 0 : i32
        %dma_wait3A_389 = tpu.memref_slice %arg7[%dma_wait3A_387, %dma_wait3A_388] : memref<4x100xi32, #tpu.memory_space<vmem>> -> memref<2x100xi32, #tpu.memory_space<vmem>>
        %dma_wait3A_390 = arith.constant 0 : i32
        %dma_wait3A_391 = arith.constant 0 : i32
        %dma_wait3A_392 = tpu.memref_slice %arg3[%add3A_372, %dma_wait3A_390, %dma_wait3A_391] : memref<4096x2x100xi32, #tpu.memory_space<hbm>> -> memref<1x2x100xi32, #tpu.memory_space<hbm>>
        %dma_wait3A_393 = tpu.memref_squeeze %dma_wait3A_392 : memref<1x2x100xi32, #tpu.memory_space<hbm>> -> memref<2x100xi32, #tpu.memory_space<hbm>>
        %dma_wait3A_394 = arith.constant 2 : i32
        %dma_wait3A_395 = arith.constant 0 : i32
        %dma_wait3A_396 = tpu.memref_slice %arg7[%dma_wait3A_394, %dma_wait3A_395] : memref<4x100xi32, #tpu.memory_space<vmem>> -> memref<2x100xi32, #tpu.memory_space<vmem>>
        %dma_wait3A_397 = arith.constant 0 : i32
        %dma_wait3A_398 = arith.constant 0 : i32
        %dma_wait3A_399 = tpu.memref_slice %arg3[%add3A_372, %dma_wait3A_397, %dma_wait3A_398] : memref<4096x2x100xi32, #tpu.memory_space<hbm>> -> memref<1x2x100xi32, #tpu.memory_space<hbm>>
        %dma_wait3A_400 = tpu.memref_squeeze %dma_wait3A_399 : memref<1x2x100xi32, #tpu.memory_space<hbm>> -> memref<2x100xi32, #tpu.memory_space<hbm>>
        tpu.wait_dma2 semaphore(%arg17 : memref<!tpu.dma_semaphore, #tpu.memory_space<semaphore_mem>>) src(%dma_wait3A_400 : memref<2x100xi32, #tpu.memory_space<hbm>>) dst(%dma_wait3A_396 : memref<2x100xi32, #tpu.memory_space<vmem>>)
        %dma_start3A_401 = arith.constant 0 : i32
        %dma_start3A_402 = arith.constant 0 : i32
        %dma_start3A_403 = arith.constant 0 : i32
        %dma_start3A_404 = tpu.memref_slice %arg9[%dma_start3A_402, %dma_start3A_403] : memref<400x64xf32, #tpu.memory_space<vmem>> -> memref<100x64xf32, #tpu.memory_space<vmem>>
        %dma_start3A_405 = arith.constant 0 : i32
        %dma_start3A_406 = tpu.memref_slice %arg7[%dma_start3A_401, %dma_start3A_405] : memref<4x100xi32, #tpu.memory_space<vmem>> -> memref<1x100xi32, #tpu.memory_space<vmem>>
        %dma_start3A_407 = tpu.memref_squeeze %dma_start3A_406 : memref<1x100xi32, #tpu.memory_space<vmem>> -> memref<100xi32, #tpu.memory_space<vmem>>
        %dma_start3A_408 = arith.constant 0 : i32
        %dma_start3A_409 = arith.constant 0 : i32
        %dma_start3A_410 = tpu.memref_slice %arg4[%dma_start3A_408, %dma_start3A_409] : memref<100000x64xf32, #tpu.memory_space<hbm>> -> memref<100000x64xf32, #tpu.memory_space<hbm>>
        tpu.enqueue_indirect_dma source(%dma_start3A_410 : memref<100000x64xf32, #tpu.memory_space<hbm>>) target(%dma_start3A_404 : memref<100x64xf32, #tpu.memory_space<vmem>>) offsets(%dma_start3A_407 : memref<100xi32, #tpu.memory_space<vmem>>) semaphore(%arg13 : memref<!tpu.dma_semaphore, #tpu.memory_space<semaphore_mem>>)
        %dma_start3A_411 = arith.constant 1 : i32
        %dma_start3A_412 = arith.constant 100 : i32
        %dma_start3A_413 = arith.constant 0 : i32
        %dma_start3A_414 = tpu.memref_slice %arg9[%dma_start3A_412, %dma_start3A_413] : memref<400x64xf32, #tpu.memory_space<vmem>> -> memref<100x64xf32, #tpu.memory_space<vmem>>
        %dma_start3A_415 = arith.constant 0 : i32
        %dma_start3A_416 = tpu.memref_slice %arg7[%dma_start3A_411, %dma_start3A_415] : memref<4x100xi32, #tpu.memory_space<vmem>> -> memref<1x100xi32, #tpu.memory_space<vmem>>
        %dma_start3A_417 = tpu.memref_squeeze %dma_start3A_416 : memref<1x100xi32, #tpu.memory_space<vmem>> -> memref<100xi32, #tpu.memory_space<vmem>>
        %dma_start3A_418 = arith.constant 0 : i32
        %dma_start3A_419 = arith.constant 0 : i32
        %dma_start3A_420 = tpu.memref_slice %arg4[%dma_start3A_418, %dma_start3A_419] : memref<100000x64xf32, #tpu.memory_space<hbm>> -> memref<100000x64xf32, #tpu.memory_space<hbm>>
        tpu.enqueue_indirect_dma source(%dma_start3A_420 : memref<100000x64xf32, #tpu.memory_space<hbm>>) target(%dma_start3A_414 : memref<100x64xf32, #tpu.memory_space<vmem>>) offsets(%dma_start3A_417 : memref<100xi32, #tpu.memory_space<vmem>>) semaphore(%arg13 : memref<!tpu.dma_semaphore, #tpu.memory_space<semaphore_mem>>)
        %dma_start3A_421 = arith.constant 2 : i32
        %dma_start3A_422 = arith.constant 200 : i32
        %dma_start3A_423 = arith.constant 0 : i32
        %dma_start3A_424 = tpu.memref_slice %arg9[%dma_start3A_422, %dma_start3A_423] : memref<400x64xf32, #tpu.memory_space<vmem>> -> memref<100x64xf32, #tpu.memory_space<vmem>>
        %dma_start3A_425 = arith.constant 0 : i32
        %dma_start3A_426 = tpu.memref_slice %arg7[%dma_start3A_421, %dma_start3A_425] : memref<4x100xi32, #tpu.memory_space<vmem>> -> memref<1x100xi32, #tpu.memory_space<vmem>>
        %dma_start3A_427 = tpu.memref_squeeze %dma_start3A_426 : memref<1x100xi32, #tpu.memory_space<vmem>> -> memref<100xi32, #tpu.memory_space<vmem>>
        %dma_start3A_428 = arith.constant 0 : i32
        %dma_start3A_429 = arith.constant 0 : i32
        %dma_start3A_430 = tpu.memref_slice %arg5[%dma_start3A_428, %dma_start3A_429] : memref<1000000x64xf32, #tpu.memory_space<hbm>> -> memref<1000000x64xf32, #tpu.memory_space<hbm>>
        tpu.enqueue_indirect_dma source(%dma_start3A_430 : memref<1000000x64xf32, #tpu.memory_space<hbm>>) target(%dma_start3A_424 : memref<100x64xf32, #tpu.memory_space<vmem>>) offsets(%dma_start3A_427 : memref<100xi32, #tpu.memory_space<vmem>>) semaphore(%arg13 : memref<!tpu.dma_semaphore, #tpu.memory_space<semaphore_mem>>)
        %dma_start3A_431 = arith.constant 3 : i32
        %dma_start3A_432 = arith.constant 300 : i32
        %dma_start3A_433 = arith.constant 0 : i32
        %dma_start3A_434 = tpu.memref_slice %arg9[%dma_start3A_432, %dma_start3A_433] : memref<400x64xf32, #tpu.memory_space<vmem>> -> memref<100x64xf32, #tpu.memory_space<vmem>>
        %dma_start3A_435 = arith.constant 0 : i32
        %dma_start3A_436 = tpu.memref_slice %arg7[%dma_start3A_431, %dma_start3A_435] : memref<4x100xi32, #tpu.memory_space<vmem>> -> memref<1x100xi32, #tpu.memory_space<vmem>>
        %dma_start3A_437 = tpu.memref_squeeze %dma_start3A_436 : memref<1x100xi32, #tpu.memory_space<vmem>> -> memref<100xi32, #tpu.memory_space<vmem>>
        %dma_start3A_438 = arith.constant 0 : i32
        %dma_start3A_439 = arith.constant 0 : i32
        %dma_start3A_440 = tpu.memref_slice %arg5[%dma_start3A_438, %dma_start3A_439] : memref<1000000x64xf32, #tpu.memory_space<hbm>> -> memref<1000000x64xf32, #tpu.memory_space<hbm>>
        tpu.enqueue_indirect_dma source(%dma_start3A_440 : memref<1000000x64xf32, #tpu.memory_space<hbm>>) target(%dma_start3A_434 : memref<100x64xf32, #tpu.memory_space<vmem>>) offsets(%dma_start3A_437 : memref<100xi32, #tpu.memory_space<vmem>>) semaphore(%arg13 : memref<!tpu.dma_semaphore, #tpu.memory_space<semaphore_mem>>)
      } else {
      }
      %dma_wait3A_293 = arith.constant 0 : i32
      %dma_wait3A_294 = arith.constant 0 : i32
      %dma_wait3A_295 = arith.constant 0 : i32
      %dma_wait3A_296 = tpu.memref_slice %arg10[%dma_wait3A_294, %dma_wait3A_295] : memref<400x64xf32, #tpu.memory_space<vmem>> -> memref<100x64xf32, #tpu.memory_space<vmem>>
      %dma_wait3A_297 = arith.constant 0 : i32
      %dma_wait3A_298 = tpu.memref_slice %arg8[%dma_wait3A_293, %dma_wait3A_297] : memref<4x100xi32, #tpu.memory_space<vmem>> -> memref<1x100xi32, #tpu.memory_space<vmem>>
      %dma_wait3A_299 = tpu.memref_squeeze %dma_wait3A_298 : memref<1x100xi32, #tpu.memory_space<vmem>> -> memref<100xi32, #tpu.memory_space<vmem>>
      %dma_wait3A_300 = arith.constant 0 : i32
      %dma_wait3A_301 = arith.constant 0 : i32
      %dma_wait3A_302 = tpu.memref_slice %arg4[%dma_wait3A_300, %dma_wait3A_301] : memref<100000x64xf32, #tpu.memory_space<hbm>> -> memref<100000x64xf32, #tpu.memory_space<hbm>>
      tpu.wait_indirect_dma semaphore(%arg14 : memref<!tpu.dma_semaphore, #tpu.memory_space<semaphore_mem>>) src(%dma_wait3A_302 : memref<100000x64xf32, #tpu.memory_space<hbm>>) dst(%dma_wait3A_296 : memref<100x64xf32, #tpu.memory_space<vmem>>)
      %dma_wait3A_303 = arith.constant 1 : i32
      %dma_wait3A_304 = arith.constant 100 : i32
      %dma_wait3A_305 = arith.constant 0 : i32
      %dma_wait3A_306 = tpu.memref_slice %arg10[%dma_wait3A_304, %dma_wait3A_305] : memref<400x64xf32, #tpu.memory_space<vmem>> -> memref<100x64xf32, #tpu.memory_space<vmem>>
      %dma_wait3A_307 = arith.constant 0 : i32
      %dma_wait3A_308 = tpu.memref_slice %arg8[%dma_wait3A_303, %dma_wait3A_307] : memref<4x100xi32, #tpu.memory_space<vmem>> -> memref<1x100xi32, #tpu.memory_space<vmem>>
      %dma_wait3A_309 = tpu.memref_squeeze %dma_wait3A_308 : memref<1x100xi32, #tpu.memory_space<vmem>> -> memref<100xi32, #tpu.memory_space<vmem>>
      %dma_wait3A_310 = arith.constant 0 : i32
      %dma_wait3A_311 = arith.constant 0 : i32
      %dma_wait3A_312 = tpu.memref_slice %arg4[%dma_wait3A_310, %dma_wait3A_311] : memref<100000x64xf32, #tpu.memory_space<hbm>> -> memref<100000x64xf32, #tpu.memory_space<hbm>>
      tpu.wait_indirect_dma semaphore(%arg14 : memref<!tpu.dma_semaphore, #tpu.memory_space<semaphore_mem>>) src(%dma_wait3A_312 : memref<100000x64xf32, #tpu.memory_space<hbm>>) dst(%dma_wait3A_306 : memref<100x64xf32, #tpu.memory_space<vmem>>)
      %dma_wait3A_313 = arith.constant 2 : i32
      %dma_wait3A_314 = arith.constant 200 : i32
      %dma_wait3A_315 = arith.constant 0 : i32
      %dma_wait3A_316 = tpu.memref_slice %arg10[%dma_wait3A_314, %dma_wait3A_315] : memref<400x64xf32, #tpu.memory_space<vmem>> -> memref<100x64xf32, #tpu.memory_space<vmem>>
      %dma_wait3A_317 = arith.constant 0 : i32
      %dma_wait3A_318 = tpu.memref_slice %arg8[%dma_wait3A_313, %dma_wait3A_317] : memref<4x100xi32, #tpu.memory_space<vmem>> -> memref<1x100xi32, #tpu.memory_space<vmem>>
      %dma_wait3A_319 = tpu.memref_squeeze %dma_wait3A_318 : memref<1x100xi32, #tpu.memory_space<vmem>> -> memref<100xi32, #tpu.memory_space<vmem>>
      %dma_wait3A_320 = arith.constant 0 : i32
      %dma_wait3A_321 = arith.constant 0 : i32
      %dma_wait3A_322 = tpu.memref_slice %arg5[%dma_wait3A_320, %dma_wait3A_321] : memref<1000000x64xf32, #tpu.memory_space<hbm>> -> memref<1000000x64xf32, #tpu.memory_space<hbm>>
      tpu.wait_indirect_dma semaphore(%arg14 : memref<!tpu.dma_semaphore, #tpu.memory_space<semaphore_mem>>) src(%dma_wait3A_322 : memref<1000000x64xf32, #tpu.memory_space<hbm>>) dst(%dma_wait3A_316 : memref<100x64xf32, #tpu.memory_space<vmem>>)
      %dma_wait3A_323 = arith.constant 3 : i32
      %dma_wait3A_324 = arith.constant 300 : i32
      %dma_wait3A_325 = arith.constant 0 : i32
      %dma_wait3A_326 = tpu.memref_slice %arg10[%dma_wait3A_324, %dma_wait3A_325] : memref<400x64xf32, #tpu.memory_space<vmem>> -> memref<100x64xf32, #tpu.memory_space<vmem>>
      %dma_wait3A_327 = arith.constant 0 : i32
      %dma_wait3A_328 = tpu.memref_slice %arg8[%dma_wait3A_323, %dma_wait3A_327] : memref<4x100xi32, #tpu.memory_space<vmem>> -> memref<1x100xi32, #tpu.memory_space<vmem>>
      %dma_wait3A_329 = tpu.memref_squeeze %dma_wait3A_328 : memref<1x100xi32, #tpu.memory_space<vmem>> -> memref<100xi32, #tpu.memory_space<vmem>>
      %dma_wait3A_330 = arith.constant 0 : i32
      %dma_wait3A_331 = arith.constant 0 : i32
      %dma_wait3A_332 = tpu.memref_slice %arg5[%dma_wait3A_330, %dma_wait3A_331] : memref<1000000x64xf32, #tpu.memory_space<hbm>> -> memref<1000000x64xf32, #tpu.memory_space<hbm>>
      tpu.wait_indirect_dma semaphore(%arg14 : memref<!tpu.dma_semaphore, #tpu.memory_space<semaphore_mem>>) src(%dma_wait3A_332 : memref<1000000x64xf32, #tpu.memory_space<hbm>>) dst(%dma_wait3A_326 : memref<100x64xf32, #tpu.memory_space<vmem>>)
      %gt3A_333 = arith.constant 0 : i32
      %gt3A_334 = arith.cmpi sgt, %scan3A_144, %gt3A_333 : i32
      %convert_element_type3A_335 = arith.extui %gt3A_334 : i1 to i32
      %cond3A_336 = arith.constant 0 : i32
      %cond3A_337 = arith.cmpi ne, %convert_element_type3A_335, %cond3A_336 : i32
      scf.if %cond3A_337 {
        %dma_wait3A_371 = arith.constant 0 : i32
        %dma_wait3A_372 = tpu.memref_slice %arg6[%mul3A_2, %dma_wait3A_371] : memref<4096x80xf32, #tpu.memory_space<hbm>> -> memref<1x80xf32, #tpu.memory_space<hbm>>
        %dma_wait3A_373 = tpu.memref_squeeze %dma_wait3A_372 : memref<1x80xf32, #tpu.memory_space<hbm>> -> memref<80xf32, #tpu.memory_space<hbm>>
        %dma_wait3A_374 = arith.constant 0 : i32
        %dma_wait3A_375 = tpu.memref_slice %arg6[%mul3A_2, %dma_wait3A_374] : memref<4096x80xf32, #tpu.memory_space<hbm>> -> memref<1x80xf32, #tpu.memory_space<hbm>>
        %dma_wait3A_376 = tpu.memref_squeeze %dma_wait3A_375 : memref<1x80xf32, #tpu.memory_space<hbm>> -> memref<80xf32, #tpu.memory_space<hbm>>
        tpu.wait_dma2 semaphore(%arg16 : memref<!tpu.dma_semaphore, #tpu.memory_space<semaphore_mem>>) src(%arg12 : memref<80xf32, #tpu.memory_space<vmem>>) dst(%dma_wait3A_376 : memref<80xf32, #tpu.memory_space<hbm>>)
      } else {
      }
      %lt3A_338 = arith.constant 63 : i32
      %lt3A_339 = arith.cmpi slt, %scan3A_144, %lt3A_338 : i32
      %convert_element_type3A_340 = arith.extui %lt3A_339 : i1 to i32
      %cond3A_341 = arith.constant 0 : i32
      %cond3A_342 = arith.cmpi ne, %convert_element_type3A_340, %cond3A_341 : i32
      scf.if %cond3A_342 {
        %add3A_371 = arith.constant 3 : i32
        %add3A_372 = arith.addi %add3A_147, %add3A_371 : i32
        %dma_start3A_373 = arith.constant 0 : i32
        %dma_start3A_374 = arith.constant 0 : i32
        %dma_start3A_375 = tpu.memref_slice %arg8[%dma_start3A_373, %dma_start3A_374] : memref<4x100xi32, #tpu.memory_space<vmem>> -> memref<2x100xi32, #tpu.memory_space<vmem>>
        %dma_start3A_376 = arith.constant 0 : i32
        %dma_start3A_377 = arith.constant 0 : i32
        %dma_start3A_378 = tpu.memref_slice %arg2[%add3A_372, %dma_start3A_376, %dma_start3A_377] : memref<4096x2x100xi32, #tpu.memory_space<hbm>> -> memref<1x2x100xi32, #tpu.memory_space<hbm>>
        %dma_start3A_379 = tpu.memref_squeeze %dma_start3A_378 : memref<1x2x100xi32, #tpu.memory_space<hbm>> -> memref<2x100xi32, #tpu.memory_space<hbm>>
        %dma_start3A_380 = arith.constant 0 : i32
        %dma_start3A_381 = arith.constant 0 : i32
        %dma_start3A_382 = tpu.memref_slice %arg8[%dma_start3A_380, %dma_start3A_381] : memref<4x100xi32, #tpu.memory_space<vmem>> -> memref<2x100xi32, #tpu.memory_space<vmem>>
        %dma_start3A_383 = arith.constant 0 : i32
        %dma_start3A_384 = arith.constant 0 : i32
        %dma_start3A_385 = tpu.memref_slice %arg2[%add3A_372, %dma_start3A_383, %dma_start3A_384] : memref<4096x2x100xi32, #tpu.memory_space<hbm>> -> memref<1x2x100xi32, #tpu.memory_space<hbm>>
        %dma_start3A_386 = tpu.memref_squeeze %dma_start3A_385 : memref<1x2x100xi32, #tpu.memory_space<hbm>> -> memref<2x100xi32, #tpu.memory_space<hbm>>
        tpu.enqueue_dma source(%dma_start3A_386 : memref<2x100xi32, #tpu.memory_space<hbm>>) target(%dma_start3A_382 : memref<2x100xi32, #tpu.memory_space<vmem>>) target_semaphore(%arg18 : memref<!tpu.dma_semaphore, #tpu.memory_space<semaphore_mem>>)
        %dma_start3A_387 = arith.constant 2 : i32
        %dma_start3A_388 = arith.constant 0 : i32
        %dma_start3A_389 = tpu.memref_slice %arg8[%dma_start3A_387, %dma_start3A_388] : memref<4x100xi32, #tpu.memory_space<vmem>> -> memref<2x100xi32, #tpu.memory_space<vmem>>
        %dma_start3A_390 = arith.constant 0 : i32
        %dma_start3A_391 = arith.constant 0 : i32
        %dma_start3A_392 = tpu.memref_slice %arg3[%add3A_372, %dma_start3A_390, %dma_start3A_391] : memref<4096x2x100xi32, #tpu.memory_space<hbm>> -> memref<1x2x100xi32, #tpu.memory_space<hbm>>
        %dma_start3A_393 = tpu.memref_squeeze %dma_start3A_392 : memref<1x2x100xi32, #tpu.memory_space<hbm>> -> memref<2x100xi32, #tpu.memory_space<hbm>>
        %dma_start3A_394 = arith.constant 2 : i32
        %dma_start3A_395 = arith.constant 0 : i32
        %dma_start3A_396 = tpu.memref_slice %arg8[%dma_start3A_394, %dma_start3A_395] : memref<4x100xi32, #tpu.memory_space<vmem>> -> memref<2x100xi32, #tpu.memory_space<vmem>>
        %dma_start3A_397 = arith.constant 0 : i32
        %dma_start3A_398 = arith.constant 0 : i32
        %dma_start3A_399 = tpu.memref_slice %arg3[%add3A_372, %dma_start3A_397, %dma_start3A_398] : memref<4096x2x100xi32, #tpu.memory_space<hbm>> -> memref<1x2x100xi32, #tpu.memory_space<hbm>>
        %dma_start3A_400 = tpu.memref_squeeze %dma_start3A_399 : memref<1x2x100xi32, #tpu.memory_space<hbm>> -> memref<2x100xi32, #tpu.memory_space<hbm>>
        tpu.enqueue_dma source(%dma_start3A_400 : memref<2x100xi32, #tpu.memory_space<hbm>>) target(%dma_start3A_396 : memref<2x100xi32, #tpu.memory_space<vmem>>) target_semaphore(%arg18 : memref<!tpu.dma_semaphore, #tpu.memory_space<semaphore_mem>>)
      } else {
      }
      %add3A_343 = arith.constant 1 : i32
      %add3A_344 = arith.addi %add3A_147, %add3A_343 : i32
      %broadcast_in_dim3A_345 = arith.constant 0.000000e+00 : f32
      %broadcast_in_dim3A_346 = vector.broadcast %broadcast_in_dim3A_345 : f32 to vector<16xf32>
      %scan3A_347 = arith.constant 0.000000e+00 : f32
      %scan3A_348 = arith.constant 0 : i32
      %scan3A_349 = arith.constant 25 : i32
      %scan3A_350 = arith.addi %scan3A_348, %scan3A_349 : i32
      %scan3A_351 = arith.constant 1 : i32
      %scan3A_352:5 = scf.for %scan3A_371 = %scan3A_348 to %scan3A_350 step %scan3A_351 iter_args(%scan3A_372 = %broadcast_in_dim3A_346, %scan3A_373 = %broadcast_in_dim3A_346, %scan3A_374 = %broadcast_in_dim3A_346, %scan3A_375 = %broadcast_in_dim3A_346, %scan3A_376 = %scan3A_347) -> (vector<16xf32>, vector<16xf32>, vector<16xf32>, vector<16xf32>, f32)  : i32 {
        %mul3A_377 = arith.constant 16 : i32
        %mul3A_378 = arith.muli %scan3A_371, %mul3A_377 : i32
        %add3A_379 = arith.constant 0 : i32
        %add3A_380 = arith.addi %mul3A_378, %add3A_379 : i32
        %get3A = arith.index_cast %add3A_380 : i32 to index
        %get3A_381 = arith.constant 0 : index
        %get3A_382 = tpu.vector_load %arg10[%get3A, %get3A_381] {strides = array<i32>} : memref<400x64xf32, #tpu.memory_space<vmem>>, vector<16xf32>,
        %get3A_383 = arith.index_cast %add3A_380 : i32 to index
        %get3A_384 = arith.constant 16 : index
        %get3A_385 = tpu.vector_load %arg10[%get3A_383, %get3A_384] {strides = array<i32>} : memref<400x64xf32, #tpu.memory_space<vmem>>, vector<16xf32>,
        %get3A_386 = arith.index_cast %add3A_380 : i32 to index
        %get3A_387 = arith.constant 32 : index
        %get3A_388 = tpu.vector_load %arg10[%get3A_386, %get3A_387] {strides = array<i32>} : memref<400x64xf32, #tpu.memory_space<vmem>>, vector<16xf32>,
        %get3A_389 = arith.index_cast %add3A_380 : i32 to index
        %get3A_390 = arith.constant 48 : index
        %get3A_391 = tpu.vector_load %arg10[%get3A_389, %get3A_390] {strides = array<i32>} : memref<400x64xf32, #tpu.memory_space<vmem>>, vector<16xf32>,
        %mul3A_392 = arith.mulf %get3A_382, %get3A_382 : vector<16xf32>
        %mul3A_393 = arith.mulf %get3A_385, %get3A_385 : vector<16xf32>
        %add3A_394 = arith.addf %mul3A_392, %mul3A_393 : vector<16xf32>
        %mul3A_395 = arith.mulf %get3A_388, %get3A_388 : vector<16xf32>
        %add3A_396 = arith.addf %add3A_394, %mul3A_395 : vector<16xf32>
        %mul3A_397 = arith.mulf %get3A_391, %get3A_391 : vector<16xf32>
        %add3A_398 = arith.addf %add3A_396, %mul3A_397 : vector<16xf32>
        %reduce_sum3A = arith.constant true
        %reduce_sum3A_399 = vector.broadcast %reduce_sum3A : i1 to vector<16xi1>
        %reduce_sum3A_400 = tpu.scan <sum>, %add3A_398 masked %reduce_sum3A_399 : vector<16xf32>, vector<16xi1> -> vector<16xf32>
        %reduce_sum3A_401 = vector.extract %reduce_sum3A_400[15] : f32 from vector<16xf32>
        %add3A_402 = arith.constant 1.000000e+00 : f32
        %add3A_403 = arith.addf %add3A_402, %reduce_sum3A_401 : f32
        %sub3A = arith.constant 1.000000e+00 : f32
        %sub3A_404 = arith.subf %sub3A, %reduce_sum3A_401 : f32
        %abs3A = math.absf %sub3A_404 : f32
        %max3A = arith.constant 1.000000e-30 : f32
        %max3A_405 = arith.maximumf %abs3A, %max3A : f32
        %mul3A_406 = arith.mulf %add3A_403, %max3A_405 : f32
        %bitcast_convert_type3A = arith.bitcast %mul3A_406 : f32 to i32
        %sub3A_407 = arith.constant 2129859011 : i32
        %sub3A_408 = arith.subi %sub3A_407, %bitcast_convert_type3A : i32
        %bitcast_convert_type3A_409 = arith.bitcast %sub3A_408 : i32 to f32
        %mul3A_410 = arith.mulf %mul3A_406, %bitcast_convert_type3A_409 : f32
        %sub3A_411 = arith.constant 2.000000e+00 : f32
        %sub3A_412 = arith.subf %sub3A_411, %mul3A_410 : f32
        %mul3A_413 = arith.mulf %bitcast_convert_type3A_409, %sub3A_412 : f32
        %mul3A_414 = arith.mulf %mul3A_406, %mul3A_413 : f32
        %sub3A_415 = arith.constant 2.000000e+00 : f32
        %sub3A_416 = arith.subf %sub3A_415, %mul3A_414 : f32
        %mul3A_417 = arith.mulf %mul3A_413, %sub3A_416 : f32
        %mul3A_418 = arith.mulf %mul3A_406, %mul3A_417 : f32
        %sub3A_419 = arith.constant 2.000000e+00 : f32
        %sub3A_420 = arith.subf %sub3A_419, %mul3A_418 : f32
        %mul3A_421 = arith.mulf %mul3A_417, %sub3A_420 : f32
        %mul3A_422 = arith.mulf %add3A_403, %add3A_403 : f32
        %mul3A_423 = arith.mulf %mul3A_422, %mul3A_421 : f32
        %min3A = arith.constant 1.000000e+03 : f32
        %min3A_424 = arith.minimumf %mul3A_423, %min3A : f32
        %add3A_425 = arith.addf %scan3A_376, %min3A_424 : f32
        %mul3A_426 = arith.constant 2.000000e+00 : f32
        %mul3A_427 = arith.mulf %mul3A_426, %min3A_424 : f32
        %mul3A_428 = arith.mulf %max3A_405, %mul3A_421 : f32
        %mul3A_429 = arith.mulf %mul3A_427, %mul3A_428 : f32
        %broadcast_in_dim3A_430 = vector.broadcast %mul3A_429 : f32 to vector<16xf32>
        %mul3A_431 = arith.mulf %broadcast_in_dim3A_430, %get3A_382 : vector<16xf32>
        %add3A_432 = arith.addf %scan3A_372, %mul3A_431 : vector<16xf32>
        %mul3A_433 = arith.mulf %broadcast_in_dim3A_430, %get3A_385 : vector<16xf32>
        %add3A_434 = arith.addf %scan3A_373, %mul3A_433 : vector<16xf32>
        %mul3A_435 = arith.mulf %broadcast_in_dim3A_430, %get3A_388 : vector<16xf32>
        %add3A_436 = arith.addf %scan3A_374, %mul3A_435 : vector<16xf32>
        %mul3A_437 = arith.mulf %broadcast_in_dim3A_430, %get3A_391 : vector<16xf32>
        %add3A_438 = arith.addf %scan3A_375, %mul3A_437 : vector<16xf32>
        %mul3A_439 = arith.constant 16 : i32
        %mul3A_440 = arith.muli %scan3A_371, %mul3A_439 : i32
        %add3A_441 = arith.constant 1 : i32
        %add3A_442 = arith.addi %mul3A_440, %add3A_441 : i32
        %get3A_443 = arith.index_cast %add3A_442 : i32 to index
        %get3A_444 = arith.constant 0 : index
        %get3A_445 = tpu.vector_load %arg10[%get3A_443, %get3A_444] {strides = array<i32>} : memref<400x64xf32, #tpu.memory_space<vmem>>, vector<16xf32>,
        %get3A_446 = arith.index_cast %add3A_442 : i32 to index
        %get3A_447 = arith.constant 16 : index
        %get3A_448 = tpu.vector_load %arg10[%get3A_446, %get3A_447] {strides = array<i32>} : memref<400x64xf32, #tpu.memory_space<vmem>>, vector<16xf32>,
        %get3A_449 = arith.index_cast %add3A_442 : i32 to index
        %get3A_450 = arith.constant 32 : index
        %get3A_451 = tpu.vector_load %arg10[%get3A_449, %get3A_450] {strides = array<i32>} : memref<400x64xf32, #tpu.memory_space<vmem>>, vector<16xf32>,
        %get3A_452 = arith.index_cast %add3A_442 : i32 to index
        %get3A_453 = arith.constant 48 : index
        %get3A_454 = tpu.vector_load %arg10[%get3A_452, %get3A_453] {strides = array<i32>} : memref<400x64xf32, #tpu.memory_space<vmem>>, vector<16xf32>,
        %mul3A_455 = arith.mulf %get3A_445, %get3A_445 : vector<16xf32>
        %mul3A_456 = arith.mulf %get3A_448, %get3A_448 : vector<16xf32>
        %add3A_457 = arith.addf %mul3A_455, %mul3A_456 : vector<16xf32>
        %mul3A_458 = arith.mulf %get3A_451, %get3A_451 : vector<16xf32>
        %add3A_459 = arith.addf %add3A_457, %mul3A_458 : vector<16xf32>
        %mul3A_460 = arith.mulf %get3A_454, %get3A_454 : vector<16xf32>
        %add3A_461 = arith.addf %add3A_459, %mul3A_460 : vector<16xf32>
        %reduce_sum3A_462 = arith.constant true
        %reduce_sum3A_463 = vector.broadcast %reduce_sum3A_462 : i1 to vector<16xi1>
        %reduce_sum3A_464 = tpu.scan <sum>, %add3A_461 masked %reduce_sum3A_463 : vector<16xf32>, vector<16xi1> -> vector<16xf32>
        %reduce_sum3A_465 = vector.extract %reduce_sum3A_464[15] : f32 from vector<16xf32>
        %add3A_466 = arith.constant 1.000000e+00 : f32
        %add3A_467 = arith.addf %add3A_466, %reduce_sum3A_465 : f32
        %sub3A_468 = arith.constant 1.000000e+00 : f32
        %sub3A_469 = arith.subf %sub3A_468, %reduce_sum3A_465 : f32
        %abs3A_470 = math.absf %sub3A_469 : f32
        %max3A_471 = arith.constant 1.000000e-30 : f32
        %max3A_472 = arith.maximumf %abs3A_470, %max3A_471 : f32
        %mul3A_473 = arith.mulf %add3A_467, %max3A_472 : f32
        %bitcast_convert_type3A_474 = arith.bitcast %mul3A_473 : f32 to i32
        %sub3A_475 = arith.constant 2129859011 : i32
        %sub3A_476 = arith.subi %sub3A_475, %bitcast_convert_type3A_474 : i32
        %bitcast_convert_type3A_477 = arith.bitcast %sub3A_476 : i32 to f32
        %mul3A_478 = arith.mulf %mul3A_473, %bitcast_convert_type3A_477 : f32
        %sub3A_479 = arith.constant 2.000000e+00 : f32
        %sub3A_480 = arith.subf %sub3A_479, %mul3A_478 : f32
        %mul3A_481 = arith.mulf %bitcast_convert_type3A_477, %sub3A_480 : f32
        %mul3A_482 = arith.mulf %mul3A_473, %mul3A_481 : f32
        %sub3A_483 = arith.constant 2.000000e+00 : f32
        %sub3A_484 = arith.subf %sub3A_483, %mul3A_482 : f32
        %mul3A_485 = arith.mulf %mul3A_481, %sub3A_484 : f32
        %mul3A_486 = arith.mulf %mul3A_473, %mul3A_485 : f32
        %sub3A_487 = arith.constant 2.000000e+00 : f32
        %sub3A_488 = arith.subf %sub3A_487, %mul3A_486 : f32
        %mul3A_489 = arith.mulf %mul3A_485, %sub3A_488 : f32
        %mul3A_490 = arith.mulf %add3A_467, %add3A_467 : f32
        %mul3A_491 = arith.mulf %mul3A_490, %mul3A_489 : f32
        %min3A_492 = arith.constant 1.000000e+03 : f32
        %min3A_493 = arith.minimumf %mul3A_491, %min3A_492 : f32
        %add3A_494 = arith.addf %add3A_425, %min3A_493 : f32
        %mul3A_495 = arith.constant 2.000000e+00 : f32
        %mul3A_496 = arith.mulf %mul3A_495, %min3A_493 : f32
        %mul3A_497 = arith.mulf %max3A_472, %mul3A_489 : f32
        %mul3A_498 = arith.mulf %mul3A_496, %mul3A_497 : f32
        %broadcast_in_dim3A_499 = vector.broadcast %mul3A_498 : f32 to vector<16xf32>
        %mul3A_500 = arith.mulf %broadcast_in_dim3A_499, %get3A_445 : vector<16xf32>
        %add3A_501 = arith.addf %add3A_432, %mul3A_500 : vector<16xf32>
        %mul3A_502 = arith.mulf %broadcast_in_dim3A_499, %get3A_448 : vector<16xf32>
        %add3A_503 = arith.addf %add3A_434, %mul3A_502 : vector<16xf32>
        %mul3A_504 = arith.mulf %broadcast_in_dim3A_499, %get3A_451 : vector<16xf32>
        %add3A_505 = arith.addf %add3A_436, %mul3A_504 : vector<16xf32>
        %mul3A_506 = arith.mulf %broadcast_in_dim3A_499, %get3A_454 : vector<16xf32>
        %add3A_507 = arith.addf %add3A_438, %mul3A_506 : vector<16xf32>
        %mul3A_508 = arith.constant 16 : i32
        %mul3A_509 = arith.muli %scan3A_371, %mul3A_508 : i32
        %add3A_510 = arith.constant 2 : i32
        %add3A_511 = arith.addi %mul3A_509, %add3A_510 : i32
        %get3A_512 = arith.index_cast %add3A_511 : i32 to index
        %get3A_513 = arith.constant 0 : index
        %get3A_514 = tpu.vector_load %arg10[%get3A_512, %get3A_513] {strides = array<i32>} : memref<400x64xf32, #tpu.memory_space<vmem>>, vector<16xf32>,
        %get3A_515 = arith.index_cast %add3A_511 : i32 to index
        %get3A_516 = arith.constant 16 : index
        %get3A_517 = tpu.vector_load %arg10[%get3A_515, %get3A_516] {strides = array<i32>} : memref<400x64xf32, #tpu.memory_space<vmem>>, vector<16xf32>,
        %get3A_518 = arith.index_cast %add3A_511 : i32 to index
        %get3A_519 = arith.constant 32 : index
        %get3A_520 = tpu.vector_load %arg10[%get3A_518, %get3A_519] {strides = array<i32>} : memref<400x64xf32, #tpu.memory_space<vmem>>, vector<16xf32>,
        %get3A_521 = arith.index_cast %add3A_511 : i32 to index
        %get3A_522 = arith.constant 48 : index
        %get3A_523 = tpu.vector_load %arg10[%get3A_521, %get3A_522] {strides = array<i32>} : memref<400x64xf32, #tpu.memory_space<vmem>>, vector<16xf32>,
        %mul3A_524 = arith.mulf %get3A_514, %get3A_514 : vector<16xf32>
        %mul3A_525 = arith.mulf %get3A_517, %get3A_517 : vector<16xf32>
        %add3A_526 = arith.addf %mul3A_524, %mul3A_525 : vector<16xf32>
        %mul3A_527 = arith.mulf %get3A_520, %get3A_520 : vector<16xf32>
        %add3A_528 = arith.addf %add3A_526, %mul3A_527 : vector<16xf32>
        %mul3A_529 = arith.mulf %get3A_523, %get3A_523 : vector<16xf32>
        %add3A_530 = arith.addf %add3A_528, %mul3A_529 : vector<16xf32>
        %reduce_sum3A_531 = arith.constant true
        %reduce_sum3A_532 = vector.broadcast %reduce_sum3A_531 : i1 to vector<16xi1>
        %reduce_sum3A_533 = tpu.scan <sum>, %add3A_530 masked %reduce_sum3A_532 : vector<16xf32>, vector<16xi1> -> vector<16xf32>
        %reduce_sum3A_534 = vector.extract %reduce_sum3A_533[15] : f32 from vector<16xf32>
        %add3A_535 = arith.constant 1.000000e+00 : f32
        %add3A_536 = arith.addf %add3A_535, %reduce_sum3A_534 : f32
        %sub3A_537 = arith.constant 1.000000e+00 : f32
        %sub3A_538 = arith.subf %sub3A_537, %reduce_sum3A_534 : f32
        %abs3A_539 = math.absf %sub3A_538 : f32
        %max3A_540 = arith.constant 1.000000e-30 : f32
        %max3A_541 = arith.maximumf %abs3A_539, %max3A_540 : f32
        %mul3A_542 = arith.mulf %add3A_536, %max3A_541 : f32
        %bitcast_convert_type3A_543 = arith.bitcast %mul3A_542 : f32 to i32
        %sub3A_544 = arith.constant 2129859011 : i32
        %sub3A_545 = arith.subi %sub3A_544, %bitcast_convert_type3A_543 : i32
        %bitcast_convert_type3A_546 = arith.bitcast %sub3A_545 : i32 to f32
        %mul3A_547 = arith.mulf %mul3A_542, %bitcast_convert_type3A_546 : f32
        %sub3A_548 = arith.constant 2.000000e+00 : f32
        %sub3A_549 = arith.subf %sub3A_548, %mul3A_547 : f32
        %mul3A_550 = arith.mulf %bitcast_convert_type3A_546, %sub3A_549 : f32
        %mul3A_551 = arith.mulf %mul3A_542, %mul3A_550 : f32
        %sub3A_552 = arith.constant 2.000000e+00 : f32
        %sub3A_553 = arith.subf %sub3A_552, %mul3A_551 : f32
        %mul3A_554 = arith.mulf %mul3A_550, %sub3A_553 : f32
        %mul3A_555 = arith.mulf %mul3A_542, %mul3A_554 : f32
        %sub3A_556 = arith.constant 2.000000e+00 : f32
        %sub3A_557 = arith.subf %sub3A_556, %mul3A_555 : f32
        %mul3A_558 = arith.mulf %mul3A_554, %sub3A_557 : f32
        %mul3A_559 = arith.mulf %add3A_536, %add3A_536 : f32
        %mul3A_560 = arith.mulf %mul3A_559, %mul3A_558 : f32
        %min3A_561 = arith.constant 1.000000e+03 : f32
        %min3A_562 = arith.minimumf %mul3A_560, %min3A_561 : f32
        %add3A_563 = arith.addf %add3A_494, %min3A_562 : f32
        %mul3A_564 = arith.constant 2.000000e+00 : f32
        %mul3A_565 = arith.mulf %mul3A_564, %min3A_562 : f32
        %mul3A_566 = arith.mulf %max3A_541, %mul3A_558 : f32
        %mul3A_567 = arith.mulf %mul3A_565, %mul3A_566 : f32
        %broadcast_in_dim3A_568 = vector.broadcast %mul3A_567 : f32 to vector<16xf32>
        %mul3A_569 = arith.mulf %broadcast_in_dim3A_568, %get3A_514 : vector<16xf32>
        %add3A_570 = arith.addf %add3A_501, %mul3A_569 : vector<16xf32>
        %mul3A_571 = arith.mulf %broadcast_in_dim3A_568, %get3A_517 : vector<16xf32>
        %add3A_572 = arith.addf %add3A_503, %mul3A_571 : vector<16xf32>
        %mul3A_573 = arith.mulf %broadcast_in_dim3A_568, %get3A_520 : vector<16xf32>
        %add3A_574 = arith.addf %add3A_505, %mul3A_573 : vector<16xf32>
        %mul3A_575 = arith.mulf %broadcast_in_dim3A_568, %get3A_523 : vector<16xf32>
        %add3A_576 = arith.addf %add3A_507, %mul3A_575 : vector<16xf32>
        %mul3A_577 = arith.constant 16 : i32
        %mul3A_578 = arith.muli %scan3A_371, %mul3A_577 : i32
        %add3A_579 = arith.constant 3 : i32
        %add3A_580 = arith.addi %mul3A_578, %add3A_579 : i32
        %get3A_581 = arith.index_cast %add3A_580 : i32 to index
        %get3A_582 = arith.constant 0 : index
        %get3A_583 = tpu.vector_load %arg10[%get3A_581, %get3A_582] {strides = array<i32>} : memref<400x64xf32, #tpu.memory_space<vmem>>, vector<16xf32>,
        %get3A_584 = arith.index_cast %add3A_580 : i32 to index
        %get3A_585 = arith.constant 16 : index
        %get3A_586 = tpu.vector_load %arg10[%get3A_584, %get3A_585] {strides = array<i32>} : memref<400x64xf32, #tpu.memory_space<vmem>>, vector<16xf32>,
        %get3A_587 = arith.index_cast %add3A_580 : i32 to index
        %get3A_588 = arith.constant 32 : index
        %get3A_589 = tpu.vector_load %arg10[%get3A_587, %get3A_588] {strides = array<i32>} : memref<400x64xf32, #tpu.memory_space<vmem>>, vector<16xf32>,
        %get3A_590 = arith.index_cast %add3A_580 : i32 to index
        %get3A_591 = arith.constant 48 : index
        %get3A_592 = tpu.vector_load %arg10[%get3A_590, %get3A_591] {strides = array<i32>} : memref<400x64xf32, #tpu.memory_space<vmem>>, vector<16xf32>,
        %mul3A_593 = arith.mulf %get3A_583, %get3A_583 : vector<16xf32>
        %mul3A_594 = arith.mulf %get3A_586, %get3A_586 : vector<16xf32>
        %add3A_595 = arith.addf %mul3A_593, %mul3A_594 : vector<16xf32>
        %mul3A_596 = arith.mulf %get3A_589, %get3A_589 : vector<16xf32>
        %add3A_597 = arith.addf %add3A_595, %mul3A_596 : vector<16xf32>
        %mul3A_598 = arith.mulf %get3A_592, %get3A_592 : vector<16xf32>
        %add3A_599 = arith.addf %add3A_597, %mul3A_598 : vector<16xf32>
        %reduce_sum3A_600 = arith.constant true
        %reduce_sum3A_601 = vector.broadcast %reduce_sum3A_600 : i1 to vector<16xi1>
        %reduce_sum3A_602 = tpu.scan <sum>, %add3A_599 masked %reduce_sum3A_601 : vector<16xf32>, vector<16xi1> -> vector<16xf32>
        %reduce_sum3A_603 = vector.extract %reduce_sum3A_602[15] : f32 from vector<16xf32>
        %add3A_604 = arith.constant 1.000000e+00 : f32
        %add3A_605 = arith.addf %add3A_604, %reduce_sum3A_603 : f32
        %sub3A_606 = arith.constant 1.000000e+00 : f32
        %sub3A_607 = arith.subf %sub3A_606, %reduce_sum3A_603 : f32
        %abs3A_608 = math.absf %sub3A_607 : f32
        %max3A_609 = arith.constant 1.000000e-30 : f32
        %max3A_610 = arith.maximumf %abs3A_608, %max3A_609 : f32
        %mul3A_611 = arith.mulf %add3A_605, %max3A_610 : f32
        %bitcast_convert_type3A_612 = arith.bitcast %mul3A_611 : f32 to i32
        %sub3A_613 = arith.constant 2129859011 : i32
        %sub3A_614 = arith.subi %sub3A_613, %bitcast_convert_type3A_612 : i32
        %bitcast_convert_type3A_615 = arith.bitcast %sub3A_614 : i32 to f32
        %mul3A_616 = arith.mulf %mul3A_611, %bitcast_convert_type3A_615 : f32
        %sub3A_617 = arith.constant 2.000000e+00 : f32
        %sub3A_618 = arith.subf %sub3A_617, %mul3A_616 : f32
        %mul3A_619 = arith.mulf %bitcast_convert_type3A_615, %sub3A_618 : f32
        %mul3A_620 = arith.mulf %mul3A_611, %mul3A_619 : f32
        %sub3A_621 = arith.constant 2.000000e+00 : f32
        %sub3A_622 = arith.subf %sub3A_621, %mul3A_620 : f32
        %mul3A_623 = arith.mulf %mul3A_619, %sub3A_622 : f32
        %mul3A_624 = arith.mulf %mul3A_611, %mul3A_623 : f32
        %sub3A_625 = arith.constant 2.000000e+00 : f32
        %sub3A_626 = arith.subf %sub3A_625, %mul3A_624 : f32
        %mul3A_627 = arith.mulf %mul3A_623, %sub3A_626 : f32
        %mul3A_628 = arith.mulf %add3A_605, %add3A_605 : f32
        %mul3A_629 = arith.mulf %mul3A_628, %mul3A_627 : f32
        %min3A_630 = arith.constant 1.000000e+03 : f32
        %min3A_631 = arith.minimumf %mul3A_629, %min3A_630 : f32
        %add3A_632 = arith.addf %add3A_563, %min3A_631 : f32
        %mul3A_633 = arith.constant 2.000000e+00 : f32
        %mul3A_634 = arith.mulf %mul3A_633, %min3A_631 : f32
        %mul3A_635 = arith.mulf %max3A_610, %mul3A_627 : f32
        %mul3A_636 = arith.mulf %mul3A_634, %mul3A_635 : f32
        %broadcast_in_dim3A_637 = vector.broadcast %mul3A_636 : f32 to vector<16xf32>
        %mul3A_638 = arith.mulf %broadcast_in_dim3A_637, %get3A_583 : vector<16xf32>
        %add3A_639 = arith.addf %add3A_570, %mul3A_638 : vector<16xf32>
        %mul3A_640 = arith.mulf %broadcast_in_dim3A_637, %get3A_586 : vector<16xf32>
        %add3A_641 = arith.addf %add3A_572, %mul3A_640 : vector<16xf32>
        %mul3A_642 = arith.mulf %broadcast_in_dim3A_637, %get3A_589 : vector<16xf32>
        %add3A_643 = arith.addf %add3A_574, %mul3A_642 : vector<16xf32>
        %mul3A_644 = arith.mulf %broadcast_in_dim3A_637, %get3A_592 : vector<16xf32>
        %add3A_645 = arith.addf %add3A_576, %mul3A_644 : vector<16xf32>
        %mul3A_646 = arith.constant 16 : i32
        %mul3A_647 = arith.muli %scan3A_371, %mul3A_646 : i32
        %add3A_648 = arith.constant 4 : i32
        %add3A_649 = arith.addi %mul3A_647, %add3A_648 : i32
        %get3A_650 = arith.index_cast %add3A_649 : i32 to index
        %get3A_651 = arith.constant 0 : index
        %get3A_652 = tpu.vector_load %arg10[%get3A_650, %get3A_651] {strides = array<i32>} : memref<400x64xf32, #tpu.memory_space<vmem>>, vector<16xf32>,
        %get3A_653 = arith.index_cast %add3A_649 : i32 to index
        %get3A_654 = arith.constant 16 : index
        %get3A_655 = tpu.vector_load %arg10[%get3A_653, %get3A_654] {strides = array<i32>} : memref<400x64xf32, #tpu.memory_space<vmem>>, vector<16xf32>,
        %get3A_656 = arith.index_cast %add3A_649 : i32 to index
        %get3A_657 = arith.constant 32 : index
        %get3A_658 = tpu.vector_load %arg10[%get3A_656, %get3A_657] {strides = array<i32>} : memref<400x64xf32, #tpu.memory_space<vmem>>, vector<16xf32>,
        %get3A_659 = arith.index_cast %add3A_649 : i32 to index
        %get3A_660 = arith.constant 48 : index
        %get3A_661 = tpu.vector_load %arg10[%get3A_659, %get3A_660] {strides = array<i32>} : memref<400x64xf32, #tpu.memory_space<vmem>>, vector<16xf32>,
        %mul3A_662 = arith.mulf %get3A_652, %get3A_652 : vector<16xf32>
        %mul3A_663 = arith.mulf %get3A_655, %get3A_655 : vector<16xf32>
        %add3A_664 = arith.addf %mul3A_662, %mul3A_663 : vector<16xf32>
        %mul3A_665 = arith.mulf %get3A_658, %get3A_658 : vector<16xf32>
        %add3A_666 = arith.addf %add3A_664, %mul3A_665 : vector<16xf32>
        %mul3A_667 = arith.mulf %get3A_661, %get3A_661 : vector<16xf32>
        %add3A_668 = arith.addf %add3A_666, %mul3A_667 : vector<16xf32>
        %reduce_sum3A_669 = arith.constant true
        %reduce_sum3A_670 = vector.broadcast %reduce_sum3A_669 : i1 to vector<16xi1>
        %reduce_sum3A_671 = tpu.scan <sum>, %add3A_668 masked %reduce_sum3A_670 : vector<16xf32>, vector<16xi1> -> vector<16xf32>
        %reduce_sum3A_672 = vector.extract %reduce_sum3A_671[15] : f32 from vector<16xf32>
        %add3A_673 = arith.constant 1.000000e+00 : f32
        %add3A_674 = arith.addf %add3A_673, %reduce_sum3A_672 : f32
        %sub3A_675 = arith.constant 1.000000e+00 : f32
        %sub3A_676 = arith.subf %sub3A_675, %reduce_sum3A_672 : f32
        %abs3A_677 = math.absf %sub3A_676 : f32
        %max3A_678 = arith.constant 1.000000e-30 : f32
        %max3A_679 = arith.maximumf %abs3A_677, %max3A_678 : f32
        %mul3A_680 = arith.mulf %add3A_674, %max3A_679 : f32
        %bitcast_convert_type3A_681 = arith.bitcast %mul3A_680 : f32 to i32
        %sub3A_682 = arith.constant 2129859011 : i32
        %sub3A_683 = arith.subi %sub3A_682, %bitcast_convert_type3A_681 : i32
        %bitcast_convert_type3A_684 = arith.bitcast %sub3A_683 : i32 to f32
        %mul3A_685 = arith.mulf %mul3A_680, %bitcast_convert_type3A_684 : f32
        %sub3A_686 = arith.constant 2.000000e+00 : f32
        %sub3A_687 = arith.subf %sub3A_686, %mul3A_685 : f32
        %mul3A_688 = arith.mulf %bitcast_convert_type3A_684, %sub3A_687 : f32
        %mul3A_689 = arith.mulf %mul3A_680, %mul3A_688 : f32
        %sub3A_690 = arith.constant 2.000000e+00 : f32
        %sub3A_691 = arith.subf %sub3A_690, %mul3A_689 : f32
        %mul3A_692 = arith.mulf %mul3A_688, %sub3A_691 : f32
        %mul3A_693 = arith.mulf %mul3A_680, %mul3A_692 : f32
        %sub3A_694 = arith.constant 2.000000e+00 : f32
        %sub3A_695 = arith.subf %sub3A_694, %mul3A_693 : f32
        %mul3A_696 = arith.mulf %mul3A_692, %sub3A_695 : f32
        %mul3A_697 = arith.mulf %add3A_674, %add3A_674 : f32
        %mul3A_698 = arith.mulf %mul3A_697, %mul3A_696 : f32
        %min3A_699 = arith.constant 1.000000e+03 : f32
        %min3A_700 = arith.minimumf %mul3A_698, %min3A_699 : f32
        %add3A_701 = arith.addf %add3A_632, %min3A_700 : f32
        %mul3A_702 = arith.constant 2.000000e+00 : f32
        %mul3A_703 = arith.mulf %mul3A_702, %min3A_700 : f32
        %mul3A_704 = arith.mulf %max3A_679, %mul3A_696 : f32
        %mul3A_705 = arith.mulf %mul3A_703, %mul3A_704 : f32
        %broadcast_in_dim3A_706 = vector.broadcast %mul3A_705 : f32 to vector<16xf32>
        %mul3A_707 = arith.mulf %broadcast_in_dim3A_706, %get3A_652 : vector<16xf32>
        %add3A_708 = arith.addf %add3A_639, %mul3A_707 : vector<16xf32>
        %mul3A_709 = arith.mulf %broadcast_in_dim3A_706, %get3A_655 : vector<16xf32>
        %add3A_710 = arith.addf %add3A_641, %mul3A_709 : vector<16xf32>
        %mul3A_711 = arith.mulf %broadcast_in_dim3A_706, %get3A_658 : vector<16xf32>
        %add3A_712 = arith.addf %add3A_643, %mul3A_711 : vector<16xf32>
        %mul3A_713 = arith.mulf %broadcast_in_dim3A_706, %get3A_661 : vector<16xf32>
        %add3A_714 = arith.addf %add3A_645, %mul3A_713 : vector<16xf32>
        %mul3A_715 = arith.constant 16 : i32
        %mul3A_716 = arith.muli %scan3A_371, %mul3A_715 : i32
        %add3A_717 = arith.constant 5 : i32
        %add3A_718 = arith.addi %mul3A_716, %add3A_717 : i32
        %get3A_719 = arith.index_cast %add3A_718 : i32 to index
        %get3A_720 = arith.constant 0 : index
        %get3A_721 = tpu.vector_load %arg10[%get3A_719, %get3A_720] {strides = array<i32>} : memref<400x64xf32, #tpu.memory_space<vmem>>, vector<16xf32>,
        %get3A_722 = arith.index_cast %add3A_718 : i32 to index
        %get3A_723 = arith.constant 16 : index
        %get3A_724 = tpu.vector_load %arg10[%get3A_722, %get3A_723] {strides = array<i32>} : memref<400x64xf32, #tpu.memory_space<vmem>>, vector<16xf32>,
        %get3A_725 = arith.index_cast %add3A_718 : i32 to index
        %get3A_726 = arith.constant 32 : index
        %get3A_727 = tpu.vector_load %arg10[%get3A_725, %get3A_726] {strides = array<i32>} : memref<400x64xf32, #tpu.memory_space<vmem>>, vector<16xf32>,
        %get3A_728 = arith.index_cast %add3A_718 : i32 to index
        %get3A_729 = arith.constant 48 : index
        %get3A_730 = tpu.vector_load %arg10[%get3A_728, %get3A_729] {strides = array<i32>} : memref<400x64xf32, #tpu.memory_space<vmem>>, vector<16xf32>,
        %mul3A_731 = arith.mulf %get3A_721, %get3A_721 : vector<16xf32>
        %mul3A_732 = arith.mulf %get3A_724, %get3A_724 : vector<16xf32>
        %add3A_733 = arith.addf %mul3A_731, %mul3A_732 : vector<16xf32>
        %mul3A_734 = arith.mulf %get3A_727, %get3A_727 : vector<16xf32>
        %add3A_735 = arith.addf %add3A_733, %mul3A_734 : vector<16xf32>
        %mul3A_736 = arith.mulf %get3A_730, %get3A_730 : vector<16xf32>
        %add3A_737 = arith.addf %add3A_735, %mul3A_736 : vector<16xf32>
        %reduce_sum3A_738 = arith.constant true
        %reduce_sum3A_739 = vector.broadcast %reduce_sum3A_738 : i1 to vector<16xi1>
        %reduce_sum3A_740 = tpu.scan <sum>, %add3A_737 masked %reduce_sum3A_739 : vector<16xf32>, vector<16xi1> -> vector<16xf32>
        %reduce_sum3A_741 = vector.extract %reduce_sum3A_740[15] : f32 from vector<16xf32>
        %add3A_742 = arith.constant 1.000000e+00 : f32
        %add3A_743 = arith.addf %add3A_742, %reduce_sum3A_741 : f32
        %sub3A_744 = arith.constant 1.000000e+00 : f32
        %sub3A_745 = arith.subf %sub3A_744, %reduce_sum3A_741 : f32
        %abs3A_746 = math.absf %sub3A_745 : f32
        %max3A_747 = arith.constant 1.000000e-30 : f32
        %max3A_748 = arith.maximumf %abs3A_746, %max3A_747 : f32
        %mul3A_749 = arith.mulf %add3A_743, %max3A_748 : f32
        %bitcast_convert_type3A_750 = arith.bitcast %mul3A_749 : f32 to i32
        %sub3A_751 = arith.constant 2129859011 : i32
        %sub3A_752 = arith.subi %sub3A_751, %bitcast_convert_type3A_750 : i32
        %bitcast_convert_type3A_753 = arith.bitcast %sub3A_752 : i32 to f32
        %mul3A_754 = arith.mulf %mul3A_749, %bitcast_convert_type3A_753 : f32
        %sub3A_755 = arith.constant 2.000000e+00 : f32
        %sub3A_756 = arith.subf %sub3A_755, %mul3A_754 : f32
        %mul3A_757 = arith.mulf %bitcast_convert_type3A_753, %sub3A_756 : f32
        %mul3A_758 = arith.mulf %mul3A_749, %mul3A_757 : f32
        %sub3A_759 = arith.constant 2.000000e+00 : f32
        %sub3A_760 = arith.subf %sub3A_759, %mul3A_758 : f32
        %mul3A_761 = arith.mulf %mul3A_757, %sub3A_760 : f32
        %mul3A_762 = arith.mulf %mul3A_749, %mul3A_761 : f32
        %sub3A_763 = arith.constant 2.000000e+00 : f32
        %sub3A_764 = arith.subf %sub3A_763, %mul3A_762 : f32
        %mul3A_765 = arith.mulf %mul3A_761, %sub3A_764 : f32
        %mul3A_766 = arith.mulf %add3A_743, %add3A_743 : f32
        %mul3A_767 = arith.mulf %mul3A_766, %mul3A_765 : f32
        %min3A_768 = arith.constant 1.000000e+03 : f32
        %min3A_769 = arith.minimumf %mul3A_767, %min3A_768 : f32
        %add3A_770 = arith.addf %add3A_701, %min3A_769 : f32
        %mul3A_771 = arith.constant 2.000000e+00 : f32
        %mul3A_772 = arith.mulf %mul3A_771, %min3A_769 : f32
        %mul3A_773 = arith.mulf %max3A_748, %mul3A_765 : f32
        %mul3A_774 = arith.mulf %mul3A_772, %mul3A_773 : f32
        %broadcast_in_dim3A_775 = vector.broadcast %mul3A_774 : f32 to vector<16xf32>
        %mul3A_776 = arith.mulf %broadcast_in_dim3A_775, %get3A_721 : vector<16xf32>
        %add3A_777 = arith.addf %add3A_708, %mul3A_776 : vector<16xf32>
        %mul3A_778 = arith.mulf %broadcast_in_dim3A_775, %get3A_724 : vector<16xf32>
        %add3A_779 = arith.addf %add3A_710, %mul3A_778 : vector<16xf32>
        %mul3A_780 = arith.mulf %broadcast_in_dim3A_775, %get3A_727 : vector<16xf32>
        %add3A_781 = arith.addf %add3A_712, %mul3A_780 : vector<16xf32>
        %mul3A_782 = arith.mulf %broadcast_in_dim3A_775, %get3A_730 : vector<16xf32>
        %add3A_783 = arith.addf %add3A_714, %mul3A_782 : vector<16xf32>
        %mul3A_784 = arith.constant 16 : i32
        %mul3A_785 = arith.muli %scan3A_371, %mul3A_784 : i32
        %add3A_786 = arith.constant 6 : i32
        %add3A_787 = arith.addi %mul3A_785, %add3A_786 : i32
        %get3A_788 = arith.index_cast %add3A_787 : i32 to index
        %get3A_789 = arith.constant 0 : index
        %get3A_790 = tpu.vector_load %arg10[%get3A_788, %get3A_789] {strides = array<i32>} : memref<400x64xf32, #tpu.memory_space<vmem>>, vector<16xf32>,
        %get3A_791 = arith.index_cast %add3A_787 : i32 to index
        %get3A_792 = arith.constant 16 : index
        %get3A_793 = tpu.vector_load %arg10[%get3A_791, %get3A_792] {strides = array<i32>} : memref<400x64xf32, #tpu.memory_space<vmem>>, vector<16xf32>,
        %get3A_794 = arith.index_cast %add3A_787 : i32 to index
        %get3A_795 = arith.constant 32 : index
        %get3A_796 = tpu.vector_load %arg10[%get3A_794, %get3A_795] {strides = array<i32>} : memref<400x64xf32, #tpu.memory_space<vmem>>, vector<16xf32>,
        %get3A_797 = arith.index_cast %add3A_787 : i32 to index
        %get3A_798 = arith.constant 48 : index
        %get3A_799 = tpu.vector_load %arg10[%get3A_797, %get3A_798] {strides = array<i32>} : memref<400x64xf32, #tpu.memory_space<vmem>>, vector<16xf32>,
        %mul3A_800 = arith.mulf %get3A_790, %get3A_790 : vector<16xf32>
        %mul3A_801 = arith.mulf %get3A_793, %get3A_793 : vector<16xf32>
        %add3A_802 = arith.addf %mul3A_800, %mul3A_801 : vector<16xf32>
        %mul3A_803 = arith.mulf %get3A_796, %get3A_796 : vector<16xf32>
        %add3A_804 = arith.addf %add3A_802, %mul3A_803 : vector<16xf32>
        %mul3A_805 = arith.mulf %get3A_799, %get3A_799 : vector<16xf32>
        %add3A_806 = arith.addf %add3A_804, %mul3A_805 : vector<16xf32>
        %reduce_sum3A_807 = arith.constant true
        %reduce_sum3A_808 = vector.broadcast %reduce_sum3A_807 : i1 to vector<16xi1>
        %reduce_sum3A_809 = tpu.scan <sum>, %add3A_806 masked %reduce_sum3A_808 : vector<16xf32>, vector<16xi1> -> vector<16xf32>
        %reduce_sum3A_810 = vector.extract %reduce_sum3A_809[15] : f32 from vector<16xf32>
        %add3A_811 = arith.constant 1.000000e+00 : f32
        %add3A_812 = arith.addf %add3A_811, %reduce_sum3A_810 : f32
        %sub3A_813 = arith.constant 1.000000e+00 : f32
        %sub3A_814 = arith.subf %sub3A_813, %reduce_sum3A_810 : f32
        %abs3A_815 = math.absf %sub3A_814 : f32
        %max3A_816 = arith.constant 1.000000e-30 : f32
        %max3A_817 = arith.maximumf %abs3A_815, %max3A_816 : f32
        %mul3A_818 = arith.mulf %add3A_812, %max3A_817 : f32
        %bitcast_convert_type3A_819 = arith.bitcast %mul3A_818 : f32 to i32
        %sub3A_820 = arith.constant 2129859011 : i32
        %sub3A_821 = arith.subi %sub3A_820, %bitcast_convert_type3A_819 : i32
        %bitcast_convert_type3A_822 = arith.bitcast %sub3A_821 : i32 to f32
        %mul3A_823 = arith.mulf %mul3A_818, %bitcast_convert_type3A_822 : f32
        %sub3A_824 = arith.constant 2.000000e+00 : f32
        %sub3A_825 = arith.subf %sub3A_824, %mul3A_823 : f32
        %mul3A_826 = arith.mulf %bitcast_convert_type3A_822, %sub3A_825 : f32
        %mul3A_827 = arith.mulf %mul3A_818, %mul3A_826 : f32
        %sub3A_828 = arith.constant 2.000000e+00 : f32
        %sub3A_829 = arith.subf %sub3A_828, %mul3A_827 : f32
        %mul3A_830 = arith.mulf %mul3A_826, %sub3A_829 : f32
        %mul3A_831 = arith.mulf %mul3A_818, %mul3A_830 : f32
        %sub3A_832 = arith.constant 2.000000e+00 : f32
        %sub3A_833 = arith.subf %sub3A_832, %mul3A_831 : f32
        %mul3A_834 = arith.mulf %mul3A_830, %sub3A_833 : f32
        %mul3A_835 = arith.mulf %add3A_812, %add3A_812 : f32
        %mul3A_836 = arith.mulf %mul3A_835, %mul3A_834 : f32
        %min3A_837 = arith.constant 1.000000e+03 : f32
        %min3A_838 = arith.minimumf %mul3A_836, %min3A_837 : f32
        %add3A_839 = arith.addf %add3A_770, %min3A_838 : f32
        %mul3A_840 = arith.constant 2.000000e+00 : f32
        %mul3A_841 = arith.mulf %mul3A_840, %min3A_838 : f32
        %mul3A_842 = arith.mulf %max3A_817, %mul3A_834 : f32
        %mul3A_843 = arith.mulf %mul3A_841, %mul3A_842 : f32
        %broadcast_in_dim3A_844 = vector.broadcast %mul3A_843 : f32 to vector<16xf32>
        %mul3A_845 = arith.mulf %broadcast_in_dim3A_844, %get3A_790 : vector<16xf32>
        %add3A_846 = arith.addf %add3A_777, %mul3A_845 : vector<16xf32>
        %mul3A_847 = arith.mulf %broadcast_in_dim3A_844, %get3A_793 : vector<16xf32>
        %add3A_848 = arith.addf %add3A_779, %mul3A_847 : vector<16xf32>
        %mul3A_849 = arith.mulf %broadcast_in_dim3A_844, %get3A_796 : vector<16xf32>
        %add3A_850 = arith.addf %add3A_781, %mul3A_849 : vector<16xf32>
        %mul3A_851 = arith.mulf %broadcast_in_dim3A_844, %get3A_799 : vector<16xf32>
        %add3A_852 = arith.addf %add3A_783, %mul3A_851 : vector<16xf32>
        %mul3A_853 = arith.constant 16 : i32
        %mul3A_854 = arith.muli %scan3A_371, %mul3A_853 : i32
        %add3A_855 = arith.constant 7 : i32
        %add3A_856 = arith.addi %mul3A_854, %add3A_855 : i32
        %get3A_857 = arith.index_cast %add3A_856 : i32 to index
        %get3A_858 = arith.constant 0 : index
        %get3A_859 = tpu.vector_load %arg10[%get3A_857, %get3A_858] {strides = array<i32>} : memref<400x64xf32, #tpu.memory_space<vmem>>, vector<16xf32>,
        %get3A_860 = arith.index_cast %add3A_856 : i32 to index
        %get3A_861 = arith.constant 16 : index
        %get3A_862 = tpu.vector_load %arg10[%get3A_860, %get3A_861] {strides = array<i32>} : memref<400x64xf32, #tpu.memory_space<vmem>>, vector<16xf32>,
        %get3A_863 = arith.index_cast %add3A_856 : i32 to index
        %get3A_864 = arith.constant 32 : index
        %get3A_865 = tpu.vector_load %arg10[%get3A_863, %get3A_864] {strides = array<i32>} : memref<400x64xf32, #tpu.memory_space<vmem>>, vector<16xf32>,
        %get3A_866 = arith.index_cast %add3A_856 : i32 to index
        %get3A_867 = arith.constant 48 : index
        %get3A_868 = tpu.vector_load %arg10[%get3A_866, %get3A_867] {strides = array<i32>} : memref<400x64xf32, #tpu.memory_space<vmem>>, vector<16xf32>,
        %mul3A_869 = arith.mulf %get3A_859, %get3A_859 : vector<16xf32>
        %mul3A_870 = arith.mulf %get3A_862, %get3A_862 : vector<16xf32>
        %add3A_871 = arith.addf %mul3A_869, %mul3A_870 : vector<16xf32>
        %mul3A_872 = arith.mulf %get3A_865, %get3A_865 : vector<16xf32>
        %add3A_873 = arith.addf %add3A_871, %mul3A_872 : vector<16xf32>
        %mul3A_874 = arith.mulf %get3A_868, %get3A_868 : vector<16xf32>
        %add3A_875 = arith.addf %add3A_873, %mul3A_874 : vector<16xf32>
        %reduce_sum3A_876 = arith.constant true
        %reduce_sum3A_877 = vector.broadcast %reduce_sum3A_876 : i1 to vector<16xi1>
        %reduce_sum3A_878 = tpu.scan <sum>, %add3A_875 masked %reduce_sum3A_877 : vector<16xf32>, vector<16xi1> -> vector<16xf32>
        %reduce_sum3A_879 = vector.extract %reduce_sum3A_878[15] : f32 from vector<16xf32>
        %add3A_880 = arith.constant 1.000000e+00 : f32
        %add3A_881 = arith.addf %add3A_880, %reduce_sum3A_879 : f32
        %sub3A_882 = arith.constant 1.000000e+00 : f32
        %sub3A_883 = arith.subf %sub3A_882, %reduce_sum3A_879 : f32
        %abs3A_884 = math.absf %sub3A_883 : f32
        %max3A_885 = arith.constant 1.000000e-30 : f32
        %max3A_886 = arith.maximumf %abs3A_884, %max3A_885 : f32
        %mul3A_887 = arith.mulf %add3A_881, %max3A_886 : f32
        %bitcast_convert_type3A_888 = arith.bitcast %mul3A_887 : f32 to i32
        %sub3A_889 = arith.constant 2129859011 : i32
        %sub3A_890 = arith.subi %sub3A_889, %bitcast_convert_type3A_888 : i32
        %bitcast_convert_type3A_891 = arith.bitcast %sub3A_890 : i32 to f32
        %mul3A_892 = arith.mulf %mul3A_887, %bitcast_convert_type3A_891 : f32
        %sub3A_893 = arith.constant 2.000000e+00 : f32
        %sub3A_894 = arith.subf %sub3A_893, %mul3A_892 : f32
        %mul3A_895 = arith.mulf %bitcast_convert_type3A_891, %sub3A_894 : f32
        %mul3A_896 = arith.mulf %mul3A_887, %mul3A_895 : f32
        %sub3A_897 = arith.constant 2.000000e+00 : f32
        %sub3A_898 = arith.subf %sub3A_897, %mul3A_896 : f32
        %mul3A_899 = arith.mulf %mul3A_895, %sub3A_898 : f32
        %mul3A_900 = arith.mulf %mul3A_887, %mul3A_899 : f32
        %sub3A_901 = arith.constant 2.000000e+00 : f32
        %sub3A_902 = arith.subf %sub3A_901, %mul3A_900 : f32
        %mul3A_903 = arith.mulf %mul3A_899, %sub3A_902 : f32
        %mul3A_904 = arith.mulf %add3A_881, %add3A_881 : f32
        %mul3A_905 = arith.mulf %mul3A_904, %mul3A_903 : f32
        %min3A_906 = arith.constant 1.000000e+03 : f32
        %min3A_907 = arith.minimumf %mul3A_905, %min3A_906 : f32
        %add3A_908 = arith.addf %add3A_839, %min3A_907 : f32
        %mul3A_909 = arith.constant 2.000000e+00 : f32
        %mul3A_910 = arith.mulf %mul3A_909, %min3A_907 : f32
        %mul3A_911 = arith.mulf %max3A_886, %mul3A_903 : f32
        %mul3A_912 = arith.mulf %mul3A_910, %mul3A_911 : f32
        %broadcast_in_dim3A_913 = vector.broadcast %mul3A_912 : f32 to vector<16xf32>
        %mul3A_914 = arith.mulf %broadcast_in_dim3A_913, %get3A_859 : vector<16xf32>
        %add3A_915 = arith.addf %add3A_846, %mul3A_914 : vector<16xf32>
        %mul3A_916 = arith.mulf %broadcast_in_dim3A_913, %get3A_862 : vector<16xf32>
        %add3A_917 = arith.addf %add3A_848, %mul3A_916 : vector<16xf32>
        %mul3A_918 = arith.mulf %broadcast_in_dim3A_913, %get3A_865 : vector<16xf32>
        %add3A_919 = arith.addf %add3A_850, %mul3A_918 : vector<16xf32>
        %mul3A_920 = arith.mulf %broadcast_in_dim3A_913, %get3A_868 : vector<16xf32>
        %add3A_921 = arith.addf %add3A_852, %mul3A_920 : vector<16xf32>
        %mul3A_922 = arith.constant 16 : i32
        %mul3A_923 = arith.muli %scan3A_371, %mul3A_922 : i32
        %add3A_924 = arith.constant 8 : i32
        %add3A_925 = arith.addi %mul3A_923, %add3A_924 : i32
        %get3A_926 = arith.index_cast %add3A_925 : i32 to index
        %get3A_927 = arith.constant 0 : index
        %get3A_928 = tpu.vector_load %arg10[%get3A_926, %get3A_927] {strides = array<i32>} : memref<400x64xf32, #tpu.memory_space<vmem>>, vector<16xf32>,
        %get3A_929 = arith.index_cast %add3A_925 : i32 to index
        %get3A_930 = arith.constant 16 : index
        %get3A_931 = tpu.vector_load %arg10[%get3A_929, %get3A_930] {strides = array<i32>} : memref<400x64xf32, #tpu.memory_space<vmem>>, vector<16xf32>,
        %get3A_932 = arith.index_cast %add3A_925 : i32 to index
        %get3A_933 = arith.constant 32 : index
        %get3A_934 = tpu.vector_load %arg10[%get3A_932, %get3A_933] {strides = array<i32>} : memref<400x64xf32, #tpu.memory_space<vmem>>, vector<16xf32>,
        %get3A_935 = arith.index_cast %add3A_925 : i32 to index
        %get3A_936 = arith.constant 48 : index
        %get3A_937 = tpu.vector_load %arg10[%get3A_935, %get3A_936] {strides = array<i32>} : memref<400x64xf32, #tpu.memory_space<vmem>>, vector<16xf32>,
        %mul3A_938 = arith.mulf %get3A_928, %get3A_928 : vector<16xf32>
        %mul3A_939 = arith.mulf %get3A_931, %get3A_931 : vector<16xf32>
        %add3A_940 = arith.addf %mul3A_938, %mul3A_939 : vector<16xf32>
        %mul3A_941 = arith.mulf %get3A_934, %get3A_934 : vector<16xf32>
        %add3A_942 = arith.addf %add3A_940, %mul3A_941 : vector<16xf32>
        %mul3A_943 = arith.mulf %get3A_937, %get3A_937 : vector<16xf32>
        %add3A_944 = arith.addf %add3A_942, %mul3A_943 : vector<16xf32>
        %reduce_sum3A_945 = arith.constant true
        %reduce_sum3A_946 = vector.broadcast %reduce_sum3A_945 : i1 to vector<16xi1>
        %reduce_sum3A_947 = tpu.scan <sum>, %add3A_944 masked %reduce_sum3A_946 : vector<16xf32>, vector<16xi1> -> vector<16xf32>
        %reduce_sum3A_948 = vector.extract %reduce_sum3A_947[15] : f32 from vector<16xf32>
        %add3A_949 = arith.constant 1.000000e+00 : f32
        %add3A_950 = arith.addf %add3A_949, %reduce_sum3A_948 : f32
        %sub3A_951 = arith.constant 1.000000e+00 : f32
        %sub3A_952 = arith.subf %sub3A_951, %reduce_sum3A_948 : f32
        %abs3A_953 = math.absf %sub3A_952 : f32
        %max3A_954 = arith.constant 1.000000e-30 : f32
        %max3A_955 = arith.maximumf %abs3A_953, %max3A_954 : f32
        %mul3A_956 = arith.mulf %add3A_950, %max3A_955 : f32
        %bitcast_convert_type3A_957 = arith.bitcast %mul3A_956 : f32 to i32
        %sub3A_958 = arith.constant 2129859011 : i32
        %sub3A_959 = arith.subi %sub3A_958, %bitcast_convert_type3A_957 : i32
        %bitcast_convert_type3A_960 = arith.bitcast %sub3A_959 : i32 to f32
        %mul3A_961 = arith.mulf %mul3A_956, %bitcast_convert_type3A_960 : f32
        %sub3A_962 = arith.constant 2.000000e+00 : f32
        %sub3A_963 = arith.subf %sub3A_962, %mul3A_961 : f32
        %mul3A_964 = arith.mulf %bitcast_convert_type3A_960, %sub3A_963 : f32
        %mul3A_965 = arith.mulf %mul3A_956, %mul3A_964 : f32
        %sub3A_966 = arith.constant 2.000000e+00 : f32
        %sub3A_967 = arith.subf %sub3A_966, %mul3A_965 : f32
        %mul3A_968 = arith.mulf %mul3A_964, %sub3A_967 : f32
        %mul3A_969 = arith.mulf %mul3A_956, %mul3A_968 : f32
        %sub3A_970 = arith.constant 2.000000e+00 : f32
        %sub3A_971 = arith.subf %sub3A_970, %mul3A_969 : f32
        %mul3A_972 = arith.mulf %mul3A_968, %sub3A_971 : f32
        %mul3A_973 = arith.mulf %add3A_950, %add3A_950 : f32
        %mul3A_974 = arith.mulf %mul3A_973, %mul3A_972 : f32
        %min3A_975 = arith.constant 1.000000e+03 : f32
        %min3A_976 = arith.minimumf %mul3A_974, %min3A_975 : f32
        %add3A_977 = arith.addf %add3A_908, %min3A_976 : f32
        %mul3A_978 = arith.constant 2.000000e+00 : f32
        %mul3A_979 = arith.mulf %mul3A_978, %min3A_976 : f32
        %mul3A_980 = arith.mulf %max3A_955, %mul3A_972 : f32
        %mul3A_981 = arith.mulf %mul3A_979, %mul3A_980 : f32
        %broadcast_in_dim3A_982 = vector.broadcast %mul3A_981 : f32 to vector<16xf32>
        %mul3A_983 = arith.mulf %broadcast_in_dim3A_982, %get3A_928 : vector<16xf32>
        %add3A_984 = arith.addf %add3A_915, %mul3A_983 : vector<16xf32>
        %mul3A_985 = arith.mulf %broadcast_in_dim3A_982, %get3A_931 : vector<16xf32>
        %add3A_986 = arith.addf %add3A_917, %mul3A_985 : vector<16xf32>
        %mul3A_987 = arith.mulf %broadcast_in_dim3A_982, %get3A_934 : vector<16xf32>
        %add3A_988 = arith.addf %add3A_919, %mul3A_987 : vector<16xf32>
        %mul3A_989 = arith.mulf %broadcast_in_dim3A_982, %get3A_937 : vector<16xf32>
        %add3A_990 = arith.addf %add3A_921, %mul3A_989 : vector<16xf32>
        %mul3A_991 = arith.constant 16 : i32
        %mul3A_992 = arith.muli %scan3A_371, %mul3A_991 : i32
        %add3A_993 = arith.constant 9 : i32
        %add3A_994 = arith.addi %mul3A_992, %add3A_993 : i32
        %get3A_995 = arith.index_cast %add3A_994 : i32 to index
        %get3A_996 = arith.constant 0 : index
        %get3A_997 = tpu.vector_load %arg10[%get3A_995, %get3A_996] {strides = array<i32>} : memref<400x64xf32, #tpu.memory_space<vmem>>, vector<16xf32>,
        %get3A_998 = arith.index_cast %add3A_994 : i32 to index
        %get3A_999 = arith.constant 16 : index
        %get3A_1000 = tpu.vector_load %arg10[%get3A_998, %get3A_999] {strides = array<i32>} : memref<400x64xf32, #tpu.memory_space<vmem>>, vector<16xf32>,
        %get3A_1001 = arith.index_cast %add3A_994 : i32 to index
        %get3A_1002 = arith.constant 32 : index
        %get3A_1003 = tpu.vector_load %arg10[%get3A_1001, %get3A_1002] {strides = array<i32>} : memref<400x64xf32, #tpu.memory_space<vmem>>, vector<16xf32>,
        %get3A_1004 = arith.index_cast %add3A_994 : i32 to index
        %get3A_1005 = arith.constant 48 : index
        %get3A_1006 = tpu.vector_load %arg10[%get3A_1004, %get3A_1005] {strides = array<i32>} : memref<400x64xf32, #tpu.memory_space<vmem>>, vector<16xf32>,
        %mul3A_1007 = arith.mulf %get3A_997, %get3A_997 : vector<16xf32>
        %mul3A_1008 = arith.mulf %get3A_1000, %get3A_1000 : vector<16xf32>
        %add3A_1009 = arith.addf %mul3A_1007, %mul3A_1008 : vector<16xf32>
        %mul3A_1010 = arith.mulf %get3A_1003, %get3A_1003 : vector<16xf32>
        %add3A_1011 = arith.addf %add3A_1009, %mul3A_1010 : vector<16xf32>
        %mul3A_1012 = arith.mulf %get3A_1006, %get3A_1006 : vector<16xf32>
        %add3A_1013 = arith.addf %add3A_1011, %mul3A_1012 : vector<16xf32>
        %reduce_sum3A_1014 = arith.constant true
        %reduce_sum3A_1015 = vector.broadcast %reduce_sum3A_1014 : i1 to vector<16xi1>
        %reduce_sum3A_1016 = tpu.scan <sum>, %add3A_1013 masked %reduce_sum3A_1015 : vector<16xf32>, vector<16xi1> -> vector<16xf32>
        %reduce_sum3A_1017 = vector.extract %reduce_sum3A_1016[15] : f32 from vector<16xf32>
        %add3A_1018 = arith.constant 1.000000e+00 : f32
        %add3A_1019 = arith.addf %add3A_1018, %reduce_sum3A_1017 : f32
        %sub3A_1020 = arith.constant 1.000000e+00 : f32
        %sub3A_1021 = arith.subf %sub3A_1020, %reduce_sum3A_1017 : f32
        %abs3A_1022 = math.absf %sub3A_1021 : f32
        %max3A_1023 = arith.constant 1.000000e-30 : f32
        %max3A_1024 = arith.maximumf %abs3A_1022, %max3A_1023 : f32
        %mul3A_1025 = arith.mulf %add3A_1019, %max3A_1024 : f32
        %bitcast_convert_type3A_1026 = arith.bitcast %mul3A_1025 : f32 to i32
        %sub3A_1027 = arith.constant 2129859011 : i32
        %sub3A_1028 = arith.subi %sub3A_1027, %bitcast_convert_type3A_1026 : i32
        %bitcast_convert_type3A_1029 = arith.bitcast %sub3A_1028 : i32 to f32
        %mul3A_1030 = arith.mulf %mul3A_1025, %bitcast_convert_type3A_1029 : f32
        %sub3A_1031 = arith.constant 2.000000e+00 : f32
        %sub3A_1032 = arith.subf %sub3A_1031, %mul3A_1030 : f32
        %mul3A_1033 = arith.mulf %bitcast_convert_type3A_1029, %sub3A_1032 : f32
        %mul3A_1034 = arith.mulf %mul3A_1025, %mul3A_1033 : f32
        %sub3A_1035 = arith.constant 2.000000e+00 : f32
        %sub3A_1036 = arith.subf %sub3A_1035, %mul3A_1034 : f32
        %mul3A_1037 = arith.mulf %mul3A_1033, %sub3A_1036 : f32
        %mul3A_1038 = arith.mulf %mul3A_1025, %mul3A_1037 : f32
        %sub3A_1039 = arith.constant 2.000000e+00 : f32
        %sub3A_1040 = arith.subf %sub3A_1039, %mul3A_1038 : f32
        %mul3A_1041 = arith.mulf %mul3A_1037, %sub3A_1040 : f32
        %mul3A_1042 = arith.mulf %add3A_1019, %add3A_1019 : f32
        %mul3A_1043 = arith.mulf %mul3A_1042, %mul3A_1041 : f32
        %min3A_1044 = arith.constant 1.000000e+03 : f32
        %min3A_1045 = arith.minimumf %mul3A_1043, %min3A_1044 : f32
        %add3A_1046 = arith.addf %add3A_977, %min3A_1045 : f32
        %mul3A_1047 = arith.constant 2.000000e+00 : f32
        %mul3A_1048 = arith.mulf %mul3A_1047, %min3A_1045 : f32
        %mul3A_1049 = arith.mulf %max3A_1024, %mul3A_1041 : f32
        %mul3A_1050 = arith.mulf %mul3A_1048, %mul3A_1049 : f32
        %broadcast_in_dim3A_1051 = vector.broadcast %mul3A_1050 : f32 to vector<16xf32>
        %mul3A_1052 = arith.mulf %broadcast_in_dim3A_1051, %get3A_997 : vector<16xf32>
        %add3A_1053 = arith.addf %add3A_984, %mul3A_1052 : vector<16xf32>
        %mul3A_1054 = arith.mulf %broadcast_in_dim3A_1051, %get3A_1000 : vector<16xf32>
        %add3A_1055 = arith.addf %add3A_986, %mul3A_1054 : vector<16xf32>
        %mul3A_1056 = arith.mulf %broadcast_in_dim3A_1051, %get3A_1003 : vector<16xf32>
        %add3A_1057 = arith.addf %add3A_988, %mul3A_1056 : vector<16xf32>
        %mul3A_1058 = arith.mulf %broadcast_in_dim3A_1051, %get3A_1006 : vector<16xf32>
        %add3A_1059 = arith.addf %add3A_990, %mul3A_1058 : vector<16xf32>
        %mul3A_1060 = arith.constant 16 : i32
        %mul3A_1061 = arith.muli %scan3A_371, %mul3A_1060 : i32
        %add3A_1062 = arith.constant 10 : i32
        %add3A_1063 = arith.addi %mul3A_1061, %add3A_1062 : i32
        %get3A_1064 = arith.index_cast %add3A_1063 : i32 to index
        %get3A_1065 = arith.constant 0 : index
        %get3A_1066 = tpu.vector_load %arg10[%get3A_1064, %get3A_1065] {strides = array<i32>} : memref<400x64xf32, #tpu.memory_space<vmem>>, vector<16xf32>,
        %get3A_1067 = arith.index_cast %add3A_1063 : i32 to index
        %get3A_1068 = arith.constant 16 : index
        %get3A_1069 = tpu.vector_load %arg10[%get3A_1067, %get3A_1068] {strides = array<i32>} : memref<400x64xf32, #tpu.memory_space<vmem>>, vector<16xf32>,
        %get3A_1070 = arith.index_cast %add3A_1063 : i32 to index
        %get3A_1071 = arith.constant 32 : index
        %get3A_1072 = tpu.vector_load %arg10[%get3A_1070, %get3A_1071] {strides = array<i32>} : memref<400x64xf32, #tpu.memory_space<vmem>>, vector<16xf32>,
        %get3A_1073 = arith.index_cast %add3A_1063 : i32 to index
        %get3A_1074 = arith.constant 48 : index
        %get3A_1075 = tpu.vector_load %arg10[%get3A_1073, %get3A_1074] {strides = array<i32>} : memref<400x64xf32, #tpu.memory_space<vmem>>, vector<16xf32>,
        %mul3A_1076 = arith.mulf %get3A_1066, %get3A_1066 : vector<16xf32>
        %mul3A_1077 = arith.mulf %get3A_1069, %get3A_1069 : vector<16xf32>
        %add3A_1078 = arith.addf %mul3A_1076, %mul3A_1077 : vector<16xf32>
        %mul3A_1079 = arith.mulf %get3A_1072, %get3A_1072 : vector<16xf32>
        %add3A_1080 = arith.addf %add3A_1078, %mul3A_1079 : vector<16xf32>
        %mul3A_1081 = arith.mulf %get3A_1075, %get3A_1075 : vector<16xf32>
        %add3A_1082 = arith.addf %add3A_1080, %mul3A_1081 : vector<16xf32>
        %reduce_sum3A_1083 = arith.constant true
        %reduce_sum3A_1084 = vector.broadcast %reduce_sum3A_1083 : i1 to vector<16xi1>
        %reduce_sum3A_1085 = tpu.scan <sum>, %add3A_1082 masked %reduce_sum3A_1084 : vector<16xf32>, vector<16xi1> -> vector<16xf32>
        %reduce_sum3A_1086 = vector.extract %reduce_sum3A_1085[15] : f32 from vector<16xf32>
        %add3A_1087 = arith.constant 1.000000e+00 : f32
        %add3A_1088 = arith.addf %add3A_1087, %reduce_sum3A_1086 : f32
        %sub3A_1089 = arith.constant 1.000000e+00 : f32
        %sub3A_1090 = arith.subf %sub3A_1089, %reduce_sum3A_1086 : f32
        %abs3A_1091 = math.absf %sub3A_1090 : f32
        %max3A_1092 = arith.constant 1.000000e-30 : f32
        %max3A_1093 = arith.maximumf %abs3A_1091, %max3A_1092 : f32
        %mul3A_1094 = arith.mulf %add3A_1088, %max3A_1093 : f32
        %bitcast_convert_type3A_1095 = arith.bitcast %mul3A_1094 : f32 to i32
        %sub3A_1096 = arith.constant 2129859011 : i32
        %sub3A_1097 = arith.subi %sub3A_1096, %bitcast_convert_type3A_1095 : i32
        %bitcast_convert_type3A_1098 = arith.bitcast %sub3A_1097 : i32 to f32
        %mul3A_1099 = arith.mulf %mul3A_1094, %bitcast_convert_type3A_1098 : f32
        %sub3A_1100 = arith.constant 2.000000e+00 : f32
        %sub3A_1101 = arith.subf %sub3A_1100, %mul3A_1099 : f32
        %mul3A_1102 = arith.mulf %bitcast_convert_type3A_1098, %sub3A_1101 : f32
        %mul3A_1103 = arith.mulf %mul3A_1094, %mul3A_1102 : f32
        %sub3A_1104 = arith.constant 2.000000e+00 : f32
        %sub3A_1105 = arith.subf %sub3A_1104, %mul3A_1103 : f32
        %mul3A_1106 = arith.mulf %mul3A_1102, %sub3A_1105 : f32
        %mul3A_1107 = arith.mulf %mul3A_1094, %mul3A_1106 : f32
        %sub3A_1108 = arith.constant 2.000000e+00 : f32
        %sub3A_1109 = arith.subf %sub3A_1108, %mul3A_1107 : f32
        %mul3A_1110 = arith.mulf %mul3A_1106, %sub3A_1109 : f32
        %mul3A_1111 = arith.mulf %add3A_1088, %add3A_1088 : f32
        %mul3A_1112 = arith.mulf %mul3A_1111, %mul3A_1110 : f32
        %min3A_1113 = arith.constant 1.000000e+03 : f32
        %min3A_1114 = arith.minimumf %mul3A_1112, %min3A_1113 : f32
        %add3A_1115 = arith.addf %add3A_1046, %min3A_1114 : f32
        %mul3A_1116 = arith.constant 2.000000e+00 : f32
        %mul3A_1117 = arith.mulf %mul3A_1116, %min3A_1114 : f32
        %mul3A_1118 = arith.mulf %max3A_1093, %mul3A_1110 : f32
        %mul3A_1119 = arith.mulf %mul3A_1117, %mul3A_1118 : f32
        %broadcast_in_dim3A_1120 = vector.broadcast %mul3A_1119 : f32 to vector<16xf32>
        %mul3A_1121 = arith.mulf %broadcast_in_dim3A_1120, %get3A_1066 : vector<16xf32>
        %add3A_1122 = arith.addf %add3A_1053, %mul3A_1121 : vector<16xf32>
        %mul3A_1123 = arith.mulf %broadcast_in_dim3A_1120, %get3A_1069 : vector<16xf32>
        %add3A_1124 = arith.addf %add3A_1055, %mul3A_1123 : vector<16xf32>
        %mul3A_1125 = arith.mulf %broadcast_in_dim3A_1120, %get3A_1072 : vector<16xf32>
        %add3A_1126 = arith.addf %add3A_1057, %mul3A_1125 : vector<16xf32>
        %mul3A_1127 = arith.mulf %broadcast_in_dim3A_1120, %get3A_1075 : vector<16xf32>
        %add3A_1128 = arith.addf %add3A_1059, %mul3A_1127 : vector<16xf32>
        %mul3A_1129 = arith.constant 16 : i32
        %mul3A_1130 = arith.muli %scan3A_371, %mul3A_1129 : i32
        %add3A_1131 = arith.constant 11 : i32
        %add3A_1132 = arith.addi %mul3A_1130, %add3A_1131 : i32
        %get3A_1133 = arith.index_cast %add3A_1132 : i32 to index
        %get3A_1134 = arith.constant 0 : index
        %get3A_1135 = tpu.vector_load %arg10[%get3A_1133, %get3A_1134] {strides = array<i32>} : memref<400x64xf32, #tpu.memory_space<vmem>>, vector<16xf32>,
        %get3A_1136 = arith.index_cast %add3A_1132 : i32 to index
        %get3A_1137 = arith.constant 16 : index
        %get3A_1138 = tpu.vector_load %arg10[%get3A_1136, %get3A_1137] {strides = array<i32>} : memref<400x64xf32, #tpu.memory_space<vmem>>, vector<16xf32>,
        %get3A_1139 = arith.index_cast %add3A_1132 : i32 to index
        %get3A_1140 = arith.constant 32 : index
        %get3A_1141 = tpu.vector_load %arg10[%get3A_1139, %get3A_1140] {strides = array<i32>} : memref<400x64xf32, #tpu.memory_space<vmem>>, vector<16xf32>,
        %get3A_1142 = arith.index_cast %add3A_1132 : i32 to index
        %get3A_1143 = arith.constant 48 : index
        %get3A_1144 = tpu.vector_load %arg10[%get3A_1142, %get3A_1143] {strides = array<i32>} : memref<400x64xf32, #tpu.memory_space<vmem>>, vector<16xf32>,
        %mul3A_1145 = arith.mulf %get3A_1135, %get3A_1135 : vector<16xf32>
        %mul3A_1146 = arith.mulf %get3A_1138, %get3A_1138 : vector<16xf32>
        %add3A_1147 = arith.addf %mul3A_1145, %mul3A_1146 : vector<16xf32>
        %mul3A_1148 = arith.mulf %get3A_1141, %get3A_1141 : vector<16xf32>
        %add3A_1149 = arith.addf %add3A_1147, %mul3A_1148 : vector<16xf32>
        %mul3A_1150 = arith.mulf %get3A_1144, %get3A_1144 : vector<16xf32>
        %add3A_1151 = arith.addf %add3A_1149, %mul3A_1150 : vector<16xf32>
        %reduce_sum3A_1152 = arith.constant true
        %reduce_sum3A_1153 = vector.broadcast %reduce_sum3A_1152 : i1 to vector<16xi1>
        %reduce_sum3A_1154 = tpu.scan <sum>, %add3A_1151 masked %reduce_sum3A_1153 : vector<16xf32>, vector<16xi1> -> vector<16xf32>
        %reduce_sum3A_1155 = vector.extract %reduce_sum3A_1154[15] : f32 from vector<16xf32>
        %add3A_1156 = arith.constant 1.000000e+00 : f32
        %add3A_1157 = arith.addf %add3A_1156, %reduce_sum3A_1155 : f32
        %sub3A_1158 = arith.constant 1.000000e+00 : f32
        %sub3A_1159 = arith.subf %sub3A_1158, %reduce_sum3A_1155 : f32
        %abs3A_1160 = math.absf %sub3A_1159 : f32
        %max3A_1161 = arith.constant 1.000000e-30 : f32
        %max3A_1162 = arith.maximumf %abs3A_1160, %max3A_1161 : f32
        %mul3A_1163 = arith.mulf %add3A_1157, %max3A_1162 : f32
        %bitcast_convert_type3A_1164 = arith.bitcast %mul3A_1163 : f32 to i32
        %sub3A_1165 = arith.constant 2129859011 : i32
        %sub3A_1166 = arith.subi %sub3A_1165, %bitcast_convert_type3A_1164 : i32
        %bitcast_convert_type3A_1167 = arith.bitcast %sub3A_1166 : i32 to f32
        %mul3A_1168 = arith.mulf %mul3A_1163, %bitcast_convert_type3A_1167 : f32
        %sub3A_1169 = arith.constant 2.000000e+00 : f32
        %sub3A_1170 = arith.subf %sub3A_1169, %mul3A_1168 : f32
        %mul3A_1171 = arith.mulf %bitcast_convert_type3A_1167, %sub3A_1170 : f32
        %mul3A_1172 = arith.mulf %mul3A_1163, %mul3A_1171 : f32
        %sub3A_1173 = arith.constant 2.000000e+00 : f32
        %sub3A_1174 = arith.subf %sub3A_1173, %mul3A_1172 : f32
        %mul3A_1175 = arith.mulf %mul3A_1171, %sub3A_1174 : f32
        %mul3A_1176 = arith.mulf %mul3A_1163, %mul3A_1175 : f32
        %sub3A_1177 = arith.constant 2.000000e+00 : f32
        %sub3A_1178 = arith.subf %sub3A_1177, %mul3A_1176 : f32
        %mul3A_1179 = arith.mulf %mul3A_1175, %sub3A_1178 : f32
        %mul3A_1180 = arith.mulf %add3A_1157, %add3A_1157 : f32
        %mul3A_1181 = arith.mulf %mul3A_1180, %mul3A_1179 : f32
        %min3A_1182 = arith.constant 1.000000e+03 : f32
        %min3A_1183 = arith.minimumf %mul3A_1181, %min3A_1182 : f32
        %add3A_1184 = arith.addf %add3A_1115, %min3A_1183 : f32
        %mul3A_1185 = arith.constant 2.000000e+00 : f32
        %mul3A_1186 = arith.mulf %mul3A_1185, %min3A_1183 : f32
        %mul3A_1187 = arith.mulf %max3A_1162, %mul3A_1179 : f32
        %mul3A_1188 = arith.mulf %mul3A_1186, %mul3A_1187 : f32
        %broadcast_in_dim3A_1189 = vector.broadcast %mul3A_1188 : f32 to vector<16xf32>
        %mul3A_1190 = arith.mulf %broadcast_in_dim3A_1189, %get3A_1135 : vector<16xf32>
        %add3A_1191 = arith.addf %add3A_1122, %mul3A_1190 : vector<16xf32>
        %mul3A_1192 = arith.mulf %broadcast_in_dim3A_1189, %get3A_1138 : vector<16xf32>
        %add3A_1193 = arith.addf %add3A_1124, %mul3A_1192 : vector<16xf32>
        %mul3A_1194 = arith.mulf %broadcast_in_dim3A_1189, %get3A_1141 : vector<16xf32>
        %add3A_1195 = arith.addf %add3A_1126, %mul3A_1194 : vector<16xf32>
        %mul3A_1196 = arith.mulf %broadcast_in_dim3A_1189, %get3A_1144 : vector<16xf32>
        %add3A_1197 = arith.addf %add3A_1128, %mul3A_1196 : vector<16xf32>
        %mul3A_1198 = arith.constant 16 : i32
        %mul3A_1199 = arith.muli %scan3A_371, %mul3A_1198 : i32
        %add3A_1200 = arith.constant 12 : i32
        %add3A_1201 = arith.addi %mul3A_1199, %add3A_1200 : i32
        %get3A_1202 = arith.index_cast %add3A_1201 : i32 to index
        %get3A_1203 = arith.constant 0 : index
        %get3A_1204 = tpu.vector_load %arg10[%get3A_1202, %get3A_1203] {strides = array<i32>} : memref<400x64xf32, #tpu.memory_space<vmem>>, vector<16xf32>,
        %get3A_1205 = arith.index_cast %add3A_1201 : i32 to index
        %get3A_1206 = arith.constant 16 : index
        %get3A_1207 = tpu.vector_load %arg10[%get3A_1205, %get3A_1206] {strides = array<i32>} : memref<400x64xf32, #tpu.memory_space<vmem>>, vector<16xf32>,
        %get3A_1208 = arith.index_cast %add3A_1201 : i32 to index
        %get3A_1209 = arith.constant 32 : index
        %get3A_1210 = tpu.vector_load %arg10[%get3A_1208, %get3A_1209] {strides = array<i32>} : memref<400x64xf32, #tpu.memory_space<vmem>>, vector<16xf32>,
        %get3A_1211 = arith.index_cast %add3A_1201 : i32 to index
        %get3A_1212 = arith.constant 48 : index
        %get3A_1213 = tpu.vector_load %arg10[%get3A_1211, %get3A_1212] {strides = array<i32>} : memref<400x64xf32, #tpu.memory_space<vmem>>, vector<16xf32>,
        %mul3A_1214 = arith.mulf %get3A_1204, %get3A_1204 : vector<16xf32>
        %mul3A_1215 = arith.mulf %get3A_1207, %get3A_1207 : vector<16xf32>
        %add3A_1216 = arith.addf %mul3A_1214, %mul3A_1215 : vector<16xf32>
        %mul3A_1217 = arith.mulf %get3A_1210, %get3A_1210 : vector<16xf32>
        %add3A_1218 = arith.addf %add3A_1216, %mul3A_1217 : vector<16xf32>
        %mul3A_1219 = arith.mulf %get3A_1213, %get3A_1213 : vector<16xf32>
        %add3A_1220 = arith.addf %add3A_1218, %mul3A_1219 : vector<16xf32>
        %reduce_sum3A_1221 = arith.constant true
        %reduce_sum3A_1222 = vector.broadcast %reduce_sum3A_1221 : i1 to vector<16xi1>
        %reduce_sum3A_1223 = tpu.scan <sum>, %add3A_1220 masked %reduce_sum3A_1222 : vector<16xf32>, vector<16xi1> -> vector<16xf32>
        %reduce_sum3A_1224 = vector.extract %reduce_sum3A_1223[15] : f32 from vector<16xf32>
        %add3A_1225 = arith.constant 1.000000e+00 : f32
        %add3A_1226 = arith.addf %add3A_1225, %reduce_sum3A_1224 : f32
        %sub3A_1227 = arith.constant 1.000000e+00 : f32
        %sub3A_1228 = arith.subf %sub3A_1227, %reduce_sum3A_1224 : f32
        %abs3A_1229 = math.absf %sub3A_1228 : f32
        %max3A_1230 = arith.constant 1.000000e-30 : f32
        %max3A_1231 = arith.maximumf %abs3A_1229, %max3A_1230 : f32
        %mul3A_1232 = arith.mulf %add3A_1226, %max3A_1231 : f32
        %bitcast_convert_type3A_1233 = arith.bitcast %mul3A_1232 : f32 to i32
        %sub3A_1234 = arith.constant 2129859011 : i32
        %sub3A_1235 = arith.subi %sub3A_1234, %bitcast_convert_type3A_1233 : i32
        %bitcast_convert_type3A_1236 = arith.bitcast %sub3A_1235 : i32 to f32
        %mul3A_1237 = arith.mulf %mul3A_1232, %bitcast_convert_type3A_1236 : f32
        %sub3A_1238 = arith.constant 2.000000e+00 : f32
        %sub3A_1239 = arith.subf %sub3A_1238, %mul3A_1237 : f32
        %mul3A_1240 = arith.mulf %bitcast_convert_type3A_1236, %sub3A_1239 : f32
        %mul3A_1241 = arith.mulf %mul3A_1232, %mul3A_1240 : f32
        %sub3A_1242 = arith.constant 2.000000e+00 : f32
        %sub3A_1243 = arith.subf %sub3A_1242, %mul3A_1241 : f32
        %mul3A_1244 = arith.mulf %mul3A_1240, %sub3A_1243 : f32
        %mul3A_1245 = arith.mulf %mul3A_1232, %mul3A_1244 : f32
        %sub3A_1246 = arith.constant 2.000000e+00 : f32
        %sub3A_1247 = arith.subf %sub3A_1246, %mul3A_1245 : f32
        %mul3A_1248 = arith.mulf %mul3A_1244, %sub3A_1247 : f32
        %mul3A_1249 = arith.mulf %add3A_1226, %add3A_1226 : f32
        %mul3A_1250 = arith.mulf %mul3A_1249, %mul3A_1248 : f32
        %min3A_1251 = arith.constant 1.000000e+03 : f32
        %min3A_1252 = arith.minimumf %mul3A_1250, %min3A_1251 : f32
        %add3A_1253 = arith.addf %add3A_1184, %min3A_1252 : f32
        %mul3A_1254 = arith.constant 2.000000e+00 : f32
        %mul3A_1255 = arith.mulf %mul3A_1254, %min3A_1252 : f32
        %mul3A_1256 = arith.mulf %max3A_1231, %mul3A_1248 : f32
        %mul3A_1257 = arith.mulf %mul3A_1255, %mul3A_1256 : f32
        %broadcast_in_dim3A_1258 = vector.broadcast %mul3A_1257 : f32 to vector<16xf32>
        %mul3A_1259 = arith.mulf %broadcast_in_dim3A_1258, %get3A_1204 : vector<16xf32>
        %add3A_1260 = arith.addf %add3A_1191, %mul3A_1259 : vector<16xf32>
        %mul3A_1261 = arith.mulf %broadcast_in_dim3A_1258, %get3A_1207 : vector<16xf32>
        %add3A_1262 = arith.addf %add3A_1193, %mul3A_1261 : vector<16xf32>
        %mul3A_1263 = arith.mulf %broadcast_in_dim3A_1258, %get3A_1210 : vector<16xf32>
        %add3A_1264 = arith.addf %add3A_1195, %mul3A_1263 : vector<16xf32>
        %mul3A_1265 = arith.mulf %broadcast_in_dim3A_1258, %get3A_1213 : vector<16xf32>
        %add3A_1266 = arith.addf %add3A_1197, %mul3A_1265 : vector<16xf32>
        %mul3A_1267 = arith.constant 16 : i32
        %mul3A_1268 = arith.muli %scan3A_371, %mul3A_1267 : i32
        %add3A_1269 = arith.constant 13 : i32
        %add3A_1270 = arith.addi %mul3A_1268, %add3A_1269 : i32
        %get3A_1271 = arith.index_cast %add3A_1270 : i32 to index
        %get3A_1272 = arith.constant 0 : index
        %get3A_1273 = tpu.vector_load %arg10[%get3A_1271, %get3A_1272] {strides = array<i32>} : memref<400x64xf32, #tpu.memory_space<vmem>>, vector<16xf32>,
        %get3A_1274 = arith.index_cast %add3A_1270 : i32 to index
        %get3A_1275 = arith.constant 16 : index
        %get3A_1276 = tpu.vector_load %arg10[%get3A_1274, %get3A_1275] {strides = array<i32>} : memref<400x64xf32, #tpu.memory_space<vmem>>, vector<16xf32>,
        %get3A_1277 = arith.index_cast %add3A_1270 : i32 to index
        %get3A_1278 = arith.constant 32 : index
        %get3A_1279 = tpu.vector_load %arg10[%get3A_1277, %get3A_1278] {strides = array<i32>} : memref<400x64xf32, #tpu.memory_space<vmem>>, vector<16xf32>,
        %get3A_1280 = arith.index_cast %add3A_1270 : i32 to index
        %get3A_1281 = arith.constant 48 : index
        %get3A_1282 = tpu.vector_load %arg10[%get3A_1280, %get3A_1281] {strides = array<i32>} : memref<400x64xf32, #tpu.memory_space<vmem>>, vector<16xf32>,
        %mul3A_1283 = arith.mulf %get3A_1273, %get3A_1273 : vector<16xf32>
        %mul3A_1284 = arith.mulf %get3A_1276, %get3A_1276 : vector<16xf32>
        %add3A_1285 = arith.addf %mul3A_1283, %mul3A_1284 : vector<16xf32>
        %mul3A_1286 = arith.mulf %get3A_1279, %get3A_1279 : vector<16xf32>
        %add3A_1287 = arith.addf %add3A_1285, %mul3A_1286 : vector<16xf32>
        %mul3A_1288 = arith.mulf %get3A_1282, %get3A_1282 : vector<16xf32>
        %add3A_1289 = arith.addf %add3A_1287, %mul3A_1288 : vector<16xf32>
        %reduce_sum3A_1290 = arith.constant true
        %reduce_sum3A_1291 = vector.broadcast %reduce_sum3A_1290 : i1 to vector<16xi1>
        %reduce_sum3A_1292 = tpu.scan <sum>, %add3A_1289 masked %reduce_sum3A_1291 : vector<16xf32>, vector<16xi1> -> vector<16xf32>
        %reduce_sum3A_1293 = vector.extract %reduce_sum3A_1292[15] : f32 from vector<16xf32>
        %add3A_1294 = arith.constant 1.000000e+00 : f32
        %add3A_1295 = arith.addf %add3A_1294, %reduce_sum3A_1293 : f32
        %sub3A_1296 = arith.constant 1.000000e+00 : f32
        %sub3A_1297 = arith.subf %sub3A_1296, %reduce_sum3A_1293 : f32
        %abs3A_1298 = math.absf %sub3A_1297 : f32
        %max3A_1299 = arith.constant 1.000000e-30 : f32
        %max3A_1300 = arith.maximumf %abs3A_1298, %max3A_1299 : f32
        %mul3A_1301 = arith.mulf %add3A_1295, %max3A_1300 : f32
        %bitcast_convert_type3A_1302 = arith.bitcast %mul3A_1301 : f32 to i32
        %sub3A_1303 = arith.constant 2129859011 : i32
        %sub3A_1304 = arith.subi %sub3A_1303, %bitcast_convert_type3A_1302 : i32
        %bitcast_convert_type3A_1305 = arith.bitcast %sub3A_1304 : i32 to f32
        %mul3A_1306 = arith.mulf %mul3A_1301, %bitcast_convert_type3A_1305 : f32
        %sub3A_1307 = arith.constant 2.000000e+00 : f32
        %sub3A_1308 = arith.subf %sub3A_1307, %mul3A_1306 : f32
        %mul3A_1309 = arith.mulf %bitcast_convert_type3A_1305, %sub3A_1308 : f32
        %mul3A_1310 = arith.mulf %mul3A_1301, %mul3A_1309 : f32
        %sub3A_1311 = arith.constant 2.000000e+00 : f32
        %sub3A_1312 = arith.subf %sub3A_1311, %mul3A_1310 : f32
        %mul3A_1313 = arith.mulf %mul3A_1309, %sub3A_1312 : f32
        %mul3A_1314 = arith.mulf %mul3A_1301, %mul3A_1313 : f32
        %sub3A_1315 = arith.constant 2.000000e+00 : f32
        %sub3A_1316 = arith.subf %sub3A_1315, %mul3A_1314 : f32
        %mul3A_1317 = arith.mulf %mul3A_1313, %sub3A_1316 : f32
        %mul3A_1318 = arith.mulf %add3A_1295, %add3A_1295 : f32
        %mul3A_1319 = arith.mulf %mul3A_1318, %mul3A_1317 : f32
        %min3A_1320 = arith.constant 1.000000e+03 : f32
        %min3A_1321 = arith.minimumf %mul3A_1319, %min3A_1320 : f32
        %add3A_1322 = arith.addf %add3A_1253, %min3A_1321 : f32
        %mul3A_1323 = arith.constant 2.000000e+00 : f32
        %mul3A_1324 = arith.mulf %mul3A_1323, %min3A_1321 : f32
        %mul3A_1325 = arith.mulf %max3A_1300, %mul3A_1317 : f32
        %mul3A_1326 = arith.mulf %mul3A_1324, %mul3A_1325 : f32
        %broadcast_in_dim3A_1327 = vector.broadcast %mul3A_1326 : f32 to vector<16xf32>
        %mul3A_1328 = arith.mulf %broadcast_in_dim3A_1327, %get3A_1273 : vector<16xf32>
        %add3A_1329 = arith.addf %add3A_1260, %mul3A_1328 : vector<16xf32>
        %mul3A_1330 = arith.mulf %broadcast_in_dim3A_1327, %get3A_1276 : vector<16xf32>
        %add3A_1331 = arith.addf %add3A_1262, %mul3A_1330 : vector<16xf32>
        %mul3A_1332 = arith.mulf %broadcast_in_dim3A_1327, %get3A_1279 : vector<16xf32>
        %add3A_1333 = arith.addf %add3A_1264, %mul3A_1332 : vector<16xf32>
        %mul3A_1334 = arith.mulf %broadcast_in_dim3A_1327, %get3A_1282 : vector<16xf32>
        %add3A_1335 = arith.addf %add3A_1266, %mul3A_1334 : vector<16xf32>
        %mul3A_1336 = arith.constant 16 : i32
        %mul3A_1337 = arith.muli %scan3A_371, %mul3A_1336 : i32
        %add3A_1338 = arith.constant 14 : i32
        %add3A_1339 = arith.addi %mul3A_1337, %add3A_1338 : i32
        %get3A_1340 = arith.index_cast %add3A_1339 : i32 to index
        %get3A_1341 = arith.constant 0 : index
        %get3A_1342 = tpu.vector_load %arg10[%get3A_1340, %get3A_1341] {strides = array<i32>} : memref<400x64xf32, #tpu.memory_space<vmem>>, vector<16xf32>,
        %get3A_1343 = arith.index_cast %add3A_1339 : i32 to index
        %get3A_1344 = arith.constant 16 : index
        %get3A_1345 = tpu.vector_load %arg10[%get3A_1343, %get3A_1344] {strides = array<i32>} : memref<400x64xf32, #tpu.memory_space<vmem>>, vector<16xf32>,
        %get3A_1346 = arith.index_cast %add3A_1339 : i32 to index
        %get3A_1347 = arith.constant 32 : index
        %get3A_1348 = tpu.vector_load %arg10[%get3A_1346, %get3A_1347] {strides = array<i32>} : memref<400x64xf32, #tpu.memory_space<vmem>>, vector<16xf32>,
        %get3A_1349 = arith.index_cast %add3A_1339 : i32 to index
        %get3A_1350 = arith.constant 48 : index
        %get3A_1351 = tpu.vector_load %arg10[%get3A_1349, %get3A_1350] {strides = array<i32>} : memref<400x64xf32, #tpu.memory_space<vmem>>, vector<16xf32>,
        %mul3A_1352 = arith.mulf %get3A_1342, %get3A_1342 : vector<16xf32>
        %mul3A_1353 = arith.mulf %get3A_1345, %get3A_1345 : vector<16xf32>
        %add3A_1354 = arith.addf %mul3A_1352, %mul3A_1353 : vector<16xf32>
        %mul3A_1355 = arith.mulf %get3A_1348, %get3A_1348 : vector<16xf32>
        %add3A_1356 = arith.addf %add3A_1354, %mul3A_1355 : vector<16xf32>
        %mul3A_1357 = arith.mulf %get3A_1351, %get3A_1351 : vector<16xf32>
        %add3A_1358 = arith.addf %add3A_1356, %mul3A_1357 : vector<16xf32>
        %reduce_sum3A_1359 = arith.constant true
        %reduce_sum3A_1360 = vector.broadcast %reduce_sum3A_1359 : i1 to vector<16xi1>
        %reduce_sum3A_1361 = tpu.scan <sum>, %add3A_1358 masked %reduce_sum3A_1360 : vector<16xf32>, vector<16xi1> -> vector<16xf32>
        %reduce_sum3A_1362 = vector.extract %reduce_sum3A_1361[15] : f32 from vector<16xf32>
        %add3A_1363 = arith.constant 1.000000e+00 : f32
        %add3A_1364 = arith.addf %add3A_1363, %reduce_sum3A_1362 : f32
        %sub3A_1365 = arith.constant 1.000000e+00 : f32
        %sub3A_1366 = arith.subf %sub3A_1365, %reduce_sum3A_1362 : f32
        %abs3A_1367 = math.absf %sub3A_1366 : f32
        %max3A_1368 = arith.constant 1.000000e-30 : f32
        %max3A_1369 = arith.maximumf %abs3A_1367, %max3A_1368 : f32
        %mul3A_1370 = arith.mulf %add3A_1364, %max3A_1369 : f32
        %bitcast_convert_type3A_1371 = arith.bitcast %mul3A_1370 : f32 to i32
        %sub3A_1372 = arith.constant 2129859011 : i32
        %sub3A_1373 = arith.subi %sub3A_1372, %bitcast_convert_type3A_1371 : i32
        %bitcast_convert_type3A_1374 = arith.bitcast %sub3A_1373 : i32 to f32
        %mul3A_1375 = arith.mulf %mul3A_1370, %bitcast_convert_type3A_1374 : f32
        %sub3A_1376 = arith.constant 2.000000e+00 : f32
        %sub3A_1377 = arith.subf %sub3A_1376, %mul3A_1375 : f32
        %mul3A_1378 = arith.mulf %bitcast_convert_type3A_1374, %sub3A_1377 : f32
        %mul3A_1379 = arith.mulf %mul3A_1370, %mul3A_1378 : f32
        %sub3A_1380 = arith.constant 2.000000e+00 : f32
        %sub3A_1381 = arith.subf %sub3A_1380, %mul3A_1379 : f32
        %mul3A_1382 = arith.mulf %mul3A_1378, %sub3A_1381 : f32
        %mul3A_1383 = arith.mulf %mul3A_1370, %mul3A_1382 : f32
        %sub3A_1384 = arith.constant 2.000000e+00 : f32
        %sub3A_1385 = arith.subf %sub3A_1384, %mul3A_1383 : f32
        %mul3A_1386 = arith.mulf %mul3A_1382, %sub3A_1385 : f32
        %mul3A_1387 = arith.mulf %add3A_1364, %add3A_1364 : f32
        %mul3A_1388 = arith.mulf %mul3A_1387, %mul3A_1386 : f32
        %min3A_1389 = arith.constant 1.000000e+03 : f32
        %min3A_1390 = arith.minimumf %mul3A_1388, %min3A_1389 : f32
        %add3A_1391 = arith.addf %add3A_1322, %min3A_1390 : f32
        %mul3A_1392 = arith.constant 2.000000e+00 : f32
        %mul3A_1393 = arith.mulf %mul3A_1392, %min3A_1390 : f32
        %mul3A_1394 = arith.mulf %max3A_1369, %mul3A_1386 : f32
        %mul3A_1395 = arith.mulf %mul3A_1393, %mul3A_1394 : f32
        %broadcast_in_dim3A_1396 = vector.broadcast %mul3A_1395 : f32 to vector<16xf32>
        %mul3A_1397 = arith.mulf %broadcast_in_dim3A_1396, %get3A_1342 : vector<16xf32>
        %add3A_1398 = arith.addf %add3A_1329, %mul3A_1397 : vector<16xf32>
        %mul3A_1399 = arith.mulf %broadcast_in_dim3A_1396, %get3A_1345 : vector<16xf32>
        %add3A_1400 = arith.addf %add3A_1331, %mul3A_1399 : vector<16xf32>
        %mul3A_1401 = arith.mulf %broadcast_in_dim3A_1396, %get3A_1348 : vector<16xf32>
        %add3A_1402 = arith.addf %add3A_1333, %mul3A_1401 : vector<16xf32>
        %mul3A_1403 = arith.mulf %broadcast_in_dim3A_1396, %get3A_1351 : vector<16xf32>
        %add3A_1404 = arith.addf %add3A_1335, %mul3A_1403 : vector<16xf32>
        %mul3A_1405 = arith.constant 16 : i32
        %mul3A_1406 = arith.muli %scan3A_371, %mul3A_1405 : i32
        %add3A_1407 = arith.constant 15 : i32
        %add3A_1408 = arith.addi %mul3A_1406, %add3A_1407 : i32
        %get3A_1409 = arith.index_cast %add3A_1408 : i32 to index
        %get3A_1410 = arith.constant 0 : index
        %get3A_1411 = tpu.vector_load %arg10[%get3A_1409, %get3A_1410] {strides = array<i32>} : memref<400x64xf32, #tpu.memory_space<vmem>>, vector<16xf32>,
        %get3A_1412 = arith.index_cast %add3A_1408 : i32 to index
        %get3A_1413 = arith.constant 16 : index
        %get3A_1414 = tpu.vector_load %arg10[%get3A_1412, %get3A_1413] {strides = array<i32>} : memref<400x64xf32, #tpu.memory_space<vmem>>, vector<16xf32>,
        %get3A_1415 = arith.index_cast %add3A_1408 : i32 to index
        %get3A_1416 = arith.constant 32 : index
        %get3A_1417 = tpu.vector_load %arg10[%get3A_1415, %get3A_1416] {strides = array<i32>} : memref<400x64xf32, #tpu.memory_space<vmem>>, vector<16xf32>,
        %get3A_1418 = arith.index_cast %add3A_1408 : i32 to index
        %get3A_1419 = arith.constant 48 : index
        %get3A_1420 = tpu.vector_load %arg10[%get3A_1418, %get3A_1419] {strides = array<i32>} : memref<400x64xf32, #tpu.memory_space<vmem>>, vector<16xf32>,
        %mul3A_1421 = arith.mulf %get3A_1411, %get3A_1411 : vector<16xf32>
        %mul3A_1422 = arith.mulf %get3A_1414, %get3A_1414 : vector<16xf32>
        %add3A_1423 = arith.addf %mul3A_1421, %mul3A_1422 : vector<16xf32>
        %mul3A_1424 = arith.mulf %get3A_1417, %get3A_1417 : vector<16xf32>
        %add3A_1425 = arith.addf %add3A_1423, %mul3A_1424 : vector<16xf32>
        %mul3A_1426 = arith.mulf %get3A_1420, %get3A_1420 : vector<16xf32>
        %add3A_1427 = arith.addf %add3A_1425, %mul3A_1426 : vector<16xf32>
        %reduce_sum3A_1428 = arith.constant true
        %reduce_sum3A_1429 = vector.broadcast %reduce_sum3A_1428 : i1 to vector<16xi1>
        %reduce_sum3A_1430 = tpu.scan <sum>, %add3A_1427 masked %reduce_sum3A_1429 : vector<16xf32>, vector<16xi1> -> vector<16xf32>
        %reduce_sum3A_1431 = vector.extract %reduce_sum3A_1430[15] : f32 from vector<16xf32>
        %add3A_1432 = arith.constant 1.000000e+00 : f32
        %add3A_1433 = arith.addf %add3A_1432, %reduce_sum3A_1431 : f32
        %sub3A_1434 = arith.constant 1.000000e+00 : f32
        %sub3A_1435 = arith.subf %sub3A_1434, %reduce_sum3A_1431 : f32
        %abs3A_1436 = math.absf %sub3A_1435 : f32
        %max3A_1437 = arith.constant 1.000000e-30 : f32
        %max3A_1438 = arith.maximumf %abs3A_1436, %max3A_1437 : f32
        %mul3A_1439 = arith.mulf %add3A_1433, %max3A_1438 : f32
        %bitcast_convert_type3A_1440 = arith.bitcast %mul3A_1439 : f32 to i32
        %sub3A_1441 = arith.constant 2129859011 : i32
        %sub3A_1442 = arith.subi %sub3A_1441, %bitcast_convert_type3A_1440 : i32
        %bitcast_convert_type3A_1443 = arith.bitcast %sub3A_1442 : i32 to f32
        %mul3A_1444 = arith.mulf %mul3A_1439, %bitcast_convert_type3A_1443 : f32
        %sub3A_1445 = arith.constant 2.000000e+00 : f32
        %sub3A_1446 = arith.subf %sub3A_1445, %mul3A_1444 : f32
        %mul3A_1447 = arith.mulf %bitcast_convert_type3A_1443, %sub3A_1446 : f32
        %mul3A_1448 = arith.mulf %mul3A_1439, %mul3A_1447 : f32
        %sub3A_1449 = arith.constant 2.000000e+00 : f32
        %sub3A_1450 = arith.subf %sub3A_1449, %mul3A_1448 : f32
        %mul3A_1451 = arith.mulf %mul3A_1447, %sub3A_1450 : f32
        %mul3A_1452 = arith.mulf %mul3A_1439, %mul3A_1451 : f32
        %sub3A_1453 = arith.constant 2.000000e+00 : f32
        %sub3A_1454 = arith.subf %sub3A_1453, %mul3A_1452 : f32
        %mul3A_1455 = arith.mulf %mul3A_1451, %sub3A_1454 : f32
        %mul3A_1456 = arith.mulf %add3A_1433, %add3A_1433 : f32
        %mul3A_1457 = arith.mulf %mul3A_1456, %mul3A_1455 : f32
        %min3A_1458 = arith.constant 1.000000e+03 : f32
        %min3A_1459 = arith.minimumf %mul3A_1457, %min3A_1458 : f32
        %add3A_1460 = arith.addf %add3A_1391, %min3A_1459 : f32
        %mul3A_1461 = arith.constant 2.000000e+00 : f32
        %mul3A_1462 = arith.mulf %mul3A_1461, %min3A_1459 : f32
        %mul3A_1463 = arith.mulf %max3A_1438, %mul3A_1455 : f32
        %mul3A_1464 = arith.mulf %mul3A_1462, %mul3A_1463 : f32
        %broadcast_in_dim3A_1465 = vector.broadcast %mul3A_1464 : f32 to vector<16xf32>
        %mul3A_1466 = arith.mulf %broadcast_in_dim3A_1465, %get3A_1411 : vector<16xf32>
        %add3A_1467 = arith.addf %add3A_1398, %mul3A_1466 : vector<16xf32>
        %mul3A_1468 = arith.mulf %broadcast_in_dim3A_1465, %get3A_1414 : vector<16xf32>
        %add3A_1469 = arith.addf %add3A_1400, %mul3A_1468 : vector<16xf32>
        %mul3A_1470 = arith.mulf %broadcast_in_dim3A_1465, %get3A_1417 : vector<16xf32>
        %add3A_1471 = arith.addf %add3A_1402, %mul3A_1470 : vector<16xf32>
        %mul3A_1472 = arith.mulf %broadcast_in_dim3A_1465, %get3A_1420 : vector<16xf32>
        %add3A_1473 = arith.addf %add3A_1404, %mul3A_1472 : vector<16xf32>
        scf.yield %add3A_1467, %add3A_1469, %add3A_1471, %add3A_1473, %add3A_1460 : vector<16xf32>, vector<16xf32>, vector<16xf32>, vector<16xf32>, f32
      }
      %scan3A_353 = arith.constant 25 : i32
      %swap3A_354 = arith.constant 0 : index
      %swap3A_355 = tpu.vector_load %arg12[%swap3A_354] {strides = array<i32>} : memref<80xf32, #tpu.memory_space<vmem>>, vector<16xf32>,
      tpu.vector_store %arg12[%swap3A_354], %scan3A_352#0 {strides = array<i32>} : memref<80xf32, #tpu.memory_space<vmem>>, vector<16xf32>,
      %swap3A_356 = arith.constant 16 : index
      %swap3A_357 = tpu.vector_load %arg12[%swap3A_356] {strides = array<i32>} : memref<80xf32, #tpu.memory_space<vmem>>, vector<16xf32>,
      tpu.vector_store %arg12[%swap3A_356], %scan3A_352#1 {strides = array<i32>} : memref<80xf32, #tpu.memory_space<vmem>>, vector<16xf32>,
      %swap3A_358 = arith.constant 32 : index
      %swap3A_359 = tpu.vector_load %arg12[%swap3A_358] {strides = array<i32>} : memref<80xf32, #tpu.memory_space<vmem>>, vector<16xf32>,
      tpu.vector_store %arg12[%swap3A_358], %scan3A_352#2 {strides = array<i32>} : memref<80xf32, #tpu.memory_space<vmem>>, vector<16xf32>,
      %swap3A_360 = arith.constant 48 : index
      %swap3A_361 = tpu.vector_load %arg12[%swap3A_360] {strides = array<i32>} : memref<80xf32, #tpu.memory_space<vmem>>, vector<16xf32>,
      tpu.vector_store %arg12[%swap3A_360], %scan3A_352#3 {strides = array<i32>} : memref<80xf32, #tpu.memory_space<vmem>>, vector<16xf32>,
      %broadcast_in_dim3A_362 = vector.broadcast %scan3A_352#4 : f32 to vector<16xf32>
      %swap3A_363 = arith.constant 64 : index
      %swap3A_364 = tpu.vector_load %arg12[%swap3A_363] {strides = array<i32>} : memref<80xf32, #tpu.memory_space<vmem>>, vector<16xf32>,
      tpu.vector_store %arg12[%swap3A_363], %broadcast_in_dim3A_362 {strides = array<i32>} : memref<80xf32, #tpu.memory_space<vmem>>, vector<16xf32>,
      %dma_start3A_365 = arith.constant 0 : i32
      %dma_start3A_366 = tpu.memref_slice %arg6[%add3A_344, %dma_start3A_365] : memref<4096x80xf32, #tpu.memory_space<hbm>> -> memref<1x80xf32, #tpu.memory_space<hbm>>
      %dma_start3A_367 = tpu.memref_squeeze %dma_start3A_366 : memref<1x80xf32, #tpu.memory_space<hbm>> -> memref<80xf32, #tpu.memory_space<hbm>>
      %dma_start3A_368 = arith.constant 0 : i32
      %dma_start3A_369 = tpu.memref_slice %arg6[%add3A_344, %dma_start3A_368] : memref<4096x80xf32, #tpu.memory_space<hbm>> -> memref<1x80xf32, #tpu.memory_space<hbm>>
      %dma_start3A_370 = tpu.memref_squeeze %dma_start3A_369 : memref<1x80xf32, #tpu.memory_space<hbm>> -> memref<80xf32, #tpu.memory_space<hbm>>
      tpu.enqueue_dma source(%arg12 : memref<80xf32, #tpu.memory_space<vmem>>) target(%dma_start3A_370 : memref<80xf32, #tpu.memory_space<hbm>>) target_semaphore(%arg16 : memref<!tpu.dma_semaphore, #tpu.memory_space<semaphore_mem>>)
    }
    %scan3A_131 = arith.constant 64 : i32
    %dma_wait3A_132 = arith.constant 0 : i32
    %dma_wait3A_133 = tpu.memref_slice %arg6[%mul3A_2, %dma_wait3A_132] : memref<4096x80xf32, #tpu.memory_space<hbm>> -> memref<1x80xf32, #tpu.memory_space<hbm>>
    %dma_wait3A_134 = tpu.memref_squeeze %dma_wait3A_133 : memref<1x80xf32, #tpu.memory_space<hbm>> -> memref<80xf32, #tpu.memory_space<hbm>>
    %dma_wait3A_135 = arith.constant 0 : i32
    %dma_wait3A_136 = tpu.memref_slice %arg6[%mul3A_2, %dma_wait3A_135] : memref<4096x80xf32, #tpu.memory_space<hbm>> -> memref<1x80xf32, #tpu.memory_space<hbm>>
    %dma_wait3A_137 = tpu.memref_squeeze %dma_wait3A_136 : memref<1x80xf32, #tpu.memory_space<hbm>> -> memref<80xf32, #tpu.memory_space<hbm>>
    tpu.wait_dma2 semaphore(%arg15 : memref<!tpu.dma_semaphore, #tpu.memory_space<semaphore_mem>>) src(%arg11 : memref<80xf32, #tpu.memory_space<vmem>>) dst(%dma_wait3A_137 : memref<80xf32, #tpu.memory_space<hbm>>)
    %dma_wait3A_138 = arith.constant 0 : i32
    %dma_wait3A_139 = tpu.memref_slice %arg6[%mul3A_2, %dma_wait3A_138] : memref<4096x80xf32, #tpu.memory_space<hbm>> -> memref<1x80xf32, #tpu.memory_space<hbm>>
    %dma_wait3A_140 = tpu.memref_squeeze %dma_wait3A_139 : memref<1x80xf32, #tpu.memory_space<hbm>> -> memref<80xf32, #tpu.memory_space<hbm>>
    %dma_wait3A_141 = arith.constant 0 : i32
    %dma_wait3A_142 = tpu.memref_slice %arg6[%mul3A_2, %dma_wait3A_141] : memref<4096x80xf32, #tpu.memory_space<hbm>> -> memref<1x80xf32, #tpu.memory_space<hbm>>
    %dma_wait3A_143 = tpu.memref_squeeze %dma_wait3A_142 : memref<1x80xf32, #tpu.memory_space<hbm>> -> memref<80xf32, #tpu.memory_space<hbm>>
    tpu.wait_dma2 semaphore(%arg16 : memref<!tpu.dma_semaphore, #tpu.memory_space<semaphore_mem>>) src(%arg12 : memref<80xf32, #tpu.memory_space<vmem>>) dst(%dma_wait3A_143 : memref<80xf32, #tpu.memory_space<hbm>>)
    return
  }
}

module attributes {stable_mosaic.version = 14 : i64} {
  func.func @body(%arg0: i32, %arg1: memref<512x80xf32, #tpu.memory_space<vmem>>, %arg2: memref<10x64xf32, #tpu.memory_space<vmem>>, %arg3: memref<1x10xf32, #tpu.memory_space<vmem>>, %arg4: memref<512x10xf32, #tpu.memory_space<vmem>>) attributes {dimension_semantics = [#tpu.dimension_semantics<arbitrary>], iteration_bounds = array<i64: 8>, scalar_prefetch = 0 : i64, scratch_operands = 0 : i64, tpu.core_type = #tpu.core_type<tc>, window_params = [{transform_indices = @transform_0, window_bounds = array<i64: 512, 80>}, {pipeline_mode = #tpu.pipeline_mode<synchronous>, transform_indices = @transform_1, window_bounds = array<i64: 10, 64>}, {pipeline_mode = #tpu.pipeline_mode<synchronous>, transform_indices = @transform_2, window_bounds = array<i64: 1, 10>}, {transform_indices = @transform_3, window_bounds = array<i64: 512, 10>}]} {
    %get3A = arith.constant 0 : index
    %get3A_0 = arith.constant 0 : index
    %get3A_1 = vector.load %arg1[%get3A, %get3A_0] : memref<512x80xf32, #tpu.memory_space<vmem>>, vector<512x80xf32>
    %slice3A = vector.extract_strided_slice %get3A_1 {offsets = [0, 0], sizes = [512, 64], strides = [1, 1]} : vector<512x80xf32> to vector<512x64xf32>
    %slice3A_2 = vector.extract_strided_slice %get3A_1 {offsets = [0, 64], sizes = [512, 1], strides = [1, 1]} : vector<512x80xf32> to vector<512x1xf32>
    %jit3A = arith.constant 1.000000e-15 : f32
    %max3A = vector.broadcast %jit3A : f32 to vector<512x1xf32>
    %max3A_3 = arith.maximumf %max3A, %slice3A_2 : vector<512x1xf32>
    %div3A = vector.broadcast %max3A_3 : vector<512x1xf32> to vector<512x64xf32>
    %div3A_4 = arith.divf %slice3A, %div3A : vector<512x64xf32>
    %mul3A = arith.mulf %div3A_4, %div3A_4 : vector<512x64xf32>
    %reduce_sum3A = arith.constant dense<0.000000e+00> : vector<512xf32>
    %reduce_sum3A_5 = vector.multi_reduction <add>, %mul3A, %reduce_sum3A [1] : vector<512x64xf32> to vector<512xf32>
    %broadcast_in_dim3A = vector.shape_cast %reduce_sum3A_5 : vector<512xf32> to vector<512x1xf32>
    %jit3A_6 = arith.constant 0.000000e+00 : f32
    %jit3A_7 = arith.constant 0.999998986 : f32
    %max3A_8 = vector.broadcast %jit3A_6 : f32 to vector<512x1xf32>
    %max3A_9 = arith.maximumf %max3A_8, %broadcast_in_dim3A : vector<512x1xf32>
    %min3A = vector.broadcast %jit3A_7 : f32 to vector<512x1xf32>
    %min3A_10 = arith.minimumf %min3A, %max3A_9 : vector<512x1xf32>
    %sub3A = arith.constant 1.000000e+00 : f32
    %sub3A_11 = vector.broadcast %sub3A : f32 to vector<512x1xf32>
    %sub3A_12 = arith.subf %sub3A_11, %min3A_10 : vector<512x1xf32>
    %sqrt3A = math.sqrt %sub3A_12 : vector<512x1xf32>
    %add3A = arith.constant 1.000000e+00 : f32
    %add3A_13 = vector.broadcast %add3A : f32 to vector<512x1xf32>
    %add3A_14 = arith.addf %add3A_13, %sqrt3A : vector<512x1xf32>
    %div3A_15 = vector.broadcast %add3A_14 : vector<512x1xf32> to vector<512x64xf32>
    %div3A_16 = arith.divf %div3A_4, %div3A_15 : vector<512x64xf32>
    %mul3A_17 = arith.mulf %div3A_16, %div3A_16 : vector<512x64xf32>
    %reduce_sum3A_18 = arith.constant dense<0.000000e+00> : vector<512xf32>
    %reduce_sum3A_19 = vector.multi_reduction <add>, %mul3A_17, %reduce_sum3A_18 [1] : vector<512x64xf32> to vector<512xf32>
    %broadcast_in_dim3A_20 = vector.shape_cast %reduce_sum3A_19 : vector<512xf32> to vector<512x1xf32>
    %jit3A_21 = arith.constant 1.000000e-15 : f32
    %max3A_22 = vector.broadcast %jit3A_21 : f32 to vector<512x1xf32>
    %max3A_23 = arith.maximumf %max3A_22, %broadcast_in_dim3A_20 : vector<512x1xf32>
    %sqrt3A_24 = math.sqrt %max3A_23 : vector<512x1xf32>
    %get3A_25 = arith.constant 0 : index
    %get3A_26 = arith.constant 0 : index
    %get3A_27 = vector.load %arg2[%get3A_25, %get3A_26] : memref<10x64xf32, #tpu.memory_space<vmem>>, vector<10x64xf32>
    %dot_general3A = arith.constant dense<0.000000e+00> : vector<512x10xf32>
    %dot_general3A_28 = tpu.matmul %div3A_16, %get3A_27, %dot_general3A {dimension_numbers = #tpu.dot_dimension_numbers<[1], [1], [0], [0], [0, 0, 1, 0], [], []>, transpose_lhs_hint = false} : vector<512x64xf32>, vector<10x64xf32>, vector<512x10xf32> -> vector<512x10xf32>
    %mul3A_29 = arith.mulf %dot_general3A_28, %dot_general3A_28 : vector<512x10xf32>
    %reduce_sum3A_30 = arith.constant dense<0.000000e+00> : vector<512xf32>
    %reduce_sum3A_31 = vector.multi_reduction <add>, %mul3A_29, %reduce_sum3A_30 [1] : vector<512x10xf32> to vector<512xf32>
    %broadcast_in_dim3A_32 = vector.shape_cast %reduce_sum3A_31 : vector<512xf32> to vector<512x1xf32>
    %jit3A_33 = arith.constant 1.000000e-15 : f32
    %max3A_34 = vector.broadcast %jit3A_33 : f32 to vector<512x1xf32>
    %max3A_35 = arith.maximumf %max3A_34, %broadcast_in_dim3A_32 : vector<512x1xf32>
    %sqrt3A_36 = math.sqrt %max3A_35 : vector<512x1xf32>
    %div3A_37 = arith.divf %sqrt3A_36, %sqrt3A_24 : vector<512x1xf32>
    %jit3A_38 = arith.constant -0.99999988 : f32
    %jit3A_39 = arith.constant 0.99999988 : f32
    %max3A_40 = vector.broadcast %jit3A_38 : f32 to vector<512x1xf32>
    %max3A_41 = arith.maximumf %max3A_40, %sqrt3A_24 : vector<512x1xf32>
    %min3A_42 = vector.broadcast %jit3A_39 : f32 to vector<512x1xf32>
    %min3A_43 = arith.minimumf %min3A_42, %max3A_41 : vector<512x1xf32>
    %add3A_44 = arith.constant 1.000000e+00 : f32
    %add3A_45 = vector.broadcast %add3A_44 : f32 to vector<512x1xf32>
    %add3A_46 = arith.addf %add3A_45, %min3A_43 : vector<512x1xf32>
    %sub3A_47 = arith.constant 1.000000e+00 : f32
    %sub3A_48 = vector.broadcast %sub3A_47 : f32 to vector<512x1xf32>
    %sub3A_49 = arith.subf %sub3A_48, %min3A_43 : vector<512x1xf32>
    %div3A_50 = arith.divf %add3A_46, %sub3A_49 : vector<512x1xf32>
    %log3A = math.log %div3A_50 : vector<512x1xf32>
    %mul3A_51 = arith.constant 5.000000e-01 : f32
    %mul3A_52 = vector.broadcast %mul3A_51 : f32 to vector<512x1xf32>
    %mul3A_53 = arith.mulf %mul3A_52, %log3A : vector<512x1xf32>
    %mul3A_54 = arith.mulf %div3A_37, %mul3A_53 : vector<512x1xf32>
    %tanh3A = math.tanh %mul3A_54 : vector<512x1xf32>
    %mul3A_55 = vector.broadcast %tanh3A : vector<512x1xf32> to vector<512x10xf32>
    %mul3A_56 = arith.mulf %mul3A_55, %dot_general3A_28 : vector<512x10xf32>
    %div3A_57 = vector.broadcast %sqrt3A_36 : vector<512x1xf32> to vector<512x10xf32>
    %div3A_58 = arith.divf %mul3A_56, %div3A_57 : vector<512x10xf32>
    %abs3A = math.absf %dot_general3A_28 : vector<512x10xf32>
    %reduce_sum3A_59 = arith.constant dense<0.000000e+00> : vector<512xf32>
    %reduce_sum3A_60 = vector.multi_reduction <add>, %abs3A, %reduce_sum3A_59 [1] : vector<512x10xf32> to vector<512xf32>
    %broadcast_in_dim3A_61 = vector.shape_cast %reduce_sum3A_60 : vector<512xf32> to vector<512x1xf32>
    %lt3A = arith.constant 1.000000e-10 : f32
    %lt3A_62 = vector.broadcast %lt3A : f32 to vector<512x1xf32>
    %lt3A_63 = arith.cmpf olt, %broadcast_in_dim3A_61, %lt3A_62 : vector<512x1xf32>
    %broadcast_in_dim3A_64 = arith.constant 0.000000e+00 : f32
    %broadcast_in_dim3A_65 = vector.broadcast %broadcast_in_dim3A_64 : f32 to vector<512x10xf32>
    %broadcast_in_dim3A_66 = vector.shape_cast %lt3A_63 : vector<512x1xi1> to vector<512x1xi1>
    %broadcast_in_dim3A_67 = vector.broadcast %broadcast_in_dim3A_66 : vector<512x1xi1> to vector<512x10xi1>
    %select_n3A = arith.select %broadcast_in_dim3A_67, %broadcast_in_dim3A_65, %div3A_58 : vector<512x10xi1>, vector<512x10xf32>
    %get3A_68 = arith.constant 0 : index
    %get3A_69 = arith.constant 0 : index
    %get3A_70 = vector.load %arg3[%get3A_68, %get3A_69] : memref<1x10xf32, #tpu.memory_space<vmem>>, vector<1x10xf32>
    %mul3A_71 = arith.mulf %get3A_70, %get3A_70 : vector<1x10xf32>
    %reduce_sum3A_72 = arith.constant dense<0.000000e+00> : vector<1xf32>
    %reduce_sum3A_73 = vector.multi_reduction <add>, %mul3A_71, %reduce_sum3A_72 [1] : vector<1x10xf32> to vector<1xf32>
    %broadcast_in_dim3A_74 = vector.shape_cast %reduce_sum3A_73 : vector<1xf32> to vector<1x1xf32>
    %jit3A_75 = arith.constant 1.000000e-15 : f32
    %max3A_76 = vector.broadcast %jit3A_75 : f32 to vector<1x1xf32>
    %max3A_77 = arith.maximumf %max3A_76, %broadcast_in_dim3A_74 : vector<1x1xf32>
    %sqrt3A_78 = math.sqrt %max3A_77 : vector<1x1xf32>
    %tanh3A_79 = math.tanh %sqrt3A_78 : vector<1x1xf32>
    %mul3A_80 = vector.broadcast %tanh3A_79 : vector<1x1xf32> to vector<1x10xf32>
    %mul3A_81 = arith.mulf %mul3A_80, %get3A_70 : vector<1x10xf32>
    %div3A_82 = vector.broadcast %sqrt3A_78 : vector<1x1xf32> to vector<1x10xf32>
    %div3A_83 = arith.divf %mul3A_81, %div3A_82 : vector<1x10xf32>
    %mul3A_84 = arith.mulf %select_n3A, %select_n3A : vector<512x10xf32>
    %reduce_sum3A_85 = arith.constant dense<0.000000e+00> : vector<512xf32>
    %reduce_sum3A_86 = vector.multi_reduction <add>, %mul3A_84, %reduce_sum3A_85 [1] : vector<512x10xf32> to vector<512xf32>
    %broadcast_in_dim3A_87 = vector.shape_cast %reduce_sum3A_86 : vector<512xf32> to vector<512x1xf32>
    %mul3A_88 = arith.mulf %div3A_83, %div3A_83 : vector<1x10xf32>
    %reduce_sum3A_89 = arith.constant dense<0.000000e+00> : vector<1xf32>
    %reduce_sum3A_90 = vector.multi_reduction <add>, %mul3A_88, %reduce_sum3A_89 [1] : vector<1x10xf32> to vector<1xf32>
    %broadcast_in_dim3A_91 = vector.shape_cast %reduce_sum3A_90 : vector<1xf32> to vector<1x1xf32>
    %mul3A_92 = vector.broadcast %div3A_83 : vector<1x10xf32> to vector<512x10xf32>
    %mul3A_93 = arith.mulf %select_n3A, %mul3A_92 : vector<512x10xf32>
    %reduce_sum3A_94 = arith.constant dense<0.000000e+00> : vector<512xf32>
    %reduce_sum3A_95 = vector.multi_reduction <add>, %mul3A_93, %reduce_sum3A_94 [1] : vector<512x10xf32> to vector<512xf32>
    %broadcast_in_dim3A_96 = vector.shape_cast %reduce_sum3A_95 : vector<512xf32> to vector<512x1xf32>
    %mul3A_97 = arith.constant 2.000000e+00 : f32
    %mul3A_98 = vector.broadcast %mul3A_97 : f32 to vector<512x1xf32>
    %mul3A_99 = arith.mulf %mul3A_98, %broadcast_in_dim3A_96 : vector<512x1xf32>
    %add3A_100 = arith.constant 1.000000e+00 : f32
    %add3A_101 = vector.broadcast %add3A_100 : f32 to vector<512x1xf32>
    %add3A_102 = arith.addf %add3A_101, %mul3A_99 : vector<512x1xf32>
    %add3A_103 = vector.broadcast %broadcast_in_dim3A_91 : vector<1x1xf32> to vector<512x1xf32>
    %add3A_104 = arith.addf %add3A_102, %add3A_103 : vector<512x1xf32>
    %mul3A_105 = vector.broadcast %add3A_104 : vector<512x1xf32> to vector<512x10xf32>
    %mul3A_106 = arith.mulf %mul3A_105, %select_n3A : vector<512x10xf32>
    %sub3A_107 = arith.constant 1.000000e+00 : f32
    %sub3A_108 = vector.broadcast %sub3A_107 : f32 to vector<512x1xf32>
    %sub3A_109 = arith.subf %sub3A_108, %broadcast_in_dim3A_87 : vector<512x1xf32>
    %mul3A_110 = vector.broadcast %sub3A_109 : vector<512x1xf32> to vector<512x10xf32>
    %mul3A_111 = vector.broadcast %div3A_83 : vector<1x10xf32> to vector<512x10xf32>
    %mul3A_112 = arith.mulf %mul3A_110, %mul3A_111 : vector<512x10xf32>
    %add3A_113 = arith.addf %mul3A_106, %mul3A_112 : vector<512x10xf32>
    %mul3A_114 = arith.constant 2.000000e+00 : f32
    %mul3A_115 = vector.broadcast %mul3A_114 : f32 to vector<512x1xf32>
    %mul3A_116 = arith.mulf %mul3A_115, %broadcast_in_dim3A_96 : vector<512x1xf32>
    %add3A_117 = arith.constant 1.000000e+00 : f32
    %add3A_118 = vector.broadcast %add3A_117 : f32 to vector<512x1xf32>
    %add3A_119 = arith.addf %add3A_118, %mul3A_116 : vector<512x1xf32>
    %mul3A_120 = vector.broadcast %broadcast_in_dim3A_91 : vector<1x1xf32> to vector<512x1xf32>
    %mul3A_121 = arith.mulf %broadcast_in_dim3A_87, %mul3A_120 : vector<512x1xf32>
    %add3A_122 = arith.addf %add3A_119, %mul3A_121 : vector<512x1xf32>
    %jit3A_123 = arith.constant 1.000000e-15 : f32
    %max3A_124 = vector.broadcast %jit3A_123 : f32 to vector<512x1xf32>
    %max3A_125 = arith.maximumf %max3A_124, %add3A_122 : vector<512x1xf32>
    %div3A_126 = vector.broadcast %max3A_125 : vector<512x1xf32> to vector<512x10xf32>
    %div3A_127 = arith.divf %add3A_113, %div3A_126 : vector<512x10xf32>
    %mul3A_128 = arith.mulf %div3A_127, %div3A_127 : vector<512x10xf32>
    %reduce_sum3A_129 = arith.constant dense<0.000000e+00> : vector<512xf32>
    %reduce_sum3A_130 = vector.multi_reduction <add>, %mul3A_128, %reduce_sum3A_129 [1] : vector<512x10xf32> to vector<512xf32>
    %broadcast_in_dim3A_131 = vector.shape_cast %reduce_sum3A_130 : vector<512xf32> to vector<512x1xf32>
    %jit3A_132 = arith.constant 1.000000e-15 : f32
    %max3A_133 = vector.broadcast %jit3A_132 : f32 to vector<512x1xf32>
    %max3A_134 = arith.maximumf %max3A_133, %broadcast_in_dim3A_131 : vector<512x1xf32>
    %sqrt3A_135 = math.sqrt %max3A_134 : vector<512x1xf32>
    %gt3A = arith.constant 0.999989986 : f32
    %gt3A_136 = vector.broadcast %gt3A : f32 to vector<512x1xf32>
    %gt3A_137 = arith.cmpf ogt, %sqrt3A_135, %gt3A_136 : vector<512x1xf32>
    %div3A_138 = vector.broadcast %sqrt3A_135 : vector<512x1xf32> to vector<512x10xf32>
    %div3A_139 = arith.divf %div3A_127, %div3A_138 : vector<512x10xf32>
    %mul3A_140 = arith.constant 0.999989986 : f32
    %mul3A_141 = vector.broadcast %mul3A_140 : f32 to vector<512x10xf32>
    %mul3A_142 = arith.mulf %div3A_139, %mul3A_141 : vector<512x10xf32>
    %broadcast_in_dim3A_143 = vector.shape_cast %gt3A_137 : vector<512x1xi1> to vector<512x1xi1>
    %broadcast_in_dim3A_144 = vector.broadcast %broadcast_in_dim3A_143 : vector<512x1xi1> to vector<512x10xi1>
    %select_n3A_145 = arith.select %broadcast_in_dim3A_144, %mul3A_142, %div3A_127 : vector<512x10xi1>, vector<512x10xf32>
    %mul3A_146 = arith.mulf %select_n3A_145, %select_n3A_145 : vector<512x10xf32>
    %reduce_sum3A_147 = arith.constant dense<0.000000e+00> : vector<512xf32>
    %reduce_sum3A_148 = vector.multi_reduction <add>, %mul3A_146, %reduce_sum3A_147 [1] : vector<512x10xf32> to vector<512xf32>
    %broadcast_in_dim3A_149 = vector.shape_cast %reduce_sum3A_148 : vector<512xf32> to vector<512x1xf32>
    %jit3A_150 = arith.constant 1.000000e-15 : f32
    %max3A_151 = vector.broadcast %jit3A_150 : f32 to vector<512x1xf32>
    %max3A_152 = arith.maximumf %max3A_151, %broadcast_in_dim3A_149 : vector<512x1xf32>
    %sqrt3A_153 = math.sqrt %max3A_152 : vector<512x1xf32>
    %jit3A_154 = arith.constant -0.99999988 : f32
    %jit3A_155 = arith.constant 0.99999988 : f32
    %max3A_156 = vector.broadcast %jit3A_154 : f32 to vector<512x1xf32>
    %max3A_157 = arith.maximumf %max3A_156, %sqrt3A_153 : vector<512x1xf32>
    %min3A_158 = vector.broadcast %jit3A_155 : f32 to vector<512x1xf32>
    %min3A_159 = arith.minimumf %min3A_158, %max3A_157 : vector<512x1xf32>
    %add3A_160 = arith.constant 1.000000e+00 : f32
    %add3A_161 = vector.broadcast %add3A_160 : f32 to vector<512x1xf32>
    %add3A_162 = arith.addf %add3A_161, %min3A_159 : vector<512x1xf32>
    %sub3A_163 = arith.constant 1.000000e+00 : f32
    %sub3A_164 = vector.broadcast %sub3A_163 : f32 to vector<512x1xf32>
    %sub3A_165 = arith.subf %sub3A_164, %min3A_159 : vector<512x1xf32>
    %div3A_166 = arith.divf %add3A_162, %sub3A_165 : vector<512x1xf32>
    %log3A_167 = math.log %div3A_166 : vector<512x1xf32>
    %mul3A_168 = arith.constant 5.000000e-01 : f32
    %mul3A_169 = vector.broadcast %mul3A_168 : f32 to vector<512x1xf32>
    %mul3A_170 = arith.mulf %mul3A_169, %log3A_167 : vector<512x1xf32>
    %mul3A_171 = vector.broadcast %mul3A_170 : vector<512x1xf32> to vector<512x10xf32>
    %mul3A_172 = arith.mulf %mul3A_171, %select_n3A_145 : vector<512x10xf32>
    %div3A_173 = vector.broadcast %sqrt3A_153 : vector<512x1xf32> to vector<512x10xf32>
    %div3A_174 = arith.divf %mul3A_172, %div3A_173 : vector<512x10xf32>
    %swap3A = arith.constant 0 : index
    %swap3A_175 = arith.constant 0 : index
    %swap3A_176 = vector.load %arg4[%swap3A, %swap3A_175] : memref<512x10xf32, #tpu.memory_space<vmem>>, vector<512x10xf32>
    tpu.vector_store %arg4[%swap3A, %swap3A_175], %div3A_174 {strides = array<i32>} : memref<512x10xf32, #tpu.memory_space<vmem>>, vector<512x10xf32>,
    return
  }
  func.func @transform_0(%arg0: i32) -> (i32, i32) {
    %c0_i32 = arith.constant 0 : i32
    %c0_i32_0 = arith.constant 0 : i32
    return %arg0, %c0_i32 : i32, i32
  }
  func.func @transform_1(%arg0: i32) -> (i32, i32) {
    %c0_i32 = arith.constant 0 : i32
    %c0_i32_0 = arith.constant 0 : i32
    %c0_i32_1 = arith.constant 0 : i32
    return %c0_i32, %c0_i32_0 : i32, i32
  }
  func.func @transform_2(%arg0: i32) -> (i32, i32) {
    %c0_i32 = arith.constant 0 : i32
    %c0_i32_0 = arith.constant 0 : i32
    %c0_i32_1 = arith.constant 0 : i32
    return %c0_i32, %c0_i32_0 : i32, i32
  }
  func.func @transform_3(%arg0: i32) -> (i32, i32) {
    %c0_i32 = arith.constant 0 : i32
    %c0_i32_0 = arith.constant 0 : i32
    return %arg0, %c0_i32 : i32, i32
  }
}

</mosaic_0001>

<sc_bundles>
// kernel: kernel.4.cloned.1.call-start
scs
__scs_entry_jumppad:
0x0: {  	(pc) =	sbr.rel $0x88, $3  }
0x1: {  	(tag) =	ssettag $0x0;
	lr =	simm.s32 $0x1  }
0x2: {  	[smem:$0x3F9B] =	sst lr;
	_ =	strace $0xD0000000  }
0x3: {  	_ = 	snop  }
0x4: {  	_ = 	snop  }
0x5: {  	_ = 	snop  }
0x6: {  	_ = 	snop  }
0x7: {  	_ = 	snop  }
__scs_overlays_trampoline_lowered:
0x8: {  	[smem:$0x3FAA] =	sst s0  }
0x9: {  	[smem:$0x3FAB] =	sst s1  }
0xa: {  	[smem:$0x3FAC] =	sst s2  }
0xb: {  	[smem:$0x3FAD] =	sst s3  }
0xc: {  	[smem:$0x3FAE] =	sst s4  }
0xd: {  	[smem:$0x3FAF] =	sst s5  }
0xe: {  	[smem:$0x3FB0] =	sst s6  }
0xf: {  	[smem:$0x3FB1] =	sst s7  }
0x10: {  	[smem:$0x3FB2] =	sst s8  }
0x11: {  	[smem:$0x3FB3] =	sst s9;
	s0 =	simm.s32 @!p0 $0x0  }
0x12: {  	s1 =	sld [smem:$0x3F99];
	s0 =	simm.s32 @p0 $0x1  }
0x13: {  	[smem:$0x3FB4] =	sst s0;
	s0 =	simm.s32 @!p1 $0x0  }
0x14: {  	s2 =	sld [smem:$0x3F98];
	s0 =	simm.s32 @p1 $0x1  }
0x15: {  	[smem:$0x3FB5] =	sst s0;
	s0 =	simm.s32 @!p2 $0x0  }
0x16: {  	s3 =	sld [smem:$0x3FDB];
	s0 =	simm.s32 @p2 $0x1  }
0x17: {  	s4 =	simm.s32 $0x1BF5;
	[smem:$0x3FB7] =	sst s0  }
0x18: {  	s0 =	sld [smem:$0x3F9A];
	_ =	swait.ge [sflag:s4], $0x0  }
0x19: {  	s7 =	sld [smem:$0x3F9B]  }
0x1a: {  	s8 =	sadd.s32 $0xFFFFE003, lr  }
0x1b: {  	s9 =	sadd.s32 $0xFFFFFEF7, lr;
	s5 =	simm.s32 $0xFFFFFFFF;
	p2 =	slt.u32 s8, $0xFFFFF086  }
0x1c: {  	p1 =	slt.u32 s9, $0xF7A;
	s5 =	simm.s32 @!p2 $0x0  }
0x1d: {  	s5 =	simm.s32 @p1 $0x1;
	p0 =	seq.s32 s7, s2  }
0x1e: {  	s7 =	smul.u32 @!p0 $0xF7A, s2;
	p2 =	seq.s32 @!p0 s5, $0x0  }
0x1f: {  	s9 =	smul.u32 $0xF7A, s1;
	s8 =	simm.s32 @!p0 $0x1BF5;
	p2 =	por !p2, p0  }
0x20: {  	[sflag:s8] =	ssyncset.s32 @!p0 $0xFFFFF086;
	s6 =	sadd.s32 @!p0 s3, s7;
	s7 =	simm.s32 @!p0 $0x108  }
0x21: {  	s3 =	sadd.s32 s3, s9;
	s6 =	sadd.s32 @!p0 $0x88, s6;
	s7 =	simm.s32 @p2 $0x1082  }
0x22: {  	[simem:s7], [sflag:s8] =	dma.local @!p0 [hbm:s6], $0xF7A  }
0x23: {  	s9 =	sor.u32 $0xD0000000, s2;
	s6 =	simm.s32 $0x108;
	_ =	swait.ge @!p0 [sflag:s8], $0x0  }
0x24: {  	s3 =	sadd.s32 $0x88, s3;
	s6 =	simm.s32 @!p1 $0x1082;
	[sflag:s4] =	ssyncset.s32 $0xFFFFF086  }
0x25: {  	[simem:s6], [sflag:s4] =	dma.local [hbm:s3], $0xF7A  }
0x26: {  	[smem:$0x3F9B] =	sst s1;
	(tag) =	ssettag s2;
	_ =	strace s9  }
0x27: {  	s1 =	sld [smem:$0x3FAB]  }
0x28: {  	s2 =	sld [smem:$0x3FAC]  }
0x29: {  	s4 =	sld [smem:$0x3FAE]  }
0x2a: {  	p0 =	seq.s32 s5, $0x0;
	s5 =	sld [smem:$0x3FAF]  }
0x2b: {  	s6 =	sld [smem:$0x3FB0]  }
0x2c: {  	s7 =	sld [smem:$0x3FB1]  }
0x2d: {  	s3 =	simm.s32 $0x108;
	s8 =	sld [smem:$0x3FB2]  }
0x2e: {  	s3 =	simm.s32 @!p0 $0x1082;
	s9 =	sld [smem:$0x3FB3]  }
0x2f: {  	lr =	sadd.s32 s0, s3;
	s0 =	sld [smem:$0x3FAA]  }
0x30: {  	s3 =	sld [smem:$0x3FAD]  }
0x31: {  	[smem:$0x3FB6] =	sst s10  }
0x32: {  	s10 =	sld [smem:$0x3FB4];
	_ =	sdelay $0x3  }
0x33: {  	p0 =	seq.s32 s10, $0x1;
	s10 =	sld [smem:$0x3FB6];
	_ =	sdelay $0x3  }
0x34: {  	[smem:$0x3FB6] =	sst s10  }
0x35: {  	s10 =	sld [smem:$0x3FB5];
	_ =	sdelay $0x3  }
0x36: {  	p1 =	seq.s32 s10, $0x1;
	s10 =	sld [smem:$0x3FB6];
	_ =	sdelay $0x3  }
0x37: {  	[smem:$0x3FB6] =	sst s10  }
0x38: {  	s10 =	sld [smem:$0x3FB7]  }
0x39: {  	_ = 	snop;
	(pc) =	sbr.ind lr, $3  }
0x3a: {  	_ = 	snop  }
0x3b: {  	_ = 	snop  }
0x3c: {  	p2 =	seq.s32 s10, $0x1;
	s10 =	sld [smem:$0x3FB6]  }
0x3d: {  	_ =	shalt  }
0x3e: {  	_ =	shalt  }
0x3f: {  	_ =	shalt  }
0x40: {  	_ =	shalt  }
0x41: {  	_ =	shalt  }
0x42: {  	_ =	shalt  }
0x43: {  	_ =	shalt  }
0x44: {  	_ =	shalt  }
0x45: {  	_ =	shalt  }
0x46: {  	_ =	shalt  }
0x47: {  	_ =	shalt  }
0x48: {  	_ =	shalt  }
0x49: {  	_ =	shalt  }
0x4a: {  	_ =	shalt  }
0x4b: {  	_ =	shalt  }
0x4c: {  	_ =	shalt  }
0x4d: {  	_ =	shalt  }
0x4e: {  	_ =	shalt  }
0x4f: {  	_ =	shalt  }
0x50: {  	_ =	shalt  }
0x51: {  	_ =	shalt  }
0x52: {  	_ =	shalt  }
0x53: {  	_ =	shalt  }
0x54: {  	_ =	shalt  }
0x55: {  	_ =	shalt  }
0x56: {  	_ =	shalt  }
0x57: {  	_ =	shalt  }
0x58: {  	_ =	shalt  }
0x59: {  	_ =	shalt  }
0x5a: {  	_ =	shalt  }
0x5b: {  	_ =	shalt  }
0x5c: {  	_ =	shalt  }
0x5d: {  	_ =	shalt  }
0x5e: {  	_ =	shalt  }
0x5f: {  	_ =	shalt  }
0x60: {  	_ =	shalt  }
0x61: {  	_ =	shalt  }
0x62: {  	_ =	shalt  }
0x63: {  	_ =	shalt  }
0x64: {  	_ =	shalt  }
0x65: {  	_ =	shalt  }
0x66: {  	_ =	shalt  }
0x67: {  	_ =	shalt  }
0x68: {  	_ =	shalt  }
0x69: {  	_ =	shalt  }
0x6a: {  	_ =	shalt  }
0x6b: {  	_ =	shalt  }
0x6c: {  	_ =	shalt  }
0x6d: {  	_ =	shalt  }
0x6e: {  	_ =	shalt  }
0x6f: {  	_ =	shalt  }
0x70: {  	_ =	shalt  }
0x71: {  	_ =	shalt  }
0x72: {  	_ =	shalt  }
0x73: {  	_ =	shalt  }
0x74: {  	_ =	shalt  }
0x75: {  	_ =	shalt  }
0x76: {  	_ =	shalt  }
0x77: {  	_ =	shalt  }
0x78: {  	_ =	shalt  }
0x79: {  	_ =	shalt  }
0x7a: {  	_ =	shalt  }
0x7b: {  	_ =	shalt  }
0x7c: {  	_ =	shalt  }
0x7d: {  	_ =	shalt  }
0x7e: {  	_ =	shalt  }
0x7f: {  	_ =	shalt  }
0x80: {  	_ =	shalt  }
0x81: {  	_ =	shalt  }
0x82: {  	_ =	shalt  }
0x83: {  	_ =	shalt  }
0x84: {  	_ =	shalt  }
0x85: {  	_ =	shalt  }
0x86: {  	_ =	shalt  }
0x87: {  	_ =	shalt  }
.Lfunc_end0:
.L_simem_size_0:
called_computation_lowered:
.L_overlay_start_0:
0x88: {  	s2 =	sld [smem:$0x3FD9]  }
0x89: {  	s3 =	sld [smem:$0x3FFE];
	_ =	sdelay $0x1  }
0x8a: {  	s1 =	srdreg.scid  }
0x8b: {  	s0 =	sand.u32 $0x1, s1  }
0x8c: {  	s16 =	sshll.u32 s0, $0xA;
	s2 =	sadd.s32 s3, s2  }
0x8d: {  	s2 =	sadd.s32 s2, s16  }
0x8e: {  	[smem:$0x3FC2] =	sst s2  }
0x8f: {  	_ = 	snop  }
0x90: {  	(tm) =	ssettm $0x1  }
0x91: {  	s17 =	sld [smem:$0x3FFB];
	_ =	sdelay $0x3  }
0x92: {  	_ =	strace s17  }
0x93: {  	s2 =	sld [smem:$0x3FFC];
	_ =	sdelay $0x3  }
0x94: {  	_ =	strace s2  }
0x95: {  	s2 =	sld [smem:$0x3FFD];
	_ =	sdelay $0x3  }
0x96: {  	_ =	strace s2  }
0x97: {  	_ =	strace $0x8FFFFFFF  }
0x98: {  	s18 =	sld [smem:$0x3FDB];
	_ =	sdelay $0x1  }
0x99: {  	s19 =	simm.s32 $_scs_section_size  }
0x9a: {  	s4 =	simm.s32 $_size__tile_overlayer_lowered;
	s5 =	simm.s32 $_tile_overlayer_lowered  }
0x9b: {  	s22 =	simm.s32 $0x1BFF;
	s21 =	sshll.u32 s5, $0x1;
	s2 =	sadd.s32 s19, s18  }
0x9c: {  	s6 =	simm.s32 $0x0;
	s20 =	sshll.u32 s4, $0x1;
	s4 =	sadd.s32 s21, s2  }
0x9d: {  	[timem:s6], [sflag:s22] =	dma.local [hbm:s4], s20  }
0x9e: {  	_ =	swait.ge [sflag:s22], s20  }
0x9f: {  	s3 =	ssub.s32 $0x0, s20;
	[sflag:s22] =	ssyncset.done $0x0  }
0xa0: {  	[sflag:s22] =	ssyncadd.s32 s3;
	_ =	sdelay $0x1  }
0xa1: {  	s23 =	simm.s32 $0x1B8B  }
0xa2: {  	_ =	swait.ge [sflag:s23], $0x1  }
0xa3: {  	[sflag:s23] =	ssyncset.done $0x0  }
0xa4: {  	s25 =	simm.s32 $0x1B8E;
	s24 =	sld [smem:$0x3FFE];
	[sflag:s23] =	ssyncadd.s32 $0xFFFFFFFF  }
0xa5: {  	s26 =	simm.s32 $execute0_lowered;
	[smem:$0x3FD2] =	sst s25  }
0xa6: {  	s4 =	sshll.u32 s26, $0x1;
	_ =	strace $0x80000046;
	[dreg:$0x1] =	wrdreg $0xFFFFFFFF  }
0xa7: {  	s28 =	simm.s32 $_size_execute0_lowered;
	s2 =	sadd.s32 s2, s4;
	[dreg:$0x0] =	wrdreg $0x0  }
0xa8: {  	s4 =	sshll.u32 s28, $0x1;
	[dreg:$0x2] =	wrdreg s2  }
0xa9: {  	[dreg:$0x3] =	wrdreg s4  }
0xaa: {  	[dreg:$0x4] =	wrdreg $0xC0  }
0xab: {  	_ =	task [dreg:s6], $0x5FFFF  }
0xac: {  	[dreg:$0x1] =	wrdreg $0xFFFFFFFF  }
0xad: {  	[dreg:$0x0] =	wrdreg $0x60  }
0xae: {  	[dreg:$0x2] =	wrdreg s24  }
0xaf: {  	[dreg:$0x3] =	wrdreg $0x9  }
0xb0: {  	_ =	task.clear_ibuf [dreg:s6], $0x4FFFF;
	_ =	strace $0x90000046  }
0xb1: {  	s29 =	simm.s32 $0x9;
	_ =	strace $0x80000048  }
0xb2: {  	_ =	swait.ge [sflag:s29], $0x1  }
0xb3: {  	[sflag:s29] =	ssyncadd.s32 $0xFFFFFFFF  }
0xb4: {  	_ =	strace $0x90000048  }
0xb5: {  	_ =	sfence  }
0xb6: {  	s30 =	sld [smem:$0x0];
	_ =	sdelay $0x2  }
0xb7: {  	s31 =	sshll.u32 s1, $0xD;
	s1 =	sshrl.u32 s1, $0x2  }
0xb8: {  	s3 =	sand.u32 $0x4000, s31;
	s1 =	sadd.s32 s1, s30  }
0xb9: {  	s0 =	sor.u32 s3, s0;
	s1 =	sshll.u32 s1, $0x11  }
0xba: {  	s0 =	sor.u32 s1, s0  }
0xbb: {  	s0 =	sadd.s32 $0x8F2B, s0  }
0xbc: {  	[sflag:s0] =	ssyncadd.remote.s32 $0x1  }
0xbd: {  	_ =	sfence.sel $0xFFFF  }
0xbe: {  	[dreg:$0x0] =	wrdreg $0xFFFFFFFF;
	(pc) =	sbr.abs _section_cstart, $3  }
0xbf: {  	[dreg:$0x1] =	wrdreg $0xFFFFFFFF  }
0xc0: {  	_ =	task.clear_ibuf [dreg:s6], $0x2FFFF;
	_ =	strace $0x9FFFFFFF  }
0xc1: {  	(tm) =	ssettm $0x7FFFFFFF  }
tec
execute0_lowered:
.L_overlay_start_1:
0x0: {  	(tag) =	ssettag $0x1  }
0x1: {  	s0 =	rddreg [dreg:$0x0];
	s1 =	srdreg.scid;
	s3 =	simm.s32 $0x0  }
0x2: {  	s2 =	stileid.u32;
	s1 =	sand.u32 $0x1, s1;
	[smem:$0x7FF] =	sst s3  }
0x3: {  	s2 =	sshll.u32 s2, $0x8;
	s4 =	sadd.s32 $0x1AC00, s0;
	s24 =	sadd.s32 $0x187600, s0  }
0x4: {  	s25 =	sadd.s32 $0xF43000, s0;
	_ =	strace $0x80000047;
	[dreg:$0x5] =	wrdreg s24  }
0x5: {  	s5 =	sadd.s32 $0xC00, s0;
	s0 =	sadd.s32 $0x34C00, s0;
	[dreg:$0x6] =	wrdreg s25  }
0x6: {  	s23 =	sshll.u32 s1, $0x7;
	s1 =	ssub.s32 $0x2, s1;
	[dreg:$0x7] =	wrdreg s0  }
0x7: {  	[dreg:$0x2] =	wrdreg s4;
	s2 =	sor.u32 s23, s2;
	s26 =	sshrl.u32 s1, $0x1  }
0x8: {  	[dreg:$0x3] =	wrdreg s2;
	s2 =	smul.u32 $0x1A, s2;
	s28 =	ssub.s32 s1, s26  }
0x9: {  	[dreg:$0x4] =	wrdreg s5;
	s0 =	smax.u32 s28, $0x1  }
0xa: {  	s30 =	sadd.s32 s4, s2;
	[dreg:$0xc] =	wrdreg s0  }
0xb: {  	s29 =	sor.u32 $0x1A, s2;
	s2 =	sadd.s32 s5, s2;
	[dreg:$0x8] =	wrdreg s30  }
0xc: {  	[dreg:$0x9] =	wrdreg s2;
	s31 =	sadd.s32 s4, s29  }
0xd: {  	s1 =	sadd.s32 s5, s29;
	[dreg:$0xa] =	wrdreg s31  }
0xe: {  	s2 =	simm.s32 $0x0;
	[dreg:$0xb] =	wrdreg s1  }
.LBB2_1:
0xf: {  	[dreg:$0xd] =	wrdreg s2  }
0x10: {  	s0 =	simm.s32 $0x0;
	s1 =	rddreg [dreg:$0x8]  }
0x11: {  	[tilespmem:s0], [sflag:$0x5] =	stream.linear.gather [hbm4b:s1+s0], $0xD0, $0x38;
	[tilespmem:$0xCBE0] =	vst v63  }
0x12: {  	s18 =	rddreg [dreg:$0x9];
	s19 =	simm.s32 $0xD0;
	s20 =	simm.s32 $0x5  }
0x13: {  	[tilespmem:s19], [sflag:$0x5] =	stream.linear.gather [hbm4b:s18+s0], $0xD0, $0x38;
	[tilespmem:$0xCBE0] =	vst v63  }
0x14: {  	_ =	swait.ge [sflag:s20], $0xD0  }
0x15: {  	[sflag:s20] =	ssyncset.done $0x0  }
0x16: {  	[sflag:s20] =	ssyncadd.s32 $0xFFFFFF30  }
0x17: {  	_ =	swait.ge [sflag:s20], $0xD0  }
0x18: {  	s3 =	simm.s32 $0x64;
	[sflag:s20] =	ssyncset.done $0x0  }
0x19: {  	s4 =	simm.s32 $0x340;
	s21 =	rddreg [dreg:$0x5];
	[sflag:s20] =	ssyncadd.s32 $0xFFFFFF30  }
0x1a: {  	[tilespmem:s4], [sflag:$0x1] =	stream.indirect.gather [hbm4b:s21+s3], $0x40, s0, s3, $0xb8;
	[tilespmem:$0xCBE0] =	vst v63  }
0x1b: {  	s22 =	simm.s32 $0x68;
	s5 =	simm.s32 $0x1C40  }
0x1c: {  	[tilespmem:s5], [sflag:$0x1] =	stream.indirect.gather [hbm4b:s21+s3], $0x40, s22, s3, $0xb8;
	[tilespmem:$0xCBE0] =	vst v63  }
0x1d: {  	s24 =	simm.s32 $0x3540;
	s23 =	rddreg [dreg:$0x6]  }
0x1e: {  	[tilespmem:s24], [sflag:$0x1] =	stream.indirect.gather [hbm4b:s23+s3], $0x40, s19, s3, $0xb8;
	[tilespmem:$0xCBE0] =	vst v63  }
0x1f: {  	s25 =	simm.s32 $0x138;
	s26 =	simm.s32 $0x4E40  }
0x20: {  	[tilespmem:s26], [sflag:$0x1] =	stream.indirect.gather [hbm4b:s23+s3], $0x40, s25, s3, $0xb8;
	[tilespmem:$0xCBE0] =	vst v63  }
0x21: {  	s29 =	simm.s32 $0x1A0;
	s28 =	rddreg [dreg:$0xa]  }
0x22: {  	[tilespmem:s29], [sflag:$0x6] =	stream.linear.gather [hbm4b:s28+s0], $0xD0, $0x38;
	[tilespmem:$0xCBE0] =	vst v63  }
0x23: {  	s31 =	simm.s32 $0x270;
	s30 =	rddreg [dreg:$0xb];
	s4 =	simm.s32 $0x0  }
0x24: {  	[tilespmem:s31], [sflag:$0x6] =	stream.linear.gather [hbm4b:s30+s0], $0xD0, $0x38;
	[tilespmem:$0xCBE0] =	vst v63  }
.LBB2_2:
0x25: {  	s0 =	simm.s32 $0x6  }
0x26: {  	_ =	swait.ge [sflag:s0], $0xD0  }
0x27: {  	[sflag:s0] =	ssyncset.done $0x0  }
0x28: {  	[sflag:s0] =	ssyncadd.s32 $0xFFFFFF30  }
0x29: {  	_ =	swait.ge [sflag:s0], $0xD0  }
0x2a: {  	s1 =	simm.s32 $0x64;
	s2 =	simm.s32 $0x1A0;
	[sflag:s0] =	ssyncset.done $0x0  }
0x2b: {  	s3 =	simm.s32 $0x6740;
	s20 =	rddreg [dreg:$0x5];
	[sflag:s0] =	ssyncadd.s32 $0xFFFFFF30  }
0x2c: {  	[tilespmem:s3], [sflag:$0x2] =	stream.indirect.gather [hbm4b:s20+s1], $0x40, s2, s1, $0xb8;
	[tilespmem:$0xCBE0] =	vst v63  }
0x2d: {  	s21 =	simm.s32 $0x208;
	s22 =	simm.s32 $0x8040  }
0x2e: {  	[tilespmem:s22], [sflag:$0x2] =	stream.indirect.gather [hbm4b:s20+s1], $0x40, s21, s1, $0xb8;
	[tilespmem:$0xCBE0] =	vst v63  }
0x2f: {  	s24 =	simm.s32 $0x270;
	s25 =	simm.s32 $0x9940;
	s23 =	rddreg [dreg:$0x6]  }
0x30: {  	[tilespmem:s25], [sflag:$0x2] =	stream.indirect.gather [hbm4b:s23+s1], $0x40, s24, s1, $0xb8;
	[tilespmem:$0xCBE0] =	vst v63  }
0x31: {  	s26 =	simm.s32 $0x2D8;
	s28 =	simm.s32 $0xB240;
	s29 =	simm.s32 $0x1  }
0x32: {  	[tilespmem:s28], [sflag:$0x2] =	stream.indirect.gather [hbm4b:s23+s1], $0x40, s26, s1, $0xb8;
	[tilespmem:$0xCBE0] =	vst v63  }
0x33: {  	_ =	swait.ge [sflag:s29], $0x1900  }
0x34: {  	[sflag:s29] =	ssyncset.done $0x0  }
0x35: {  	[sflag:s29] =	ssyncadd.s32 $0xFFFFE700  }
0x36: {  	_ =	swait.ge [sflag:s29], $0x1900  }
0x37: {  	[sflag:s29] =	ssyncset.done $0x0  }
0x38: {  	[sflag:s29] =	ssyncadd.s32 $0xFFFFE700  }
0x39: {  	_ =	swait.ge [sflag:s29], $0x1900  }
0x3a: {  	[sflag:s29] =	ssyncset.done $0x0  }
0x3b: {  	[sflag:s29] =	ssyncadd.s32 $0xFFFFE700  }
0x3c: {  	_ =	swait.ge [sflag:s29], $0x1900  }
0x3d: {  	p0 =	seq.s32 s4, $0x0;
	[sflag:s29] =	ssyncset.done $0x0  }
0x3e: {  	s0 =	simm.s32 @!p0 $0x3;
	[sflag:s29] =	ssyncadd.s32 $0xFFFFE700  }
0x3f: {  	_ =	swait.ge @!p0 [sflag:s0], $0x50  }
0x40: {  	s30 =	sshll.u32 s4, $0x1;
	s31 =	rddreg [dreg:$0x3]  }
0x41: {  	p1 =	seq.s32 @!p0 s4, $0x3F;
	s1 =	sadd.s32 s31, s30  }
0x42: {  	p2 =	por p0, !p1;
	[sflag:s0] =	ssyncset.done @!p0 $0x0;
	[dreg:$0xf] =	wrdreg s1  }
0x43: {  	[sflag:s0] =	ssyncadd.s32 @!p0 $0xFFFFFFB0;
	s0 =	rddreg @p2 [dreg:$0xf]  }
0x44: {  	s0 =	smul.u32 @p2 $0xD0, s0;
	_ =	sdelay $0x1  }
0x45: {  	s0 =	sshrl.u32 @p2 s0, $0x3  }
0x46: {  	s1 =	rddreg @p2 [dreg:$0x2];
	s0 =	sadd.s32 @p2 $0x34, s0  }
0x47: {  	s2 =	simm.s32 @p2 $0x0;
	s1 =	sadd.s32 @p2 s1, s0  }
0x48: {  	[tilespmem:s2], [sflag:$0x5] =	stream.linear.gather @p2 [hbm4b:s1+s2], $0xD0, $0x38;
	[tilespmem:$0xCBE0] =	vst v63  }
0x49: {  	p1 =	por @!p0 $0x1, $0x1;
	s1 =	rddreg @p2 [dreg:$0x4]  }
0x4a: {  	p1 =	por @p2 $0x0, $0x0;
	s0 =	sadd.s32 @p2 s1, s0;
	s1 =	simm.s32 @p2 $0xD0  }
0x4b: {  	v19 =	vimm.f32 $0.0e+00;
	[tilespmem:s1], [sflag:$0x5] =	stream.linear.gather @p2 [hbm4b:s0+s2], $0xD0, $0x38;
	[tilespmem:$0xCBE0] =	vst v63  }
0x4c: {  	v1 =	vimm.f32 $0.0e+00;
	v2 =	vimm.f32 $0.0e+00;
	v3 =	vimm.f32 $0.0e+00;
	[dreg:$0xe] =	wrdreg s4;
	s1 =	simm.f32 $0.0e+00;
	s0 =	simm.s32 $0x0  }
.LBB2_3:
0x4d: {  	s13 =	sshra.s32 s0, $0x2  }
0x4e: {  	v12 =	vld [tilespmem:s13+$0x340]  }
0x4f: {  	v13 =	vld [tilespmem:s13+$0x350];
	_ =	sdelay $0x1  }
0x50: {  	v14 =	vld [tilespmem:s13+$0x360];
	_ =	sdelay $0x1  }
0x51: {  	v15 =	vld [tilespmem:s13+$0x370]  }
0x52: {  	v0 =	vmul.f32 v12, v12;
	v4 =	vmul.f32 v13, v13;
	_ =	sdelay $0x1  }
0x53: {  	v0 =	vadd.f32 v4, v0;
	v4 =	vmul.f32 v14, v14;
	_ =	sdelay $0x1  }
0x54: {  	v0 =	vadd.f32 v4, v0;
	v4 =	vmul.f32 v15, v15  }
0x55: {  	v16 =	vld [tilespmem:s13+$0x380]  }
0x56: {  	v0 =	vadd.f32 v4, v0;
	v4 =	vld [tilespmem:s13+$0x390];
	_ =	sdelay $0x1  }
0x57: {  	v17 =	vld [tilespmem:s13+$0x3A0]  }
0x58: {  	(xrf2) =	vadd.scan.msk.f32 $0xffff, v0  }
0x59: {  	v18 =	vld [tilespmem:s13+$0x3B0]  }
0x5a: {  	v0 =	vmul.f32 v16, v16;
	[tilespmem:$0x1FF70] =	vst v4;
	v4 =	vmul.f32 v4, v4;
	_ =	sdelay $0x1  }
0x5b: {  	v0 =	vadd.f32 v4, v0;
	v4 =	vmul.f32 v17, v17;
	_ =	sdelay $0x1  }
0x5c: {  	v0 =	vadd.f32 v4, v0;
	v4 =	vmul.f32 v18, v18  }
0x5d: {  	v5 =	vld [tilespmem:s13+$0x3C0]  }
0x5e: {  	v6 =	vld [tilespmem:s13+$0x3D0]  }
0x5f: {  	v0 =	vadd.f32 v4, v0  }
0x60: {  	v7 =	vld [tilespmem:s13+$0x3E0];
	v4, _, _ =	vpop (xrf2)  }
0x61: {  	(xrf2) =	vadd.scan.msk.f32 $0xffff, v0;
	(v2sf) =	vpush v4, $0xF  }
0x62: {  	v8 =	vld [tilespmem:s13+$0x3F0]  }
0x63: {  	v0 =	vmul.f32 v5, v5;
	v4 =	vmul.f32 v6, v6;
	_ =	sdelay $0x1  }
0x64: {  	v0 =	vadd.f32 v4, v0;
	v4 =	vmul.f32 v7, v7;
	_ =	sdelay $0x1  }
0x65: {  	v61 =	vld [tilespmem:s13+$0x400];
	v0 =	vadd.f32 v4, v0;
	v4 =	vmul.f32 v8, v8  }
0x66: {  	[tilespmem:$0x1FF80] =	vst v5;
	v5 =	vld [tilespmem:s13+$0x410]  }
0x67: {  	v0 =	vadd.f32 v4, v0  }
0x68: {  	v62 =	vld [tilespmem:s13+$0x420]  }
0x69: {  	v4, _, _ =	vpop (xrf2);
	(xrf2) =	vadd.scan.msk.f32 $0xffff, v0  }
0x6a: {  	v63 =	vld [tilespmem:s13+$0x430];
	(v2sf) =	vpush v4, $0xF  }
0x6b: {  	v0 =	vmul.f32 v61, v61;
	v4 =	vmul.f32 v5, v5;
	_ =	sdelay $0x1  }
0x6c: {  	v0 =	vadd.f32 v4, v0;
	v4 =	vmul.f32 v62, v62  }
0x6d: {  	s28 =	spop (v2sf)  }
0x6e: {  	v0 =	vadd.f32 v4, v0;
	v4 =	vmul.f32 v63, v63;
	s29 =	ssub.f32 $1.000000000e+00, s28;
	_ =	sdelay $0x1  }
0x6f: {  	v23 =	vld [tilespmem:s13+$0x440];
	s4 =	sadd.f32 $1.000000000e+00, s28;
	s30 =	sand.u32 $0x7FFFFFFF, s29  }
0x70: {  	v20 =	vld [tilespmem:s13+$0x450];
	v0 =	vadd.f32 v4, v0;
	s3 =	smax.f32 s30, $1.000000000e-30  }
0x71: {  	v4, _, _ =	vpop (xrf2);
	s31 =	smul.f32 s3, s4  }
0x72: {  	v21 =	vld [tilespmem:s13+$0x460];
	(xrf2) =	vadd.scan.msk.f32 $0xffff, v0;
	(v2sf) =	vpush v4, $0xF  }
0x73: {  	s9 =	ssub.s32 $0x7EF311C3, s31  }
0x74: {  	v22 =	vld [tilespmem:s13+$0x470];
	s2 =	smul.f32 s9, s31  }
0x75: {  	v0 =	vmul.f32 v23, v23;
	v4 =	vmul.f32 v20, v20  }
0x76: {  	s2 =	ssub.f32 $2.000000000e+00, s2  }
0x77: {  	v0 =	vadd.f32 v4, v0;
	v4 =	vmul.f32 v21, v21;
	s5 =	spop (v2sf)  }
0x78: {  	s10 =	ssub.f32 $1.000000000e+00, s5;
	s2 =	smul.f32 s9, s2  }
0x79: {  	[dreg:$0x10] =	wrdreg s0;
	v24 =	vld [tilespmem:s13+$0x480];
	v0 =	vadd.f32 v4, v0;
	v4 =	vmul.f32 v22, v22  }
0x7a: {  	v25 =	vld [tilespmem:s13+$0x490];
	s6 =	sadd.f32 $1.000000000e+00, s5;
	s0 =	sand.u32 $0x7FFFFFFF, s10;
	s7 =	smul.f32 s2, s31  }
0x7b: {  	v0 =	vadd.f32 v4, v0;
	s0 =	smax.f32 s0, $1.000000000e-30  }
0x7c: {  	v26 =	vld [tilespmem:s13+$0x4A0];
	[tilespmem:$0x1FFD0] =	vst v5;
	v5, _, _ =	vpop (xrf2);
	s12 =	smul.f32 s0, s6;
	s11 =	ssub.f32 $2.000000000e+00, s7  }
0x7d: {  	(xrf2) =	vadd.scan.msk.f32 $0xffff, v0;
	(v2sf) =	vpush v5, $0xF  }
0x7e: {  	v27 =	vld [tilespmem:s13+$0x4B0];
	s17 =	ssub.s32 $0x7EF311C3, s12;
	s8 =	smul.f32 s11, s2  }
0x7f: {  	v4 =	vmul.f32 v25, v25;
	v0 =	vmul.f32 v24, v24;
	s18 =	smul.f32 s17, s12  }
0x80: {  	[dreg:$0x13] =	wrdreg s1;
	s1 =	smul.f32 s8, s31  }
0x81: {  	v0 =	vadd.f32 v4, v0;
	v4 =	vmul.f32 v26, v26;
	s5 =	ssub.f32 $2.000000000e+00, s18;
	s10 =	spop (v2sf)  }
0x82: {  	s4 =	smul.f32 s4, s4;
	s14 =	ssub.f32 $1.000000000e+00, s10  }
0x83: {  	v0 =	vadd.f32 v4, v0;
	v4 =	vmul.f32 v27, v27;
	s1 =	ssub.f32 $2.000000000e+00, s1;
	s15 =	smul.f32 s17, s5  }
0x84: {  	s6 =	smul.f32 s6, s6;
	s5 =	sadd.f32 $1.000000000e+00, s10;
	s19 =	sand.u32 $0x7FFFFFFF, s14  }
0x85: {  	s20 =	smul.f32 s15, s12;
	s2 =	smax.f32 s19, $1.000000000e-30  }
0x86: {  	s21 =	smul.f32 s2, s5  }
0x87: {  	v28 =	vld [tilespmem:s13+$0x4C0];
	v0 =	vadd.f32 v4, v0;
	s1 =	smul.f32 s1, s8;
	v4, _, _ =	vpop (xrf2)  }
0x88: {  	v29 =	vld [tilespmem:s13+$0x4D0];
	(v2sf) =	vpush v4, $0xF;
	s5 =	smul.f32 s5, s5;
	s22 =	ssub.f32 $2.000000000e+00, s20;
	s23 =	ssub.s32 $0x7EF311C3, s21  }
0x89: {  	s16 =	smul.f32 s23, s21  }
0x8a: {  	v30 =	vld [tilespmem:s13+$0x4E0];
	s8 =	smul.f32 s22, s15  }
0x8b: {  	(xrf2) =	vadd.scan.msk.f32 $0xffff, v0;
	s24 =	smul.f32 s1, s4;
	s25 =	ssub.f32 $2.000000000e+00, s16  }
0x8c: {  	v31 =	vld [tilespmem:s13+$0x4F0];
	s7 =	smul.f32 s8, s12;
	s26 =	spop (v2sf)  }
0x8d: {  	v0 =	vmul.f32 v28, v28;
	v4 =	vmul.f32 v29, v29;
	s17 =	ssub.f32 $1.000000000e+00, s26;
	s10 =	smul.f32 s23, s25  }
0x8e: {  	s1 =	smul.f32 s1, s3;
	s28 =	ssub.f32 $2.000000000e+00, s7  }
0x8f: {  	v0 =	vadd.f32 v4, v0;
	v4 =	vmul.f32 v30, v30;
	s4 =	sadd.f32 $1.000000000e+00, s26;
	s30 =	sand.u32 $0x7FFFFFFF, s17;
	s29 =	smul.f32 s10, s21  }
0x90: {  	s8 =	smul.f32 s28, s8;
	s3 =	smax.f32 s30, $1.000000000e-30  }
0x91: {  	v0 =	vadd.f32 v4, v0;
	v4 =	vmul.f32 v31, v31;
	s16 =	smul.f32 s3, s4  }
0x92: {  	v32 =	vld [tilespmem:s13+$0x500];
	s4 =	smul.f32 s4, s4;
	s7 =	ssub.f32 $2.000000000e+00, s29  }
0x93: {  	v33 =	vld [tilespmem:s13+$0x510];
	s12 =	smul.f32 s8, s6  }
0x94: {  	v0 =	vadd.f32 v4, v0;
	s31 =	ssub.s32 $0x7EF311C3, s16;
	s7 =	smul.f32 s7, s10  }
0x95: {  	v34 =	vld [tilespmem:s13+$0x520];
	s20 =	smin.f32 s24, $1.000000000e+03;
	v4, _, _ =	vpop (xrf2);
	s19 =	smul.f32 s31, s16  }
0x96: {  	s9 =	sadd.f32 s20, s20;
	(xrf2) =	vadd.scan.msk.f32 $0xffff, v0;
	(v2sf) =	vpush v4, $0xF;
	s14 =	smul.f32 s7, s21  }
0x97: {  	v35 =	vld [tilespmem:s13+$0x530];
	s11 =	ssub.f32 $2.000000000e+00, s19;
	s18 =	spop (v2sf)  }
0x98: {  	v0 =	vmul.f32 v32, v32;
	v4 =	vmul.f32 v33, v33;
	s8 =	smul.f32 s8, s0;
	s19 =	ssub.f32 $1.000000000e+00, s18  }
0x99: {  	s21 =	smul.f32 s9, s1;
	s14 =	ssub.f32 $2.000000000e+00, s14  }
0x9a: {  	v0 =	vadd.f32 v4, v0;
	v4 =	vmul.f32 v34, v34;
	s1 =	smul.f32 s31, s11  }
0x9b: {  	s6 =	sadd.f32 $1.000000000e+00, s18;
	s23 =	sand.u32 $0x7FFFFFFF, s19;
	s7 =	smul.f32 s14, s7  }
0x9c: {  	v0 =	vadd.f32 v4, v0;
	v4 =	vmul.f32 v35, v35;
	s15 =	smul.f32 s1, s16;
	s0 =	smax.f32 s23, $1.000000000e-30  }
0x9d: {  	s10 =	smul.f32 s0, s6  }
0x9e: {  	s14 =	smin.f32 s12, $1.000000000e+03;
	s6 =	smul.f32 s6, s6  }
0x9f: {  	s17 =	sadd.f32 s14, s14;
	s5 =	smul.f32 s7, s5  }
0xa0: {  	v0 =	vadd.f32 v4, v0;
	v4, _, _ =	vpop (xrf2);
	s22 =	ssub.f32 $2.000000000e+00, s15;
	s2 =	smul.f32 s7, s2  }
0xa1: {  	(v2sf) =	vpush v4, $0xF;
	s28 =	smul.f32 s17, s8  }
0xa2: {  	v36 =	vld [tilespmem:s13+$0x540];
	(xrf2) =	vadd.scan.msk.f32 $0xffff, v0;
	s25 =	ssub.s32 $0x7EF311C3, s10;
	s1 =	smul.f32 s22, s1  }
0xa3: {  	v37 =	vld [tilespmem:s13+$0x550];
	s9 =	smin.f32 s5, $1.000000000e+03;
	s29 =	smul.f32 s25, s10  }
0xa4: {  	s26 =	sadd.f32 s9, s9;
	s24 =	smul.f32 s1, s16  }
0xa5: {  	v38 =	vld [tilespmem:s13+$0x560];
	s30 =	ssub.f32 $2.000000000e+00, s29;
	s31 =	spop (v2sf)  }
0xa6: {  	s26 =	smul.f32 s26, s2;
	s5 =	ssub.f32 $2.000000000e+00, s24  }
0xa7: {  	v39 =	vld [tilespmem:s13+$0x570];
	s8 =	ssub.f32 $1.000000000e+00, s31;
	s7 =	smul.f32 s25, s30  }
0xa8: {  	v0 =	vmul.f32 v36, v36;
	v4 =	vmul.f32 v37, v37;
	[dreg:$0x14] =	wrdreg s9;
	s1 =	smul.f32 s5, s1  }
0xa9: {  	s2 =	sand.u32 $0x7FFFFFFF, s8;
	s9 =	smul.f32 s7, s10;
	s5 =	sadd.f32 $1.000000000e+00, s31  }
0xaa: {  	v41 =	vld [tilespmem:s13+$0x580];
	v0 =	vadd.f32 v4, v0;
	v4 =	vmul.f32 v38, v38;
	s2 =	smax.f32 s2, $1.000000000e-30;
	s4 =	smul.f32 s1, s4  }
0xab: {  	v40 =	vld [tilespmem:s13+$0x590];
	s8 =	ssub.f32 $2.000000000e+00, s9;
	s16 =	smul.f32 s2, s5  }
0xac: {  	v0 =	vadd.f32 v4, v0;
	v4 =	vmul.f32 v39, v39;
	v5, _, _ =	vpop (xrf2);
	s1 =	smul.f32 s1, s3  }
0xad: {  	v42 =	vld [tilespmem:s13+$0x5A0];
	(v2sf) =	vpush v5, $0xF;
	s12 =	smul.f32 s8, s7;
	s15 =	ssub.s32 $0x7EF311C3, s16  }
0xae: {  	v0 =	vadd.f32 v4, v0;
	s11 =	smin.f32 s4, $1.000000000e+03;
	s18 =	smul.f32 s15, s16  }
0xaf: {  	v43 =	vld [tilespmem:s13+$0x5B0];
	s17 =	sadd.f32 s11, s11;
	s10 =	smul.f32 s12, s10  }
0xb0: {  	v4 =	vmul.f32 v40, v40;
	(xrf2) =	vadd.scan.msk.f32 $0xffff, v0;
	v0 =	vmul.f32 v41, v41;
	s23 =	spop (v2sf);
	s19 =	ssub.f32 $2.000000000e+00, s18  }
0xb1: {  	s5 =	smul.f32 s5, s5;
	s24 =	ssub.f32 $1.000000000e+00, s23  }
0xb2: {  	v0 =	vadd.f32 v4, v0;
	v4 =	vmul.f32 v42, v42;
	s30 =	smul.f32 s17, s1;
	s22 =	ssub.f32 $2.000000000e+00, s10  }
0xb3: {  	s1 =	smul.f32 s15, s19  }
0xb4: {  	v44 =	vld [tilespmem:s13+$0x5C0];
	v0 =	vadd.f32 v4, v0;
	v4 =	vmul.f32 v43, v43;
	s3 =	sadd.f32 $1.000000000e+00, s23;
	s4 =	sand.u32 $0x7FFFFFFF, s24;
	s7 =	smul.f32 s22, s12  }
0xb5: {  	v45 =	vld [tilespmem:s13+$0x5D0];
	s4 =	smax.f32 s4, $1.000000000e-30;
	s25 =	smul.f32 s1, s16  }
0xb6: {  	v0 =	vadd.f32 v4, v0;
	s10 =	smul.f32 s4, s3  }
0xb7: {  	v46 =	vld [tilespmem:s13+$0x5E0];
	s3 =	smul.f32 s3, s3  }
0xb8: {  	[dreg:$0x15] =	wrdreg s11;
	(xrf2) =	vadd.scan.msk.f32 $0xffff, v0;
	s6 =	smul.f32 s7, s6  }
0xb9: {  	v47 =	vld [tilespmem:s13+$0x5F0];
	s0 =	smul.f32 s7, s0;
	s29 =	ssub.f32 $2.000000000e+00, s25;
	s31 =	ssub.s32 $0x7EF311C3, s10  }
0xba: {  	v5 =	vmul.f32 v45, v45;
	v4 =	vmul.f32 v44, v44;
	v0, _, _ =	vpop (xrf2);
	s11 =	smin.f32 s6, $1.000000000e+03;
	s12 =	smul.f32 s31, s10  }
0xbb: {  	(v2sf) =	vpush v0, $0xF;
	s8 =	smul.f32 s29, s1;
	s15 =	sadd.f32 s11, s11  }
0xbc: {  	v0 =	vadd.f32 v5, v4;
	v4 =	vmul.f32 v46, v46;
	s6 =	ssub.f32 $2.000000000e+00, s12;
	s18 =	spop (v2sf)  }
0xbd: {  	s16 =	smul.f32 s8, s16;
	s22 =	ssub.f32 $1.000000000e+00, s18  }
0xbe: {  	v48 =	vld [tilespmem:s13+$0x600];
	v0 =	vadd.f32 v4, v0;
	v4 =	vmul.f32 v47, v47;
	s1 =	sadd.f32 $1.000000000e+00, s18;
	s23 =	smul.f32 s31, s6  }
0xbf: {  	v49 =	vld [tilespmem:s13+$0x610];
	s15 =	smul.f32 s15, s0;
	s16 =	ssub.f32 $2.000000000e+00, s16;
	s24 =	sand.u32 $0x7FFFFFFF, s22  }
0xc0: {  	v0 =	vadd.f32 v4, v0;
	s25 =	smul.f32 s23, s10;
	s6 =	smax.f32 s24, $1.000000000e-30  }
0xc1: {  	v50 =	vld [tilespmem:s13+$0x620];
	s17 =	smul.f32 s6, s1  }
0xc2: {  	v4, _, _ =	vpop (xrf2);
	(xrf2) =	vadd.scan.msk.f32 $0xffff, v0;
	s8 =	smul.f32 s16, s8  }
0xc3: {  	v51 =	vld [tilespmem:s13+$0x630];
	(v2sf) =	vpush v4, $0xF;
	s1 =	smul.f32 s1, s1  }
0xc4: {  	v0 =	vmul.f32 v48, v48;
	v4 =	vmul.f32 v49, v49;
	s7 =	ssub.f32 $2.000000000e+00, s25;
	s29 =	ssub.s32 $0x7EF311C3, s17;
	s5 =	smul.f32 s8, s5  }
0xc5: {  	s31 =	smul.f32 s29, s17  }
0xc6: {  	v0 =	vadd.f32 v4, v0;
	v4 =	vmul.f32 v50, v50;
	s7 =	smul.f32 s7, s23  }
0xc7: {  	s2 =	smul.f32 s8, s2;
	s19 =	ssub.f32 $2.000000000e+00, s31  }
0xc8: {  	[dreg:$0x17] =	wrdreg s11;
	v0 =	vadd.f32 v4, v0;
	v4 =	vmul.f32 v51, v51;
	s10 =	smul.f32 s7, s10  }
0xc9: {  	s11 =	smin.f32 s5, $1.000000000e+03;
	s16 =	smul.f32 s29, s19  }
0xca: {  	s18 =	spop (v2sf);
	s0 =	ssub.f32 $2.000000000e+00, s10  }
0xcb: {  	s22 =	sadd.f32 s11, s11;
	s9 =	smul.f32 s16, s17  }
0xcc: {  	v0 =	vadd.f32 v4, v0;
	v4, _, _ =	vpop (xrf2);
	s19 =	ssub.f32 $1.000000000e+00, s18;
	s5 =	smul.f32 s0, s7  }
0xcd: {  	(v2sf) =	vpush v4, $0xF;
	s23 =	smul.f32 s22, s2;
	s7 =	sadd.f32 $1.000000000e+00, s18  }
0xce: {  	s25 =	sand.u32 $0x7FFFFFFF, s19;
	s12 =	ssub.f32 $2.000000000e+00, s9;
	s24 =	smul.f32 s5, s3  }
0xcf: {  	s3 =	smax.f32 s25, $1.000000000e-30;
	s4 =	smul.f32 s5, s4  }
0xd0: {  	(xrf2) =	vadd.scan.msk.f32 $0xffff, v0;
	s9 =	smul.f32 s3, s7  }
0xd1: {  	[dreg:$0x19] =	wrdreg s11;
	s16 =	smul.f32 s12, s16  }
0xd2: {  	s25 =	spop (v2sf);
	s31 =	smin.f32 s24, $1.000000000e+03  }
0xd3: {  	v52 =	vld [tilespmem:s13+$0x640];
	s18 =	ssub.f32 $1.000000000e+00, s25;
	s29 =	smul.f32 s16, s17  }
0xd4: {  	v53 =	vld [tilespmem:s13+$0x650];
	s7 =	smul.f32 s7, s7;
	s11 =	sadd.f32 s31, s31;
	s17 =	ssub.s32 $0x7EF311C3, s9  }
0xd5: {  	s24 =	smul.f32 s17, s9;
	s12 =	ssub.f32 $2.000000000e+00, s29  }
0xd6: {  	v54 =	vld [tilespmem:s13+$0x660];
	s5 =	sadd.f32 $1.000000000e+00, s25;
	s2 =	sand.u32 $0x7FFFFFFF, s18;
	s19 =	smul.f32 s11, s4  }
0xd7: {  	s2 =	smax.f32 s2, $1.000000000e-30;
	s22 =	smul.f32 s12, s16  }
0xd8: {  	v55 =	vld [tilespmem:s13+$0x670];
	s24 =	ssub.f32 $2.000000000e+00, s24;
	s16 =	smul.f32 s2, s5  }
0xd9: {  	v5 =	vmul.f32 v53, v53;
	v4 =	vmul.f32 v52, v52;
	s5 =	smul.f32 s5, s5  }
0xda: {  	v0, _, _ =	vpop (xrf2);
	s8 =	smul.f32 s17, s24  }
0xdb: {  	[dreg:$0x1b] =	wrdreg s31;
	(v2sf) =	vpush v0, $0xF;
	v0 =	vadd.f32 v5, v4;
	v4 =	vmul.f32 v54, v54;
	s1 =	smul.f32 s22, s1  }
0xdc: {  	s29 =	ssub.s32 $0x7EF311C3, s16;
	s25 =	smul.f32 s8, s9;
	s0 =	spop (v2sf)  }
0xdd: {  	v56 =	vld [tilespmem:s13+$0x680];
	v0 =	vadd.f32 v4, v0;
	v4 =	vmul.f32 v55, v55;
	s18 =	smul.f32 s29, s16;
	s11 =	ssub.f32 $1.000000000e+00, s0  }
0xde: {  	v57 =	vld [tilespmem:s13+$0x690];
	s4 =	smul.f32 s22, s6;
	s31 =	ssub.f32 $2.000000000e+00, s25  }
0xdf: {  	v0 =	vadd.f32 v4, v0;
	s24 =	smin.f32 s1, $1.000000000e+03;
	s18 =	ssub.f32 $2.000000000e+00, s18  }
0xe0: {  	v58 =	vld [tilespmem:s13+$0x6A0];
	s22 =	sadd.f32 s24, s24;
	s12 =	smul.f32 s31, s8  }
0xe1: {  	(xrf2) =	vadd.scan.msk.f32 $0xffff, v0;
	s18 =	smul.f32 s29, s18  }
0xe2: {  	v59 =	vld [tilespmem:s13+$0x6B0];
	s6 =	sand.u32 $0x7FFFFFFF, s11;
	s8 =	sadd.f32 $1.000000000e+00, s0;
	s4 =	smul.f32 s22, s4  }
0xe3: {  	v4 =	vmul.f32 v57, v57;
	v0 =	vmul.f32 v56, v56;
	s6 =	smax.f32 s6, $1.000000000e-30;
	s17 =	smul.f32 s12, s9  }
0xe4: {  	s25 =	smul.f32 s6, s8  }
0xe5: {  	v0 =	vadd.f32 v4, v0;
	v4 =	vmul.f32 v58, v58;
	s29 =	smul.f32 s18, s16  }
0xe6: {  	s8 =	smul.f32 s8, s8;
	s1 =	ssub.f32 $2.000000000e+00, s17;
	s0 =	ssub.s32 $0x7EF311C3, s25  }
0xe7: {  	v0 =	vadd.f32 v4, v0;
	v4 =	vmul.f32 v59, v59;
	s31 =	ssub.f32 $2.000000000e+00, s29;
	s11 =	smul.f32 s0, s25  }
0xe8: {  	s1 =	smul.f32 s1, s12  }
0xe9: {  	v60 =	vld [tilespmem:s13+$0x700];
	v0 =	vadd.f32 v4, v0;
	s9 =	smul.f32 s31, s18  }
0xea: {  	[tilespmem:$0x1FFE0] =	vst v62;
	v62 =	vld [tilespmem:s13+$0x6C0];
	s17 =	spop (v2sf);
	s12 =	ssub.f32 $2.000000000e+00, s11  }
0xeb: {  	s11 =	ssub.f32 $1.000000000e+00, s17;
	v5, _, _ =	vpop (xrf2);
	(xrf2) =	vadd.scan.msk.f32 $0xffff, v0;
	v0 =	vld [tilespmem:s13+$0x6D0];
	s22 =	smul.f32 s1, s7  }
0xec: {  	[tilespmem:$0x1FFC0] =	vst v61;
	v61 =	vld [tilespmem:s13+$0x710];
	(v2sf) =	vpush v5, $0xF;
	s31 =	smul.f32 s9, s16  }
0xed: {  	[tilespmem:$0x1FFF0] =	vst v63;
	v63 =	vld [tilespmem:s13+$0x6E0];
	s10 =	sadd.f32 $1.000000000e+00, s17;
	s1 =	smul.f32 s1, s3;
	s29 =	sand.u32 $0x7FFFFFFF, s11  }
0xee: {  	s12 =	smul.f32 s0, s12;
	s7 =	smax.f32 s29, $1.000000000e-30  }
0xef: {  	[tilespmem:$0x1FFA0] =	vst v7;
	v5 =	vld [tilespmem:s13+$0x6F0];
	s16 =	smul.f32 s7, s10  }
0xf0: {  	[tilespmem:$0x1FFB0] =	vst v8;
	v7 =	vmul.f32 v62, v62;
	s0 =	smul.f32 s12, s25;
	v8 =	vmul.f32 v0, v0  }
0xf1: {  	v9 =	vmul.f32 v60, v60;
	s11 =	ssub.f32 $2.000000000e+00, s31;
	s10 =	smul.f32 s10, s10;
	s17 =	ssub.s32 $0x7EF311C3, s16  }
0xf2: {  	v10 =	vmul.f32 v61, v61;
	v4 =	vld [tilespmem:s13+$0x720];
	s18 =	ssub.f32 $2.000000000e+00, s0;
	s29 =	smul.f32 s17, s16;
	v7 =	vadd.f32 v8, v7;
	v8 =	vmul.f32 v63, v63  }
0xf3: {  	s9 =	smul.f32 s11, s9  }
0xf4: {  	[tilespmem:$0x1FF90] =	vst v6;
	v6 =	vld [tilespmem:s13+$0x730];
	s12 =	smul.f32 s18, s12;
	s18 =	ssub.f32 $2.000000000e+00, s29;
	v7 =	vadd.f32 v8, v7;
	v8 =	vadd.f32 v10, v9;
	v10 =	vmul.f32 v5, v5  }
0xf5: {  	s29 =	smul.f32 s9, s5  }
0xf6: {  	s11 =	smul.f32 s17, s18;
	v7 =	vadd.f32 v10, v7  }
0xf7: {  	v11 =	vmul.f32 v4, v4;
	v9, _, _ =	vpop (xrf2);
	s17 =	smin.f32 s22, $1.000000000e+03;
	s18 =	smul.f32 s12, s25  }
0xf8: {  	(v2sf) =	vpush v9, $0xF;
	s13 =	smin.f32 s29, $1.000000000e+03;
	s31 =	sadd.f32 s17, s17;
	(xrf2) =	vadd.scan.msk.f32 $0xffff, v7  }
0xf9: {  	v8 =	vadd.f32 v11, v8;
	v9 =	vmul.f32 v6, v6;
	s22 =	sadd.f32 s13, s13;
	s3 =	smul.f32 s11, s16  }
0xfa: {  	s2 =	smul.f32 s9, s2;
	s0 =	ssub.f32 $2.000000000e+00, s18  }
0xfb: {  	v9 =	vadd.f32 v9, v8;
	s18 =	ssub.f32 $2.000000000e+00, s3;
	s25 =	spop (v2sf)  }
0xfc: {  	s5 =	smul.f32 s31, s1;
	s29 =	ssub.f32 $1.000000000e+00, s25  }
0xfd: {  	s2 =	smul.f32 s22, s2;
	(xrf2) =	vadd.scan.msk.f32 $0xffff, v9;
	v9 =	vmul.f32 s21, v14  }
0xfe: {  	s11 =	smul.f32 s18, s11;
	s18 =	sadd.f32 $1.000000000e+00, s25;
	s31 =	sand.u32 $0x7FFFFFFF, s29  }
0xff: {  	s12 =	smul.f32 s0, s12;
	v1 =	vadd.f32 v9, v1;
	v9 =	vld [tilespmem:$0x1FFC0];
	s1 =	smax.f32 s31, $1.000000000e-30  }
0x100: {  	s9 =	smul.f32 s1, s18  }
0x101: {  	s8 =	smul.f32 s12, s8  }
0x102: {  	v7 =	vmul.f32 s21, v12;
	s16 =	smul.f32 s11, s16;
	s0 =	ssub.s32 $0x7EF311C3, s9;
	v10, _, _ =	vpop (xrf2)  }
0x103: {  	v8 =	vmul.f32 s21, v13;
	s3 =	smul.f32 s0, s9;
	(v2sf) =	vpush v10, $0xF;
	v10 =	vmul.f32 s21, v15  }
0x104: {  	v3 =	vadd.f32 v7, v3;
	s29 =	smul.f32 s12, s6;
	s16 =	ssub.f32 $2.000000000e+00, s16;
	v7 =	vmul.f32 s30, v9;
	v9 =	vld [tilespmem:$0x1FFD0]  }
0x105: {  	v2 =	vadd.f32 v8, v2;
	s18 =	smul.f32 s18, s18;
	s31 =	ssub.f32 $2.000000000e+00, s3;
	v8 =	vadd.f32 v10, v19;
	v10 =	vld [tilespmem:$0x1FFE0]  }
0x106: {  	s16 =	smul.f32 s16, s11;
	v19 =	vld [tilespmem:$0x1FFF0]  }
0x107: {  	s11 =	smul.f32 s0, s31;
	s0 =	spop (v2sf)  }
0x108: {  	v11, _, _ =	vpop (xrf2);
	s10 =	smul.f32 s16, s10;
	s3 =	ssub.f32 $1.000000000e+00, s0  }
0x109: {  	(v2sf) =	vpush v11, $0xF;
	s31 =	smul.f32 s16, s7;
	s6 =	sadd.f32 $1.000000000e+00, s0  }
0x10a: {  	v9 =	vmul.f32 s30, v9;
	s22 =	smul.f32 s11, s9;
	s12 =	sand.u32 $0x7FFFFFFF, s3;
	s3 =	rddreg [dreg:$0x13]  }
0x10b: {  	v10 =	vmul.f32 s30, v10;
	v19 =	vmul.f32 s30, v19;
	s30 =	rddreg [dreg:$0x14];
	s25 =	smax.f32 s12, $1.000000000e-30  }
0x10c: {  	s16 =	ssub.f32 $2.000000000e+00, s22;
	s7 =	smul.f32 s25, s6  }
0x10d: {  	s22 =	sadd.f32 s20, s3;
	s3 =	smin.f32 s8, $1.000000000e+03  }
0x10e: {  	s12 =	smin.f32 s10, $1.000000000e+03;
	s11 =	smul.f32 s16, s11;
	s10 =	ssub.s32 $0x7EF311C3, s7  }
0x10f: {  	s8 =	sadd.f32 s3, s3;
	s0 =	smul.f32 s10, s7  }
0x110: {  	v12 =	vld [tilespmem:$0x1FF70];
	s20 =	sadd.f32 s12, s12;
	s9 =	smul.f32 s11, s9  }
0x111: {  	v13 =	vmul.f32 s28, v17;
	v17 =	vld [tilespmem:$0x1FFA0];
	s16 =	smul.f32 s8, s29;
	s0 =	ssub.f32 $2.000000000e+00, s0  }
0x112: {  	v14 =	vmul.f32 s28, v18;
	v18 =	vld [tilespmem:$0x1FFB0];
	s8 =	smul.f32 s20, s31;
	s9 =	ssub.f32 $2.000000000e+00, s9  }
0x113: {  	v15 =	vld [tilespmem:$0x1FF80];
	s20 =	sadd.f32 s14, s22;
	s0 =	smul.f32 s10, s0  }
0x114: {  	v11 =	vmul.f32 s28, v16;
	v16 =	vld [tilespmem:$0x1FF90];
	s9 =	smul.f32 s9, s11;
	s10 =	spop (v2sf)  }
0x115: {  	s21 =	ssub.f32 $1.000000000e+00, s10;
	s14 =	smul.f32 s0, s7  }
0x116: {  	v12 =	vmul.f32 s28, v12;
	s28 =	sadd.f32 $1.000000000e+00, s10;
	s29 =	smul.f32 s9, s18  }
0x117: {  	s1 =	smul.f32 s9, s1;
	s9 =	sadd.f32 s30, s20  }
0x118: {  	v17 =	vmul.f32 s26, v17;
	v18 =	vmul.f32 s26, v18;
	s22 =	spop (v2sf);
	s11 =	ssub.f32 $2.000000000e+00, s14  }
0x119: {  	v15 =	vmul.f32 s26, v15;
	v16 =	vmul.f32 s26, v16;
	s26 =	sand.u32 $0x7FFFFFFF, s21;
	s31 =	ssub.f32 $1.000000000e+00, s22  }
0x11a: {  	s21 =	smax.f32 s26, $1.000000000e-30;
	s26 =	sadd.f32 $1.000000000e+00, s22  }
0x11b: {  	s20 =	smin.f32 s29, $1.000000000e+03;
	s10 =	smul.f32 s21, s28;
	s22 =	sand.u32 $0x7FFFFFFF, s31  }
0x11c: {  	v21 =	vmul.f32 s15, v21;
	v1 =	vadd.f32 v13, v1;
	s11 =	smul.f32 s11, s0;
	s14 =	smax.f32 s22, $1.000000000e-30  }
0x11d: {  	v2 =	vadd.f32 v12, v2;
	v12 =	vmul.f32 s15, v20;
	v8 =	vadd.f32 v14, v8;
	s0 =	sadd.f32 s20, s20;
	s18 =	ssub.s32 $0x7EF311C3, s10;
	s30 =	smul.f32 s14, s26  }
0x11e: {  	v3 =	vadd.f32 v11, v3;
	v11 =	vmul.f32 s15, v23;
	v23 =	vmul.f32 s15, v22;
	s31 =	rddreg [dreg:$0x15];
	s15 =	smul.f32 s18, s10  }
0x11f: {  	s9 =	sadd.f32 s31, s9;
	s7 =	smul.f32 s11, s7;
	s22 =	ssub.s32 $0x7EF311C3, s30  }
0x120: {  	v24 =	vmul.f32 s23, v24;
	v1 =	vadd.f32 v17, v1;
	v8 =	vadd.f32 v18, v8;
	s15 =	ssub.f32 $2.000000000e+00, s15;
	s31 =	smul.f32 s22, s30  }
0x121: {  	v25 =	vmul.f32 s23, v25;
	v26 =	vmul.f32 s23, v26;
	v3 =	vadd.f32 v15, v3;
	s7 =	ssub.f32 $2.000000000e+00, s7  }
0x122: {  	v40 =	vmul.f32 s2, v40;
	v1 =	vadd.f32 v10, v1;
	v8 =	vadd.f32 v19, v8;
	s0 =	smul.f32 s0, s1;
	s29 =	ssub.f32 $2.000000000e+00, s31  }
0x123: {  	v2 =	vadd.f32 v16, v2;
	v16 =	vmul.f32 s23, v27;
	v27 =	vmul.f32 s19, v28;
	s1 =	smul.f32 s18, s15;
	s31 =	rddreg [dreg:$0x17]  }
0x124: {  	v3 =	vadd.f32 v7, v3;
	v28 =	vmul.f32 s19, v29;
	v29 =	vmul.f32 s19, v30;
	s7 =	smul.f32 s7, s11;
	s9 =	sadd.f32 s31, s9  }
0x125: {  	v1 =	vadd.f32 v21, v1;
	v30 =	vmul.f32 s19, v31;
	s23 =	rddreg [dreg:$0x19];
	v31 =	vmul.f32 s4, v32;
	s18 =	smul.f32 s1, s10  }
0x126: {  	v8 =	vadd.f32 v23, v8;
	v32 =	vmul.f32 s4, v33;
	v33 =	vmul.f32 s4, v34;
	s15 =	smul.f32 s22, s29;
	s9 =	sadd.f32 s23, s9  }
0x127: {  	v34 =	vmul.f32 s4, v35;
	v35 =	vmul.f32 s5, v36;
	v2 =	vadd.f32 v9, v2;
	s29 =	ssub.f32 $2.000000000e+00, s18;
	s23 =	smul.f32 s6, s6  }
0x128: {  	v36 =	vmul.f32 s5, v37;
	v37 =	vmul.f32 s5, v38;
	v3 =	vadd.f32 v11, v3;
	s31 =	smul.f32 s15, s30  }
0x129: {  	v38 =	vmul.f32 s5, v39;
	v1 =	vadd.f32 v26, v1;
	v2 =	vadd.f32 v12, v2;
	s1 =	smul.f32 s29, s1  }
0x12a: {  	v39 =	vmul.f32 s2, v41;
	v8 =	vadd.f32 v16, v8;
	v3 =	vadd.f32 v24, v3;
	s4 =	smul.f32 s7, s23  }
0x12b: {  	v41 =	vmul.f32 s2, v42;
	v1 =	vadd.f32 v29, v1;
	v2 =	vadd.f32 v25, v2;
	s22 =	rddreg [dreg:$0x1b];
	s7 =	smul.f32 s7, s25  }
0x12c: {  	v42 =	vmul.f32 s2, v43;
	v8 =	vadd.f32 v30, v8;
	v3 =	vadd.f32 v27, v3;
	s9 =	sadd.f32 s22, s9;
	s23 =	smul.f32 s28, s28  }
0x12d: {  	v43 =	vmul.f32 s16, v44;
	v1 =	vadd.f32 v33, v1;
	v2 =	vadd.f32 v28, v2;
	s29 =	ssub.f32 $2.000000000e+00, s31;
	s11 =	smul.f32 s1, s10  }
0x12e: {  	v44 =	vmul.f32 s16, v45;
	v8 =	vadd.f32 v34, v8;
	v3 =	vadd.f32 v31, v3;
	s25 =	smul.f32 s26, s26;
	s9 =	sadd.f32 s24, s9  }
0x12f: {  	v45 =	vmul.f32 s16, v46;
	v1 =	vadd.f32 v37, v1;
	v2 =	vadd.f32 v32, v2;
	s31 =	smul.f32 s29, s15;
	s18 =	ssub.f32 $2.000000000e+00, s11  }
0x130: {  	v46 =	vmul.f32 s16, v47;
	v8 =	vadd.f32 v38, v8;
	v3 =	vadd.f32 v35, v3;
	s4 =	smin.f32 s4, $1.000000000e+03;
	s9 =	sadd.f32 s17, s9  }
0x131: {  	v47 =	vmul.f32 s8, v48;
	v1 =	vadd.f32 v41, v1;
	v2 =	vadd.f32 v36, v2;
	s15 =	sadd.f32 s4, s4;
	s19 =	smul.f32 s31, s30  }
0x132: {  	v48 =	vmul.f32 s8, v49;
	v8 =	vadd.f32 v42, v8;
	v3 =	vadd.f32 v39, v3;
	s1 =	smul.f32 s18, s1;
	s9 =	sadd.f32 s13, s9  }
0x133: {  	v49 =	vmul.f32 s8, v50;
	v1 =	vadd.f32 v45, v1;
	v2 =	vadd.f32 v40, v2;
	s7 =	smul.f32 s15, s7;
	s22 =	ssub.f32 $2.000000000e+00, s19  }
0x134: {  	v50 =	vmul.f32 s8, v51;
	v8 =	vadd.f32 v46, v8;
	v3 =	vadd.f32 v43, v3;
	s30 =	rddreg [dreg:$0x10];
	s24 =	smul.f32 s1, s23  }
0x135: {  	v1 =	vadd.f32 v49, v1;
	v51 =	vmul.f32 s0, v52;
	v2 =	vadd.f32 v44, v2;
	s3 =	sadd.f32 s3, s9;
	s2 =	smul.f32 s22, s31  }
0x136: {  	v3 =	vadd.f32 v47, v3;
	v52 =	vmul.f32 s0, v53;
	v53 =	vmul.f32 s0, v54;
	s1 =	smul.f32 s1, s21;
	s5 =	smin.f32 s24, $1.000000000e+03  }
0x137: {  	v8 =	vadd.f32 v50, v8;
	v54 =	vmul.f32 s0, v55;
	v2 =	vadd.f32 v48, v2;
	s26 =	sadd.f32 s5, s5;
	s6 =	smul.f32 s2, s25  }
0x138: {  	v3 =	vadd.f32 v51, v3;
	v1 =	vadd.f32 v53, v1;
	v55 =	vmul.f32 s7, v56;
	s3 =	sadd.f32 s12, s3  }
0x139: {  	v8 =	vadd.f32 v54, v8;
	v2 =	vadd.f32 v52, v2;
	v56 =	vmul.f32 s7, v57;
	s0 =	smul.f32 s26, s1;
	s28 =	smin.f32 s6, $1.000000000e+03  }
0x13a: {  	v57 =	vmul.f32 s7, v58;
	v58 =	vmul.f32 s7, v59;
	v3 =	vadd.f32 v55, v3;
	s2 =	smul.f32 s2, s14;
	s6 =	sadd.f32 s28, s28  }
0x13b: {  	v2 =	vadd.f32 v56, v2;
	s3 =	sadd.f32 s20, s3;
	v59 =	vmul.f32 s0, v62;
	v0 =	vmul.f32 s0, v0  }
0x13c: {  	p2 =	sne.s32 s30, $0x18000;
	v1 =	vadd.f32 v57, v1;
	v8 =	vadd.f32 v58, v8;
	v62 =	vmul.f32 s0, v63;
	s2 =	smul.f32 s6, s2  }
.Ltmp0:
0x13d: {  	s3 =	sadd.f32 s4, s3;
	v3 =	vadd.f32 v59, v3;
	v0 =	vadd.f32 v0, v2;
	v2 =	vmul.f32 s0, v5;
	(pc) =	sbr.rel @p2 .LBB2_3-.Ltmp0, $4  }
0x13e: {  	v1 =	vadd.f32 v62, v1;
	v5 =	vmul.f32 s2, v60;
	v63 =	vmul.f32 s2, v61  }
0x13f: {  	s29 =	sadd.f32 s5, s3;
	v4 =	vmul.f32 s2, v4;
	v6 =	vmul.f32 s2, v6;
	v8 =	vadd.f32 v2, v8  }
0x140: {  	s31 =	rddreg [dreg:$0x10];
	v3 =	vadd.f32 v5, v3;
	v2 =	vadd.f32 v63, v0  }
0x141: {  	s0 =	sadd.s32 $0x1000, s31;
	s1 =	sadd.f32 s28, s29;
	v1 =	vadd.f32 v4, v1;
	v19 =	vadd.f32 v6, v8  }
0x142: {  	[tilespmem:$0xCB40] =	vst v3  }
0x143: {  	[tilespmem:$0xCB50] =	vst v2;
	s5 =	rddreg [dreg:$0xf]  }
0x144: {  	[tilespmem:$0xCB60] =	vst v1;
	s0 =	smul.u32 $0xA, s5  }
0x145: {  	s29 =	rddreg [dreg:$0x7];
	[tilespmem:$0xCB70] =	vst v19;
	v0 =	vmov s1  }
0x146: {  	s30 =	simm.s32 $0x0;
	s2 =	simm.s32 $0xCB40;
	[tilespmem:$0xCB80] =	vst v0;
	s0 =	sadd.s32 s29, s0  }
0x147: {  	[hbm4b:s0+s30] =	stream.linear.scatter [tilespmem:s2], [sflag:$0x3], $0x50, $0x38;
	[tilespmem:$0xCBE0] =	vst v63  }
0x148: {  	s0 =	simm.s32 @!p1 $0x5  }
0x149: {  	_ =	swait.ge @!p1 [sflag:s0], $0xD0  }
0x14a: {  	[sflag:s0] =	ssyncset.done @!p1 $0x0  }
0x14b: {  	[sflag:s0] =	ssyncadd.s32 @!p1 $0xFFFFFF30  }
0x14c: {  	_ =	swait.ge @!p1 [sflag:s0], $0xD0  }
0x14d: {  	s1 =	simm.s32 @!p1 $0x0;
	s2 =	simm.s32 @!p1 $0x340;
	[sflag:s0] =	ssyncset.done @!p1 $0x0  }
0x14e: {  	s4 =	rddreg [dreg:$0x5];
	[sflag:s0] =	ssyncadd.s32 @!p1 $0xFFFFFF30;
	s0 =	simm.s32 @!p1 $0x64  }
0x14f: {  	[tilespmem:s2], [sflag:$0x1] =	stream.indirect.gather @!p1 [hbm4b:s4+s0], $0x40, s1, s0, $0xb8;
	[tilespmem:$0xCBE0] =	vst v63  }
0x150: {  	s3 =	simm.s32 @!p1 $0x1C40;
	s2 =	simm.s32 @!p1 $0x68  }
0x151: {  	[tilespmem:s3], [sflag:$0x1] =	stream.indirect.gather @!p1 [hbm4b:s4+s0], $0x40, s2, s0, $0xb8;
	[tilespmem:$0xCBE0] =	vst v63  }
0x152: {  	s2 =	simm.s32 @!p1 $0xD0;
	s3 =	simm.s32 @!p1 $0x3540;
	s4 =	rddreg [dreg:$0x6]  }
0x153: {  	[tilespmem:s3], [sflag:$0x1] =	stream.indirect.gather @!p1 [hbm4b:s4+s0], $0x40, s2, s0, $0xb8;
	[tilespmem:$0xCBE0] =	vst v63  }
0x154: {  	s31 =	simm.s32 $0x2;
	s2 =	simm.s32 @!p1 $0x138;
	s3 =	simm.s32 @!p1 $0x4E40  }
0x155: {  	[tilespmem:s3], [sflag:$0x1] =	stream.indirect.gather @!p1 [hbm4b:s4+s0], $0x40, s2, s0, $0xb8;
	[tilespmem:$0xCBE0] =	vst v63  }
0x156: {  	_ =	swait.ge [sflag:s31], $0x1900  }
0x157: {  	[sflag:s31] =	ssyncset.done $0x0  }
0x158: {  	[sflag:s31] =	ssyncadd.s32 $0xFFFFE700  }
0x159: {  	_ =	swait.ge [sflag:s31], $0x1900  }
0x15a: {  	[sflag:s31] =	ssyncset.done $0x0  }
0x15b: {  	[sflag:s31] =	ssyncadd.s32 $0xFFFFE700  }
0x15c: {  	_ =	swait.ge [sflag:s31], $0x1900  }
0x15d: {  	[sflag:s31] =	ssyncset.done $0x0  }
0x15e: {  	[sflag:s31] =	ssyncadd.s32 $0xFFFFE700  }
0x15f: {  	_ =	swait.ge [sflag:s31], $0x1900  }
0x160: {  	[sflag:s31] =	ssyncset.done $0x0  }
0x161: {  	s0 =	smul.u32 @!p1 $0xD0, s5;
	s2 =	simm.s32 @!p0 $0x4;
	[sflag:s31] =	ssyncadd.s32 $0xFFFFE700  }
0x162: {  	_ =	swait.ge @!p0 [sflag:s2], $0x50  }
0x163: {  	s0 =	sshrl.u32 @!p1 s0, $0x3;
	[sflag:s2] =	ssyncset.done @!p0 $0x0  }
0x164: {  	s0 =	sadd.s32 @!p1 $0x4E, s0;
	[sflag:s2] =	ssyncadd.s32 @!p0 $0xFFFFFFB0;
	s2 =	rddreg [dreg:$0x2]  }
0x165: {  	s3 =	simm.s32 @!p1 $0x1A0;
	s2 =	sadd.s32 @!p1 s2, s0  }
0x166: {  	[tilespmem:s3], [sflag:$0x6] =	stream.linear.gather @!p1 [hbm4b:s2+s1], $0xD0, $0x38;
	[tilespmem:$0xCBE0] =	vst v63  }
0x167: {  	s2 =	rddreg [dreg:$0x4]  }
0x168: {  	s0 =	sadd.s32 @!p1 s2, s0;
	s2 =	simm.s32 @!p1 $0x270  }
0x169: {  	v2 =	vimm.f32 $0.0e+00;
	[tilespmem:s2], [sflag:$0x6] =	stream.linear.gather @!p1 [hbm4b:s0+s1], $0xD0, $0x38;
	[tilespmem:$0xCBE0] =	vst v63  }
0x16a: {  	v3 =	vimm.f32 $0.0e+00;
	v19 =	vimm.f32 $0.0e+00;
	v1 =	vimm.f32 $0.0e+00;
	s1 =	simm.f32 $0.0e+00;
	s0 =	simm.s32 $0x0  }
.LBB2_5:
0x16b: {  	s13 =	sshra.s32 s0, $0x2  }
0x16c: {  	v12 =	vld [tilespmem:s13+$0x6740]  }
0x16d: {  	v13 =	vld [tilespmem:s13+$0x6750];
	_ =	sdelay $0x1  }
0x16e: {  	v14 =	vld [tilespmem:s13+$0x6760];
	_ =	sdelay $0x1  }
0x16f: {  	v15 =	vld [tilespmem:s13+$0x6770]  }
0x170: {  	v0 =	vmul.f32 v12, v12;
	v4 =	vmul.f32 v13, v13;
	_ =	sdelay $0x1  }
0x171: {  	v0 =	vadd.f32 v4, v0;
	v4 =	vmul.f32 v14, v14;
	_ =	sdelay $0x1  }
0x172: {  	v0 =	vadd.f32 v4, v0;
	v4 =	vmul.f32 v15, v15  }
0x173: {  	v16 =	vld [tilespmem:s13+$0x6780]  }
0x174: {  	v0 =	vadd.f32 v4, v0;
	v4 =	vld [tilespmem:s13+$0x6790];
	_ =	sdelay $0x1  }
0x175: {  	v17 =	vld [tilespmem:s13+$0x67A0]  }
0x176: {  	(xrf2) =	vadd.scan.msk.f32 $0xffff, v0  }
0x177: {  	v18 =	vld [tilespmem:s13+$0x67B0]  }
0x178: {  	v0 =	vmul.f32 v16, v16;
	[tilespmem:$0x1FEE0] =	vst v4;
	v4 =	vmul.f32 v4, v4;
	_ =	sdelay $0x1  }
0x179: {  	v0 =	vadd.f32 v4, v0;
	v4 =	vmul.f32 v17, v17;
	_ =	sdelay $0x1  }
0x17a: {  	v5 =	vld [tilespmem:s13+$0x67C0];
	v0 =	vadd.f32 v4, v0;
	v4 =	vmul.f32 v18, v18  }
0x17b: {  	v6 =	vld [tilespmem:s13+$0x67D0]  }
0x17c: {  	v0 =	vadd.f32 v4, v0  }
0x17d: {  	v7 =	vld [tilespmem:s13+$0x67E0]  }
0x17e: {  	v4, _, _ =	vpop (xrf2);
	(xrf2) =	vadd.scan.msk.f32 $0xffff, v0  }
0x17f: {  	v8 =	vld [tilespmem:s13+$0x67F0];
	(v2sf) =	vpush v4, $0xF  }
0x180: {  	v0 =	vmul.f32 v5, v5;
	v4 =	vmul.f32 v6, v6;
	_ =	sdelay $0x1  }
0x181: {  	v0 =	vadd.f32 v4, v0;
	v4 =	vmul.f32 v7, v7;
	_ =	sdelay $0x1  }
0x182: {  	v61 =	vld [tilespmem:s13+$0x6800];
	v0 =	vadd.f32 v4, v0;
	v4 =	vmul.f32 v8, v8  }
0x183: {  	[tilespmem:$0x1FEF0] =	vst v5;
	v5 =	vld [tilespmem:s13+$0x6810]  }
0x184: {  	v0 =	vadd.f32 v4, v0  }
0x185: {  	v62 =	vld [tilespmem:s13+$0x6820]  }
0x186: {  	v4, _, _ =	vpop (xrf2);
	(xrf2) =	vadd.scan.msk.f32 $0xffff, v0  }
0x187: {  	v63 =	vld [tilespmem:s13+$0x6830];
	(v2sf) =	vpush v4, $0xF  }
0x188: {  	v0 =	vmul.f32 v61, v61;
	v4 =	vmul.f32 v5, v5;
	_ =	sdelay $0x1  }
0x189: {  	v0 =	vadd.f32 v4, v0;
	v4 =	vmul.f32 v62, v62;
	_ =	sdelay $0x1  }
0x18a: {  	v0 =	vadd.f32 v4, v0;
	v4 =	vmul.f32 v63, v63;
	s16 =	spop (v2sf)  }
0x18b: {  	s17 =	ssub.f32 $1.000000000e+00, s16;
	_ =	sdelay $0x1  }
0x18c: {  	v23 =	vld [tilespmem:s13+$0x6840];
	s4 =	sadd.f32 $1.000000000e+00, s16;
	v0 =	vadd.f32 v4, v0;
	s18 =	sand.u32 $0x7FFFFFFF, s17  }
0x18d: {  	v20 =	vld [tilespmem:s13+$0x6850];
	s3 =	smax.f32 s18, $1.000000000e-30;
	v4, _, _ =	vpop (xrf2)  }
0x18e: {  	(xrf2) =	vadd.scan.msk.f32 $0xffff, v0;
	s19 =	smul.f32 s3, s4;
	(v2sf) =	vpush v4, $0xF  }
0x18f: {  	v21 =	vld [tilespmem:s13+$0x6860]  }
0x190: {  	s20 =	ssub.s32 $0x7EF311C3, s19  }
0x191: {  	v22 =	vld [tilespmem:s13+$0x6870];
	s2 =	smul.f32 s20, s19  }
0x192: {  	v0 =	vmul.f32 v23, v23;
	v4 =	vmul.f32 v20, v20  }
0x193: {  	s2 =	ssub.f32 $2.000000000e+00, s2;
	s5 =	spop (v2sf)  }
0x194: {  	v0 =	vadd.f32 v4, v0;
	v4 =	vmul.f32 v21, v21;
	s21 =	ssub.f32 $1.000000000e+00, s5  }
0x195: {  	[dreg:$0x11] =	wrdreg s0;
	s2 =	smul.f32 s20, s2  }
0x196: {  	v24 =	vld [tilespmem:s13+$0x6880];
	v0 =	vadd.f32 v4, v0;
	v4 =	vmul.f32 v22, v22;
	s6 =	sadd.f32 $1.000000000e+00, s5;
	s0 =	sand.u32 $0x7FFFFFFF, s21  }
0x197: {  	v25 =	vld [tilespmem:s13+$0x6890];
	s7 =	smul.f32 s2, s19;
	s0 =	smax.f32 s0, $1.000000000e-30  }
0x198: {  	[tilespmem:$0x1FF40] =	vst v5;
	v0 =	vadd.f32 v4, v0;
	v5, _, _ =	vpop (xrf2);
	s23 =	smul.f32 s0, s6  }
0x199: {  	v26 =	vld [tilespmem:s13+$0x68A0];
	(v2sf) =	vpush v5, $0xF  }
0x19a: {  	s4 =	smul.f32 s4, s4;
	(xrf2) =	vadd.scan.msk.f32 $0xffff, v0;
	s22 =	ssub.f32 $2.000000000e+00, s7;
	s24 =	ssub.s32 $0x7EF311C3, s23  }
0x19b: {  	v27 =	vld [tilespmem:s13+$0x68B0];
	s25 =	smul.f32 s24, s23  }
0x19c: {  	[dreg:$0x12] =	wrdreg s1;
	v4 =	vmul.f32 v25, v25;
	v0 =	vmul.f32 v24, v24;
	s8 =	smul.f32 s22, s2  }
0x19d: {  	s5 =	ssub.f32 $2.000000000e+00, s25;
	s9 =	spop (v2sf)  }
0x19e: {  	s6 =	smul.f32 s6, s6;
	v0 =	vadd.f32 v4, v0;
	v4 =	vmul.f32 v26, v26;
	s10 =	ssub.f32 $1.000000000e+00, s9  }
0x19f: {  	s1 =	smul.f32 s8, s19;
	s26 =	sadd.f32 $1.000000000e+00, s9  }
0x1a0: {  	v28 =	vld [tilespmem:s13+$0x68C0];
	v0 =	vadd.f32 v4, v0;
	v4 =	vmul.f32 v27, v27;
	s14 =	smul.f32 s24, s5;
	s28 =	sand.u32 $0x7FFFFFFF, s10  }
0x1a1: {  	v29 =	vld [tilespmem:s13+$0x68D0];
	s5 =	smul.f32 s26, s26;
	s2 =	smax.f32 s28, $1.000000000e-30  }
0x1a2: {  	v0 =	vadd.f32 v4, v0;
	s1 =	ssub.f32 $2.000000000e+00, s1;
	s30 =	smul.f32 s2, s26  }
0x1a3: {  	v30 =	vld [tilespmem:s13+$0x68E0];
	s29 =	smul.f32 s14, s23  }
0x1a4: {  	s1 =	smul.f32 s1, s8;
	v4, _, _ =	vpop (xrf2);
	(xrf2) =	vadd.scan.msk.f32 $0xffff, v0;
	s11 =	ssub.s32 $0x7EF311C3, s30  }
0x1a5: {  	v31 =	vld [tilespmem:s13+$0x68F0];
	s15 =	smul.f32 s11, s30  }
0x1a6: {  	v0 =	vmul.f32 v28, v28;
	(v2sf) =	vpush v4, $0xF;
	v4 =	vmul.f32 v29, v29;
	s9 =	ssub.f32 $2.000000000e+00, s29;
	s12 =	smul.f32 s1, s4  }
0x1a7: {  	s1 =	smul.f32 s1, s3;
	s17 =	ssub.f32 $2.000000000e+00, s15  }
0x1a8: {  	v0 =	vadd.f32 v4, v0;
	v4 =	vmul.f32 v30, v30;
	s8 =	smul.f32 s9, s14;
	s18 =	spop (v2sf)  }
0x1a9: {  	s16 =	ssub.f32 $1.000000000e+00, s18;
	s9 =	smul.f32 s11, s17  }
0x1aa: {  	v0 =	vadd.f32 v4, v0;
	v4 =	vmul.f32 v31, v31;
	s7 =	smul.f32 s8, s23  }
0x1ab: {  	s4 =	sadd.f32 $1.000000000e+00, s18;
	s21 =	sand.u32 $0x7FFFFFFF, s16;
	s20 =	smul.f32 s9, s30  }
0x1ac: {  	s19 =	ssub.f32 $2.000000000e+00, s7;
	s3 =	smax.f32 s21, $1.000000000e-30  }
0x1ad: {  	v32 =	vld [tilespmem:s13+$0x6900];
	s22 =	smul.f32 s3, s4;
	s7 =	ssub.f32 $2.000000000e+00, s20  }
0x1ae: {  	v33 =	vld [tilespmem:s13+$0x6910];
	v0 =	vadd.f32 v4, v0;
	s8 =	smul.f32 s19, s8;
	v4, _, _ =	vpop (xrf2)  }
0x1af: {  	(v2sf) =	vpush v4, $0xF;
	s23 =	ssub.s32 $0x7EF311C3, s22;
	s7 =	smul.f32 s7, s9  }
0x1b0: {  	v34 =	vld [tilespmem:s13+$0x6920];
	s31 =	smin.f32 s12, $1.000000000e+03;
	s17 =	smul.f32 s23, s22  }
0x1b1: {  	s14 =	sadd.f32 s31, s31;
	(xrf2) =	vadd.scan.msk.f32 $0xffff, v0;
	s10 =	smul.f32 s7, s30  }
0x1b2: {  	v35 =	vld [tilespmem:s13+$0x6930];
	s6 =	smul.f32 s8, s6;
	s24 =	ssub.f32 $2.000000000e+00, s17  }
0x1b3: {  	s21 =	smul.f32 s14, s1;
	v0 =	vmul.f32 v32, v32;
	v4 =	vmul.f32 v33, v33;
	s10 =	ssub.f32 $2.000000000e+00, s10  }
0x1b4: {  	s14 =	smin.f32 s6, $1.000000000e+03;
	s1 =	smul.f32 s23, s24  }
0x1b5: {  	v0 =	vadd.f32 v4, v0;
	v4 =	vmul.f32 v34, v34;
	s11 =	sadd.f32 s14, s14;
	s7 =	smul.f32 s10, s7  }
0x1b6: {  	s25 =	spop (v2sf);
	s9 =	smul.f32 s1, s22  }
0x1b7: {  	s8 =	smul.f32 s8, s0;
	v0 =	vadd.f32 v4, v0;
	v4 =	vmul.f32 v35, v35;
	s26 =	ssub.f32 $1.000000000e+00, s25  }
0x1b8: {  	s28 =	ssub.f32 $2.000000000e+00, s9;
	s29 =	smul.f32 s7, s5  }
0x1b9: {  	v0 =	vadd.f32 v4, v0;
	s30 =	sand.u32 $0x7FFFFFFF, s26;
	s5 =	sadd.f32 $1.000000000e+00, s25;
	s2 =	smul.f32 s7, s2  }
0x1ba: {  	s0 =	smax.f32 s30, $1.000000000e-30;
	s1 =	smul.f32 s28, s1  }
0x1bb: {  	v36 =	vld [tilespmem:s13+$0x6940];
	v4, _, _ =	vpop (xrf2);
	(xrf2) =	vadd.scan.msk.f32 $0xffff, v0;
	s6 =	smul.f32 s0, s5  }
0x1bc: {  	v37 =	vld [tilespmem:s13+$0x6950];
	(v2sf) =	vpush v4, $0xF;
	s20 =	smin.f32 s29, $1.000000000e+03;
	s28 =	smul.f32 s11, s8  }
0x1bd: {  	s29 =	smul.f32 s4, s4;
	s18 =	sadd.f32 s20, s20  }
0x1be: {  	v38 =	vld [tilespmem:s13+$0x6960];
	s12 =	smul.f32 s1, s22;
	s15 =	ssub.s32 $0x7EF311C3, s6;
	s23 =	spop (v2sf)  }
0x1bf: {  	s19 =	smul.f32 s15, s6;
	s25 =	ssub.f32 $1.000000000e+00, s23  }
0x1c0: {  	v39 =	vld [tilespmem:s13+$0x6970];
	s5 =	smul.f32 s5, s5;
	s7 =	ssub.f32 $2.000000000e+00, s12  }
0x1c1: {  	v0 =	vmul.f32 v36, v36;
	v4 =	vmul.f32 v37, v37;
	s26 =	smul.f32 s18, s2;
	s22 =	ssub.f32 $2.000000000e+00, s19  }
0x1c2: {  	s4 =	sadd.f32 $1.000000000e+00, s23;
	s2 =	sand.u32 $0x7FFFFFFF, s25;
	s1 =	smul.f32 s7, s1  }
0x1c3: {  	v41 =	vld [tilespmem:s13+$0x6980];
	v0 =	vadd.f32 v4, v0;
	v4 =	vmul.f32 v38, v38;
	s2 =	smax.f32 s2, $1.000000000e-30;
	s24 =	smul.f32 s15, s22  }
0x1c4: {  	v40 =	vld [tilespmem:s13+$0x6990];
	s15 =	smul.f32 s2, s4  }
0x1c5: {  	v0 =	vadd.f32 v4, v0;
	v4 =	vmul.f32 v39, v39;
	v5, _, _ =	vpop (xrf2);
	s11 =	smul.f32 s1, s29  }
0x1c6: {  	v42 =	vld [tilespmem:s13+$0x69A0];
	(v2sf) =	vpush v5, $0xF;
	s30 =	smul.f32 s24, s6  }
0x1c7: {  	v0 =	vadd.f32 v4, v0;
	s4 =	smul.f32 s4, s4;
	s18 =	ssub.s32 $0x7EF311C3, s15;
	s11 =	smin.f32 s11, $1.000000000e+03  }
0x1c8: {  	v43 =	vld [tilespmem:s13+$0x69B0];
	s22 =	smul.f32 s18, s15;
	s12 =	ssub.f32 $2.000000000e+00, s30  }
0x1c9: {  	v4 =	vmul.f32 v40, v40;
	(xrf2) =	vadd.scan.msk.f32 $0xffff, v0;
	v0 =	vmul.f32 v41, v41;
	s1 =	smul.f32 s1, s3;
	s19 =	sadd.f32 s11, s11  }
0x1ca: {  	s23 =	ssub.f32 $2.000000000e+00, s22;
	s17 =	smul.f32 s12, s24  }
0x1cb: {  	v0 =	vadd.f32 v4, v0;
	v4 =	vmul.f32 v42, v42;
	s30 =	smul.f32 s19, s1;
	s24 =	spop (v2sf)  }
0x1cc: {  	s1 =	smul.f32 s18, s23;
	s25 =	ssub.f32 $1.000000000e+00, s24  }
0x1cd: {  	v44 =	vld [tilespmem:s13+$0x69C0];
	v0 =	vadd.f32 v4, v0;
	v4 =	vmul.f32 v43, v43;
	s6 =	smul.f32 s17, s6  }
0x1ce: {  	v45 =	vld [tilespmem:s13+$0x69D0];
	s7 =	sadd.f32 $1.000000000e+00, s24;
	s29 =	smul.f32 s1, s15;
	s9 =	sand.u32 $0x7FFFFFFF, s25  }
0x1cf: {  	v0 =	vadd.f32 v4, v0;
	s6 =	ssub.f32 $2.000000000e+00, s6;
	s3 =	smax.f32 s9, $1.000000000e-30  }
0x1d0: {  	v46 =	vld [tilespmem:s13+$0x69E0];
	s12 =	smul.f32 s3, s7  }
0x1d1: {  	(xrf2) =	vadd.scan.msk.f32 $0xffff, v0;
	s6 =	smul.f32 s6, s17  }
0x1d2: {  	v47 =	vld [tilespmem:s13+$0x69F0];
	[dreg:$0x16] =	wrdreg s11;
	s7 =	smul.f32 s7, s7  }
0x1d3: {  	v5 =	vmul.f32 v45, v45;
	v4 =	vmul.f32 v44, v44;
	v0, _, _ =	vpop (xrf2);
	s11 =	ssub.f32 $2.000000000e+00, s29;
	s16 =	ssub.s32 $0x7EF311C3, s12;
	s5 =	smul.f32 s6, s5  }
0x1d4: {  	(v2sf) =	vpush v0, $0xF;
	s18 =	smul.f32 s16, s12  }
0x1d5: {  	v0 =	vadd.f32 v5, v4;
	v4 =	vmul.f32 v46, v46;
	s8 =	smul.f32 s11, s1;
	s22 =	spop (v2sf)  }
0x1d6: {  	s17 =	smin.f32 s5, $1.000000000e+03;
	s5 =	ssub.f32 $2.000000000e+00, s18  }
0x1d7: {  	v48 =	vld [tilespmem:s13+$0x6A00];
	v0 =	vadd.f32 v4, v0;
	v4 =	vmul.f32 v47, v47;
	s10 =	smul.f32 s8, s15;
	s23 =	ssub.f32 $1.000000000e+00, s22  }
0x1d8: {  	v49 =	vld [tilespmem:s13+$0x6A10];
	s0 =	smul.f32 s6, s0;
	s19 =	sadd.f32 s17, s17  }
0x1d9: {  	v0 =	vadd.f32 v4, v0;
	s10 =	ssub.f32 $2.000000000e+00, s10;
	s5 =	smul.f32 s16, s5  }
0x1da: {  	v50 =	vld [tilespmem:s13+$0x6A20];
	s15 =	smul.f32 s19, s0  }
0x1db: {  	s1 =	sadd.f32 $1.000000000e+00, s22;
	v4, _, _ =	vpop (xrf2);
	(xrf2) =	vadd.scan.msk.f32 $0xffff, v0;
	s6 =	sand.u32 $0x7FFFFFFF, s23;
	s8 =	smul.f32 s10, s8  }
0x1dc: {  	v51 =	vld [tilespmem:s13+$0x6A30];
	s6 =	smax.f32 s6, $1.000000000e-30;
	s24 =	smul.f32 s5, s12  }
0x1dd: {  	v0 =	vmul.f32 v48, v48;
	[dreg:$0x18] =	wrdreg s17;
	(v2sf) =	vpush v4, $0xF;
	v4 =	vmul.f32 v49, v49;
	s17 =	smul.f32 s6, s1  }
0x1de: {  	s1 =	smul.f32 s1, s1  }
0x1df: {  	v0 =	vadd.f32 v4, v0;
	v4 =	vmul.f32 v50, v50;
	s4 =	smul.f32 s8, s4;
	s25 =	ssub.f32 $2.000000000e+00, s24;
	s29 =	ssub.s32 $0x7EF311C3, s17  }
0x1e0: {  	s18 =	smul.f32 s29, s17  }
0x1e1: {  	v0 =	vadd.f32 v4, v0;
	v4 =	vmul.f32 v51, v51;
	s5 =	smul.f32 s25, s5  }
0x1e2: {  	s8 =	smul.f32 s8, s2;
	s0 =	ssub.f32 $2.000000000e+00, s18  }
0x1e3: {  	s19 =	spop (v2sf);
	s9 =	smul.f32 s5, s12  }
0x1e4: {  	s22 =	ssub.f32 $1.000000000e+00, s19;
	s10 =	smul.f32 s29, s0  }
0x1e5: {  	s16 =	smin.f32 s4, $1.000000000e+03;
	v0 =	vadd.f32 v4, v0;
	v4, _, _ =	vpop (xrf2);
	s11 =	ssub.f32 $2.000000000e+00, s9  }
0x1e6: {  	s23 =	sadd.f32 s16, s16;
	(v2sf) =	vpush v4, $0xF;
	s12 =	smul.f32 s10, s17  }
0x1e7: {  	s25 =	sand.u32 $0x7FFFFFFF, s22;
	s4 =	smul.f32 s11, s5  }
0x1e8: {  	(xrf2) =	vadd.scan.msk.f32 $0xffff, v0;
	s23 =	smul.f32 s23, s8;
	s2 =	smax.f32 s25, $1.000000000e-30  }
0x1e9: {  	s18 =	ssub.f32 $2.000000000e+00, s12;
	s24 =	smul.f32 s4, s7  }
0x1ea: {  	s7 =	sadd.f32 $1.000000000e+00, s19;
	s3 =	smul.f32 s4, s3  }
0x1eb: {  	v52 =	vld [tilespmem:s13+$0x6A40];
	s10 =	smul.f32 s18, s10;
	s11 =	smin.f32 s24, $1.000000000e+03  }
0x1ec: {  	v53 =	vld [tilespmem:s13+$0x6A50];
	s9 =	smul.f32 s2, s7;
	s24 =	spop (v2sf)  }
0x1ed: {  	s7 =	smul.f32 s7, s7;
	s12 =	sadd.f32 s11, s11  }
0x1ee: {  	v54 =	vld [tilespmem:s13+$0x6A60];
	s29 =	smul.f32 s10, s17;
	s25 =	ssub.f32 $1.000000000e+00, s24;
	s17 =	ssub.s32 $0x7EF311C3, s9  }
0x1ef: {  	[dreg:$0x1a] =	wrdreg s16;
	s22 =	smul.f32 s17, s9  }
0x1f0: {  	v55 =	vld [tilespmem:s13+$0x6A70];
	s16 =	ssub.f32 $2.000000000e+00, s29;
	s19 =	smul.f32 s12, s3;
	s8 =	sand.u32 $0x7FFFFFFF, s25  }
0x1f1: {  	v5 =	vmul.f32 v53, v53;
	v4 =	vmul.f32 v52, v52;
	s3 =	sadd.f32 $1.000000000e+00, s24;
	s5 =	smax.f32 s8, $1.000000000e-30  }
0x1f2: {  	v0, _, _ =	vpop (xrf2);
	s4 =	smul.f32 s16, s10;
	s29 =	ssub.f32 $2.000000000e+00, s22  }
0x1f3: {  	(v2sf) =	vpush v0, $0xF;
	v0 =	vadd.f32 v5, v4;
	v4 =	vmul.f32 v54, v54;
	s16 =	smul.f32 s5, s3  }
0x1f4: {  	[dreg:$0x1c] =	wrdreg s11;
	s10 =	smul.f32 s17, s29  }
0x1f5: {  	v0 =	vadd.f32 v4, v0;
	v4 =	vmul.f32 v55, v55;
	s1 =	smul.f32 s4, s1;
	s11 =	ssub.s32 $0x7EF311C3, s16;
	s25 =	spop (v2sf)  }
0x1f6: {  	v56 =	vld [tilespmem:s13+$0x6A80];
	s24 =	smul.f32 s11, s16;
	s22 =	ssub.f32 $1.000000000e+00, s25  }
0x1f7: {  	v57 =	vld [tilespmem:s13+$0x6A90];
	v0 =	vadd.f32 v4, v0;
	s0 =	smul.f32 s10, s9;
	s8 =	sadd.f32 $1.000000000e+00, s25  }
0x1f8: {  	s4 =	smul.f32 s4, s6;
	s17 =	ssub.f32 $2.000000000e+00, s24  }
0x1f9: {  	v58 =	vld [tilespmem:s13+$0x6AA0];
	(xrf2) =	vadd.scan.msk.f32 $0xffff, v0;
	s24 =	smin.f32 s1, $1.000000000e+03;
	s12 =	ssub.f32 $2.000000000e+00, s0  }
0x1fa: {  	s6 =	sand.u32 $0x7FFFFFFF, s22;
	s0 =	sadd.f32 s24, s24;
	s18 =	smul.f32 s11, s17  }
0x1fb: {  	v59 =	vld [tilespmem:s13+$0x6AB0];
	s6 =	smax.f32 s6, $1.000000000e-30;
	s10 =	smul.f32 s12, s10  }
0x1fc: {  	v4 =	vmul.f32 v57, v57;
	v0 =	vmul.f32 v56, v56;
	s12 =	smul.f32 s6, s8  }
0x1fd: {  	s4 =	smul.f32 s0, s4  }
0x1fe: {  	v0 =	vadd.f32 v4, v0;
	v4 =	vmul.f32 v58, v58;
	s11 =	smul.f32 s18, s16  }
0x1ff: {  	s29 =	smul.f32 s10, s9  }
0x200: {  	v0 =	vadd.f32 v4, v0;
	v4 =	vmul.f32 v59, v59;
	s8 =	smul.f32 s8, s8;
	s22 =	ssub.s32 $0x7EF311C3, s12;
	s17 =	ssub.f32 $2.000000000e+00, s11  }
0x201: {  	s1 =	ssub.f32 $2.000000000e+00, s29;
	s29 =	smul.f32 s22, s12  }
0x202: {  	v60 =	vld [tilespmem:s13+$0x6B00];
	v0 =	vadd.f32 v4, v0;
	s9 =	smul.f32 s17, s18;
	s11 =	spop (v2sf)  }
0x203: {  	[tilespmem:$0x1FF50] =	vst v62;
	v62 =	vld [tilespmem:s13+$0x6AC0];
	s1 =	smul.f32 s1, s10;
	s0 =	ssub.f32 $2.000000000e+00, s29;
	v5, _, _ =	vpop (xrf2)  }
0x204: {  	s17 =	ssub.f32 $1.000000000e+00, s11;
	(xrf2) =	vadd.scan.msk.f32 $0xffff, v0;
	v0 =	vld [tilespmem:s13+$0x6AD0];
	(v2sf) =	vpush v5, $0xF;
	s29 =	smul.f32 s9, s16  }
0x205: {  	[tilespmem:$0x1FF30] =	vst v61;
	v61 =	vld [tilespmem:s13+$0x6B10];
	s18 =	smul.f32 s22, s0  }
0x206: {  	[tilespmem:$0x1FF60] =	vst v63;
	v63 =	vld [tilespmem:s13+$0x6AE0];
	s10 =	sadd.f32 $1.000000000e+00, s11;
	s22 =	smul.f32 s1, s7;
	s25 =	sand.u32 $0x7FFFFFFF, s17  }
0x207: {  	s1 =	smul.f32 s1, s2;
	s7 =	smax.f32 s25, $1.000000000e-30  }
0x208: {  	[tilespmem:$0x1FF10] =	vst v7;
	v5 =	vld [tilespmem:s13+$0x6AF0];
	s16 =	smul.f32 s7, s10  }
0x209: {  	[tilespmem:$0x1FF20] =	vst v8;
	v7 =	vmul.f32 v62, v62;
	v4 =	vld [tilespmem:s13+$0x6B20];
	s11 =	ssub.f32 $2.000000000e+00, s29;
	s0 =	smul.f32 s18, s12;
	v8 =	vmul.f32 v0, v0  }
0x20a: {  	v9 =	vmul.f32 v60, v60;
	s10 =	smul.f32 s10, s10  }
0x20b: {  	[tilespmem:$0x1FF00] =	vst v6;
	v6 =	vld [tilespmem:s13+$0x6B30];
	v10 =	vmul.f32 v61, v61;
	s9 =	smul.f32 s11, s9;
	s17 =	ssub.s32 $0x7EF311C3, s16;
	s25 =	ssub.f32 $2.000000000e+00, s0;
	v7 =	vadd.f32 v8, v7;
	v8 =	vmul.f32 v63, v63  }
0x20c: {  	s29 =	smul.f32 s17, s16  }
0x20d: {  	s18 =	smul.f32 s25, s18;
	v7 =	vadd.f32 v8, v7;
	v8 =	vadd.f32 v10, v9;
	v10 =	vmul.f32 v5, v5  }
0x20e: {  	v11 =	vmul.f32 v4, v4;
	s0 =	smul.f32 s3, s3;
	s29 =	ssub.f32 $2.000000000e+00, s29;
	v9, _, _ =	vpop (xrf2)  }
0x20f: {  	s12 =	smul.f32 s18, s12;
	(v2sf) =	vpush v9, $0xF;
	v7 =	vadd.f32 v10, v7  }
0x210: {  	s11 =	smul.f32 s17, s29;
	s17 =	smin.f32 s22, $1.000000000e+03;
	v8 =	vadd.f32 v11, v8;
	v9 =	vmul.f32 v6, v6  }
0x211: {  	s13 =	smul.f32 s9, s0;
	s3 =	sadd.f32 s17, s17;
	(xrf2) =	vadd.scan.msk.f32 $0xffff, v7  }
0x212: {  	s22 =	ssub.f32 $2.000000000e+00, s12;
	s29 =	smul.f32 s11, s16;
	v9 =	vadd.f32 v9, v8  }
0x213: {  	s2 =	smul.f32 s3, s1;
	s3 =	spop (v2sf)  }
0x214: {  	s5 =	smul.f32 s9, s5;
	(xrf2) =	vadd.scan.msk.f32 $0xffff, v9;
	s25 =	ssub.f32 $1.000000000e+00, s3  }
0x215: {  	s13 =	smin.f32 s13, $1.000000000e+03;
	s12 =	ssub.f32 $2.000000000e+00, s29  }
0x216: {  	s18 =	smul.f32 s22, s18;
	s22 =	sadd.f32 $1.000000000e+00, s3;
	s29 =	sand.u32 $0x7FFFFFFF, s25  }
0x217: {  	s11 =	smul.f32 s12, s11;
	s1 =	smax.f32 s29, $1.000000000e-30  }
0x218: {  	s0 =	sadd.f32 s13, s13;
	s9 =	smul.f32 s1, s22  }
0x219: {  	s12 =	smul.f32 s11, s16  }
0x21a: {  	s5 =	smul.f32 s0, s5;
	s0 =	ssub.s32 $0x7EF311C3, s9  }
0x21b: {  	s12 =	ssub.f32 $2.000000000e+00, s12;
	v10, _, _ =	vpop (xrf2);
	s3 =	smul.f32 s0, s9  }
0x21c: {  	s8 =	smul.f32 s18, s8;
	(v2sf) =	vpush v10, $0xF  }
0x21d: {  	s29 =	smul.f32 s12, s11;
	s12 =	ssub.f32 $2.000000000e+00, s3  }
0x21e: {  	s18 =	smul.f32 s18, s6;
	v11, _, _ =	vpop (xrf2);
	s25 =	spop (v2sf)  }
0x21f: {  	(v2sf) =	vpush v11, $0xF;
	s11 =	smul.f32 s0, s12;
	s0 =	ssub.f32 $1.000000000e+00, s25  }
0x220: {  	s16 =	rddreg [dreg:$0x12];
	s10 =	smul.f32 s29, s10  }
0x221: {  	s6 =	sadd.f32 $1.000000000e+00, s25;
	s3 =	smul.f32 s11, s9;
	s0 =	sand.u32 $0x7FFFFFFF, s0  }
0x222: {  	s29 =	smul.f32 s29, s7;
	s25 =	smax.f32 s0, $1.000000000e-30  }
0x223: {  	s3 =	ssub.f32 $2.000000000e+00, s3;
	s7 =	smul.f32 s25, s6  }
0x224: {  	s31 =	sadd.f32 s31, s16;
	s12 =	smin.f32 s10, $1.000000000e+03  }
0x225: {  	v7 =	vmul.f32 s21, v12;
	v8 =	vmul.f32 s21, v13;
	v12 =	vld [tilespmem:$0x1FEE0];
	s11 =	smul.f32 s3, s11;
	s3 =	smin.f32 s8, $1.000000000e+03;
	s10 =	ssub.s32 $0x7EF311C3, s7  }
0x226: {  	v13 =	vmul.f32 s28, v17;
	v17 =	vld [tilespmem:$0x1FF10];
	v9 =	vmul.f32 s21, v14;
	s8 =	sadd.f32 s3, s3;
	s0 =	smul.f32 s10, s7  }
0x227: {  	v14 =	vmul.f32 s28, v18;
	v18 =	vld [tilespmem:$0x1FF20];
	s16 =	sadd.f32 s12, s12;
	s9 =	smul.f32 s11, s9  }
0x228: {  	v1 =	vadd.f32 v9, v1;
	v9 =	vld [tilespmem:$0x1FF30];
	s18 =	smul.f32 s8, s18;
	s0 =	ssub.f32 $2.000000000e+00, s0  }
0x229: {  	v10 =	vmul.f32 s21, v15;
	v15 =	vld [tilespmem:$0x1FEF0];
	s8 =	smul.f32 s16, s29;
	s16 =	sadd.f32 s14, s31  }
0x22a: {  	v11 =	vmul.f32 s28, v16;
	v16 =	vld [tilespmem:$0x1FF00];
	s9 =	ssub.f32 $2.000000000e+00, s9  }
0x22b: {  	s0 =	smul.f32 s10, s0;
	s10 =	spop (v2sf)  }
0x22c: {  	s29 =	smul.f32 s22, s22;
	s31 =	ssub.f32 $1.000000000e+00, s10  }
0x22d: {  	v3 =	vadd.f32 v7, v3;
	v12 =	vmul.f32 s28, v12;
	v17 =	vmul.f32 s26, v17;
	s9 =	smul.f32 s9, s11;
	s28 =	sadd.f32 $1.000000000e+00, s10  }
0x22e: {  	v2 =	vadd.f32 v8, v2;
	v18 =	vmul.f32 s26, v18;
	v7 =	vmul.f32 s30, v9;
	v9 =	vld [tilespmem:$0x1FF40];
	s21 =	smul.f32 s0, s7;
	s22 =	spop (v2sf)  }
0x22f: {  	v8 =	vadd.f32 v10, v19;
	v10 =	vld [tilespmem:$0x1FF50];
	v15 =	vmul.f32 s26, v15;
	v16 =	vmul.f32 s26, v16;
	s6 =	smul.f32 s6, s6;
	s26 =	sadd.f32 $1.000000000e+00, s22  }
0x230: {  	v19 =	vld [tilespmem:$0x1FF60];
	s29 =	smul.f32 s9, s29;
	s11 =	ssub.f32 $2.000000000e+00, s21  }
0x231: {  	v21 =	vmul.f32 s15, v21;
	s1 =	smul.f32 s9, s1;
	s21 =	sand.u32 $0x7FFFFFFF, s31;
	s31 =	ssub.f32 $1.000000000e+00, s22  }
0x232: {  	v24 =	vmul.f32 s23, v24;
	v25 =	vmul.f32 s23, v25;
	s9 =	sadd.f32 s20, s16;
	s21 =	smax.f32 s21, $1.000000000e-30  }
0x233: {  	v26 =	vmul.f32 s23, v26;
	v40 =	vmul.f32 s5, v40;
	s20 =	smin.f32 s29, $1.000000000e+03;
	s22 =	sand.u32 $0x7FFFFFFF, s31;
	s10 =	smul.f32 s21, s28  }
0x234: {  	v1 =	vadd.f32 v13, v1;
	v2 =	vadd.f32 v12, v2;
	v9 =	vmul.f32 s30, v9;
	s11 =	smul.f32 s11, s0;
	s14 =	smax.f32 s22, $1.000000000e-30  }
0x235: {  	v3 =	vadd.f32 v11, v3;
	v10 =	vmul.f32 s30, v10;
	v19 =	vmul.f32 s30, v19;
	s0 =	sadd.f32 s20, s20;
	s30 =	smul.f32 s14, s26  }
0x236: {  	v12 =	vmul.f32 s15, v20;
	v1 =	vadd.f32 v17, v1;
	v8 =	vadd.f32 v14, v8;
	s31 =	rddreg [dreg:$0x16];
	s16 =	ssub.s32 $0x7EF311C3, s10;
	s7 =	smul.f32 s11, s7  }
0x237: {  	v11 =	vmul.f32 s15, v23;
	v23 =	vmul.f32 s15, v22;
	v3 =	vadd.f32 v15, v3;
	s9 =	sadd.f32 s31, s9;
	s15 =	smul.f32 s16, s10;
	s22 =	ssub.s32 $0x7EF311C3, s30  }
0x238: {  	v2 =	vadd.f32 v16, v2;
	v16 =	vmul.f32 s23, v27;
	v27 =	vmul.f32 s19, v28;
	s7 =	ssub.f32 $2.000000000e+00, s7;
	s31 =	smul.f32 s22, s30  }
0x239: {  	v8 =	vadd.f32 v18, v8;
	v28 =	vmul.f32 s19, v29;
	v29 =	vmul.f32 s19, v30;
	s0 =	smul.f32 s0, s1;
	s15 =	ssub.f32 $2.000000000e+00, s15  }
0x23a: {  	v3 =	vadd.f32 v7, v3;
	v30 =	vmul.f32 s19, v31;
	v31 =	vmul.f32 s4, v32;
	s7 =	smul.f32 s7, s11;
	s29 =	ssub.f32 $2.000000000e+00, s31  }
0x23b: {  	v1 =	vadd.f32 v10, v1;
	v32 =	vmul.f32 s4, v33;
	v33 =	vmul.f32 s4, v34;
	s31 =	rddreg [dreg:$0x18];
	s1 =	smul.f32 s16, s15  }
0x23c: {  	v8 =	vadd.f32 v19, v8;
	v34 =	vmul.f32 s4, v35;
	v35 =	vmul.f32 s2, v36;
	s9 =	sadd.f32 s31, s9;
	s4 =	smul.f32 s7, s6  }
0x23d: {  	v36 =	vmul.f32 s2, v37;
	v2 =	vadd.f32 v9, v2;
	v3 =	vadd.f32 v11, v3;
	s31 =	rddreg [dreg:$0x1c];
	s15 =	smul.f32 s22, s29  }
0x23e: {  	v37 =	vmul.f32 s2, v38;
	v1 =	vadd.f32 v21, v1;
	v8 =	vadd.f32 v23, v8;
	s16 =	smul.f32 s1, s10;
	s22 =	rddreg [dreg:$0x1a]  }
0x23f: {  	v38 =	vmul.f32 s2, v39;
	v2 =	vadd.f32 v12, v2;
	v3 =	vadd.f32 v24, v3;
	s7 =	smul.f32 s7, s25;
	s9 =	sadd.f32 s22, s9  }
0x240: {  	v39 =	vmul.f32 s5, v41;
	v1 =	vadd.f32 v26, v1;
	v8 =	vadd.f32 v16, v8;
	s23 =	ssub.f32 $2.000000000e+00, s16;
	s29 =	smul.f32 s15, s30  }
0x241: {  	v41 =	vmul.f32 s5, v42;
	v2 =	vadd.f32 v25, v2;
	v3 =	vadd.f32 v27, v3;
	s25 =	smul.f32 s26, s26;
	s9 =	sadd.f32 s31, s9  }
0x242: {  	v42 =	vmul.f32 s5, v43;
	v1 =	vadd.f32 v29, v1;
	v8 =	vadd.f32 v30, v8;
	s1 =	smul.f32 s23, s1;
	s11 =	ssub.f32 $2.000000000e+00, s29  }
0x243: {  	v43 =	vmul.f32 s18, v44;
	v2 =	vadd.f32 v28, v2;
	v3 =	vadd.f32 v31, v3;
	s9 =	sadd.f32 s24, s9;
	s24 =	smul.f32 s28, s28  }
0x244: {  	v44 =	vmul.f32 s18, v45;
	v1 =	vadd.f32 v33, v1;
	v8 =	vadd.f32 v34, v8;
	s16 =	smul.f32 s1, s10  }
0x245: {  	v45 =	vmul.f32 s18, v46;
	v2 =	vadd.f32 v32, v2;
	v3 =	vadd.f32 v35, v3;
	s6 =	smul.f32 s11, s15;
	s9 =	sadd.f32 s17, s9  }
0x246: {  	v46 =	vmul.f32 s18, v47;
	v1 =	vadd.f32 v37, v1;
	v8 =	vadd.f32 v38, v8;
	s15 =	smin.f32 s4, $1.000000000e+03;
	s4 =	ssub.f32 $2.000000000e+00, s16  }
0x247: {  	v47 =	vmul.f32 s8, v48;
	v2 =	vadd.f32 v36, v2;
	v3 =	vadd.f32 v39, v3;
	s19 =	sadd.f32 s15, s15;
	s22 =	smul.f32 s6, s30  }
0x248: {  	v48 =	vmul.f32 s8, v49;
	v1 =	vadd.f32 v41, v1;
	v8 =	vadd.f32 v42, v8;
	s9 =	sadd.f32 s13, s9;
	s1 =	smul.f32 s4, s1  }
0x249: {  	v49 =	vmul.f32 s8, v50;
	v2 =	vadd.f32 v40, v2;
	v3 =	vadd.f32 v43, v3;
	s7 =	smul.f32 s19, s7;
	s23 =	ssub.f32 $2.000000000e+00, s22  }
0x24a: {  	v50 =	vmul.f32 s8, v51;
	v1 =	vadd.f32 v45, v1;
	v8 =	vadd.f32 v46, v8;
	s30 =	rddreg [dreg:$0x11];
	s5 =	smul.f32 s1, s24  }
0x24b: {  	v2 =	vadd.f32 v44, v2;
	v3 =	vadd.f32 v47, v3;
	v51 =	vmul.f32 s0, v52;
	s3 =	sadd.f32 s3, s9;
	s4 =	smul.f32 s23, s6  }
0x24c: {  	v1 =	vadd.f32 v49, v1;
	v52 =	vmul.f32 s0, v53;
	v53 =	vmul.f32 s0, v54;
	s1 =	smul.f32 s1, s21;
	s5 =	smin.f32 s5, $1.000000000e+03  }
0x24d: {  	v8 =	vadd.f32 v50, v8;
	v54 =	vmul.f32 s0, v55;
	v2 =	vadd.f32 v48, v2;
	s6 =	smul.f32 s4, s25;
	s26 =	sadd.f32 s5, s5  }
0x24e: {  	v3 =	vadd.f32 v51, v3;
	v1 =	vadd.f32 v53, v1;
	v55 =	vmul.f32 s7, v56;
	s3 =	sadd.f32 s12, s3  }
0x24f: {  	v8 =	vadd.f32 v54, v8;
	v2 =	vadd.f32 v52, v2;
	v56 =	vmul.f32 s7, v57;
	s28 =	smin.f32 s6, $1.000000000e+03;
	s0 =	smul.f32 s26, s1  }
0x250: {  	v57 =	vmul.f32 s7, v58;
	v58 =	vmul.f32 s7, v59;
	v3 =	vadd.f32 v55, v3;
	s4 =	smul.f32 s4, s14;
	s6 =	sadd.f32 s28, s28  }
0x251: {  	v2 =	vadd.f32 v56, v2;
	s3 =	sadd.f32 s20, s3;
	v59 =	vmul.f32 s0, v62;
	v0 =	vmul.f32 s0, v0  }
0x252: {  	p0 =	sne.s32 s30, $0x18000;
	v1 =	vadd.f32 v57, v1;
	v8 =	vadd.f32 v58, v8;
	v62 =	vmul.f32 s0, v63;
	s4 =	smul.f32 s6, s4  }
.Ltmp1:
0x253: {  	s2 =	sadd.f32 s15, s3;
	v3 =	vadd.f32 v59, v3;
	v0 =	vadd.f32 v0, v2;
	v2 =	vmul.f32 s0, v5;
	(pc) =	sbr.rel @p0 .LBB2_5-.Ltmp1, $4  }
0x254: {  	v1 =	vadd.f32 v62, v1;
	v5 =	vmul.f32 s4, v60;
	v63 =	vmul.f32 s4, v61  }
0x255: {  	s29 =	sadd.f32 s5, s2;
	v4 =	vmul.f32 s4, v4;
	v6 =	vmul.f32 s4, v6;
	v8 =	vadd.f32 v2, v8  }
0x256: {  	s31 =	rddreg [dreg:$0x11];
	v3 =	vadd.f32 v5, v3;
	v2 =	vadd.f32 v63, v0  }
0x257: {  	s1 =	sadd.f32 s28, s29;
	s0 =	sadd.s32 $0x1000, s31;
	v1 =	vadd.f32 v4, v1;
	v19 =	vadd.f32 v6, v8  }
0x258: {  	s4 =	rddreg [dreg:$0xe]  }
0x259: {  	s0 =	rddreg [dreg:$0xf];
	s4 =	sadd.s32 $0x1, s4  }
0x25a: {  	[tilespmem:$0xCB90] =	vst v3;
	s0 =	smul.u32 $0x50, s0;
	p0 =	sne.s32 s4, $0x40  }
.Ltmp2:
0x25b: {  	[tilespmem:$0xCBA0] =	vst v2;
	(pc) =	sbr.rel @p0 .LBB2_2-.Ltmp2, $4  }
0x25c: {  	s30 =	rddreg [dreg:$0x7];
	[tilespmem:$0xCBB0] =	vst v1;
	s0 =	sshrl.u32 s0, $0x3  }
0x25d: {  	[tilespmem:$0xCBC0] =	vst v19;
	v0 =	vmov s1;
	s0 =	sadd.s32 s30, s0  }
0x25e: {  	s31 =	simm.s32 $0x0;
	s2 =	simm.s32 $0xCB90;
	[tilespmem:$0xCBD0] =	vst v0;
	s0 =	sadd.s32 $0xA, s0  }
0x25f: {  	[hbm4b:s0+s31] =	stream.linear.scatter [tilespmem:s2], [sflag:$0x4], $0x50, $0x38;
	[tilespmem:$0xCBE0] =	vst v63  }
0x260: {  	s0 =	simm.s32 $0x3  }
0x261: {  	_ =	swait.ge [sflag:s0], $0x50  }
0x262: {  	[sflag:s0] =	ssyncset.done $0x0  }
0x263: {  	s1 =	simm.s32 $0x4;
	[sflag:s0] =	ssyncadd.s32 $0xFFFFFFB0  }
0x264: {  	_ =	swait.ge [sflag:s1], $0x50  }
0x265: {  	s2 =	rddreg [dreg:$0xd]  }
0x266: {  	s31 =	rddreg [dreg:$0xc];
	s2 =	sadd.s32 $0x1, s2  }
0x267: {  	p0 =	sne.s32 s2, s31  }
.Ltmp3:
0x268: {  	_ = 	snop;
	(pc) =	sbr.rel @p0 .LBB2_1-.Ltmp3, $3  }
0x269: {  	_ =	sdelay $0x1  }
0x26a: {  	[sflag:s1] =	ssyncset.done $0x0  }
0x26b: {  	[sflag:s1] =	ssyncadd.s32 $0xFFFFFFB0  }
0x26c: {  	_ =	sfence.sel $0x180000  }
0x26d: {  	[bflag:$0x0] =	sbarrier.arrive $0xFFFF  }
0x26e: {  	_ =	strace $0x90000047  }
0x26f: {  	s0 =	stileid.u32;
	[bflag:$0x2] =	sbarrier.arrive $0xFFFF  }
0x270: {  	p0 =	sne.s32 s0, $0x0;
	s0 =	rddreg [dreg:$0x1]  }
0x271: {  	s0 =	sadd.s32 @!p0 $0x100000, s0  }
0x272: {  	[sflag:s0] =	ssyncadd.tile.s32 @!p0 $0x1;
	_ =	shalt  }
.Lfunc_end2:
_tile_overlayer_lowered:
.L_overlay_start_2:
0x273: {  	(tag) =	ssettag $0x2  }
0x274: {  	s0 =	rddreg [dreg:$0x0];
	s2 =	stileid.u32  }
0x275: {  	s1 =	rddreg [dreg:$0x1];
	p0 =	sne.s32 s2, $0x0  }
0x276: {  	s3 =	rddreg [dreg:$0x2];
	[bflag:$0x3] =	sbarrier.arrive $0xFFFF;
	s2 =	simm.s32 @!p0 $0x1C07  }
0x277: {  	[timem:s3], [sflag:s2] =	dma.local @!p0 [hbm:s0], s1  }
0x278: {  	s0 =	simm.s32 @!p0 $0x7  }
0x279: {  	_ =	swait.ge @!p0 [sflag:s0], s1  }
0x27a: {  	s1 =	ssub.s32 @!p0 $0x0, s1;
	[sflag:s0] =	ssyncset.done @!p0 $0x0  }
0x27b: {  	[sflag:s0] =	ssyncadd.s32 @!p0 s1  }
0x27c: {  	[bflag:$0x3] =	sbarrier.arrive $0xFFFF  }
0x27d: {  	_ =	shalt  }

</sc_bundles>
